<compile_context>
chip_gen: v7x
topology: tpu7x:2x2x1
jax: 0.10.2.dev20260603
libtpu: 0.0.44.dev20260713+nightly
codegen_flags: <defaults>
</compile_context>

<pallas_src>
import functools

import jax
import jax.numpy as jnp
from jax import lax
from jax.experimental import pallas as pl
from jax.experimental.pallas import tpu as pltpu, tpu_sc as plsc

N_NODES = 10000
N_EDGES = 160000
N_TILES = 16
N_CORES = 2
N_WORKERS = N_TILES * N_CORES
N_PAD = 10240
NODES_PER_TILE = N_PAD // N_TILES
EPW = N_EDGES // N_WORKERS
EPW_PAD = 5120
CHUNKS_PER_W = EPW_PAD // 16
GROUPS_PER_W = CHUNKS_PER_W // 16
LANES = 16
N_GRAPH_PAD = 256


def _util_tc(feats, W, b):
    E, F = feats.shape
    RB = 2000
    def body(f_ref, w_ref, b_ref, o_ref):
        o_ref[...] = (
            jnp.sum(f_ref[...] * w_ref[...], axis=1, keepdims=True) + b_ref[...]
        )
    return pl.pallas_call(
        body,
        grid=(E // RB,),
        in_specs=[
            pl.BlockSpec((RB, F), lambda i: (i, 0)),
            pl.BlockSpec((1, F), lambda i: (0, 0)),
            pl.BlockSpec((1, 1), lambda i: (0, 0)),
        ],
        out_specs=pl.BlockSpec((RB, 1), lambda i: (i, 0)),
        out_shape=jax.ShapeDtypeStruct((E, 1), jnp.float32),
    )(feats, W, b.reshape(1, 1))


def _sc_bellman_ford(maskf, bi, bis, bin_, dst, src, util, duplist, dupcnt):
    mesh = plsc.VectorSubcoreMesh(core_axis_name="c", subcore_axis_name="s")

    @functools.partial(
        pl.kernel,
        out_type=(
            jax.ShapeDtypeStruct((N_PAD,), jnp.float32),
            jax.ShapeDtypeStruct((N_CORES, N_PAD), jnp.float32),
        ),
        mesh=mesh,
        compiler_params=pltpu.CompilerParams(needs_layout_passes=False),
        scratch_types=[
            pltpu.VMEM((N_PAD,), jnp.float32),
            pltpu.VMEM((N_PAD,), jnp.float32),
            pltpu.VMEM((N_PAD,), jnp.float32),
            pltpu.VMEM((EPW_PAD,), jnp.int32),
            pltpu.VMEM((EPW_PAD,), jnp.int32),
            pltpu.VMEM((EPW_PAD,), jnp.float32),
            pltpu.VMEM((CHUNKS_PER_W,), jnp.float32),
            pltpu.VMEM((N_WORKERS,), jnp.float32),
            pltpu.VMEM((N_NODES,), jnp.int32),
            pltpu.VMEM((N_NODES,), jnp.int32),
            pltpu.VMEM((N_NODES,), jnp.int32),
            pltpu.VMEM((N_GRAPH_PAD,), jnp.float32),
            pltpu.VMEM((N_GRAPH_PAD,), jnp.float32),
            pltpu.VMEM((NODES_PER_TILE,), jnp.float32),
            pltpu.VMEM((NODES_PER_TILE,), jnp.float32),
            pltpu.VMEM((N_TILES, NODES_PER_TILE), jnp.float32),
            pltpu.VMEM_SHARED((N_TILES, N_PAD), jnp.float32),
            pltpu.VMEM_SHARED((N_PAD,), jnp.float32),
            pltpu.SemaphoreType.REGULAR,
            pltpu.SemaphoreType.DMA,
        ],
    )
    def run(maskf_hbm, bi_hbm, bis_hbm, bin_hbm, dst_hbm, src_hbm, util_hbm,
            duplist_hbm, dupcnt_hbm, val_hbm, xch_hbm,
            value_v, outp_v, mask_v, dst_v, src_v, util_v, listf_v, counts_v,
            bi_v, bis_v, bin_v, starts_v, ends_v, macc_v, mtmp_v, mview_v,
            part_sh, val_sh, cbar_sem, rf_sem):
        cid = lax.axis_index("c")
        sid = lax.axis_index("s")
        wid = sid * N_CORES + cid
        ebase = wid * EPW_PAD
        nbase = sid * NODES_PER_TILE
        lane_iota = lax.broadcasted_iota(jnp.int32, (LANES,), 0)
        zerof = lane_iota.astype(jnp.float32) * 0.0
        neginf = zerof - jnp.inf

        pltpu.sync_copy(dst_hbm.at[pl.ds(ebase, EPW_PAD)], dst_v)
        pltpu.sync_copy(src_hbm.at[pl.ds(ebase, EPW_PAD)], src_v)
        pltpu.sync_copy(util_hbm.at[pl.ds(ebase, EPW_PAD)], util_v)
        pltpu.sync_copy(
            duplist_hbm.at[pl.ds(wid * CHUNKS_PER_W, CHUNKS_PER_W)], listf_v
        )
        pltpu.sync_copy(dupcnt_hbm, counts_v)
        pltpu.sync_copy(bi_hbm, bi_v)
        pltpu.sync_copy(bis_hbm, bis_v)
        pltpu.sync_copy(bin_hbm, bin_v)
        pltpu.sync_copy(maskf_hbm, mask_v)

        def init_chunk(c, carry):
            m = mask_v[pl.ds(c * LANES, LANES)]
            value_v[pl.ds(c * LANES, LANES)] = jnp.where(
                m > 0.0, jnp.float32(0.0), -jnp.inf
            )
            return carry
        lax.fori_loop(0, N_PAD // LANES, init_chunk, 0)

        pltpu.sync_copy(
            value_v.at[pl.ds(nbase, NODES_PER_TILE)],
            val_sh.at[pl.ds(nbase, NODES_PER_TILE)],
        )
        plsc.subcore_barrier()

        def se_init(c, carry):
            sl = pl.ds(c * LANES, LANES)
            starts_v[sl] = zerof
            ends_v[sl] = zerof - 1.0
            return carry
        lax.fori_loop(0, N_GRAPH_PAD // LANES, se_init, 0)

        def ns_chunk(c, carry):
            sl = pl.ds(c * LANES, LANES)
            cur = bi_v[sl]
            prv = bis_v[sl]
            nxt = bin_v[sl]
            pos = (lane_iota + c * LANES).astype(jnp.float32)
            plsc.store_scatter(starts_v, [cur], pos, mask=cur != prv)
            plsc.store_scatter(ends_v, [cur], pos, mask=cur != nxt)
            return carry
        lax.fori_loop(0, N_NODES // LANES, ns_chunk, 0)

        def cnt_chunk(c, maxv):
            sl = pl.ds(c * LANES, LANES)
            return jnp.maximum(maxv, ends_v[sl] - starts_v[sl] + 1.0)
        maxv = lax.fori_loop(0, N_GRAPH_PAD // LANES, cnt_chunk, zerof)
        n_steps = jnp.max(maxv).astype(jnp.int32) - 1

        wsplat = lane_iota * 0 + wid
        dup_cnt = plsc.load_gather(counts_v, [wsplat])[0].astype(jnp.int32)

        def step(_, carry):
            refresh = pltpu.async_copy(val_sh, value_v, rf_sem)

            def clear_group(g, cc):
                for j in range(LANES):
                    outp_v[pl.ds(g * 256 + j * LANES, LANES)] = neginf
                return cc
            lax.fori_loop(0, N_PAD // 256, clear_group, 0)
            refresh.wait()

            def edge_group(g, cc):
                for j in range(LANES):
                    sl = pl.ds(g * 256 + j * LANES, LANES)
                    d16 = dst_v[sl]
                    s16 = src_v[sl]
                    u16 = util_v[sl]
                    msg = plsc.load_gather(value_v, [d16]) + u16
                    cur = plsc.load_gather(outp_v, [s16])
                    plsc.store_scatter(outp_v, [s16], jnp.maximum(cur, msg))
                return cc
            lax.fori_loop(0, GROUPS_PER_W, edge_group, 0)

            def sweep(k, cc):
                ksplat = lane_iota * 0 + k
                cidx = plsc.load_gather(listf_v, [ksplat])[0].astype(jnp.int32)
                sl = pl.ds(cidx * LANES, LANES)
                d16 = dst_v[sl]
                s16 = src_v[sl]
                u16 = util_v[sl]
                m16 = plsc.load_gather(value_v, [d16]) + u16
                def rmw(pending):
                    chk = plsc.load_gather(outp_v, [s16])
                    need = chk < m16
                    plsc.store_scatter(
                        outp_v, [s16], jnp.maximum(chk, m16), mask=need
                    )
                    chk2 = plsc.load_gather(outp_v, [s16])
                    return jnp.any(chk2 < m16)
                lax.while_loop(lambda p: p, rmw, jnp.bool_(True))
                return cc
            lax.fori_loop(0, dup_cnt, sweep, 0)

            pltpu.sync_copy(outp_v, part_sh.at[sid])
            plsc.subcore_barrier()

            pltpu.sync_copy(
                part_sh.at[:, pl.ds(nbase, NODES_PER_TILE)], mview_v
            )
            for j in range(NODES_PER_TILE // LANES):
                sl = pl.ds(j * LANES, LANES)
                macc_v[sl] = jnp.maximum(mview_v[0, sl], mview_v[1, sl])

            def merge_tile(t, cc):
                for j in range(NODES_PER_TILE // LANES):
                    sl = pl.ds(j * LANES, LANES)
                    macc_v[sl] = jnp.maximum(macc_v[sl], mview_v[t, sl])
                return cc
            lax.fori_loop(2, N_TILES, merge_tile, 0)

            pltpu.sync_copy(macc_v, xch_hbm.at[cid, pl.ds(nbase, NODES_PER_TILE)])
            plsc.subcore_barrier()
            pltpu.core_barrier(cbar_sem, core_axis_name="c")
            pltpu.sync_copy(
                xch_hbm.at[1 - cid, pl.ds(nbase, NODES_PER_TILE)], mtmp_v
            )
            for j in range(NODES_PER_TILE // LANES):
                sl = pl.ds(j * LANES, LANES)
                macc_v[sl] = jnp.maximum(macc_v[sl], mtmp_v[sl])

            pltpu.sync_copy(macc_v, val_sh.at[pl.ds(nbase, NODES_PER_TILE)])
            plsc.subcore_barrier()
            return carry
        lax.fori_loop(0, n_steps, step, 0)

        @pl.when(cid == 0)
        def _():
            pltpu.sync_copy(
                val_sh.at[pl.ds(nbase, NODES_PER_TILE)],
                val_hbm.at[pl.ds(nbase, NODES_PER_TILE)],
            )

    return run(maskf, bi, bis, bin_, dst, src, util, duplist, dupcnt)[0]


def kernel(feats, dest_mask, batch_index, edge_index, W, b):
    util2d = _util_tc(feats, W, b)

    src = edge_index[0].astype(jnp.int32)
    dst = edge_index[1].astype(jnp.int32)
    bi = batch_index.astype(jnp.int32)
    bis = jnp.concatenate([jnp.full((1,), -1, jnp.int32), bi[:-1]])
    bin_ = jnp.concatenate([bi[1:], jnp.full((1,), -2, jnp.int32)])
    maskf = jnp.concatenate(
        [dest_mask.astype(jnp.float32),
         jnp.zeros((N_PAD - N_NODES,), jnp.float32)]
    )

    pad_e = EPW_PAD - EPW
    srcp = jnp.concatenate(
        [src.reshape(N_WORKERS, EPW),
         jnp.full((N_WORKERS, pad_e), N_PAD - 1, jnp.int32)], axis=1
    ).reshape(-1)
    dstp = jnp.concatenate(
        [dst.reshape(N_WORKERS, EPW),
         jnp.zeros((N_WORKERS, pad_e), jnp.int32)], axis=1
    ).reshape(-1)
    utilp = jnp.concatenate(
        [util2d.reshape(N_WORKERS, EPW),
         jnp.zeros((N_WORKERS, pad_e), jnp.float32)], axis=1
    ).reshape(-1)

    sc = srcp.reshape(-1, 16)
    dupf = jnp.zeros((sc.shape[0],), jnp.bool_)
    for r in range(1, 16):
        dupf = dupf | jnp.any(sc == jnp.roll(sc, r, axis=1), axis=1)
    dupc = dupf.reshape(N_WORKERS, CHUNKS_PER_W)
    local_id = jnp.arange(CHUNKS_PER_W, dtype=jnp.int32)
    dupc = dupc & (local_id[None, :] <= EPW // 16)
    duplist = jnp.sort(
        jnp.where(dupc, local_id[None, :], CHUNKS_PER_W), axis=1
    ).astype(jnp.float32).reshape(-1)
    dupcnt = dupc.sum(axis=1).astype(jnp.float32)

    value_pad = _sc_bellman_ford(
        maskf, bi, bis, bin_, dstp, srcp, utilp, duplist, dupcnt
    )
    value = value_pad[:N_NODES][:, None]
    return (value, util2d)

# --- scband reference (transcript-rebuilt; emitter-appended) ---
"""Pipeline reference for scband-recursive-logit-6734508720236 (READ-ONLY COPY).

The authoritative reference and input builder live on the scoring server;
editing this copy changes nothing except your own understanding.
"""

import jax, jax.numpy as jnp
import numpy as np

N_NODES = 10000
N_EDGES = 160000
N_FEATS = 128
N_GRAPHS = 200


def setup_inputs(seed: int = 0) -> dict:
    key = jax.random.key(seed)
    k0, k1, k2, k3, k4 = jax.random.split(key, 5)
    feats = jax.random.normal(k0, (N_EDGES, N_FEATS), dtype=jnp.float32)
    dest_mask = jax.random.bernoulli(k1, 0.05, (N_NODES,))
    batch_index = jnp.sort(jax.random.randint(k2, (N_NODES,), 0, N_GRAPHS))
    edge_index = jax.random.randint(k3, (2, N_EDGES), 0, N_NODES)
    # learned params of coeffs = Linear(n_feats, 1, bias=True)
    W = jax.random.normal(k4, (1, N_FEATS), dtype=jnp.float32) * 0.05
    b = jnp.zeros((1,), dtype=jnp.float32)
    return {"feats": feats, "dest_mask": dest_mask, "batch_index": batch_index,
            "edge_index": edge_index, "W": W, "b": b}


def reference(feats, dest_mask, batch_index, edge_index, W, b):
    N = batch_index.shape[0]
    # util = self.coeffs(feats)  (per-edge utility)
    util = feats @ W.T + b  # [E, 1]
    # value init: -inf everywhere, 0 at destinations
    value = jnp.full((N, 1), -jnp.inf, dtype=jnp.float32)
    value = jnp.where(dest_mask[:, None], jnp.zeros_like(value), value)
    # n_steps = max nodes per graph - 1
    counts = jnp.bincount(batch_index, length=N_GRAPHS)
    n_steps = counts.max() - 1
    # flow='target_to_source': value_j = value[edge_index[1]], aggregate at edge_index[0]
    src = edge_index[0]
    dst = edge_index[1]

    def bellman_ford_step(v):
        msg = v[dst] + util  # message(value_j, util)
        return jax.ops.segment_max(msg, src, num_segments=N)  # aggr='max'

    value = jax.lax.fori_loop(0, n_steps, lambda i, v: bellman_ford_step(v), value)
    # original code also runs one extra step as a cycle/convergence check (assert only)
    _ = bellman_ford_step(value)
    return (value, util)

if __name__ == "__main__":
    import jax
    _d = setup_inputs()
    print(jax.jit(kernel)(*tuple(_d.values())))

</pallas_src>

<mosaic_0001>
#map = affine_map<(d0, d1) -> (0)>
#map1 = affine_map<(d0, d1) -> (0, 0)>
module attributes {stable_mosaic.version = 14 : i64} {
  func.func @run(%arg0: i32, %arg1: i32, %arg2: memref<10240xf32, #tpu.memory_space<hbm>>, %arg3: memref<10000xi32, #tpu.memory_space<hbm>>, %arg4: memref<10000xi32, #tpu.memory_space<hbm>>, %arg5: memref<10000xi32, #tpu.memory_space<hbm>>, %arg6: memref<163840xi32, #tpu.memory_space<hbm>>, %arg7: memref<163840xi32, #tpu.memory_space<hbm>>, %arg8: memref<163840xf32, #tpu.memory_space<hbm>>, %arg9: memref<10240xf32, #tpu.memory_space<hbm>>, %arg10: memref<32xf32, #tpu.memory_space<hbm>>, %arg11: memref<10240xf32, #tpu.memory_space<hbm>>, %arg12: memref<2x10240xf32, #tpu.memory_space<hbm>>, %arg13: memref<10240xf32, #tpu.memory_space<vmem>>, %arg14: memref<10240xf32, #tpu.memory_space<vmem>>, %arg15: memref<10240xf32, #tpu.memory_space<vmem>>, %arg16: memref<5120xi32, #tpu.memory_space<vmem>>, %arg17: memref<5120xi32, #tpu.memory_space<vmem>>, %arg18: memref<5120xf32, #tpu.memory_space<vmem>>, %arg19: memref<320xf32, #tpu.memory_space<vmem>>, %arg20: memref<32xf32, #tpu.memory_space<vmem>>, %arg21: memref<10000xi32, #tpu.memory_space<vmem>>, %arg22: memref<10000xi32, #tpu.memory_space<vmem>>, %arg23: memref<10000xi32, #tpu.memory_space<vmem>>, %arg24: memref<256xf32, #tpu.memory_space<vmem>>, %arg25: memref<256xf32, #tpu.memory_space<vmem>>, %arg26: memref<640xf32, #tpu.memory_space<vmem>>, %arg27: memref<640xf32, #tpu.memory_space<vmem>>, %arg28: memref<16x640xf32, #tpu.memory_space<vmem>>, %arg29: memref<16x10240xf32, #tpu.memory_space<vmem_shared>>, %arg30: memref<10240xf32, #tpu.memory_space<vmem_shared>>, %arg31: memref<!tpu.semaphore, #tpu.memory_space<semaphore_mem>>, %arg32: memref<!tpu.dma_semaphore, #tpu.memory_space<semaphore_mem>>) attributes {dimension_semantics = [#tpu.dimension_semantics<core_parallel>, #tpu.dimension_semantics<subcore_parallel>], iteration_bounds = array<i64: 2, 16>, scalar_prefetch = 0 : i64, scratch_operands = 20 : i64, tpu.core_type = #tpu.core_type<sc_vector_subcore>, window_params = [{transform_indices = #map}, {transform_indices = #map}, {transform_indices = #map}, {transform_indices = #map}, {transform_indices = #map}, {transform_indices = #map}, {transform_indices = #map}, {transform_indices = #map}, {transform_indices = #map}, {transform_indices = #map}, {transform_indices = #map1}]} {
    %mul3A = arith.constant 2 : i32
    %mul3A_0 = arith.muli %arg1, %mul3A : i32
    %add3A = arith.addi %mul3A_0, %arg0 : i32
    %mul3A_1 = arith.constant 5120 : i32
    %mul3A_2 = arith.muli %add3A, %mul3A_1 : i32
    %mul3A_3 = arith.constant 640 : i32
    %mul3A_4 = arith.muli %arg1, %mul3A_3 : i32
    %iota3A = tpu.iota {dimensions = array<i32: 0>} : vector<16xi32>
    %convert_element_type3A = arith.sitofp %iota3A : vector<16xi32> to vector<16xf32>
    %mul3A_5 = arith.constant 0.000000e+00 : f32
    %mul3A_6 = vector.broadcast %mul3A_5 : f32 to vector<16xf32>
    %mul3A_7 = arith.mulf %convert_element_type3A, %mul3A_6 : vector<16xf32>
    %sub3A = arith.constant 0x7F800000 : f32
    %sub3A_8 = vector.broadcast %sub3A : f32 to vector<16xf32>
    %sub3A_9 = arith.subf %mul3A_7, %sub3A_8 : vector<16xf32>
    "tpu.region"() ({
      %run_scoped3A = tpu.sem_alloc : memref<!tpu.dma_semaphore, #tpu.memory_space<semaphore_mem>>
      %dma_start3A = tpu.memref_slice %arg6[%mul3A_2] : memref<163840xi32, #tpu.memory_space<hbm>> -> memref<5120xi32, #tpu.memory_space<hbm>>
      %dma_start3A_59 = tpu.memref_slice %arg6[%mul3A_2] : memref<163840xi32, #tpu.memory_space<hbm>> -> memref<5120xi32, #tpu.memory_space<hbm>>
      tpu.enqueue_dma source(%dma_start3A_59 : memref<5120xi32, #tpu.memory_space<hbm>>) target(%arg16 : memref<5120xi32, #tpu.memory_space<vmem>>) target_semaphore(%run_scoped3A : memref<!tpu.dma_semaphore, #tpu.memory_space<semaphore_mem>>)
      %dma_wait3A = tpu.memref_slice %arg6[%mul3A_2] : memref<163840xi32, #tpu.memory_space<hbm>> -> memref<5120xi32, #tpu.memory_space<hbm>>
      %dma_wait3A_60 = tpu.memref_slice %arg6[%mul3A_2] : memref<163840xi32, #tpu.memory_space<hbm>> -> memref<5120xi32, #tpu.memory_space<hbm>>
      tpu.wait_dma2 semaphore(%run_scoped3A : memref<!tpu.dma_semaphore, #tpu.memory_space<semaphore_mem>>) src(%dma_wait3A_60 : memref<5120xi32, #tpu.memory_space<hbm>>) dst(%arg16 : memref<5120xi32, #tpu.memory_space<vmem>>)
      tpu.yield
    }) : () -> ()
    "tpu.region"() ({
      %run_scoped3A = tpu.sem_alloc : memref<!tpu.dma_semaphore, #tpu.memory_space<semaphore_mem>>
      %dma_start3A = tpu.memref_slice %arg7[%mul3A_2] : memref<163840xi32, #tpu.memory_space<hbm>> -> memref<5120xi32, #tpu.memory_space<hbm>>
      %dma_start3A_59 = tpu.memref_slice %arg7[%mul3A_2] : memref<163840xi32, #tpu.memory_space<hbm>> -> memref<5120xi32, #tpu.memory_space<hbm>>
      tpu.enqueue_dma source(%dma_start3A_59 : memref<5120xi32, #tpu.memory_space<hbm>>) target(%arg17 : memref<5120xi32, #tpu.memory_space<vmem>>) target_semaphore(%run_scoped3A : memref<!tpu.dma_semaphore, #tpu.memory_space<semaphore_mem>>)
      %dma_wait3A = tpu.memref_slice %arg7[%mul3A_2] : memref<163840xi32, #tpu.memory_space<hbm>> -> memref<5120xi32, #tpu.memory_space<hbm>>
      %dma_wait3A_60 = tpu.memref_slice %arg7[%mul3A_2] : memref<163840xi32, #tpu.memory_space<hbm>> -> memref<5120xi32, #tpu.memory_space<hbm>>
      tpu.wait_dma2 semaphore(%run_scoped3A : memref<!tpu.dma_semaphore, #tpu.memory_space<semaphore_mem>>) src(%dma_wait3A_60 : memref<5120xi32, #tpu.memory_space<hbm>>) dst(%arg17 : memref<5120xi32, #tpu.memory_space<vmem>>)
      tpu.yield
    }) : () -> ()
    "tpu.region"() ({
      %run_scoped3A = tpu.sem_alloc : memref<!tpu.dma_semaphore, #tpu.memory_space<semaphore_mem>>
      %dma_start3A = tpu.memref_slice %arg8[%mul3A_2] : memref<163840xf32, #tpu.memory_space<hbm>> -> memref<5120xf32, #tpu.memory_space<hbm>>
      %dma_start3A_59 = tpu.memref_slice %arg8[%mul3A_2] : memref<163840xf32, #tpu.memory_space<hbm>> -> memref<5120xf32, #tpu.memory_space<hbm>>
      tpu.enqueue_dma source(%dma_start3A_59 : memref<5120xf32, #tpu.memory_space<hbm>>) target(%arg18 : memref<5120xf32, #tpu.memory_space<vmem>>) target_semaphore(%run_scoped3A : memref<!tpu.dma_semaphore, #tpu.memory_space<semaphore_mem>>)
      %dma_wait3A = tpu.memref_slice %arg8[%mul3A_2] : memref<163840xf32, #tpu.memory_space<hbm>> -> memref<5120xf32, #tpu.memory_space<hbm>>
      %dma_wait3A_60 = tpu.memref_slice %arg8[%mul3A_2] : memref<163840xf32, #tpu.memory_space<hbm>> -> memref<5120xf32, #tpu.memory_space<hbm>>
      tpu.wait_dma2 semaphore(%run_scoped3A : memref<!tpu.dma_semaphore, #tpu.memory_space<semaphore_mem>>) src(%dma_wait3A_60 : memref<5120xf32, #tpu.memory_space<hbm>>) dst(%arg18 : memref<5120xf32, #tpu.memory_space<vmem>>)
      tpu.yield
    }) : () -> ()
    %mul3A_10 = arith.constant 320 : i32
    %mul3A_11 = arith.muli %add3A, %mul3A_10 : i32
    "tpu.region"() ({
      %run_scoped3A = tpu.sem_alloc : memref<!tpu.dma_semaphore, #tpu.memory_space<semaphore_mem>>
      %dma_start3A = tpu.memref_slice %arg9[%mul3A_11] : memref<10240xf32, #tpu.memory_space<hbm>> -> memref<320xf32, #tpu.memory_space<hbm>>
      %dma_start3A_59 = tpu.memref_slice %arg9[%mul3A_11] : memref<10240xf32, #tpu.memory_space<hbm>> -> memref<320xf32, #tpu.memory_space<hbm>>
      tpu.enqueue_dma source(%dma_start3A_59 : memref<320xf32, #tpu.memory_space<hbm>>) target(%arg19 : memref<320xf32, #tpu.memory_space<vmem>>) target_semaphore(%run_scoped3A : memref<!tpu.dma_semaphore, #tpu.memory_space<semaphore_mem>>)
      %dma_wait3A = tpu.memref_slice %arg9[%mul3A_11] : memref<10240xf32, #tpu.memory_space<hbm>> -> memref<320xf32, #tpu.memory_space<hbm>>
      %dma_wait3A_60 = tpu.memref_slice %arg9[%mul3A_11] : memref<10240xf32, #tpu.memory_space<hbm>> -> memref<320xf32, #tpu.memory_space<hbm>>
      tpu.wait_dma2 semaphore(%run_scoped3A : memref<!tpu.dma_semaphore, #tpu.memory_space<semaphore_mem>>) src(%dma_wait3A_60 : memref<320xf32, #tpu.memory_space<hbm>>) dst(%arg19 : memref<320xf32, #tpu.memory_space<vmem>>)
      tpu.yield
    }) : () -> ()
    "tpu.region"() ({
      %run_scoped3A = tpu.sem_alloc : memref<!tpu.dma_semaphore, #tpu.memory_space<semaphore_mem>>
      tpu.enqueue_dma source(%arg10 : memref<32xf32, #tpu.memory_space<hbm>>) target(%arg20 : memref<32xf32, #tpu.memory_space<vmem>>) target_semaphore(%run_scoped3A : memref<!tpu.dma_semaphore, #tpu.memory_space<semaphore_mem>>)
      tpu.wait_dma2 semaphore(%run_scoped3A : memref<!tpu.dma_semaphore, #tpu.memory_space<semaphore_mem>>) src(%arg10 : memref<32xf32, #tpu.memory_space<hbm>>) dst(%arg20 : memref<32xf32, #tpu.memory_space<vmem>>)
      tpu.yield
    }) : () -> ()
    "tpu.region"() ({
      %run_scoped3A = tpu.sem_alloc : memref<!tpu.dma_semaphore, #tpu.memory_space<semaphore_mem>>
      tpu.enqueue_dma source(%arg3 : memref<10000xi32, #tpu.memory_space<hbm>>) target(%arg21 : memref<10000xi32, #tpu.memory_space<vmem>>) target_semaphore(%run_scoped3A : memref<!tpu.dma_semaphore, #tpu.memory_space<semaphore_mem>>)
      tpu.wait_dma2 semaphore(%run_scoped3A : memref<!tpu.dma_semaphore, #tpu.memory_space<semaphore_mem>>) src(%arg3 : memref<10000xi32, #tpu.memory_space<hbm>>) dst(%arg21 : memref<10000xi32, #tpu.memory_space<vmem>>)
      tpu.yield
    }) : () -> ()
    "tpu.region"() ({
      %run_scoped3A = tpu.sem_alloc : memref<!tpu.dma_semaphore, #tpu.memory_space<semaphore_mem>>
      tpu.enqueue_dma source(%arg4 : memref<10000xi32, #tpu.memory_space<hbm>>) target(%arg22 : memref<10000xi32, #tpu.memory_space<vmem>>) target_semaphore(%run_scoped3A : memref<!tpu.dma_semaphore, #tpu.memory_space<semaphore_mem>>)
      tpu.wait_dma2 semaphore(%run_scoped3A : memref<!tpu.dma_semaphore, #tpu.memory_space<semaphore_mem>>) src(%arg4 : memref<10000xi32, #tpu.memory_space<hbm>>) dst(%arg22 : memref<10000xi32, #tpu.memory_space<vmem>>)
      tpu.yield
    }) : () -> ()
    "tpu.region"() ({
      %run_scoped3A = tpu.sem_alloc : memref<!tpu.dma_semaphore, #tpu.memory_space<semaphore_mem>>
      tpu.enqueue_dma source(%arg5 : memref<10000xi32, #tpu.memory_space<hbm>>) target(%arg23 : memref<10000xi32, #tpu.memory_space<vmem>>) target_semaphore(%run_scoped3A : memref<!tpu.dma_semaphore, #tpu.memory_space<semaphore_mem>>)
      tpu.wait_dma2 semaphore(%run_scoped3A : memref<!tpu.dma_semaphore, #tpu.memory_space<semaphore_mem>>) src(%arg5 : memref<10000xi32, #tpu.memory_space<hbm>>) dst(%arg23 : memref<10000xi32, #tpu.memory_space<vmem>>)
      tpu.yield
    }) : () -> ()
    "tpu.region"() ({
      %run_scoped3A = tpu.sem_alloc : memref<!tpu.dma_semaphore, #tpu.memory_space<semaphore_mem>>
      tpu.enqueue_dma source(%arg2 : memref<10240xf32, #tpu.memory_space<hbm>>) target(%arg15 : memref<10240xf32, #tpu.memory_space<vmem>>) target_semaphore(%run_scoped3A : memref<!tpu.dma_semaphore, #tpu.memory_space<semaphore_mem>>)
      tpu.wait_dma2 semaphore(%run_scoped3A : memref<!tpu.dma_semaphore, #tpu.memory_space<semaphore_mem>>) src(%arg2 : memref<10240xf32, #tpu.memory_space<hbm>>) dst(%arg15 : memref<10240xf32, #tpu.memory_space<vmem>>)
      tpu.yield
    }) : () -> ()
    %scan3A = arith.constant 0 : i32
    %scan3A_12 = arith.constant 0 : i32
    %scan3A_13 = arith.constant 640 : i32
    %scan3A_14 = arith.addi %scan3A_12, %scan3A_13 : i32
    %scan3A_15 = arith.constant 1 : i32
    scf.for %scan3A_59 = %scan3A_12 to %scan3A_14 step %scan3A_15  : i32 {
      %mul3A_60 = arith.constant 16 : i32
      %mul3A_61 = arith.muli %scan3A_59, %mul3A_60 : i32
      %get3A = arith.index_cast %mul3A_61 : i32 to index
      %get3A_62 = tpu.vector_load %arg15[%get3A] {strides = array<i32>} : memref<10240xf32, #tpu.memory_space<vmem>>, vector<16xf32>,
      %gt3A = arith.constant 0.000000e+00 : f32
      %gt3A_63 = vector.broadcast %gt3A : f32 to vector<16xf32>
      %gt3A_64 = arith.cmpf ogt, %get3A_62, %gt3A_63 : vector<16xf32>
      %jit3A = arith.constant 0.000000e+00 : f32
      %jit3A_65 = arith.constant 0xFF800000 : f32
      %broadcast_in_dim3A = vector.broadcast %jit3A : f32 to vector<16xf32>
      %broadcast_in_dim3A_66 = vector.broadcast %jit3A_65 : f32 to vector<16xf32>
      %select_n3A = arith.select %gt3A_64, %broadcast_in_dim3A, %broadcast_in_dim3A_66 : vector<16xi1>, vector<16xf32>
      %mul3A_67 = arith.constant 16 : i32
      %mul3A_68 = arith.muli %scan3A_59, %mul3A_67 : i32
      %swap3A = arith.index_cast %mul3A_68 : i32 to index
      %swap3A_69 = tpu.vector_load %arg13[%swap3A] {strides = array<i32>} : memref<10240xf32, #tpu.memory_space<vmem>>, vector<16xf32>,
      tpu.vector_store %arg13[%swap3A], %select_n3A {strides = array<i32>} : memref<10240xf32, #tpu.memory_space<vmem>>, vector<16xf32>,
    }
    %scan3A_16 = arith.constant 640 : i32
    "tpu.region"() ({
      %run_scoped3A = tpu.sem_alloc : memref<!tpu.dma_semaphore, #tpu.memory_space<semaphore_mem>>
      %dma_start3A = tpu.memref_slice %arg13[%mul3A_4] : memref<10240xf32, #tpu.memory_space<vmem>> -> memref<640xf32, #tpu.memory_space<vmem>>
      %dma_start3A_59 = tpu.memref_slice %arg30[%mul3A_4] : memref<10240xf32, #tpu.memory_space<vmem_shared>> -> memref<640xf32, #tpu.memory_space<vmem_shared>>
      %dma_start3A_60 = tpu.memref_slice %arg30[%mul3A_4] : memref<10240xf32, #tpu.memory_space<vmem_shared>> -> memref<640xf32, #tpu.memory_space<vmem_shared>>
      %dma_start3A_61 = tpu.memref_slice %arg13[%mul3A_4] : memref<10240xf32, #tpu.memory_space<vmem>> -> memref<640xf32, #tpu.memory_space<vmem>>
      tpu.enqueue_dma source(%dma_start3A_61 : memref<640xf32, #tpu.memory_space<vmem>>) target(%dma_start3A_60 : memref<640xf32, #tpu.memory_space<vmem_shared>>) target_semaphore(%run_scoped3A : memref<!tpu.dma_semaphore, #tpu.memory_space<semaphore_mem>>)
      %dma_wait3A = tpu.memref_slice %arg13[%mul3A_4] : memref<10240xf32, #tpu.memory_space<vmem>> -> memref<640xf32, #tpu.memory_space<vmem>>
      %dma_wait3A_62 = tpu.memref_slice %arg30[%mul3A_4] : memref<10240xf32, #tpu.memory_space<vmem_shared>> -> memref<640xf32, #tpu.memory_space<vmem_shared>>
      %dma_wait3A_63 = tpu.memref_slice %arg30[%mul3A_4] : memref<10240xf32, #tpu.memory_space<vmem_shared>> -> memref<640xf32, #tpu.memory_space<vmem_shared>>
      %dma_wait3A_64 = tpu.memref_slice %arg13[%mul3A_4] : memref<10240xf32, #tpu.memory_space<vmem>> -> memref<640xf32, #tpu.memory_space<vmem>>
      tpu.wait_dma2 semaphore(%run_scoped3A : memref<!tpu.dma_semaphore, #tpu.memory_space<semaphore_mem>>) src(%dma_wait3A_64 : memref<640xf32, #tpu.memory_space<vmem>>) dst(%dma_wait3A_63 : memref<640xf32, #tpu.memory_space<vmem_shared>>)
      tpu.yield
    }) : () -> ()
    %barrier3A = arith.constant 0 : index
    tpu.barrier barrier_id(%barrier3A)
    %scan3A_17 = arith.constant 0 : i32
    %scan3A_18 = arith.constant 0 : i32
    %scan3A_19 = arith.constant 16 : i32
    %scan3A_20 = arith.addi %scan3A_18, %scan3A_19 : i32
    %scan3A_21 = arith.constant 1 : i32
    scf.for %scan3A_59 = %scan3A_18 to %scan3A_20 step %scan3A_21  : i32 {
      %mul3A_60 = arith.constant 16 : i32
      %mul3A_61 = arith.muli %scan3A_59, %mul3A_60 : i32
      %swap3A = arith.index_cast %mul3A_61 : i32 to index
      %swap3A_62 = tpu.vector_load %arg24[%swap3A] {strides = array<i32>} : memref<256xf32, #tpu.memory_space<vmem>>, vector<16xf32>,
      tpu.vector_store %arg24[%swap3A], %mul3A_7 {strides = array<i32>} : memref<256xf32, #tpu.memory_space<vmem>>, vector<16xf32>,
      %sub3A_63 = arith.constant 1.000000e+00 : f32
      %sub3A_64 = vector.broadcast %sub3A_63 : f32 to vector<16xf32>
      %sub3A_65 = arith.subf %mul3A_7, %sub3A_64 : vector<16xf32>
      %swap3A_66 = arith.index_cast %mul3A_61 : i32 to index
      %swap3A_67 = tpu.vector_load %arg25[%swap3A_66] {strides = array<i32>} : memref<256xf32, #tpu.memory_space<vmem>>, vector<16xf32>,
      tpu.vector_store %arg25[%swap3A_66], %sub3A_65 {strides = array<i32>} : memref<256xf32, #tpu.memory_space<vmem>>, vector<16xf32>,
    }
    %scan3A_22 = arith.constant 16 : i32
    %scan3A_23 = arith.constant 0 : i32
    %scan3A_24 = arith.constant 0 : i32
    %scan3A_25 = arith.constant 625 : i32
    %scan3A_26 = arith.addi %scan3A_24, %scan3A_25 : i32
    %scan3A_27 = arith.constant 1 : i32
    scf.for %scan3A_59 = %scan3A_24 to %scan3A_26 step %scan3A_27  : i32 {
      %mul3A_60 = arith.constant 16 : i32
      %mul3A_61 = arith.muli %scan3A_59, %mul3A_60 : i32
      %get3A = arith.index_cast %mul3A_61 : i32 to index
      %get3A_62 = tpu.vector_load %arg21[%get3A] {strides = array<i32>} : memref<10000xi32, #tpu.memory_space<vmem>>, vector<16xi32>,
      %get3A_63 = arith.index_cast %mul3A_61 : i32 to index
      %get3A_64 = tpu.vector_load %arg22[%get3A_63] {strides = array<i32>} : memref<10000xi32, #tpu.memory_space<vmem>>, vector<16xi32>,
      %get3A_65 = arith.index_cast %mul3A_61 : i32 to index
      %get3A_66 = tpu.vector_load %arg23[%get3A_65] {strides = array<i32>} : memref<10000xi32, #tpu.memory_space<vmem>>, vector<16xi32>,
      %mul3A_67 = arith.constant 16 : i32
      %mul3A_68 = arith.muli %scan3A_59, %mul3A_67 : i32
      %add3A_69 = vector.broadcast %mul3A_68 : i32 to vector<16xi32>
      %add3A_70 = arith.addi %iota3A, %add3A_69 : vector<16xi32>
      %convert_element_type3A_71 = arith.sitofp %add3A_70 : vector<16xi32> to vector<16xf32>
      %ne3A = arith.cmpi ne, %get3A_62, %get3A_64 : vector<16xi32>
      tpu.vector_store_idx %arg24[%get3A_62], %convert_element_type3A_71 masked %ne3A : memref<256xf32, #tpu.memory_space<vmem>>[vector<16xi32>], vector<16xf32>, vector<16xi1>
      %ne3A_72 = arith.cmpi ne, %get3A_62, %get3A_66 : vector<16xi32>
      tpu.vector_store_idx %arg25[%get3A_62], %convert_element_type3A_71 masked %ne3A_72 : memref<256xf32, #tpu.memory_space<vmem>>[vector<16xi32>], vector<16xf32>, vector<16xi1>
    }
    %scan3A_28 = arith.constant 625 : i32
    %scan3A_29 = arith.constant 0 : i32
    %scan3A_30 = arith.constant 16 : i32
    %scan3A_31 = arith.addi %scan3A_29, %scan3A_30 : i32
    %scan3A_32 = arith.constant 1 : i32
    %scan3A_33 = scf.for %scan3A_59 = %scan3A_29 to %scan3A_31 step %scan3A_32 iter_args(%scan3A_60 = %mul3A_7) -> (vector<16xf32>)  : i32 {
      %mul3A_61 = arith.constant 16 : i32
      %mul3A_62 = arith.muli %scan3A_59, %mul3A_61 : i32
      %get3A = arith.index_cast %mul3A_62 : i32 to index
      %get3A_63 = tpu.vector_load %arg25[%get3A] {strides = array<i32>} : memref<256xf32, #tpu.memory_space<vmem>>, vector<16xf32>,
      %get3A_64 = arith.index_cast %mul3A_62 : i32 to index
      %get3A_65 = tpu.vector_load %arg24[%get3A_64] {strides = array<i32>} : memref<256xf32, #tpu.memory_space<vmem>>, vector<16xf32>,
      %sub3A_66 = arith.subf %get3A_63, %get3A_65 : vector<16xf32>
      %add3A_67 = arith.constant 1.000000e+00 : f32
      %add3A_68 = vector.broadcast %add3A_67 : f32 to vector<16xf32>
      %add3A_69 = arith.addf %sub3A_66, %add3A_68 : vector<16xf32>
      %max3A = arith.maximumf %scan3A_60, %add3A_69 : vector<16xf32>
      scf.yield %max3A : vector<16xf32>
    }
    %scan3A_34 = arith.constant 16 : i32
    %reduce_max3A = arith.constant true
    %reduce_max3A_35 = vector.broadcast %reduce_max3A : i1 to vector<16xi1>
    %reduce_max3A_36 = tpu.scan <max>, %scan3A_33 masked %reduce_max3A_35 : vector<16xf32>, vector<16xi1> -> vector<16xf32>
    %reduce_max3A_37 = vector.extract %reduce_max3A_36[15] : f32 from vector<16xf32>
    %convert_element_type3A_38 = arith.fptosi %reduce_max3A_37 : f32 to i32
    %sub3A_39 = arith.constant 1 : i32
    %sub3A_40 = arith.subi %convert_element_type3A_38, %sub3A_39 : i32
    %mul3A_41 = arith.constant 0 : i32
    %mul3A_42 = vector.broadcast %mul3A_41 : i32 to vector<16xi32>
    %mul3A_43 = arith.muli %iota3A, %mul3A_42 : vector<16xi32>
    %add3A_44 = vector.broadcast %add3A : i32 to vector<16xi32>
    %add3A_45 = arith.addi %mul3A_43, %add3A_44 : vector<16xi32>
    %gather3A = tpu.vector_load_idx %arg20[%add3A_45] : memref<32xf32, #tpu.memory_space<vmem>>[vector<16xi32>], vector<16xf32>,
    %slice3A = vector.extract_strided_slice %gather3A {offsets = [0], sizes = [1], strides = [1]} : vector<16xf32> to vector<1xf32>
    %squeeze3A = vector.extract %slice3A[0] : f32 from vector<1xf32>
    %convert_element_type3A_46 = arith.fptosi %squeeze3A : f32 to i32
    %while3A = arith.constant 0 : i32
    %while3A_47 = arith.constant 0 : i32
    %while3A_48 = arith.subi %sub3A_40, %while3A_47 : i32
    %while3A_49 = arith.addi %while3A_47, %while3A_48 : i32
    %while3A_50 = arith.constant 1 : i32
    %while3A_51 = arith.divsi %while3A_48, %while3A_50 : i32
    %while3A_52 = arith.muli %while3A_51, %while3A_50 : i32
    %while3A_53 = arith.addi %while3A_47, %while3A_52 : i32
    %while3A_54 = arith.constant 1 : i32
    scf.for %while3A_59 = %while3A_47 to %while3A_53 step %while3A_54  : i32 {
      tpu.enqueue_dma source(%arg30 : memref<10240xf32, #tpu.memory_space<vmem_shared>>) target(%arg13 : memref<10240xf32, #tpu.memory_space<vmem>>) target_semaphore(%arg32 : memref<!tpu.dma_semaphore, #tpu.memory_space<semaphore_mem>>)
      %scan3A_60 = arith.constant 0 : i32
      %scan3A_61 = arith.constant 0 : i32
      %scan3A_62 = arith.constant 40 : i32
      %scan3A_63 = arith.addi %scan3A_61, %scan3A_62 : i32
      %scan3A_64 = arith.constant 1 : i32
      scf.for %scan3A_820 = %scan3A_61 to %scan3A_63 step %scan3A_64  : i32 {
        %mul3A_821 = arith.constant 256 : i32
        %mul3A_822 = arith.muli %scan3A_820, %mul3A_821 : i32
        %add3A_823 = arith.constant 0 : i32
        %add3A_824 = arith.addi %mul3A_822, %add3A_823 : i32
        %swap3A_825 = arith.index_cast %add3A_824 : i32 to index
        %swap3A_826 = tpu.vector_load %arg14[%swap3A_825] {strides = array<i32>} : memref<10240xf32, #tpu.memory_space<vmem>>, vector<16xf32>,
        tpu.vector_store %arg14[%swap3A_825], %sub3A_9 {strides = array<i32>} : memref<10240xf32, #tpu.memory_space<vmem>>, vector<16xf32>,
        %mul3A_827 = arith.constant 256 : i32
        %mul3A_828 = arith.muli %scan3A_820, %mul3A_827 : i32
        %add3A_829 = arith.constant 16 : i32
        %add3A_830 = arith.addi %mul3A_828, %add3A_829 : i32
        %swap3A_831 = arith.index_cast %add3A_830 : i32 to index
        %swap3A_832 = tpu.vector_load %arg14[%swap3A_831] {strides = array<i32>} : memref<10240xf32, #tpu.memory_space<vmem>>, vector<16xf32>,
        tpu.vector_store %arg14[%swap3A_831], %sub3A_9 {strides = array<i32>} : memref<10240xf32, #tpu.memory_space<vmem>>, vector<16xf32>,
        %mul3A_833 = arith.constant 256 : i32
        %mul3A_834 = arith.muli %scan3A_820, %mul3A_833 : i32
        %add3A_835 = arith.constant 32 : i32
        %add3A_836 = arith.addi %mul3A_834, %add3A_835 : i32
        %swap3A_837 = arith.index_cast %add3A_836 : i32 to index
        %swap3A_838 = tpu.vector_load %arg14[%swap3A_837] {strides = array<i32>} : memref<10240xf32, #tpu.memory_space<vmem>>, vector<16xf32>,
        tpu.vector_store %arg14[%swap3A_837], %sub3A_9 {strides = array<i32>} : memref<10240xf32, #tpu.memory_space<vmem>>, vector<16xf32>,
        %mul3A_839 = arith.constant 256 : i32
        %mul3A_840 = arith.muli %scan3A_820, %mul3A_839 : i32
        %add3A_841 = arith.constant 48 : i32
        %add3A_842 = arith.addi %mul3A_840, %add3A_841 : i32
        %swap3A_843 = arith.index_cast %add3A_842 : i32 to index
        %swap3A_844 = tpu.vector_load %arg14[%swap3A_843] {strides = array<i32>} : memref<10240xf32, #tpu.memory_space<vmem>>, vector<16xf32>,
        tpu.vector_store %arg14[%swap3A_843], %sub3A_9 {strides = array<i32>} : memref<10240xf32, #tpu.memory_space<vmem>>, vector<16xf32>,
        %mul3A_845 = arith.constant 256 : i32
        %mul3A_846 = arith.muli %scan3A_820, %mul3A_845 : i32
        %add3A_847 = arith.constant 64 : i32
        %add3A_848 = arith.addi %mul3A_846, %add3A_847 : i32
        %swap3A_849 = arith.index_cast %add3A_848 : i32 to index
        %swap3A_850 = tpu.vector_load %arg14[%swap3A_849] {strides = array<i32>} : memref<10240xf32, #tpu.memory_space<vmem>>, vector<16xf32>,
        tpu.vector_store %arg14[%swap3A_849], %sub3A_9 {strides = array<i32>} : memref<10240xf32, #tpu.memory_space<vmem>>, vector<16xf32>,
        %mul3A_851 = arith.constant 256 : i32
        %mul3A_852 = arith.muli %scan3A_820, %mul3A_851 : i32
        %add3A_853 = arith.constant 80 : i32
        %add3A_854 = arith.addi %mul3A_852, %add3A_853 : i32
        %swap3A_855 = arith.index_cast %add3A_854 : i32 to index
        %swap3A_856 = tpu.vector_load %arg14[%swap3A_855] {strides = array<i32>} : memref<10240xf32, #tpu.memory_space<vmem>>, vector<16xf32>,
        tpu.vector_store %arg14[%swap3A_855], %sub3A_9 {strides = array<i32>} : memref<10240xf32, #tpu.memory_space<vmem>>, vector<16xf32>,
        %mul3A_857 = arith.constant 256 : i32
        %mul3A_858 = arith.muli %scan3A_820, %mul3A_857 : i32
        %add3A_859 = arith.constant 96 : i32
        %add3A_860 = arith.addi %mul3A_858, %add3A_859 : i32
        %swap3A_861 = arith.index_cast %add3A_860 : i32 to index
        %swap3A_862 = tpu.vector_load %arg14[%swap3A_861] {strides = array<i32>} : memref<10240xf32, #tpu.memory_space<vmem>>, vector<16xf32>,
        tpu.vector_store %arg14[%swap3A_861], %sub3A_9 {strides = array<i32>} : memref<10240xf32, #tpu.memory_space<vmem>>, vector<16xf32>,
        %mul3A_863 = arith.constant 256 : i32
        %mul3A_864 = arith.muli %scan3A_820, %mul3A_863 : i32
        %add3A_865 = arith.constant 112 : i32
        %add3A_866 = arith.addi %mul3A_864, %add3A_865 : i32
        %swap3A_867 = arith.index_cast %add3A_866 : i32 to index
        %swap3A_868 = tpu.vector_load %arg14[%swap3A_867] {strides = array<i32>} : memref<10240xf32, #tpu.memory_space<vmem>>, vector<16xf32>,
        tpu.vector_store %arg14[%swap3A_867], %sub3A_9 {strides = array<i32>} : memref<10240xf32, #tpu.memory_space<vmem>>, vector<16xf32>,
        %mul3A_869 = arith.constant 256 : i32
        %mul3A_870 = arith.muli %scan3A_820, %mul3A_869 : i32
        %add3A_871 = arith.constant 128 : i32
        %add3A_872 = arith.addi %mul3A_870, %add3A_871 : i32
        %swap3A_873 = arith.index_cast %add3A_872 : i32 to index
        %swap3A_874 = tpu.vector_load %arg14[%swap3A_873] {strides = array<i32>} : memref<10240xf32, #tpu.memory_space<vmem>>, vector<16xf32>,
        tpu.vector_store %arg14[%swap3A_873], %sub3A_9 {strides = array<i32>} : memref<10240xf32, #tpu.memory_space<vmem>>, vector<16xf32>,
        %mul3A_875 = arith.constant 256 : i32
        %mul3A_876 = arith.muli %scan3A_820, %mul3A_875 : i32
        %add3A_877 = arith.constant 144 : i32
        %add3A_878 = arith.addi %mul3A_876, %add3A_877 : i32
        %swap3A_879 = arith.index_cast %add3A_878 : i32 to index
        %swap3A_880 = tpu.vector_load %arg14[%swap3A_879] {strides = array<i32>} : memref<10240xf32, #tpu.memory_space<vmem>>, vector<16xf32>,
        tpu.vector_store %arg14[%swap3A_879], %sub3A_9 {strides = array<i32>} : memref<10240xf32, #tpu.memory_space<vmem>>, vector<16xf32>,
        %mul3A_881 = arith.constant 256 : i32
        %mul3A_882 = arith.muli %scan3A_820, %mul3A_881 : i32
        %add3A_883 = arith.constant 160 : i32
        %add3A_884 = arith.addi %mul3A_882, %add3A_883 : i32
        %swap3A_885 = arith.index_cast %add3A_884 : i32 to index
        %swap3A_886 = tpu.vector_load %arg14[%swap3A_885] {strides = array<i32>} : memref<10240xf32, #tpu.memory_space<vmem>>, vector<16xf32>,
        tpu.vector_store %arg14[%swap3A_885], %sub3A_9 {strides = array<i32>} : memref<10240xf32, #tpu.memory_space<vmem>>, vector<16xf32>,
        %mul3A_887 = arith.constant 256 : i32
        %mul3A_888 = arith.muli %scan3A_820, %mul3A_887 : i32
        %add3A_889 = arith.constant 176 : i32
        %add3A_890 = arith.addi %mul3A_888, %add3A_889 : i32
        %swap3A_891 = arith.index_cast %add3A_890 : i32 to index
        %swap3A_892 = tpu.vector_load %arg14[%swap3A_891] {strides = array<i32>} : memref<10240xf32, #tpu.memory_space<vmem>>, vector<16xf32>,
        tpu.vector_store %arg14[%swap3A_891], %sub3A_9 {strides = array<i32>} : memref<10240xf32, #tpu.memory_space<vmem>>, vector<16xf32>,
        %mul3A_893 = arith.constant 256 : i32
        %mul3A_894 = arith.muli %scan3A_820, %mul3A_893 : i32
        %add3A_895 = arith.constant 192 : i32
        %add3A_896 = arith.addi %mul3A_894, %add3A_895 : i32
        %swap3A_897 = arith.index_cast %add3A_896 : i32 to index
        %swap3A_898 = tpu.vector_load %arg14[%swap3A_897] {strides = array<i32>} : memref<10240xf32, #tpu.memory_space<vmem>>, vector<16xf32>,
        tpu.vector_store %arg14[%swap3A_897], %sub3A_9 {strides = array<i32>} : memref<10240xf32, #tpu.memory_space<vmem>>, vector<16xf32>,
        %mul3A_899 = arith.constant 256 : i32
        %mul3A_900 = arith.muli %scan3A_820, %mul3A_899 : i32
        %add3A_901 = arith.constant 208 : i32
        %add3A_902 = arith.addi %mul3A_900, %add3A_901 : i32
        %swap3A_903 = arith.index_cast %add3A_902 : i32 to index
        %swap3A_904 = tpu.vector_load %arg14[%swap3A_903] {strides = array<i32>} : memref<10240xf32, #tpu.memory_space<vmem>>, vector<16xf32>,
        tpu.vector_store %arg14[%swap3A_903], %sub3A_9 {strides = array<i32>} : memref<10240xf32, #tpu.memory_space<vmem>>, vector<16xf32>,
        %mul3A_905 = arith.constant 256 : i32
        %mul3A_906 = arith.muli %scan3A_820, %mul3A_905 : i32
        %add3A_907 = arith.constant 224 : i32
        %add3A_908 = arith.addi %mul3A_906, %add3A_907 : i32
        %swap3A_909 = arith.index_cast %add3A_908 : i32 to index
        %swap3A_910 = tpu.vector_load %arg14[%swap3A_909] {strides = array<i32>} : memref<10240xf32, #tpu.memory_space<vmem>>, vector<16xf32>,
        tpu.vector_store %arg14[%swap3A_909], %sub3A_9 {strides = array<i32>} : memref<10240xf32, #tpu.memory_space<vmem>>, vector<16xf32>,
        %mul3A_911 = arith.constant 256 : i32
        %mul3A_912 = arith.muli %scan3A_820, %mul3A_911 : i32
        %add3A_913 = arith.constant 240 : i32
        %add3A_914 = arith.addi %mul3A_912, %add3A_913 : i32
        %swap3A_915 = arith.index_cast %add3A_914 : i32 to index
        %swap3A_916 = tpu.vector_load %arg14[%swap3A_915] {strides = array<i32>} : memref<10240xf32, #tpu.memory_space<vmem>>, vector<16xf32>,
        tpu.vector_store %arg14[%swap3A_915], %sub3A_9 {strides = array<i32>} : memref<10240xf32, #tpu.memory_space<vmem>>, vector<16xf32>,
      }
      %scan3A_65 = arith.constant 40 : i32
      tpu.wait_dma2 semaphore(%arg32 : memref<!tpu.dma_semaphore, #tpu.memory_space<semaphore_mem>>) src(%arg30 : memref<10240xf32, #tpu.memory_space<vmem_shared>>) dst(%arg13 : memref<10240xf32, #tpu.memory_space<vmem>>)
      %scan3A_66 = arith.constant 0 : i32
      %scan3A_67 = arith.constant 0 : i32
      %scan3A_68 = arith.constant 20 : i32
      %scan3A_69 = arith.addi %scan3A_67, %scan3A_68 : i32
      %scan3A_70 = arith.constant 1 : i32
      scf.for %scan3A_820 = %scan3A_67 to %scan3A_69 step %scan3A_70  : i32 {
        %mul3A_821 = arith.constant 256 : i32
        %mul3A_822 = arith.muli %scan3A_820, %mul3A_821 : i32
        %add3A_823 = arith.constant 0 : i32
        %add3A_824 = arith.addi %mul3A_822, %add3A_823 : i32
        %get3A_825 = arith.index_cast %add3A_824 : i32 to index
        %get3A_826 = tpu.vector_load %arg16[%get3A_825] {strides = array<i32>} : memref<5120xi32, #tpu.memory_space<vmem>>, vector<16xi32>,
        %get3A_827 = arith.index_cast %add3A_824 : i32 to index
        %get3A_828 = tpu.vector_load %arg17[%get3A_827] {strides = array<i32>} : memref<5120xi32, #tpu.memory_space<vmem>>, vector<16xi32>,
        %get3A_829 = arith.index_cast %add3A_824 : i32 to index
        %get3A_830 = tpu.vector_load %arg18[%get3A_829] {strides = array<i32>} : memref<5120xf32, #tpu.memory_space<vmem>>, vector<16xf32>,
        %gather3A_831 = tpu.vector_load_idx %arg13[%get3A_826] : memref<10240xf32, #tpu.memory_space<vmem>>[vector<16xi32>], vector<16xf32>,
        %add3A_832 = arith.addf %gather3A_831, %get3A_830 : vector<16xf32>
        %gather3A_833 = tpu.vector_load_idx %arg14[%get3A_828] : memref<10240xf32, #tpu.memory_space<vmem>>[vector<16xi32>], vector<16xf32>,
        %max3A_834 = arith.maximumf %gather3A_833, %add3A_832 : vector<16xf32>
        tpu.vector_store_idx %arg14[%get3A_828], %max3A_834 : memref<10240xf32, #tpu.memory_space<vmem>>[vector<16xi32>], vector<16xf32>,
        %mul3A_835 = arith.constant 256 : i32
        %mul3A_836 = arith.muli %scan3A_820, %mul3A_835 : i32
        %add3A_837 = arith.constant 16 : i32
        %add3A_838 = arith.addi %mul3A_836, %add3A_837 : i32
        %get3A_839 = arith.index_cast %add3A_838 : i32 to index
        %get3A_840 = tpu.vector_load %arg16[%get3A_839] {strides = array<i32>} : memref<5120xi32, #tpu.memory_space<vmem>>, vector<16xi32>,
        %get3A_841 = arith.index_cast %add3A_838 : i32 to index
        %get3A_842 = tpu.vector_load %arg17[%get3A_841] {strides = array<i32>} : memref<5120xi32, #tpu.memory_space<vmem>>, vector<16xi32>,
        %get3A_843 = arith.index_cast %add3A_838 : i32 to index
        %get3A_844 = tpu.vector_load %arg18[%get3A_843] {strides = array<i32>} : memref<5120xf32, #tpu.memory_space<vmem>>, vector<16xf32>,
        %gather3A_845 = tpu.vector_load_idx %arg13[%get3A_840] : memref<10240xf32, #tpu.memory_space<vmem>>[vector<16xi32>], vector<16xf32>,
        %add3A_846 = arith.addf %gather3A_845, %get3A_844 : vector<16xf32>
        %gather3A_847 = tpu.vector_load_idx %arg14[%get3A_842] : memref<10240xf32, #tpu.memory_space<vmem>>[vector<16xi32>], vector<16xf32>,
        %max3A_848 = arith.maximumf %gather3A_847, %add3A_846 : vector<16xf32>
        tpu.vector_store_idx %arg14[%get3A_842], %max3A_848 : memref<10240xf32, #tpu.memory_space<vmem>>[vector<16xi32>], vector<16xf32>,
        %mul3A_849 = arith.constant 256 : i32
        %mul3A_850 = arith.muli %scan3A_820, %mul3A_849 : i32
        %add3A_851 = arith.constant 32 : i32
        %add3A_852 = arith.addi %mul3A_850, %add3A_851 : i32
        %get3A_853 = arith.index_cast %add3A_852 : i32 to index
        %get3A_854 = tpu.vector_load %arg16[%get3A_853] {strides = array<i32>} : memref<5120xi32, #tpu.memory_space<vmem>>, vector<16xi32>,
        %get3A_855 = arith.index_cast %add3A_852 : i32 to index
        %get3A_856 = tpu.vector_load %arg17[%get3A_855] {strides = array<i32>} : memref<5120xi32, #tpu.memory_space<vmem>>, vector<16xi32>,
        %get3A_857 = arith.index_cast %add3A_852 : i32 to index
        %get3A_858 = tpu.vector_load %arg18[%get3A_857] {strides = array<i32>} : memref<5120xf32, #tpu.memory_space<vmem>>, vector<16xf32>,
        %gather3A_859 = tpu.vector_load_idx %arg13[%get3A_854] : memref<10240xf32, #tpu.memory_space<vmem>>[vector<16xi32>], vector<16xf32>,
        %add3A_860 = arith.addf %gather3A_859, %get3A_858 : vector<16xf32>
        %gather3A_861 = tpu.vector_load_idx %arg14[%get3A_856] : memref<10240xf32, #tpu.memory_space<vmem>>[vector<16xi32>], vector<16xf32>,
        %max3A_862 = arith.maximumf %gather3A_861, %add3A_860 : vector<16xf32>
        tpu.vector_store_idx %arg14[%get3A_856], %max3A_862 : memref<10240xf32, #tpu.memory_space<vmem>>[vector<16xi32>], vector<16xf32>,
        %mul3A_863 = arith.constant 256 : i32
        %mul3A_864 = arith.muli %scan3A_820, %mul3A_863 : i32
        %add3A_865 = arith.constant 48 : i32
        %add3A_866 = arith.addi %mul3A_864, %add3A_865 : i32
        %get3A_867 = arith.index_cast %add3A_866 : i32 to index
        %get3A_868 = tpu.vector_load %arg16[%get3A_867] {strides = array<i32>} : memref<5120xi32, #tpu.memory_space<vmem>>, vector<16xi32>,
        %get3A_869 = arith.index_cast %add3A_866 : i32 to index
        %get3A_870 = tpu.vector_load %arg17[%get3A_869] {strides = array<i32>} : memref<5120xi32, #tpu.memory_space<vmem>>, vector<16xi32>,
        %get3A_871 = arith.index_cast %add3A_866 : i32 to index
        %get3A_872 = tpu.vector_load %arg18[%get3A_871] {strides = array<i32>} : memref<5120xf32, #tpu.memory_space<vmem>>, vector<16xf32>,
        %gather3A_873 = tpu.vector_load_idx %arg13[%get3A_868] : memref<10240xf32, #tpu.memory_space<vmem>>[vector<16xi32>], vector<16xf32>,
        %add3A_874 = arith.addf %gather3A_873, %get3A_872 : vector<16xf32>
        %gather3A_875 = tpu.vector_load_idx %arg14[%get3A_870] : memref<10240xf32, #tpu.memory_space<vmem>>[vector<16xi32>], vector<16xf32>,
        %max3A_876 = arith.maximumf %gather3A_875, %add3A_874 : vector<16xf32>
        tpu.vector_store_idx %arg14[%get3A_870], %max3A_876 : memref<10240xf32, #tpu.memory_space<vmem>>[vector<16xi32>], vector<16xf32>,
        %mul3A_877 = arith.constant 256 : i32
        %mul3A_878 = arith.muli %scan3A_820, %mul3A_877 : i32
        %add3A_879 = arith.constant 64 : i32
        %add3A_880 = arith.addi %mul3A_878, %add3A_879 : i32
        %get3A_881 = arith.index_cast %add3A_880 : i32 to index
        %get3A_882 = tpu.vector_load %arg16[%get3A_881] {strides = array<i32>} : memref<5120xi32, #tpu.memory_space<vmem>>, vector<16xi32>,
        %get3A_883 = arith.index_cast %add3A_880 : i32 to index
        %get3A_884 = tpu.vector_load %arg17[%get3A_883] {strides = array<i32>} : memref<5120xi32, #tpu.memory_space<vmem>>, vector<16xi32>,
        %get3A_885 = arith.index_cast %add3A_880 : i32 to index
        %get3A_886 = tpu.vector_load %arg18[%get3A_885] {strides = array<i32>} : memref<5120xf32, #tpu.memory_space<vmem>>, vector<16xf32>,
        %gather3A_887 = tpu.vector_load_idx %arg13[%get3A_882] : memref<10240xf32, #tpu.memory_space<vmem>>[vector<16xi32>], vector<16xf32>,
        %add3A_888 = arith.addf %gather3A_887, %get3A_886 : vector<16xf32>
        %gather3A_889 = tpu.vector_load_idx %arg14[%get3A_884] : memref<10240xf32, #tpu.memory_space<vmem>>[vector<16xi32>], vector<16xf32>,
        %max3A_890 = arith.maximumf %gather3A_889, %add3A_888 : vector<16xf32>
        tpu.vector_store_idx %arg14[%get3A_884], %max3A_890 : memref<10240xf32, #tpu.memory_space<vmem>>[vector<16xi32>], vector<16xf32>,
        %mul3A_891 = arith.constant 256 : i32
        %mul3A_892 = arith.muli %scan3A_820, %mul3A_891 : i32
        %add3A_893 = arith.constant 80 : i32
        %add3A_894 = arith.addi %mul3A_892, %add3A_893 : i32
        %get3A_895 = arith.index_cast %add3A_894 : i32 to index
        %get3A_896 = tpu.vector_load %arg16[%get3A_895] {strides = array<i32>} : memref<5120xi32, #tpu.memory_space<vmem>>, vector<16xi32>,
        %get3A_897 = arith.index_cast %add3A_894 : i32 to index
        %get3A_898 = tpu.vector_load %arg17[%get3A_897] {strides = array<i32>} : memref<5120xi32, #tpu.memory_space<vmem>>, vector<16xi32>,
        %get3A_899 = arith.index_cast %add3A_894 : i32 to index
        %get3A_900 = tpu.vector_load %arg18[%get3A_899] {strides = array<i32>} : memref<5120xf32, #tpu.memory_space<vmem>>, vector<16xf32>,
        %gather3A_901 = tpu.vector_load_idx %arg13[%get3A_896] : memref<10240xf32, #tpu.memory_space<vmem>>[vector<16xi32>], vector<16xf32>,
        %add3A_902 = arith.addf %gather3A_901, %get3A_900 : vector<16xf32>
        %gather3A_903 = tpu.vector_load_idx %arg14[%get3A_898] : memref<10240xf32, #tpu.memory_space<vmem>>[vector<16xi32>], vector<16xf32>,
        %max3A_904 = arith.maximumf %gather3A_903, %add3A_902 : vector<16xf32>
        tpu.vector_store_idx %arg14[%get3A_898], %max3A_904 : memref<10240xf32, #tpu.memory_space<vmem>>[vector<16xi32>], vector<16xf32>,
        %mul3A_905 = arith.constant 256 : i32
        %mul3A_906 = arith.muli %scan3A_820, %mul3A_905 : i32
        %add3A_907 = arith.constant 96 : i32
        %add3A_908 = arith.addi %mul3A_906, %add3A_907 : i32
        %get3A_909 = arith.index_cast %add3A_908 : i32 to index
        %get3A_910 = tpu.vector_load %arg16[%get3A_909] {strides = array<i32>} : memref<5120xi32, #tpu.memory_space<vmem>>, vector<16xi32>,
        %get3A_911 = arith.index_cast %add3A_908 : i32 to index
        %get3A_912 = tpu.vector_load %arg17[%get3A_911] {strides = array<i32>} : memref<5120xi32, #tpu.memory_space<vmem>>, vector<16xi32>,
        %get3A_913 = arith.index_cast %add3A_908 : i32 to index
        %get3A_914 = tpu.vector_load %arg18[%get3A_913] {strides = array<i32>} : memref<5120xf32, #tpu.memory_space<vmem>>, vector<16xf32>,
        %gather3A_915 = tpu.vector_load_idx %arg13[%get3A_910] : memref<10240xf32, #tpu.memory_space<vmem>>[vector<16xi32>], vector<16xf32>,
        %add3A_916 = arith.addf %gather3A_915, %get3A_914 : vector<16xf32>
        %gather3A_917 = tpu.vector_load_idx %arg14[%get3A_912] : memref<10240xf32, #tpu.memory_space<vmem>>[vector<16xi32>], vector<16xf32>,
        %max3A_918 = arith.maximumf %gather3A_917, %add3A_916 : vector<16xf32>
        tpu.vector_store_idx %arg14[%get3A_912], %max3A_918 : memref<10240xf32, #tpu.memory_space<vmem>>[vector<16xi32>], vector<16xf32>,
        %mul3A_919 = arith.constant 256 : i32
        %mul3A_920 = arith.muli %scan3A_820, %mul3A_919 : i32
        %add3A_921 = arith.constant 112 : i32
        %add3A_922 = arith.addi %mul3A_920, %add3A_921 : i32
        %get3A_923 = arith.index_cast %add3A_922 : i32 to index
        %get3A_924 = tpu.vector_load %arg16[%get3A_923] {strides = array<i32>} : memref<5120xi32, #tpu.memory_space<vmem>>, vector<16xi32>,
        %get3A_925 = arith.index_cast %add3A_922 : i32 to index
        %get3A_926 = tpu.vector_load %arg17[%get3A_925] {strides = array<i32>} : memref<5120xi32, #tpu.memory_space<vmem>>, vector<16xi32>,
        %get3A_927 = arith.index_cast %add3A_922 : i32 to index
        %get3A_928 = tpu.vector_load %arg18[%get3A_927] {strides = array<i32>} : memref<5120xf32, #tpu.memory_space<vmem>>, vector<16xf32>,
        %gather3A_929 = tpu.vector_load_idx %arg13[%get3A_924] : memref<10240xf32, #tpu.memory_space<vmem>>[vector<16xi32>], vector<16xf32>,
        %add3A_930 = arith.addf %gather3A_929, %get3A_928 : vector<16xf32>
        %gather3A_931 = tpu.vector_load_idx %arg14[%get3A_926] : memref<10240xf32, #tpu.memory_space<vmem>>[vector<16xi32>], vector<16xf32>,
        %max3A_932 = arith.maximumf %gather3A_931, %add3A_930 : vector<16xf32>
        tpu.vector_store_idx %arg14[%get3A_926], %max3A_932 : memref<10240xf32, #tpu.memory_space<vmem>>[vector<16xi32>], vector<16xf32>,
        %mul3A_933 = arith.constant 256 : i32
        %mul3A_934 = arith.muli %scan3A_820, %mul3A_933 : i32
        %add3A_935 = arith.constant 128 : i32
        %add3A_936 = arith.addi %mul3A_934, %add3A_935 : i32
        %get3A_937 = arith.index_cast %add3A_936 : i32 to index
        %get3A_938 = tpu.vector_load %arg16[%get3A_937] {strides = array<i32>} : memref<5120xi32, #tpu.memory_space<vmem>>, vector<16xi32>,
        %get3A_939 = arith.index_cast %add3A_936 : i32 to index
        %get3A_940 = tpu.vector_load %arg17[%get3A_939] {strides = array<i32>} : memref<5120xi32, #tpu.memory_space<vmem>>, vector<16xi32>,
        %get3A_941 = arith.index_cast %add3A_936 : i32 to index
        %get3A_942 = tpu.vector_load %arg18[%get3A_941] {strides = array<i32>} : memref<5120xf32, #tpu.memory_space<vmem>>, vector<16xf32>,
        %gather3A_943 = tpu.vector_load_idx %arg13[%get3A_938] : memref<10240xf32, #tpu.memory_space<vmem>>[vector<16xi32>], vector<16xf32>,
        %add3A_944 = arith.addf %gather3A_943, %get3A_942 : vector<16xf32>
        %gather3A_945 = tpu.vector_load_idx %arg14[%get3A_940] : memref<10240xf32, #tpu.memory_space<vmem>>[vector<16xi32>], vector<16xf32>,
        %max3A_946 = arith.maximumf %gather3A_945, %add3A_944 : vector<16xf32>
        tpu.vector_store_idx %arg14[%get3A_940], %max3A_946 : memref<10240xf32, #tpu.memory_space<vmem>>[vector<16xi32>], vector<16xf32>,
        %mul3A_947 = arith.constant 256 : i32
        %mul3A_948 = arith.muli %scan3A_820, %mul3A_947 : i32
        %add3A_949 = arith.constant 144 : i32
        %add3A_950 = arith.addi %mul3A_948, %add3A_949 : i32
        %get3A_951 = arith.index_cast %add3A_950 : i32 to index
        %get3A_952 = tpu.vector_load %arg16[%get3A_951] {strides = array<i32>} : memref<5120xi32, #tpu.memory_space<vmem>>, vector<16xi32>,
        %get3A_953 = arith.index_cast %add3A_950 : i32 to index
        %get3A_954 = tpu.vector_load %arg17[%get3A_953] {strides = array<i32>} : memref<5120xi32, #tpu.memory_space<vmem>>, vector<16xi32>,
        %get3A_955 = arith.index_cast %add3A_950 : i32 to index
        %get3A_956 = tpu.vector_load %arg18[%get3A_955] {strides = array<i32>} : memref<5120xf32, #tpu.memory_space<vmem>>, vector<16xf32>,
        %gather3A_957 = tpu.vector_load_idx %arg13[%get3A_952] : memref<10240xf32, #tpu.memory_space<vmem>>[vector<16xi32>], vector<16xf32>,
        %add3A_958 = arith.addf %gather3A_957, %get3A_956 : vector<16xf32>
        %gather3A_959 = tpu.vector_load_idx %arg14[%get3A_954] : memref<10240xf32, #tpu.memory_space<vmem>>[vector<16xi32>], vector<16xf32>,
        %max3A_960 = arith.maximumf %gather3A_959, %add3A_958 : vector<16xf32>
        tpu.vector_store_idx %arg14[%get3A_954], %max3A_960 : memref<10240xf32, #tpu.memory_space<vmem>>[vector<16xi32>], vector<16xf32>,
        %mul3A_961 = arith.constant 256 : i32
        %mul3A_962 = arith.muli %scan3A_820, %mul3A_961 : i32
        %add3A_963 = arith.constant 160 : i32
        %add3A_964 = arith.addi %mul3A_962, %add3A_963 : i32
        %get3A_965 = arith.index_cast %add3A_964 : i32 to index
        %get3A_966 = tpu.vector_load %arg16[%get3A_965] {strides = array<i32>} : memref<5120xi32, #tpu.memory_space<vmem>>, vector<16xi32>,
        %get3A_967 = arith.index_cast %add3A_964 : i32 to index
        %get3A_968 = tpu.vector_load %arg17[%get3A_967] {strides = array<i32>} : memref<5120xi32, #tpu.memory_space<vmem>>, vector<16xi32>,
        %get3A_969 = arith.index_cast %add3A_964 : i32 to index
        %get3A_970 = tpu.vector_load %arg18[%get3A_969] {strides = array<i32>} : memref<5120xf32, #tpu.memory_space<vmem>>, vector<16xf32>,
        %gather3A_971 = tpu.vector_load_idx %arg13[%get3A_966] : memref<10240xf32, #tpu.memory_space<vmem>>[vector<16xi32>], vector<16xf32>,
        %add3A_972 = arith.addf %gather3A_971, %get3A_970 : vector<16xf32>
        %gather3A_973 = tpu.vector_load_idx %arg14[%get3A_968] : memref<10240xf32, #tpu.memory_space<vmem>>[vector<16xi32>], vector<16xf32>,
        %max3A_974 = arith.maximumf %gather3A_973, %add3A_972 : vector<16xf32>
        tpu.vector_store_idx %arg14[%get3A_968], %max3A_974 : memref<10240xf32, #tpu.memory_space<vmem>>[vector<16xi32>], vector<16xf32>,
        %mul3A_975 = arith.constant 256 : i32
        %mul3A_976 = arith.muli %scan3A_820, %mul3A_975 : i32
        %add3A_977 = arith.constant 176 : i32
        %add3A_978 = arith.addi %mul3A_976, %add3A_977 : i32
        %get3A_979 = arith.index_cast %add3A_978 : i32 to index
        %get3A_980 = tpu.vector_load %arg16[%get3A_979] {strides = array<i32>} : memref<5120xi32, #tpu.memory_space<vmem>>, vector<16xi32>,
        %get3A_981 = arith.index_cast %add3A_978 : i32 to index
        %get3A_982 = tpu.vector_load %arg17[%get3A_981] {strides = array<i32>} : memref<5120xi32, #tpu.memory_space<vmem>>, vector<16xi32>,
        %get3A_983 = arith.index_cast %add3A_978 : i32 to index
        %get3A_984 = tpu.vector_load %arg18[%get3A_983] {strides = array<i32>} : memref<5120xf32, #tpu.memory_space<vmem>>, vector<16xf32>,
        %gather3A_985 = tpu.vector_load_idx %arg13[%get3A_980] : memref<10240xf32, #tpu.memory_space<vmem>>[vector<16xi32>], vector<16xf32>,
        %add3A_986 = arith.addf %gather3A_985, %get3A_984 : vector<16xf32>
        %gather3A_987 = tpu.vector_load_idx %arg14[%get3A_982] : memref<10240xf32, #tpu.memory_space<vmem>>[vector<16xi32>], vector<16xf32>,
        %max3A_988 = arith.maximumf %gather3A_987, %add3A_986 : vector<16xf32>
        tpu.vector_store_idx %arg14[%get3A_982], %max3A_988 : memref<10240xf32, #tpu.memory_space<vmem>>[vector<16xi32>], vector<16xf32>,
        %mul3A_989 = arith.constant 256 : i32
        %mul3A_990 = arith.muli %scan3A_820, %mul3A_989 : i32
        %add3A_991 = arith.constant 192 : i32
        %add3A_992 = arith.addi %mul3A_990, %add3A_991 : i32
        %get3A_993 = arith.index_cast %add3A_992 : i32 to index
        %get3A_994 = tpu.vector_load %arg16[%get3A_993] {strides = array<i32>} : memref<5120xi32, #tpu.memory_space<vmem>>, vector<16xi32>,
        %get3A_995 = arith.index_cast %add3A_992 : i32 to index
        %get3A_996 = tpu.vector_load %arg17[%get3A_995] {strides = array<i32>} : memref<5120xi32, #tpu.memory_space<vmem>>, vector<16xi32>,
        %get3A_997 = arith.index_cast %add3A_992 : i32 to index
        %get3A_998 = tpu.vector_load %arg18[%get3A_997] {strides = array<i32>} : memref<5120xf32, #tpu.memory_space<vmem>>, vector<16xf32>,
        %gather3A_999 = tpu.vector_load_idx %arg13[%get3A_994] : memref<10240xf32, #tpu.memory_space<vmem>>[vector<16xi32>], vector<16xf32>,
        %add3A_1000 = arith.addf %gather3A_999, %get3A_998 : vector<16xf32>
        %gather3A_1001 = tpu.vector_load_idx %arg14[%get3A_996] : memref<10240xf32, #tpu.memory_space<vmem>>[vector<16xi32>], vector<16xf32>,
        %max3A_1002 = arith.maximumf %gather3A_1001, %add3A_1000 : vector<16xf32>
        tpu.vector_store_idx %arg14[%get3A_996], %max3A_1002 : memref<10240xf32, #tpu.memory_space<vmem>>[vector<16xi32>], vector<16xf32>,
        %mul3A_1003 = arith.constant 256 : i32
        %mul3A_1004 = arith.muli %scan3A_820, %mul3A_1003 : i32
        %add3A_1005 = arith.constant 208 : i32
        %add3A_1006 = arith.addi %mul3A_1004, %add3A_1005 : i32
        %get3A_1007 = arith.index_cast %add3A_1006 : i32 to index
        %get3A_1008 = tpu.vector_load %arg16[%get3A_1007] {strides = array<i32>} : memref<5120xi32, #tpu.memory_space<vmem>>, vector<16xi32>,
        %get3A_1009 = arith.index_cast %add3A_1006 : i32 to index
        %get3A_1010 = tpu.vector_load %arg17[%get3A_1009] {strides = array<i32>} : memref<5120xi32, #tpu.memory_space<vmem>>, vector<16xi32>,
        %get3A_1011 = arith.index_cast %add3A_1006 : i32 to index
        %get3A_1012 = tpu.vector_load %arg18[%get3A_1011] {strides = array<i32>} : memref<5120xf32, #tpu.memory_space<vmem>>, vector<16xf32>,
        %gather3A_1013 = tpu.vector_load_idx %arg13[%get3A_1008] : memref<10240xf32, #tpu.memory_space<vmem>>[vector<16xi32>], vector<16xf32>,
        %add3A_1014 = arith.addf %gather3A_1013, %get3A_1012 : vector<16xf32>
        %gather3A_1015 = tpu.vector_load_idx %arg14[%get3A_1010] : memref<10240xf32, #tpu.memory_space<vmem>>[vector<16xi32>], vector<16xf32>,
        %max3A_1016 = arith.maximumf %gather3A_1015, %add3A_1014 : vector<16xf32>
        tpu.vector_store_idx %arg14[%get3A_1010], %max3A_1016 : memref<10240xf32, #tpu.memory_space<vmem>>[vector<16xi32>], vector<16xf32>,
        %mul3A_1017 = arith.constant 256 : i32
        %mul3A_1018 = arith.muli %scan3A_820, %mul3A_1017 : i32
        %add3A_1019 = arith.constant 224 : i32
        %add3A_1020 = arith.addi %mul3A_1018, %add3A_1019 : i32
        %get3A_1021 = arith.index_cast %add3A_1020 : i32 to index
        %get3A_1022 = tpu.vector_load %arg16[%get3A_1021] {strides = array<i32>} : memref<5120xi32, #tpu.memory_space<vmem>>, vector<16xi32>,
        %get3A_1023 = arith.index_cast %add3A_1020 : i32 to index
        %get3A_1024 = tpu.vector_load %arg17[%get3A_1023] {strides = array<i32>} : memref<5120xi32, #tpu.memory_space<vmem>>, vector<16xi32>,
        %get3A_1025 = arith.index_cast %add3A_1020 : i32 to index
        %get3A_1026 = tpu.vector_load %arg18[%get3A_1025] {strides = array<i32>} : memref<5120xf32, #tpu.memory_space<vmem>>, vector<16xf32>,
        %gather3A_1027 = tpu.vector_load_idx %arg13[%get3A_1022] : memref<10240xf32, #tpu.memory_space<vmem>>[vector<16xi32>], vector<16xf32>,
        %add3A_1028 = arith.addf %gather3A_1027, %get3A_1026 : vector<16xf32>
        %gather3A_1029 = tpu.vector_load_idx %arg14[%get3A_1024] : memref<10240xf32, #tpu.memory_space<vmem>>[vector<16xi32>], vector<16xf32>,
        %max3A_1030 = arith.maximumf %gather3A_1029, %add3A_1028 : vector<16xf32>
        tpu.vector_store_idx %arg14[%get3A_1024], %max3A_1030 : memref<10240xf32, #tpu.memory_space<vmem>>[vector<16xi32>], vector<16xf32>,
        %mul3A_1031 = arith.constant 256 : i32
        %mul3A_1032 = arith.muli %scan3A_820, %mul3A_1031 : i32
        %add3A_1033 = arith.constant 240 : i32
        %add3A_1034 = arith.addi %mul3A_1032, %add3A_1033 : i32
        %get3A_1035 = arith.index_cast %add3A_1034 : i32 to index
        %get3A_1036 = tpu.vector_load %arg16[%get3A_1035] {strides = array<i32>} : memref<5120xi32, #tpu.memory_space<vmem>>, vector<16xi32>,
        %get3A_1037 = arith.index_cast %add3A_1034 : i32 to index
        %get3A_1038 = tpu.vector_load %arg17[%get3A_1037] {strides = array<i32>} : memref<5120xi32, #tpu.memory_space<vmem>>, vector<16xi32>,
        %get3A_1039 = arith.index_cast %add3A_1034 : i32 to index
        %get3A_1040 = tpu.vector_load %arg18[%get3A_1039] {strides = array<i32>} : memref<5120xf32, #tpu.memory_space<vmem>>, vector<16xf32>,
        %gather3A_1041 = tpu.vector_load_idx %arg13[%get3A_1036] : memref<10240xf32, #tpu.memory_space<vmem>>[vector<16xi32>], vector<16xf32>,
        %add3A_1042 = arith.addf %gather3A_1041, %get3A_1040 : vector<16xf32>
        %gather3A_1043 = tpu.vector_load_idx %arg14[%get3A_1038] : memref<10240xf32, #tpu.memory_space<vmem>>[vector<16xi32>], vector<16xf32>,
        %max3A_1044 = arith.maximumf %gather3A_1043, %add3A_1042 : vector<16xf32>
        tpu.vector_store_idx %arg14[%get3A_1038], %max3A_1044 : memref<10240xf32, #tpu.memory_space<vmem>>[vector<16xi32>], vector<16xf32>,
      }
      %scan3A_71 = arith.constant 20 : i32
      %while3A_72 = arith.constant 0 : i32
      %while3A_73 = arith.constant 0 : i32
      %while3A_74 = arith.subi %convert_element_type3A_46, %while3A_73 : i32
      %while3A_75 = arith.addi %while3A_73, %while3A_74 : i32
      %while3A_76 = arith.constant 1 : i32
      %while3A_77 = arith.divsi %while3A_74, %while3A_76 : i32
      %while3A_78 = arith.muli %while3A_77, %while3A_76 : i32
      %while3A_79 = arith.addi %while3A_73, %while3A_78 : i32
      %while3A_80 = arith.constant 1 : i32
      scf.for %while3A_820 = %while3A_73 to %while3A_79 step %while3A_80  : i32 {
        %mul3A_821 = arith.constant 0 : i32
        %mul3A_822 = vector.broadcast %mul3A_821 : i32 to vector<16xi32>
        %mul3A_823 = arith.muli %iota3A, %mul3A_822 : vector<16xi32>
        %add3A_824 = vector.broadcast %while3A_820 : i32 to vector<16xi32>
        %add3A_825 = arith.addi %mul3A_823, %add3A_824 : vector<16xi32>
        %gather3A_826 = tpu.vector_load_idx %arg19[%add3A_825] : memref<320xf32, #tpu.memory_space<vmem>>[vector<16xi32>], vector<16xf32>,
        %slice3A_827 = vector.extract_strided_slice %gather3A_826 {offsets = [0], sizes = [1], strides = [1]} : vector<16xf32> to vector<1xf32>
        %squeeze3A_828 = vector.extract %slice3A_827[0] : f32 from vector<1xf32>
        %convert_element_type3A_829 = arith.fptosi %squeeze3A_828 : f32 to i32
        %mul3A_830 = arith.constant 16 : i32
        %mul3A_831 = arith.muli %convert_element_type3A_829, %mul3A_830 : i32
        %get3A_832 = arith.index_cast %mul3A_831 : i32 to index
        %get3A_833 = tpu.vector_load %arg16[%get3A_832] {strides = array<i32>} : memref<5120xi32, #tpu.memory_space<vmem>>, vector<16xi32>,
        %get3A_834 = arith.index_cast %mul3A_831 : i32 to index
        %get3A_835 = tpu.vector_load %arg17[%get3A_834] {strides = array<i32>} : memref<5120xi32, #tpu.memory_space<vmem>>, vector<16xi32>,
        %get3A_836 = arith.index_cast %mul3A_831 : i32 to index
        %get3A_837 = tpu.vector_load %arg18[%get3A_836] {strides = array<i32>} : memref<5120xf32, #tpu.memory_space<vmem>>, vector<16xf32>,
        %gather3A_838 = tpu.vector_load_idx %arg13[%get3A_833] : memref<10240xf32, #tpu.memory_space<vmem>>[vector<16xi32>], vector<16xf32>,
        %add3A_839 = arith.addf %gather3A_838, %get3A_837 : vector<16xf32>
        %while3A_840 = arith.constant true
        %while3A_841 = scf.while (%while3A_842 = %while3A_840) : (i1) -> i1 {
          scf.condition(%while3A_842) %while3A_842 : i1
        } do {
        ^bb0(%while3A_842: i1):
          %gather3A_843 = tpu.vector_load_idx %arg14[%get3A_835] : memref<10240xf32, #tpu.memory_space<vmem>>[vector<16xi32>], vector<16xf32>,
          %lt3A = arith.cmpf olt, %gather3A_843, %add3A_839 : vector<16xf32>
          %max3A_844 = arith.maximumf %gather3A_843, %add3A_839 : vector<16xf32>
          tpu.vector_store_idx %arg14[%get3A_835], %max3A_844 masked %lt3A : memref<10240xf32, #tpu.memory_space<vmem>>[vector<16xi32>], vector<16xf32>, vector<16xi1>
          %gather3A_845 = tpu.vector_load_idx %arg14[%get3A_835] : memref<10240xf32, #tpu.memory_space<vmem>>[vector<16xi32>], vector<16xf32>,
          %lt3A_846 = arith.cmpf olt, %gather3A_845, %add3A_839 : vector<16xf32>
          %reduce_or3A = arith.constant 1.000000e+00 : f32
          %reduce_or3A_847 = arith.constant 0.000000e+00 : f32
          %reduce_or3A_848 = vector.broadcast %reduce_or3A : f32 to vector<16xf32>
          %reduce_or3A_849 = vector.broadcast %reduce_or3A_847 : f32 to vector<16xf32>
          %reduce_or3A_850 = arith.select %lt3A_846, %reduce_or3A_848, %reduce_or3A_849 : vector<16xi1>, vector<16xf32>
          %reduce_or3A_851 = arith.constant true
          %reduce_or3A_852 = vector.broadcast %reduce_or3A_851 : i1 to vector<16xi1>
          %reduce_or3A_853 = tpu.scan <max>, %reduce_or3A_850 masked %reduce_or3A_852 : vector<16xf32>, vector<16xi1> -> vector<16xf32>
          %reduce_or3A_854 = vector.extract %reduce_or3A_853[15] : f32 from vector<16xf32>
          %reduce_or3A_855 = arith.constant 0.000000e+00 : f32
          %reduce_or3A_856 = arith.cmpf ogt, %reduce_or3A_854, %reduce_or3A_855 : f32
          scf.yield %reduce_or3A_856 : i1
        }
      }
      %while3A_81 = arith.constant 1 : i32
      scf.for %while3A_820 = %while3A_79 to %while3A_75 step %while3A_81  : i32 {
        %mul3A_821 = arith.constant 0 : i32
        %mul3A_822 = vector.broadcast %mul3A_821 : i32 to vector<16xi32>
        %mul3A_823 = arith.muli %iota3A, %mul3A_822 : vector<16xi32>
        %add3A_824 = vector.broadcast %while3A_820 : i32 to vector<16xi32>
        %add3A_825 = arith.addi %mul3A_823, %add3A_824 : vector<16xi32>
        %gather3A_826 = tpu.vector_load_idx %arg19[%add3A_825] : memref<320xf32, #tpu.memory_space<vmem>>[vector<16xi32>], vector<16xf32>,
        %slice3A_827 = vector.extract_strided_slice %gather3A_826 {offsets = [0], sizes = [1], strides = [1]} : vector<16xf32> to vector<1xf32>
        %squeeze3A_828 = vector.extract %slice3A_827[0] : f32 from vector<1xf32>
        %convert_element_type3A_829 = arith.fptosi %squeeze3A_828 : f32 to i32
        %mul3A_830 = arith.constant 16 : i32
        %mul3A_831 = arith.muli %convert_element_type3A_829, %mul3A_830 : i32
        %get3A_832 = arith.index_cast %mul3A_831 : i32 to index
        %get3A_833 = tpu.vector_load %arg16[%get3A_832] {strides = array<i32>} : memref<5120xi32, #tpu.memory_space<vmem>>, vector<16xi32>,
        %get3A_834 = arith.index_cast %mul3A_831 : i32 to index
        %get3A_835 = tpu.vector_load %arg17[%get3A_834] {strides = array<i32>} : memref<5120xi32, #tpu.memory_space<vmem>>, vector<16xi32>,
        %get3A_836 = arith.index_cast %mul3A_831 : i32 to index
        %get3A_837 = tpu.vector_load %arg18[%get3A_836] {strides = array<i32>} : memref<5120xf32, #tpu.memory_space<vmem>>, vector<16xf32>,
        %gather3A_838 = tpu.vector_load_idx %arg13[%get3A_833] : memref<10240xf32, #tpu.memory_space<vmem>>[vector<16xi32>], vector<16xf32>,
        %add3A_839 = arith.addf %gather3A_838, %get3A_837 : vector<16xf32>
        %while3A_840 = arith.constant true
        %while3A_841 = scf.while (%while3A_842 = %while3A_840) : (i1) -> i1 {
          scf.condition(%while3A_842) %while3A_842 : i1
        } do {
        ^bb0(%while3A_842: i1):
          %gather3A_843 = tpu.vector_load_idx %arg14[%get3A_835] : memref<10240xf32, #tpu.memory_space<vmem>>[vector<16xi32>], vector<16xf32>,
          %lt3A = arith.cmpf olt, %gather3A_843, %add3A_839 : vector<16xf32>
          %max3A_844 = arith.maximumf %gather3A_843, %add3A_839 : vector<16xf32>
          tpu.vector_store_idx %arg14[%get3A_835], %max3A_844 masked %lt3A : memref<10240xf32, #tpu.memory_space<vmem>>[vector<16xi32>], vector<16xf32>, vector<16xi1>
          %gather3A_845 = tpu.vector_load_idx %arg14[%get3A_835] : memref<10240xf32, #tpu.memory_space<vmem>>[vector<16xi32>], vector<16xf32>,
          %lt3A_846 = arith.cmpf olt, %gather3A_845, %add3A_839 : vector<16xf32>
          %reduce_or3A = arith.constant 1.000000e+00 : f32
          %reduce_or3A_847 = arith.constant 0.000000e+00 : f32
          %reduce_or3A_848 = vector.broadcast %reduce_or3A : f32 to vector<16xf32>
          %reduce_or3A_849 = vector.broadcast %reduce_or3A_847 : f32 to vector<16xf32>
          %reduce_or3A_850 = arith.select %lt3A_846, %reduce_or3A_848, %reduce_or3A_849 : vector<16xi1>, vector<16xf32>
          %reduce_or3A_851 = arith.constant true
          %reduce_or3A_852 = vector.broadcast %reduce_or3A_851 : i1 to vector<16xi1>
          %reduce_or3A_853 = tpu.scan <max>, %reduce_or3A_850 masked %reduce_or3A_852 : vector<16xf32>, vector<16xi1> -> vector<16xf32>
          %reduce_or3A_854 = vector.extract %reduce_or3A_853[15] : f32 from vector<16xf32>
          %reduce_or3A_855 = arith.constant 0.000000e+00 : f32
          %reduce_or3A_856 = arith.cmpf ogt, %reduce_or3A_854, %reduce_or3A_855 : f32
          scf.yield %reduce_or3A_856 : i1
        }
      }
      "tpu.region"() ({
        %run_scoped3A = tpu.sem_alloc : memref<!tpu.dma_semaphore, #tpu.memory_space<semaphore_mem>>
        %dma_start3A = arith.constant 0 : i32
        %dma_start3A_820 = tpu.memref_slice %arg29[%arg1, %dma_start3A] : memref<16x10240xf32, #tpu.memory_space<vmem_shared>> -> memref<1x10240xf32, #tpu.memory_space<vmem_shared>>
        %dma_start3A_821 = tpu.memref_squeeze %dma_start3A_820 : memref<1x10240xf32, #tpu.memory_space<vmem_shared>> -> memref<10240xf32, #tpu.memory_space<vmem_shared>>
        %dma_start3A_822 = arith.constant 0 : i32
        %dma_start3A_823 = tpu.memref_slice %arg29[%arg1, %dma_start3A_822] : memref<16x10240xf32, #tpu.memory_space<vmem_shared>> -> memref<1x10240xf32, #tpu.memory_space<vmem_shared>>
        %dma_start3A_824 = tpu.memref_squeeze %dma_start3A_823 : memref<1x10240xf32, #tpu.memory_space<vmem_shared>> -> memref<10240xf32, #tpu.memory_space<vmem_shared>>
        tpu.enqueue_dma source(%arg14 : memref<10240xf32, #tpu.memory_space<vmem>>) target(%dma_start3A_824 : memref<10240xf32, #tpu.memory_space<vmem_shared>>) target_semaphore(%run_scoped3A : memref<!tpu.dma_semaphore, #tpu.memory_space<semaphore_mem>>)
        %dma_wait3A = arith.constant 0 : i32
        %dma_wait3A_825 = tpu.memref_slice %arg29[%arg1, %dma_wait3A] : memref<16x10240xf32, #tpu.memory_space<vmem_shared>> -> memref<1x10240xf32, #tpu.memory_space<vmem_shared>>
        %dma_wait3A_826 = tpu.memref_squeeze %dma_wait3A_825 : memref<1x10240xf32, #tpu.memory_space<vmem_shared>> -> memref<10240xf32, #tpu.memory_space<vmem_shared>>
        %dma_wait3A_827 = arith.constant 0 : i32
        %dma_wait3A_828 = tpu.memref_slice %arg29[%arg1, %dma_wait3A_827] : memref<16x10240xf32, #tpu.memory_space<vmem_shared>> -> memref<1x10240xf32, #tpu.memory_space<vmem_shared>>
        %dma_wait3A_829 = tpu.memref_squeeze %dma_wait3A_828 : memref<1x10240xf32, #tpu.memory_space<vmem_shared>> -> memref<10240xf32, #tpu.memory_space<vmem_shared>>
        tpu.wait_dma2 semaphore(%run_scoped3A : memref<!tpu.dma_semaphore, #tpu.memory_space<semaphore_mem>>) src(%arg14 : memref<10240xf32, #tpu.memory_space<vmem>>) dst(%dma_wait3A_829 : memref<10240xf32, #tpu.memory_space<vmem_shared>>)
        tpu.yield
      }) : () -> ()
      %barrier3A_82 = arith.constant 0 : index
      tpu.barrier barrier_id(%barrier3A_82)
      "tpu.region"() ({
        %run_scoped3A = tpu.sem_alloc : memref<!tpu.dma_semaphore, #tpu.memory_space<semaphore_mem>>
        %dma_start3A = arith.constant 0 : i32
        %dma_start3A_820 = tpu.memref_slice %arg29[%dma_start3A, %mul3A_4] : memref<16x10240xf32, #tpu.memory_space<vmem_shared>> -> memref<16x640xf32, #tpu.memory_space<vmem_shared>>
        %dma_start3A_821 = arith.constant 0 : i32
        %dma_start3A_822 = tpu.memref_slice %arg29[%dma_start3A_821, %mul3A_4] : memref<16x10240xf32, #tpu.memory_space<vmem_shared>> -> memref<16x640xf32, #tpu.memory_space<vmem_shared>>
        tpu.enqueue_dma source(%dma_start3A_822 : memref<16x640xf32, #tpu.memory_space<vmem_shared>>) target(%arg28 : memref<16x640xf32, #tpu.memory_space<vmem>>) target_semaphore(%run_scoped3A : memref<!tpu.dma_semaphore, #tpu.memory_space<semaphore_mem>>)
        %dma_wait3A = arith.constant 0 : i32
        %dma_wait3A_823 = tpu.memref_slice %arg29[%dma_wait3A, %mul3A_4] : memref<16x10240xf32, #tpu.memory_space<vmem_shared>> -> memref<16x640xf32, #tpu.memory_space<vmem_shared>>
        %dma_wait3A_824 = arith.constant 0 : i32
        %dma_wait3A_825 = tpu.memref_slice %arg29[%dma_wait3A_824, %mul3A_4] : memref<16x10240xf32, #tpu.memory_space<vmem_shared>> -> memref<16x640xf32, #tpu.memory_space<vmem_shared>>
        tpu.wait_dma2 semaphore(%run_scoped3A : memref<!tpu.dma_semaphore, #tpu.memory_space<semaphore_mem>>) src(%dma_wait3A_825 : memref<16x640xf32, #tpu.memory_space<vmem_shared>>) dst(%arg28 : memref<16x640xf32, #tpu.memory_space<vmem>>)
        tpu.yield
      }) : () -> ()
      %get3A = arith.constant 0 : i32
      %get3A_83 = arith.index_cast %get3A : i32 to index
      %get3A_84 = arith.constant 0 : index
      %get3A_85 = tpu.vector_load %arg28[%get3A_83, %get3A_84] {strides = array<i32>} : memref<16x640xf32, #tpu.memory_space<vmem>>, vector<16xf32>,
      %get3A_86 = arith.constant 1 : i32
      %get3A_87 = arith.index_cast %get3A_86 : i32 to index
      %get3A_88 = arith.constant 0 : index
      %get3A_89 = tpu.vector_load %arg28[%get3A_87, %get3A_88] {strides = array<i32>} : memref<16x640xf32, #tpu.memory_space<vmem>>, vector<16xf32>,
      %max3A = arith.maximumf %get3A_85, %get3A_89 : vector<16xf32>
      %swap3A = arith.constant 0 : index
      %swap3A_90 = tpu.vector_load %arg26[%swap3A] {strides = array<i32>} : memref<640xf32, #tpu.memory_space<vmem>>, vector<16xf32>,
      tpu.vector_store %arg26[%swap3A], %max3A {strides = array<i32>} : memref<640xf32, #tpu.memory_space<vmem>>, vector<16xf32>,
      %get3A_91 = arith.constant 0 : i32
      %get3A_92 = arith.index_cast %get3A_91 : i32 to index
      %get3A_93 = arith.constant 16 : index
      %get3A_94 = tpu.vector_load %arg28[%get3A_92, %get3A_93] {strides = array<i32>} : memref<16x640xf32, #tpu.memory_space<vmem>>, vector<16xf32>,
      %get3A_95 = arith.constant 1 : i32
      %get3A_96 = arith.index_cast %get3A_95 : i32 to index
      %get3A_97 = arith.constant 16 : index
      %get3A_98 = tpu.vector_load %arg28[%get3A_96, %get3A_97] {strides = array<i32>} : memref<16x640xf32, #tpu.memory_space<vmem>>, vector<16xf32>,
      %max3A_99 = arith.maximumf %get3A_94, %get3A_98 : vector<16xf32>
      %swap3A_100 = arith.constant 16 : index
      %swap3A_101 = tpu.vector_load %arg26[%swap3A_100] {strides = array<i32>} : memref<640xf32, #tpu.memory_space<vmem>>, vector<16xf32>,
      tpu.vector_store %arg26[%swap3A_100], %max3A_99 {strides = array<i32>} : memref<640xf32, #tpu.memory_space<vmem>>, vector<16xf32>,
      %get3A_102 = arith.constant 0 : i32
      %get3A_103 = arith.index_cast %get3A_102 : i32 to index
      %get3A_104 = arith.constant 32 : index
      %get3A_105 = tpu.vector_load %arg28[%get3A_103, %get3A_104] {strides = array<i32>} : memref<16x640xf32, #tpu.memory_space<vmem>>, vector<16xf32>,
      %get3A_106 = arith.constant 1 : i32
      %get3A_107 = arith.index_cast %get3A_106 : i32 to index
      %get3A_108 = arith.constant 32 : index
      %get3A_109 = tpu.vector_load %arg28[%get3A_107, %get3A_108] {strides = array<i32>} : memref<16x640xf32, #tpu.memory_space<vmem>>, vector<16xf32>,
      %max3A_110 = arith.maximumf %get3A_105, %get3A_109 : vector<16xf32>
      %swap3A_111 = arith.constant 32 : index
      %swap3A_112 = tpu.vector_load %arg26[%swap3A_111] {strides = array<i32>} : memref<640xf32, #tpu.memory_space<vmem>>, vector<16xf32>,
      tpu.vector_store %arg26[%swap3A_111], %max3A_110 {strides = array<i32>} : memref<640xf32, #tpu.memory_space<vmem>>, vector<16xf32>,
      %get3A_113 = arith.constant 0 : i32
      %get3A_114 = arith.index_cast %get3A_113 : i32 to index
      %get3A_115 = arith.constant 48 : index
      %get3A_116 = tpu.vector_load %arg28[%get3A_114, %get3A_115] {strides = array<i32>} : memref<16x640xf32, #tpu.memory_space<vmem>>, vector<16xf32>,
      %get3A_117 = arith.constant 1 : i32
      %get3A_118 = arith.index_cast %get3A_117 : i32 to index
      %get3A_119 = arith.constant 48 : index
      %get3A_120 = tpu.vector_load %arg28[%get3A_118, %get3A_119] {strides = array<i32>} : memref<16x640xf32, #tpu.memory_space<vmem>>, vector<16xf32>,
      %max3A_121 = arith.maximumf %get3A_116, %get3A_120 : vector<16xf32>
      %swap3A_122 = arith.constant 48 : index
      %swap3A_123 = tpu.vector_load %arg26[%swap3A_122] {strides = array<i32>} : memref<640xf32, #tpu.memory_space<vmem>>, vector<16xf32>,
      tpu.vector_store %arg26[%swap3A_122], %max3A_121 {strides = array<i32>} : memref<640xf32, #tpu.memory_space<vmem>>, vector<16xf32>,
      %get3A_124 = arith.constant 0 : i32
      %get3A_125 = arith.index_cast %get3A_124 : i32 to index
      %get3A_126 = arith.constant 64 : index
      %get3A_127 = tpu.vector_load %arg28[%get3A_125, %get3A_126] {strides = array<i32>} : memref<16x640xf32, #tpu.memory_space<vmem>>, vector<16xf32>,
      %get3A_128 = arith.constant 1 : i32
      %get3A_129 = arith.index_cast %get3A_128 : i32 to index
      %get3A_130 = arith.constant 64 : index
      %get3A_131 = tpu.vector_load %arg28[%get3A_129, %get3A_130] {strides = array<i32>} : memref<16x640xf32, #tpu.memory_space<vmem>>, vector<16xf32>,
      %max3A_132 = arith.maximumf %get3A_127, %get3A_131 : vector<16xf32>
      %swap3A_133 = arith.constant 64 : index
      %swap3A_134 = tpu.vector_load %arg26[%swap3A_133] {strides = array<i32>} : memref<640xf32, #tpu.memory_space<vmem>>, vector<16xf32>,
      tpu.vector_store %arg26[%swap3A_133], %max3A_132 {strides = array<i32>} : memref<640xf32, #tpu.memory_space<vmem>>, vector<16xf32>,
      %get3A_135 = arith.constant 0 : i32
      %get3A_136 = arith.index_cast %get3A_135 : i32 to index
      %get3A_137 = arith.constant 80 : index
      %get3A_138 = tpu.vector_load %arg28[%get3A_136, %get3A_137] {strides = array<i32>} : memref<16x640xf32, #tpu.memory_space<vmem>>, vector<16xf32>,
      %get3A_139 = arith.constant 1 : i32
      %get3A_140 = arith.index_cast %get3A_139 : i32 to index
      %get3A_141 = arith.constant 80 : index
      %get3A_142 = tpu.vector_load %arg28[%get3A_140, %get3A_141] {strides = array<i32>} : memref<16x640xf32, #tpu.memory_space<vmem>>, vector<16xf32>,
      %max3A_143 = arith.maximumf %get3A_138, %get3A_142 : vector<16xf32>
      %swap3A_144 = arith.constant 80 : index
      %swap3A_145 = tpu.vector_load %arg26[%swap3A_144] {strides = array<i32>} : memref<640xf32, #tpu.memory_space<vmem>>, vector<16xf32>,
      tpu.vector_store %arg26[%swap3A_144], %max3A_143 {strides = array<i32>} : memref<640xf32, #tpu.memory_space<vmem>>, vector<16xf32>,
      %get3A_146 = arith.constant 0 : i32
      %get3A_147 = arith.index_cast %get3A_146 : i32 to index
      %get3A_148 = arith.constant 96 : index
      %get3A_149 = tpu.vector_load %arg28[%get3A_147, %get3A_148] {strides = array<i32>} : memref<16x640xf32, #tpu.memory_space<vmem>>, vector<16xf32>,
      %get3A_150 = arith.constant 1 : i32
      %get3A_151 = arith.index_cast %get3A_150 : i32 to index
      %get3A_152 = arith.constant 96 : index
      %get3A_153 = tpu.vector_load %arg28[%get3A_151, %get3A_152] {strides = array<i32>} : memref<16x640xf32, #tpu.memory_space<vmem>>, vector<16xf32>,
      %max3A_154 = arith.maximumf %get3A_149, %get3A_153 : vector<16xf32>
      %swap3A_155 = arith.constant 96 : index
      %swap3A_156 = tpu.vector_load %arg26[%swap3A_155] {strides = array<i32>} : memref<640xf32, #tpu.memory_space<vmem>>, vector<16xf32>,
      tpu.vector_store %arg26[%swap3A_155], %max3A_154 {strides = array<i32>} : memref<640xf32, #tpu.memory_space<vmem>>, vector<16xf32>,
      %get3A_157 = arith.constant 0 : i32
      %get3A_158 = arith.index_cast %get3A_157 : i32 to index
      %get3A_159 = arith.constant 112 : index
      %get3A_160 = tpu.vector_load %arg28[%get3A_158, %get3A_159] {strides = array<i32>} : memref<16x640xf32, #tpu.memory_space<vmem>>, vector<16xf32>,
      %get3A_161 = arith.constant 1 : i32
      %get3A_162 = arith.index_cast %get3A_161 : i32 to index
      %get3A_163 = arith.constant 112 : index
      %get3A_164 = tpu.vector_load %arg28[%get3A_162, %get3A_163] {strides = array<i32>} : memref<16x640xf32, #tpu.memory_space<vmem>>, vector<16xf32>,
      %max3A_165 = arith.maximumf %get3A_160, %get3A_164 : vector<16xf32>
      %swap3A_166 = arith.constant 112 : index
      %swap3A_167 = tpu.vector_load %arg26[%swap3A_166] {strides = array<i32>} : memref<640xf32, #tpu.memory_space<vmem>>, vector<16xf32>,
      tpu.vector_store %arg26[%swap3A_166], %max3A_165 {strides = array<i32>} : memref<640xf32, #tpu.memory_space<vmem>>, vector<16xf32>,
      %get3A_168 = arith.constant 0 : i32
      %get3A_169 = arith.index_cast %get3A_168 : i32 to index
      %get3A_170 = arith.constant 128 : index
      %get3A_171 = tpu.vector_load %arg28[%get3A_169, %get3A_170] {strides = array<i32>} : memref<16x640xf32, #tpu.memory_space<vmem>>, vector<16xf32>,
      %get3A_172 = arith.constant 1 : i32
      %get3A_173 = arith.index_cast %get3A_172 : i32 to index
      %get3A_174 = arith.constant 128 : index
      %get3A_175 = tpu.vector_load %arg28[%get3A_173, %get3A_174] {strides = array<i32>} : memref<16x640xf32, #tpu.memory_space<vmem>>, vector<16xf32>,
      %max3A_176 = arith.maximumf %get3A_171, %get3A_175 : vector<16xf32>
      %swap3A_177 = arith.constant 128 : index
      %swap3A_178 = tpu.vector_load %arg26[%swap3A_177] {strides = array<i32>} : memref<640xf32, #tpu.memory_space<vmem>>, vector<16xf32>,
      tpu.vector_store %arg26[%swap3A_177], %max3A_176 {strides = array<i32>} : memref<640xf32, #tpu.memory_space<vmem>>, vector<16xf32>,
      %get3A_179 = arith.constant 0 : i32
      %get3A_180 = arith.index_cast %get3A_179 : i32 to index
      %get3A_181 = arith.constant 144 : index
      %get3A_182 = tpu.vector_load %arg28[%get3A_180, %get3A_181] {strides = array<i32>} : memref<16x640xf32, #tpu.memory_space<vmem>>, vector<16xf32>,
      %get3A_183 = arith.constant 1 : i32
      %get3A_184 = arith.index_cast %get3A_183 : i32 to index
      %get3A_185 = arith.constant 144 : index
      %get3A_186 = tpu.vector_load %arg28[%get3A_184, %get3A_185] {strides = array<i32>} : memref<16x640xf32, #tpu.memory_space<vmem>>, vector<16xf32>,
      %max3A_187 = arith.maximumf %get3A_182, %get3A_186 : vector<16xf32>
      %swap3A_188 = arith.constant 144 : index
      %swap3A_189 = tpu.vector_load %arg26[%swap3A_188] {strides = array<i32>} : memref<640xf32, #tpu.memory_space<vmem>>, vector<16xf32>,
      tpu.vector_store %arg26[%swap3A_188], %max3A_187 {strides = array<i32>} : memref<640xf32, #tpu.memory_space<vmem>>, vector<16xf32>,
      %get3A_190 = arith.constant 0 : i32
      %get3A_191 = arith.index_cast %get3A_190 : i32 to index
      %get3A_192 = arith.constant 160 : index
      %get3A_193 = tpu.vector_load %arg28[%get3A_191, %get3A_192] {strides = array<i32>} : memref<16x640xf32, #tpu.memory_space<vmem>>, vector<16xf32>,
      %get3A_194 = arith.constant 1 : i32
      %get3A_195 = arith.index_cast %get3A_194 : i32 to index
      %get3A_196 = arith.constant 160 : index
      %get3A_197 = tpu.vector_load %arg28[%get3A_195, %get3A_196] {strides = array<i32>} : memref<16x640xf32, #tpu.memory_space<vmem>>, vector<16xf32>,
      %max3A_198 = arith.maximumf %get3A_193, %get3A_197 : vector<16xf32>
      %swap3A_199 = arith.constant 160 : index
      %swap3A_200 = tpu.vector_load %arg26[%swap3A_199] {strides = array<i32>} : memref<640xf32, #tpu.memory_space<vmem>>, vector<16xf32>,
      tpu.vector_store %arg26[%swap3A_199], %max3A_198 {strides = array<i32>} : memref<640xf32, #tpu.memory_space<vmem>>, vector<16xf32>,
      %get3A_201 = arith.constant 0 : i32
      %get3A_202 = arith.index_cast %get3A_201 : i32 to index
      %get3A_203 = arith.constant 176 : index
      %get3A_204 = tpu.vector_load %arg28[%get3A_202, %get3A_203] {strides = array<i32>} : memref<16x640xf32, #tpu.memory_space<vmem>>, vector<16xf32>,
      %get3A_205 = arith.constant 1 : i32
      %get3A_206 = arith.index_cast %get3A_205 : i32 to index
      %get3A_207 = arith.constant 176 : index
      %get3A_208 = tpu.vector_load %arg28[%get3A_206, %get3A_207] {strides = array<i32>} : memref<16x640xf32, #tpu.memory_space<vmem>>, vector<16xf32>,
      %max3A_209 = arith.maximumf %get3A_204, %get3A_208 : vector<16xf32>
      %swap3A_210 = arith.constant 176 : index
      %swap3A_211 = tpu.vector_load %arg26[%swap3A_210] {strides = array<i32>} : memref<640xf32, #tpu.memory_space<vmem>>, vector<16xf32>,
      tpu.vector_store %arg26[%swap3A_210], %max3A_209 {strides = array<i32>} : memref<640xf32, #tpu.memory_space<vmem>>, vector<16xf32>,
      %get3A_212 = arith.constant 0 : i32
      %get3A_213 = arith.index_cast %get3A_212 : i32 to index
      %get3A_214 = arith.constant 192 : index
      %get3A_215 = tpu.vector_load %arg28[%get3A_213, %get3A_214] {strides = array<i32>} : memref<16x640xf32, #tpu.memory_space<vmem>>, vector<16xf32>,
      %get3A_216 = arith.constant 1 : i32
      %get3A_217 = arith.index_cast %get3A_216 : i32 to index
      %get3A_218 = arith.constant 192 : index
      %get3A_219 = tpu.vector_load %arg28[%get3A_217, %get3A_218] {strides = array<i32>} : memref<16x640xf32, #tpu.memory_space<vmem>>, vector<16xf32>,
      %max3A_220 = arith.maximumf %get3A_215, %get3A_219 : vector<16xf32>
      %swap3A_221 = arith.constant 192 : index
      %swap3A_222 = tpu.vector_load %arg26[%swap3A_221] {strides = array<i32>} : memref<640xf32, #tpu.memory_space<vmem>>, vector<16xf32>,
      tpu.vector_store %arg26[%swap3A_221], %max3A_220 {strides = array<i32>} : memref<640xf32, #tpu.memory_space<vmem>>, vector<16xf32>,
      %get3A_223 = arith.constant 0 : i32
      %get3A_224 = arith.index_cast %get3A_223 : i32 to index
      %get3A_225 = arith.constant 208 : index
      %get3A_226 = tpu.vector_load %arg28[%get3A_224, %get3A_225] {strides = array<i32>} : memref<16x640xf32, #tpu.memory_space<vmem>>, vector<16xf32>,
      %get3A_227 = arith.constant 1 : i32
      %get3A_228 = arith.index_cast %get3A_227 : i32 to index
      %get3A_229 = arith.constant 208 : index
      %get3A_230 = tpu.vector_load %arg28[%get3A_228, %get3A_229] {strides = array<i32>} : memref<16x640xf32, #tpu.memory_space<vmem>>, vector<16xf32>,
      %max3A_231 = arith.maximumf %get3A_226, %get3A_230 : vector<16xf32>
      %swap3A_232 = arith.constant 208 : index
      %swap3A_233 = tpu.vector_load %arg26[%swap3A_232] {strides = array<i32>} : memref<640xf32, #tpu.memory_space<vmem>>, vector<16xf32>,
      tpu.vector_store %arg26[%swap3A_232], %max3A_231 {strides = array<i32>} : memref<640xf32, #tpu.memory_space<vmem>>, vector<16xf32>,
      %get3A_234 = arith.constant 0 : i32
      %get3A_235 = arith.index_cast %get3A_234 : i32 to index
      %get3A_236 = arith.constant 224 : index
      %get3A_237 = tpu.vector_load %arg28[%get3A_235, %get3A_236] {strides = array<i32>} : memref<16x640xf32, #tpu.memory_space<vmem>>, vector<16xf32>,
      %get3A_238 = arith.constant 1 : i32
      %get3A_239 = arith.index_cast %get3A_238 : i32 to index
      %get3A_240 = arith.constant 224 : index
      %get3A_241 = tpu.vector_load %arg28[%get3A_239, %get3A_240] {strides = array<i32>} : memref<16x640xf32, #tpu.memory_space<vmem>>, vector<16xf32>,
      %max3A_242 = arith.maximumf %get3A_237, %get3A_241 : vector<16xf32>
      %swap3A_243 = arith.constant 224 : index
      %swap3A_244 = tpu.vector_load %arg26[%swap3A_243] {strides = array<i32>} : memref<640xf32, #tpu.memory_space<vmem>>, vector<16xf32>,
      tpu.vector_store %arg26[%swap3A_243], %max3A_242 {strides = array<i32>} : memref<640xf32, #tpu.memory_space<vmem>>, vector<16xf32>,
      %get3A_245 = arith.constant 0 : i32
      %get3A_246 = arith.index_cast %get3A_245 : i32 to index
      %get3A_247 = arith.constant 240 : index
      %get3A_248 = tpu.vector_load %arg28[%get3A_246, %get3A_247] {strides = array<i32>} : memref<16x640xf32, #tpu.memory_space<vmem>>, vector<16xf32>,
      %get3A_249 = arith.constant 1 : i32
      %get3A_250 = arith.index_cast %get3A_249 : i32 to index
      %get3A_251 = arith.constant 240 : index
      %get3A_252 = tpu.vector_load %arg28[%get3A_250, %get3A_251] {strides = array<i32>} : memref<16x640xf32, #tpu.memory_space<vmem>>, vector<16xf32>,
      %max3A_253 = arith.maximumf %get3A_248, %get3A_252 : vector<16xf32>
      %swap3A_254 = arith.constant 240 : index
      %swap3A_255 = tpu.vector_load %arg26[%swap3A_254] {strides = array<i32>} : memref<640xf32, #tpu.memory_space<vmem>>, vector<16xf32>,
      tpu.vector_store %arg26[%swap3A_254], %max3A_253 {strides = array<i32>} : memref<640xf32, #tpu.memory_space<vmem>>, vector<16xf32>,
      %get3A_256 = arith.constant 0 : i32
      %get3A_257 = arith.index_cast %get3A_256 : i32 to index
      %get3A_258 = arith.constant 256 : index
      %get3A_259 = tpu.vector_load %arg28[%get3A_257, %get3A_258] {strides = array<i32>} : memref<16x640xf32, #tpu.memory_space<vmem>>, vector<16xf32>,
      %get3A_260 = arith.constant 1 : i32
      %get3A_261 = arith.index_cast %get3A_260 : i32 to index
      %get3A_262 = arith.constant 256 : index
      %get3A_263 = tpu.vector_load %arg28[%get3A_261, %get3A_262] {strides = array<i32>} : memref<16x640xf32, #tpu.memory_space<vmem>>, vector<16xf32>,
      %max3A_264 = arith.maximumf %get3A_259, %get3A_263 : vector<16xf32>
      %swap3A_265 = arith.constant 256 : index
      %swap3A_266 = tpu.vector_load %arg26[%swap3A_265] {strides = array<i32>} : memref<640xf32, #tpu.memory_space<vmem>>, vector<16xf32>,
      tpu.vector_store %arg26[%swap3A_265], %max3A_264 {strides = array<i32>} : memref<640xf32, #tpu.memory_space<vmem>>, vector<16xf32>,
      %get3A_267 = arith.constant 0 : i32
      %get3A_268 = arith.index_cast %get3A_267 : i32 to index
      %get3A_269 = arith.constant 272 : index
      %get3A_270 = tpu.vector_load %arg28[%get3A_268, %get3A_269] {strides = array<i32>} : memref<16x640xf32, #tpu.memory_space<vmem>>, vector<16xf32>,
      %get3A_271 = arith.constant 1 : i32
      %get3A_272 = arith.index_cast %get3A_271 : i32 to index
      %get3A_273 = arith.constant 272 : index
      %get3A_274 = tpu.vector_load %arg28[%get3A_272, %get3A_273] {strides = array<i32>} : memref<16x640xf32, #tpu.memory_space<vmem>>, vector<16xf32>,
      %max3A_275 = arith.maximumf %get3A_270, %get3A_274 : vector<16xf32>
      %swap3A_276 = arith.constant 272 : index
      %swap3A_277 = tpu.vector_load %arg26[%swap3A_276] {strides = array<i32>} : memref<640xf32, #tpu.memory_space<vmem>>, vector<16xf32>,
      tpu.vector_store %arg26[%swap3A_276], %max3A_275 {strides = array<i32>} : memref<640xf32, #tpu.memory_space<vmem>>, vector<16xf32>,
      %get3A_278 = arith.constant 0 : i32
      %get3A_279 = arith.index_cast %get3A_278 : i32 to index
      %get3A_280 = arith.constant 288 : index
      %get3A_281 = tpu.vector_load %arg28[%get3A_279, %get3A_280] {strides = array<i32>} : memref<16x640xf32, #tpu.memory_space<vmem>>, vector<16xf32>,
      %get3A_282 = arith.constant 1 : i32
      %get3A_283 = arith.index_cast %get3A_282 : i32 to index
      %get3A_284 = arith.constant 288 : index
      %get3A_285 = tpu.vector_load %arg28[%get3A_283, %get3A_284] {strides = array<i32>} : memref<16x640xf32, #tpu.memory_space<vmem>>, vector<16xf32>,
      %max3A_286 = arith.maximumf %get3A_281, %get3A_285 : vector<16xf32>
      %swap3A_287 = arith.constant 288 : index
      %swap3A_288 = tpu.vector_load %arg26[%swap3A_287] {strides = array<i32>} : memref<640xf32, #tpu.memory_space<vmem>>, vector<16xf32>,
      tpu.vector_store %arg26[%swap3A_287], %max3A_286 {strides = array<i32>} : memref<640xf32, #tpu.memory_space<vmem>>, vector<16xf32>,
      %get3A_289 = arith.constant 0 : i32
      %get3A_290 = arith.index_cast %get3A_289 : i32 to index
      %get3A_291 = arith.constant 304 : index
      %get3A_292 = tpu.vector_load %arg28[%get3A_290, %get3A_291] {strides = array<i32>} : memref<16x640xf32, #tpu.memory_space<vmem>>, vector<16xf32>,
      %get3A_293 = arith.constant 1 : i32
      %get3A_294 = arith.index_cast %get3A_293 : i32 to index
      %get3A_295 = arith.constant 304 : index
      %get3A_296 = tpu.vector_load %arg28[%get3A_294, %get3A_295] {strides = array<i32>} : memref<16x640xf32, #tpu.memory_space<vmem>>, vector<16xf32>,
      %max3A_297 = arith.maximumf %get3A_292, %get3A_296 : vector<16xf32>
      %swap3A_298 = arith.constant 304 : index
      %swap3A_299 = tpu.vector_load %arg26[%swap3A_298] {strides = array<i32>} : memref<640xf32, #tpu.memory_space<vmem>>, vector<16xf32>,
      tpu.vector_store %arg26[%swap3A_298], %max3A_297 {strides = array<i32>} : memref<640xf32, #tpu.memory_space<vmem>>, vector<16xf32>,
      %get3A_300 = arith.constant 0 : i32
      %get3A_301 = arith.index_cast %get3A_300 : i32 to index
      %get3A_302 = arith.constant 320 : index
      %get3A_303 = tpu.vector_load %arg28[%get3A_301, %get3A_302] {strides = array<i32>} : memref<16x640xf32, #tpu.memory_space<vmem>>, vector<16xf32>,
      %get3A_304 = arith.constant 1 : i32
      %get3A_305 = arith.index_cast %get3A_304 : i32 to index
      %get3A_306 = arith.constant 320 : index
      %get3A_307 = tpu.vector_load %arg28[%get3A_305, %get3A_306] {strides = array<i32>} : memref<16x640xf32, #tpu.memory_space<vmem>>, vector<16xf32>,
      %max3A_308 = arith.maximumf %get3A_303, %get3A_307 : vector<16xf32>
      %swap3A_309 = arith.constant 320 : index
      %swap3A_310 = tpu.vector_load %arg26[%swap3A_309] {strides = array<i32>} : memref<640xf32, #tpu.memory_space<vmem>>, vector<16xf32>,
      tpu.vector_store %arg26[%swap3A_309], %max3A_308 {strides = array<i32>} : memref<640xf32, #tpu.memory_space<vmem>>, vector<16xf32>,
      %get3A_311 = arith.constant 0 : i32
      %get3A_312 = arith.index_cast %get3A_311 : i32 to index
      %get3A_313 = arith.constant 336 : index
      %get3A_314 = tpu.vector_load %arg28[%get3A_312, %get3A_313] {strides = array<i32>} : memref<16x640xf32, #tpu.memory_space<vmem>>, vector<16xf32>,
      %get3A_315 = arith.constant 1 : i32
      %get3A_316 = arith.index_cast %get3A_315 : i32 to index
      %get3A_317 = arith.constant 336 : index
      %get3A_318 = tpu.vector_load %arg28[%get3A_316, %get3A_317] {strides = array<i32>} : memref<16x640xf32, #tpu.memory_space<vmem>>, vector<16xf32>,
      %max3A_319 = arith.maximumf %get3A_314, %get3A_318 : vector<16xf32>
      %swap3A_320 = arith.constant 336 : index
      %swap3A_321 = tpu.vector_load %arg26[%swap3A_320] {strides = array<i32>} : memref<640xf32, #tpu.memory_space<vmem>>, vector<16xf32>,
      tpu.vector_store %arg26[%swap3A_320], %max3A_319 {strides = array<i32>} : memref<640xf32, #tpu.memory_space<vmem>>, vector<16xf32>,
      %get3A_322 = arith.constant 0 : i32
      %get3A_323 = arith.index_cast %get3A_322 : i32 to index
      %get3A_324 = arith.constant 352 : index
      %get3A_325 = tpu.vector_load %arg28[%get3A_323, %get3A_324] {strides = array<i32>} : memref<16x640xf32, #tpu.memory_space<vmem>>, vector<16xf32>,
      %get3A_326 = arith.constant 1 : i32
      %get3A_327 = arith.index_cast %get3A_326 : i32 to index
      %get3A_328 = arith.constant 352 : index
      %get3A_329 = tpu.vector_load %arg28[%get3A_327, %get3A_328] {strides = array<i32>} : memref<16x640xf32, #tpu.memory_space<vmem>>, vector<16xf32>,
      %max3A_330 = arith.maximumf %get3A_325, %get3A_329 : vector<16xf32>
      %swap3A_331 = arith.constant 352 : index
      %swap3A_332 = tpu.vector_load %arg26[%swap3A_331] {strides = array<i32>} : memref<640xf32, #tpu.memory_space<vmem>>, vector<16xf32>,
      tpu.vector_store %arg26[%swap3A_331], %max3A_330 {strides = array<i32>} : memref<640xf32, #tpu.memory_space<vmem>>, vector<16xf32>,
      %get3A_333 = arith.constant 0 : i32
      %get3A_334 = arith.index_cast %get3A_333 : i32 to index
      %get3A_335 = arith.constant 368 : index
      %get3A_336 = tpu.vector_load %arg28[%get3A_334, %get3A_335] {strides = array<i32>} : memref<16x640xf32, #tpu.memory_space<vmem>>, vector<16xf32>,
      %get3A_337 = arith.constant 1 : i32
      %get3A_338 = arith.index_cast %get3A_337 : i32 to index
      %get3A_339 = arith.constant 368 : index
      %get3A_340 = tpu.vector_load %arg28[%get3A_338, %get3A_339] {strides = array<i32>} : memref<16x640xf32, #tpu.memory_space<vmem>>, vector<16xf32>,
      %max3A_341 = arith.maximumf %get3A_336, %get3A_340 : vector<16xf32>
      %swap3A_342 = arith.constant 368 : index
      %swap3A_343 = tpu.vector_load %arg26[%swap3A_342] {strides = array<i32>} : memref<640xf32, #tpu.memory_space<vmem>>, vector<16xf32>,
      tpu.vector_store %arg26[%swap3A_342], %max3A_341 {strides = array<i32>} : memref<640xf32, #tpu.memory_space<vmem>>, vector<16xf32>,
      %get3A_344 = arith.constant 0 : i32
      %get3A_345 = arith.index_cast %get3A_344 : i32 to index
      %get3A_346 = arith.constant 384 : index
      %get3A_347 = tpu.vector_load %arg28[%get3A_345, %get3A_346] {strides = array<i32>} : memref<16x640xf32, #tpu.memory_space<vmem>>, vector<16xf32>,
      %get3A_348 = arith.constant 1 : i32
      %get3A_349 = arith.index_cast %get3A_348 : i32 to index
      %get3A_350 = arith.constant 384 : index
      %get3A_351 = tpu.vector_load %arg28[%get3A_349, %get3A_350] {strides = array<i32>} : memref<16x640xf32, #tpu.memory_space<vmem>>, vector<16xf32>,
      %max3A_352 = arith.maximumf %get3A_347, %get3A_351 : vector<16xf32>
      %swap3A_353 = arith.constant 384 : index
      %swap3A_354 = tpu.vector_load %arg26[%swap3A_353] {strides = array<i32>} : memref<640xf32, #tpu.memory_space<vmem>>, vector<16xf32>,
      tpu.vector_store %arg26[%swap3A_353], %max3A_352 {strides = array<i32>} : memref<640xf32, #tpu.memory_space<vmem>>, vector<16xf32>,
      %get3A_355 = arith.constant 0 : i32
      %get3A_356 = arith.index_cast %get3A_355 : i32 to index
      %get3A_357 = arith.constant 400 : index
      %get3A_358 = tpu.vector_load %arg28[%get3A_356, %get3A_357] {strides = array<i32>} : memref<16x640xf32, #tpu.memory_space<vmem>>, vector<16xf32>,
      %get3A_359 = arith.constant 1 : i32
      %get3A_360 = arith.index_cast %get3A_359 : i32 to index
      %get3A_361 = arith.constant 400 : index
      %get3A_362 = tpu.vector_load %arg28[%get3A_360, %get3A_361] {strides = array<i32>} : memref<16x640xf32, #tpu.memory_space<vmem>>, vector<16xf32>,
      %max3A_363 = arith.maximumf %get3A_358, %get3A_362 : vector<16xf32>
      %swap3A_364 = arith.constant 400 : index
      %swap3A_365 = tpu.vector_load %arg26[%swap3A_364] {strides = array<i32>} : memref<640xf32, #tpu.memory_space<vmem>>, vector<16xf32>,
      tpu.vector_store %arg26[%swap3A_364], %max3A_363 {strides = array<i32>} : memref<640xf32, #tpu.memory_space<vmem>>, vector<16xf32>,
      %get3A_366 = arith.constant 0 : i32
      %get3A_367 = arith.index_cast %get3A_366 : i32 to index
      %get3A_368 = arith.constant 416 : index
      %get3A_369 = tpu.vector_load %arg28[%get3A_367, %get3A_368] {strides = array<i32>} : memref<16x640xf32, #tpu.memory_space<vmem>>, vector<16xf32>,
      %get3A_370 = arith.constant 1 : i32
      %get3A_371 = arith.index_cast %get3A_370 : i32 to index
      %get3A_372 = arith.constant 416 : index
      %get3A_373 = tpu.vector_load %arg28[%get3A_371, %get3A_372] {strides = array<i32>} : memref<16x640xf32, #tpu.memory_space<vmem>>, vector<16xf32>,
      %max3A_374 = arith.maximumf %get3A_369, %get3A_373 : vector<16xf32>
      %swap3A_375 = arith.constant 416 : index
      %swap3A_376 = tpu.vector_load %arg26[%swap3A_375] {strides = array<i32>} : memref<640xf32, #tpu.memory_space<vmem>>, vector<16xf32>,
      tpu.vector_store %arg26[%swap3A_375], %max3A_374 {strides = array<i32>} : memref<640xf32, #tpu.memory_space<vmem>>, vector<16xf32>,
      %get3A_377 = arith.constant 0 : i32
      %get3A_378 = arith.index_cast %get3A_377 : i32 to index
      %get3A_379 = arith.constant 432 : index
      %get3A_380 = tpu.vector_load %arg28[%get3A_378, %get3A_379] {strides = array<i32>} : memref<16x640xf32, #tpu.memory_space<vmem>>, vector<16xf32>,
      %get3A_381 = arith.constant 1 : i32
      %get3A_382 = arith.index_cast %get3A_381 : i32 to index
      %get3A_383 = arith.constant 432 : index
      %get3A_384 = tpu.vector_load %arg28[%get3A_382, %get3A_383] {strides = array<i32>} : memref<16x640xf32, #tpu.memory_space<vmem>>, vector<16xf32>,
      %max3A_385 = arith.maximumf %get3A_380, %get3A_384 : vector<16xf32>
      %swap3A_386 = arith.constant 432 : index
      %swap3A_387 = tpu.vector_load %arg26[%swap3A_386] {strides = array<i32>} : memref<640xf32, #tpu.memory_space<vmem>>, vector<16xf32>,
      tpu.vector_store %arg26[%swap3A_386], %max3A_385 {strides = array<i32>} : memref<640xf32, #tpu.memory_space<vmem>>, vector<16xf32>,
      %get3A_388 = arith.constant 0 : i32
      %get3A_389 = arith.index_cast %get3A_388 : i32 to index
      %get3A_390 = arith.constant 448 : index
      %get3A_391 = tpu.vector_load %arg28[%get3A_389, %get3A_390] {strides = array<i32>} : memref<16x640xf32, #tpu.memory_space<vmem>>, vector<16xf32>,
      %get3A_392 = arith.constant 1 : i32
      %get3A_393 = arith.index_cast %get3A_392 : i32 to index
      %get3A_394 = arith.constant 448 : index
      %get3A_395 = tpu.vector_load %arg28[%get3A_393, %get3A_394] {strides = array<i32>} : memref<16x640xf32, #tpu.memory_space<vmem>>, vector<16xf32>,
      %max3A_396 = arith.maximumf %get3A_391, %get3A_395 : vector<16xf32>
      %swap3A_397 = arith.constant 448 : index
      %swap3A_398 = tpu.vector_load %arg26[%swap3A_397] {strides = array<i32>} : memref<640xf32, #tpu.memory_space<vmem>>, vector<16xf32>,
      tpu.vector_store %arg26[%swap3A_397], %max3A_396 {strides = array<i32>} : memref<640xf32, #tpu.memory_space<vmem>>, vector<16xf32>,
      %get3A_399 = arith.constant 0 : i32
      %get3A_400 = arith.index_cast %get3A_399 : i32 to index
      %get3A_401 = arith.constant 464 : index
      %get3A_402 = tpu.vector_load %arg28[%get3A_400, %get3A_401] {strides = array<i32>} : memref<16x640xf32, #tpu.memory_space<vmem>>, vector<16xf32>,
      %get3A_403 = arith.constant 1 : i32
      %get3A_404 = arith.index_cast %get3A_403 : i32 to index
      %get3A_405 = arith.constant 464 : index
      %get3A_406 = tpu.vector_load %arg28[%get3A_404, %get3A_405] {strides = array<i32>} : memref<16x640xf32, #tpu.memory_space<vmem>>, vector<16xf32>,
      %max3A_407 = arith.maximumf %get3A_402, %get3A_406 : vector<16xf32>
      %swap3A_408 = arith.constant 464 : index
      %swap3A_409 = tpu.vector_load %arg26[%swap3A_408] {strides = array<i32>} : memref<640xf32, #tpu.memory_space<vmem>>, vector<16xf32>,
      tpu.vector_store %arg26[%swap3A_408], %max3A_407 {strides = array<i32>} : memref<640xf32, #tpu.memory_space<vmem>>, vector<16xf32>,
      %get3A_410 = arith.constant 0 : i32
      %get3A_411 = arith.index_cast %get3A_410 : i32 to index
      %get3A_412 = arith.constant 480 : index
      %get3A_413 = tpu.vector_load %arg28[%get3A_411, %get3A_412] {strides = array<i32>} : memref<16x640xf32, #tpu.memory_space<vmem>>, vector<16xf32>,
      %get3A_414 = arith.constant 1 : i32
      %get3A_415 = arith.index_cast %get3A_414 : i32 to index
      %get3A_416 = arith.constant 480 : index
      %get3A_417 = tpu.vector_load %arg28[%get3A_415, %get3A_416] {strides = array<i32>} : memref<16x640xf32, #tpu.memory_space<vmem>>, vector<16xf32>,
      %max3A_418 = arith.maximumf %get3A_413, %get3A_417 : vector<16xf32>
      %swap3A_419 = arith.constant 480 : index
      %swap3A_420 = tpu.vector_load %arg26[%swap3A_419] {strides = array<i32>} : memref<640xf32, #tpu.memory_space<vmem>>, vector<16xf32>,
      tpu.vector_store %arg26[%swap3A_419], %max3A_418 {strides = array<i32>} : memref<640xf32, #tpu.memory_space<vmem>>, vector<16xf32>,
      %get3A_421 = arith.constant 0 : i32
      %get3A_422 = arith.index_cast %get3A_421 : i32 to index
      %get3A_423 = arith.constant 496 : index
      %get3A_424 = tpu.vector_load %arg28[%get3A_422, %get3A_423] {strides = array<i32>} : memref<16x640xf32, #tpu.memory_space<vmem>>, vector<16xf32>,
      %get3A_425 = arith.constant 1 : i32
      %get3A_426 = arith.index_cast %get3A_425 : i32 to index
      %get3A_427 = arith.constant 496 : index
      %get3A_428 = tpu.vector_load %arg28[%get3A_426, %get3A_427] {strides = array<i32>} : memref<16x640xf32, #tpu.memory_space<vmem>>, vector<16xf32>,
      %max3A_429 = arith.maximumf %get3A_424, %get3A_428 : vector<16xf32>
      %swap3A_430 = arith.constant 496 : index
      %swap3A_431 = tpu.vector_load %arg26[%swap3A_430] {strides = array<i32>} : memref<640xf32, #tpu.memory_space<vmem>>, vector<16xf32>,
      tpu.vector_store %arg26[%swap3A_430], %max3A_429 {strides = array<i32>} : memref<640xf32, #tpu.memory_space<vmem>>, vector<16xf32>,
      %get3A_432 = arith.constant 0 : i32
      %get3A_433 = arith.index_cast %get3A_432 : i32 to index
      %get3A_434 = arith.constant 512 : index
      %get3A_435 = tpu.vector_load %arg28[%get3A_433, %get3A_434] {strides = array<i32>} : memref<16x640xf32, #tpu.memory_space<vmem>>, vector<16xf32>,
      %get3A_436 = arith.constant 1 : i32
      %get3A_437 = arith.index_cast %get3A_436 : i32 to index
      %get3A_438 = arith.constant 512 : index
      %get3A_439 = tpu.vector_load %arg28[%get3A_437, %get3A_438] {strides = array<i32>} : memref<16x640xf32, #tpu.memory_space<vmem>>, vector<16xf32>,
      %max3A_440 = arith.maximumf %get3A_435, %get3A_439 : vector<16xf32>
      %swap3A_441 = arith.constant 512 : index
      %swap3A_442 = tpu.vector_load %arg26[%swap3A_441] {strides = array<i32>} : memref<640xf32, #tpu.memory_space<vmem>>, vector<16xf32>,
      tpu.vector_store %arg26[%swap3A_441], %max3A_440 {strides = array<i32>} : memref<640xf32, #tpu.memory_space<vmem>>, vector<16xf32>,
      %get3A_443 = arith.constant 0 : i32
      %get3A_444 = arith.index_cast %get3A_443 : i32 to index
      %get3A_445 = arith.constant 528 : index
      %get3A_446 = tpu.vector_load %arg28[%get3A_444, %get3A_445] {strides = array<i32>} : memref<16x640xf32, #tpu.memory_space<vmem>>, vector<16xf32>,
      %get3A_447 = arith.constant 1 : i32
      %get3A_448 = arith.index_cast %get3A_447 : i32 to index
      %get3A_449 = arith.constant 528 : index
      %get3A_450 = tpu.vector_load %arg28[%get3A_448, %get3A_449] {strides = array<i32>} : memref<16x640xf32, #tpu.memory_space<vmem>>, vector<16xf32>,
      %max3A_451 = arith.maximumf %get3A_446, %get3A_450 : vector<16xf32>
      %swap3A_452 = arith.constant 528 : index
      %swap3A_453 = tpu.vector_load %arg26[%swap3A_452] {strides = array<i32>} : memref<640xf32, #tpu.memory_space<vmem>>, vector<16xf32>,
      tpu.vector_store %arg26[%swap3A_452], %max3A_451 {strides = array<i32>} : memref<640xf32, #tpu.memory_space<vmem>>, vector<16xf32>,
      %get3A_454 = arith.constant 0 : i32
      %get3A_455 = arith.index_cast %get3A_454 : i32 to index
      %get3A_456 = arith.constant 544 : index
      %get3A_457 = tpu.vector_load %arg28[%get3A_455, %get3A_456] {strides = array<i32>} : memref<16x640xf32, #tpu.memory_space<vmem>>, vector<16xf32>,
      %get3A_458 = arith.constant 1 : i32
      %get3A_459 = arith.index_cast %get3A_458 : i32 to index
      %get3A_460 = arith.constant 544 : index
      %get3A_461 = tpu.vector_load %arg28[%get3A_459, %get3A_460] {strides = array<i32>} : memref<16x640xf32, #tpu.memory_space<vmem>>, vector<16xf32>,
      %max3A_462 = arith.maximumf %get3A_457, %get3A_461 : vector<16xf32>
      %swap3A_463 = arith.constant 544 : index
      %swap3A_464 = tpu.vector_load %arg26[%swap3A_463] {strides = array<i32>} : memref<640xf32, #tpu.memory_space<vmem>>, vector<16xf32>,
      tpu.vector_store %arg26[%swap3A_463], %max3A_462 {strides = array<i32>} : memref<640xf32, #tpu.memory_space<vmem>>, vector<16xf32>,
      %get3A_465 = arith.constant 0 : i32
      %get3A_466 = arith.index_cast %get3A_465 : i32 to index
      %get3A_467 = arith.constant 560 : index
      %get3A_468 = tpu.vector_load %arg28[%get3A_466, %get3A_467] {strides = array<i32>} : memref<16x640xf32, #tpu.memory_space<vmem>>, vector<16xf32>,
      %get3A_469 = arith.constant 1 : i32
      %get3A_470 = arith.index_cast %get3A_469 : i32 to index
      %get3A_471 = arith.constant 560 : index
      %get3A_472 = tpu.vector_load %arg28[%get3A_470, %get3A_471] {strides = array<i32>} : memref<16x640xf32, #tpu.memory_space<vmem>>, vector<16xf32>,
      %max3A_473 = arith.maximumf %get3A_468, %get3A_472 : vector<16xf32>
      %swap3A_474 = arith.constant 560 : index
      %swap3A_475 = tpu.vector_load %arg26[%swap3A_474] {strides = array<i32>} : memref<640xf32, #tpu.memory_space<vmem>>, vector<16xf32>,
      tpu.vector_store %arg26[%swap3A_474], %max3A_473 {strides = array<i32>} : memref<640xf32, #tpu.memory_space<vmem>>, vector<16xf32>,
      %get3A_476 = arith.constant 0 : i32
      %get3A_477 = arith.index_cast %get3A_476 : i32 to index
      %get3A_478 = arith.constant 576 : index
      %get3A_479 = tpu.vector_load %arg28[%get3A_477, %get3A_478] {strides = array<i32>} : memref<16x640xf32, #tpu.memory_space<vmem>>, vector<16xf32>,
      %get3A_480 = arith.constant 1 : i32
      %get3A_481 = arith.index_cast %get3A_480 : i32 to index
      %get3A_482 = arith.constant 576 : index
      %get3A_483 = tpu.vector_load %arg28[%get3A_481, %get3A_482] {strides = array<i32>} : memref<16x640xf32, #tpu.memory_space<vmem>>, vector<16xf32>,
      %max3A_484 = arith.maximumf %get3A_479, %get3A_483 : vector<16xf32>
      %swap3A_485 = arith.constant 576 : index
      %swap3A_486 = tpu.vector_load %arg26[%swap3A_485] {strides = array<i32>} : memref<640xf32, #tpu.memory_space<vmem>>, vector<16xf32>,
      tpu.vector_store %arg26[%swap3A_485], %max3A_484 {strides = array<i32>} : memref<640xf32, #tpu.memory_space<vmem>>, vector<16xf32>,
      %get3A_487 = arith.constant 0 : i32
      %get3A_488 = arith.index_cast %get3A_487 : i32 to index
      %get3A_489 = arith.constant 592 : index
      %get3A_490 = tpu.vector_load %arg28[%get3A_488, %get3A_489] {strides = array<i32>} : memref<16x640xf32, #tpu.memory_space<vmem>>, vector<16xf32>,
      %get3A_491 = arith.constant 1 : i32
      %get3A_492 = arith.index_cast %get3A_491 : i32 to index
      %get3A_493 = arith.constant 592 : index
      %get3A_494 = tpu.vector_load %arg28[%get3A_492, %get3A_493] {strides = array<i32>} : memref<16x640xf32, #tpu.memory_space<vmem>>, vector<16xf32>,
      %max3A_495 = arith.maximumf %get3A_490, %get3A_494 : vector<16xf32>
      %swap3A_496 = arith.constant 592 : index
      %swap3A_497 = tpu.vector_load %arg26[%swap3A_496] {strides = array<i32>} : memref<640xf32, #tpu.memory_space<vmem>>, vector<16xf32>,
      tpu.vector_store %arg26[%swap3A_496], %max3A_495 {strides = array<i32>} : memref<640xf32, #tpu.memory_space<vmem>>, vector<16xf32>,
      %get3A_498 = arith.constant 0 : i32
      %get3A_499 = arith.index_cast %get3A_498 : i32 to index
      %get3A_500 = arith.constant 608 : index
      %get3A_501 = tpu.vector_load %arg28[%get3A_499, %get3A_500] {strides = array<i32>} : memref<16x640xf32, #tpu.memory_space<vmem>>, vector<16xf32>,
      %get3A_502 = arith.constant 1 : i32
      %get3A_503 = arith.index_cast %get3A_502 : i32 to index
      %get3A_504 = arith.constant 608 : index
      %get3A_505 = tpu.vector_load %arg28[%get3A_503, %get3A_504] {strides = array<i32>} : memref<16x640xf32, #tpu.memory_space<vmem>>, vector<16xf32>,
      %max3A_506 = arith.maximumf %get3A_501, %get3A_505 : vector<16xf32>
      %swap3A_507 = arith.constant 608 : index
      %swap3A_508 = tpu.vector_load %arg26[%swap3A_507] {strides = array<i32>} : memref<640xf32, #tpu.memory_space<vmem>>, vector<16xf32>,
      tpu.vector_store %arg26[%swap3A_507], %max3A_506 {strides = array<i32>} : memref<640xf32, #tpu.memory_space<vmem>>, vector<16xf32>,
      %get3A_509 = arith.constant 0 : i32
      %get3A_510 = arith.index_cast %get3A_509 : i32 to index
      %get3A_511 = arith.constant 624 : index
      %get3A_512 = tpu.vector_load %arg28[%get3A_510, %get3A_511] {strides = array<i32>} : memref<16x640xf32, #tpu.memory_space<vmem>>, vector<16xf32>,
      %get3A_513 = arith.constant 1 : i32
      %get3A_514 = arith.index_cast %get3A_513 : i32 to index
      %get3A_515 = arith.constant 624 : index
      %get3A_516 = tpu.vector_load %arg28[%get3A_514, %get3A_515] {strides = array<i32>} : memref<16x640xf32, #tpu.memory_space<vmem>>, vector<16xf32>,
      %max3A_517 = arith.maximumf %get3A_512, %get3A_516 : vector<16xf32>
      %swap3A_518 = arith.constant 624 : index
      %swap3A_519 = tpu.vector_load %arg26[%swap3A_518] {strides = array<i32>} : memref<640xf32, #tpu.memory_space<vmem>>, vector<16xf32>,
      tpu.vector_store %arg26[%swap3A_518], %max3A_517 {strides = array<i32>} : memref<640xf32, #tpu.memory_space<vmem>>, vector<16xf32>,
      %scan3A_520 = arith.constant 0 : i32
      %scan3A_521 = arith.constant 2 : i32
      %scan3A_522 = arith.constant 14 : i32
      %scan3A_523 = arith.addi %scan3A_521, %scan3A_522 : i32
      %scan3A_524 = arith.constant 1 : i32
      scf.for %scan3A_820 = %scan3A_521 to %scan3A_523 step %scan3A_524  : i32 {
        %get3A_821 = arith.constant 0 : index
        %get3A_822 = tpu.vector_load %arg26[%get3A_821] {strides = array<i32>} : memref<640xf32, #tpu.memory_space<vmem>>, vector<16xf32>,
        %get3A_823 = arith.index_cast %scan3A_820 : i32 to index
        %get3A_824 = arith.constant 0 : index
        %get3A_825 = tpu.vector_load %arg28[%get3A_823, %get3A_824] {strides = array<i32>} : memref<16x640xf32, #tpu.memory_space<vmem>>, vector<16xf32>,
        %max3A_826 = arith.maximumf %get3A_822, %get3A_825 : vector<16xf32>
        %swap3A_827 = arith.constant 0 : index
        %swap3A_828 = tpu.vector_load %arg26[%swap3A_827] {strides = array<i32>} : memref<640xf32, #tpu.memory_space<vmem>>, vector<16xf32>,
        tpu.vector_store %arg26[%swap3A_827], %max3A_826 {strides = array<i32>} : memref<640xf32, #tpu.memory_space<vmem>>, vector<16xf32>,
        %get3A_829 = arith.constant 16 : index
        %get3A_830 = tpu.vector_load %arg26[%get3A_829] {strides = array<i32>} : memref<640xf32, #tpu.memory_space<vmem>>, vector<16xf32>,
        %get3A_831 = arith.index_cast %scan3A_820 : i32 to index
        %get3A_832 = arith.constant 16 : index
        %get3A_833 = tpu.vector_load %arg28[%get3A_831, %get3A_832] {strides = array<i32>} : memref<16x640xf32, #tpu.memory_space<vmem>>, vector<16xf32>,
        %max3A_834 = arith.maximumf %get3A_830, %get3A_833 : vector<16xf32>
        %swap3A_835 = arith.constant 16 : index
        %swap3A_836 = tpu.vector_load %arg26[%swap3A_835] {strides = array<i32>} : memref<640xf32, #tpu.memory_space<vmem>>, vector<16xf32>,
        tpu.vector_store %arg26[%swap3A_835], %max3A_834 {strides = array<i32>} : memref<640xf32, #tpu.memory_space<vmem>>, vector<16xf32>,
        %get3A_837 = arith.constant 32 : index
        %get3A_838 = tpu.vector_load %arg26[%get3A_837] {strides = array<i32>} : memref<640xf32, #tpu.memory_space<vmem>>, vector<16xf32>,
        %get3A_839 = arith.index_cast %scan3A_820 : i32 to index
        %get3A_840 = arith.constant 32 : index
        %get3A_841 = tpu.vector_load %arg28[%get3A_839, %get3A_840] {strides = array<i32>} : memref<16x640xf32, #tpu.memory_space<vmem>>, vector<16xf32>,
        %max3A_842 = arith.maximumf %get3A_838, %get3A_841 : vector<16xf32>
        %swap3A_843 = arith.constant 32 : index
        %swap3A_844 = tpu.vector_load %arg26[%swap3A_843] {strides = array<i32>} : memref<640xf32, #tpu.memory_space<vmem>>, vector<16xf32>,
        tpu.vector_store %arg26[%swap3A_843], %max3A_842 {strides = array<i32>} : memref<640xf32, #tpu.memory_space<vmem>>, vector<16xf32>,
        %get3A_845 = arith.constant 48 : index
        %get3A_846 = tpu.vector_load %arg26[%get3A_845] {strides = array<i32>} : memref<640xf32, #tpu.memory_space<vmem>>, vector<16xf32>,
        %get3A_847 = arith.index_cast %scan3A_820 : i32 to index
        %get3A_848 = arith.constant 48 : index
        %get3A_849 = tpu.vector_load %arg28[%get3A_847, %get3A_848] {strides = array<i32>} : memref<16x640xf32, #tpu.memory_space<vmem>>, vector<16xf32>,
        %max3A_850 = arith.maximumf %get3A_846, %get3A_849 : vector<16xf32>
        %swap3A_851 = arith.constant 48 : index
        %swap3A_852 = tpu.vector_load %arg26[%swap3A_851] {strides = array<i32>} : memref<640xf32, #tpu.memory_space<vmem>>, vector<16xf32>,
        tpu.vector_store %arg26[%swap3A_851], %max3A_850 {strides = array<i32>} : memref<640xf32, #tpu.memory_space<vmem>>, vector<16xf32>,
        %get3A_853 = arith.constant 64 : index
        %get3A_854 = tpu.vector_load %arg26[%get3A_853] {strides = array<i32>} : memref<640xf32, #tpu.memory_space<vmem>>, vector<16xf32>,
        %get3A_855 = arith.index_cast %scan3A_820 : i32 to index
        %get3A_856 = arith.constant 64 : index
        %get3A_857 = tpu.vector_load %arg28[%get3A_855, %get3A_856] {strides = array<i32>} : memref<16x640xf32, #tpu.memory_space<vmem>>, vector<16xf32>,
        %max3A_858 = arith.maximumf %get3A_854, %get3A_857 : vector<16xf32>
        %swap3A_859 = arith.constant 64 : index
        %swap3A_860 = tpu.vector_load %arg26[%swap3A_859] {strides = array<i32>} : memref<640xf32, #tpu.memory_space<vmem>>, vector<16xf32>,
        tpu.vector_store %arg26[%swap3A_859], %max3A_858 {strides = array<i32>} : memref<640xf32, #tpu.memory_space<vmem>>, vector<16xf32>,
        %get3A_861 = arith.constant 80 : index
        %get3A_862 = tpu.vector_load %arg26[%get3A_861] {strides = array<i32>} : memref<640xf32, #tpu.memory_space<vmem>>, vector<16xf32>,
        %get3A_863 = arith.index_cast %scan3A_820 : i32 to index
        %get3A_864 = arith.constant 80 : index
        %get3A_865 = tpu.vector_load %arg28[%get3A_863, %get3A_864] {strides = array<i32>} : memref<16x640xf32, #tpu.memory_space<vmem>>, vector<16xf32>,
        %max3A_866 = arith.maximumf %get3A_862, %get3A_865 : vector<16xf32>
        %swap3A_867 = arith.constant 80 : index
        %swap3A_868 = tpu.vector_load %arg26[%swap3A_867] {strides = array<i32>} : memref<640xf32, #tpu.memory_space<vmem>>, vector<16xf32>,
        tpu.vector_store %arg26[%swap3A_867], %max3A_866 {strides = array<i32>} : memref<640xf32, #tpu.memory_space<vmem>>, vector<16xf32>,
        %get3A_869 = arith.constant 96 : index
        %get3A_870 = tpu.vector_load %arg26[%get3A_869] {strides = array<i32>} : memref<640xf32, #tpu.memory_space<vmem>>, vector<16xf32>,
        %get3A_871 = arith.index_cast %scan3A_820 : i32 to index
        %get3A_872 = arith.constant 96 : index
        %get3A_873 = tpu.vector_load %arg28[%get3A_871, %get3A_872] {strides = array<i32>} : memref<16x640xf32, #tpu.memory_space<vmem>>, vector<16xf32>,
        %max3A_874 = arith.maximumf %get3A_870, %get3A_873 : vector<16xf32>
        %swap3A_875 = arith.constant 96 : index
        %swap3A_876 = tpu.vector_load %arg26[%swap3A_875] {strides = array<i32>} : memref<640xf32, #tpu.memory_space<vmem>>, vector<16xf32>,
        tpu.vector_store %arg26[%swap3A_875], %max3A_874 {strides = array<i32>} : memref<640xf32, #tpu.memory_space<vmem>>, vector<16xf32>,
        %get3A_877 = arith.constant 112 : index
        %get3A_878 = tpu.vector_load %arg26[%get3A_877] {strides = array<i32>} : memref<640xf32, #tpu.memory_space<vmem>>, vector<16xf32>,
        %get3A_879 = arith.index_cast %scan3A_820 : i32 to index
        %get3A_880 = arith.constant 112 : index
        %get3A_881 = tpu.vector_load %arg28[%get3A_879, %get3A_880] {strides = array<i32>} : memref<16x640xf32, #tpu.memory_space<vmem>>, vector<16xf32>,
        %max3A_882 = arith.maximumf %get3A_878, %get3A_881 : vector<16xf32>
        %swap3A_883 = arith.constant 112 : index
        %swap3A_884 = tpu.vector_load %arg26[%swap3A_883] {strides = array<i32>} : memref<640xf32, #tpu.memory_space<vmem>>, vector<16xf32>,
        tpu.vector_store %arg26[%swap3A_883], %max3A_882 {strides = array<i32>} : memref<640xf32, #tpu.memory_space<vmem>>, vector<16xf32>,
        %get3A_885 = arith.constant 128 : index
        %get3A_886 = tpu.vector_load %arg26[%get3A_885] {strides = array<i32>} : memref<640xf32, #tpu.memory_space<vmem>>, vector<16xf32>,
        %get3A_887 = arith.index_cast %scan3A_820 : i32 to index
        %get3A_888 = arith.constant 128 : index
        %get3A_889 = tpu.vector_load %arg28[%get3A_887, %get3A_888] {strides = array<i32>} : memref<16x640xf32, #tpu.memory_space<vmem>>, vector<16xf32>,
        %max3A_890 = arith.maximumf %get3A_886, %get3A_889 : vector<16xf32>
        %swap3A_891 = arith.constant 128 : index
        %swap3A_892 = tpu.vector_load %arg26[%swap3A_891] {strides = array<i32>} : memref<640xf32, #tpu.memory_space<vmem>>, vector<16xf32>,
        tpu.vector_store %arg26[%swap3A_891], %max3A_890 {strides = array<i32>} : memref<640xf32, #tpu.memory_space<vmem>>, vector<16xf32>,
        %get3A_893 = arith.constant 144 : index
        %get3A_894 = tpu.vector_load %arg26[%get3A_893] {strides = array<i32>} : memref<640xf32, #tpu.memory_space<vmem>>, vector<16xf32>,
        %get3A_895 = arith.index_cast %scan3A_820 : i32 to index
        %get3A_896 = arith.constant 144 : index
        %get3A_897 = tpu.vector_load %arg28[%get3A_895, %get3A_896] {strides = array<i32>} : memref<16x640xf32, #tpu.memory_space<vmem>>, vector<16xf32>,
        %max3A_898 = arith.maximumf %get3A_894, %get3A_897 : vector<16xf32>
        %swap3A_899 = arith.constant 144 : index
        %swap3A_900 = tpu.vector_load %arg26[%swap3A_899] {strides = array<i32>} : memref<640xf32, #tpu.memory_space<vmem>>, vector<16xf32>,
        tpu.vector_store %arg26[%swap3A_899], %max3A_898 {strides = array<i32>} : memref<640xf32, #tpu.memory_space<vmem>>, vector<16xf32>,
        %get3A_901 = arith.constant 160 : index
        %get3A_902 = tpu.vector_load %arg26[%get3A_901] {strides = array<i32>} : memref<640xf32, #tpu.memory_space<vmem>>, vector<16xf32>,
        %get3A_903 = arith.index_cast %scan3A_820 : i32 to index
        %get3A_904 = arith.constant 160 : index
        %get3A_905 = tpu.vector_load %arg28[%get3A_903, %get3A_904] {strides = array<i32>} : memref<16x640xf32, #tpu.memory_space<vmem>>, vector<16xf32>,
        %max3A_906 = arith.maximumf %get3A_902, %get3A_905 : vector<16xf32>
        %swap3A_907 = arith.constant 160 : index
        %swap3A_908 = tpu.vector_load %arg26[%swap3A_907] {strides = array<i32>} : memref<640xf32, #tpu.memory_space<vmem>>, vector<16xf32>,
        tpu.vector_store %arg26[%swap3A_907], %max3A_906 {strides = array<i32>} : memref<640xf32, #tpu.memory_space<vmem>>, vector<16xf32>,
        %get3A_909 = arith.constant 176 : index
        %get3A_910 = tpu.vector_load %arg26[%get3A_909] {strides = array<i32>} : memref<640xf32, #tpu.memory_space<vmem>>, vector<16xf32>,
        %get3A_911 = arith.index_cast %scan3A_820 : i32 to index
        %get3A_912 = arith.constant 176 : index
        %get3A_913 = tpu.vector_load %arg28[%get3A_911, %get3A_912] {strides = array<i32>} : memref<16x640xf32, #tpu.memory_space<vmem>>, vector<16xf32>,
        %max3A_914 = arith.maximumf %get3A_910, %get3A_913 : vector<16xf32>
        %swap3A_915 = arith.constant 176 : index
        %swap3A_916 = tpu.vector_load %arg26[%swap3A_915] {strides = array<i32>} : memref<640xf32, #tpu.memory_space<vmem>>, vector<16xf32>,
        tpu.vector_store %arg26[%swap3A_915], %max3A_914 {strides = array<i32>} : memref<640xf32, #tpu.memory_space<vmem>>, vector<16xf32>,
        %get3A_917 = arith.constant 192 : index
        %get3A_918 = tpu.vector_load %arg26[%get3A_917] {strides = array<i32>} : memref<640xf32, #tpu.memory_space<vmem>>, vector<16xf32>,
        %get3A_919 = arith.index_cast %scan3A_820 : i32 to index
        %get3A_920 = arith.constant 192 : index
        %get3A_921 = tpu.vector_load %arg28[%get3A_919, %get3A_920] {strides = array<i32>} : memref<16x640xf32, #tpu.memory_space<vmem>>, vector<16xf32>,
        %max3A_922 = arith.maximumf %get3A_918, %get3A_921 : vector<16xf32>
        %swap3A_923 = arith.constant 192 : index
        %swap3A_924 = tpu.vector_load %arg26[%swap3A_923] {strides = array<i32>} : memref<640xf32, #tpu.memory_space<vmem>>, vector<16xf32>,
        tpu.vector_store %arg26[%swap3A_923], %max3A_922 {strides = array<i32>} : memref<640xf32, #tpu.memory_space<vmem>>, vector<16xf32>,
        %get3A_925 = arith.constant 208 : index
        %get3A_926 = tpu.vector_load %arg26[%get3A_925] {strides = array<i32>} : memref<640xf32, #tpu.memory_space<vmem>>, vector<16xf32>,
        %get3A_927 = arith.index_cast %scan3A_820 : i32 to index
        %get3A_928 = arith.constant 208 : index
        %get3A_929 = tpu.vector_load %arg28[%get3A_927, %get3A_928] {strides = array<i32>} : memref<16x640xf32, #tpu.memory_space<vmem>>, vector<16xf32>,
        %max3A_930 = arith.maximumf %get3A_926, %get3A_929 : vector<16xf32>
        %swap3A_931 = arith.constant 208 : index
        %swap3A_932 = tpu.vector_load %arg26[%swap3A_931] {strides = array<i32>} : memref<640xf32, #tpu.memory_space<vmem>>, vector<16xf32>,
        tpu.vector_store %arg26[%swap3A_931], %max3A_930 {strides = array<i32>} : memref<640xf32, #tpu.memory_space<vmem>>, vector<16xf32>,
        %get3A_933 = arith.constant 224 : index
        %get3A_934 = tpu.vector_load %arg26[%get3A_933] {strides = array<i32>} : memref<640xf32, #tpu.memory_space<vmem>>, vector<16xf32>,
        %get3A_935 = arith.index_cast %scan3A_820 : i32 to index
        %get3A_936 = arith.constant 224 : index
        %get3A_937 = tpu.vector_load %arg28[%get3A_935, %get3A_936] {strides = array<i32>} : memref<16x640xf32, #tpu.memory_space<vmem>>, vector<16xf32>,
        %max3A_938 = arith.maximumf %get3A_934, %get3A_937 : vector<16xf32>
        %swap3A_939 = arith.constant 224 : index
        %swap3A_940 = tpu.vector_load %arg26[%swap3A_939] {strides = array<i32>} : memref<640xf32, #tpu.memory_space<vmem>>, vector<16xf32>,
        tpu.vector_store %arg26[%swap3A_939], %max3A_938 {strides = array<i32>} : memref<640xf32, #tpu.memory_space<vmem>>, vector<16xf32>,
        %get3A_941 = arith.constant 240 : index
        %get3A_942 = tpu.vector_load %arg26[%get3A_941] {strides = array<i32>} : memref<640xf32, #tpu.memory_space<vmem>>, vector<16xf32>,
        %get3A_943 = arith.index_cast %scan3A_820 : i32 to index
        %get3A_944 = arith.constant 240 : index
        %get3A_945 = tpu.vector_load %arg28[%get3A_943, %get3A_944] {strides = array<i32>} : memref<16x640xf32, #tpu.memory_space<vmem>>, vector<16xf32>,
        %max3A_946 = arith.maximumf %get3A_942, %get3A_945 : vector<16xf32>
        %swap3A_947 = arith.constant 240 : index
        %swap3A_948 = tpu.vector_load %arg26[%swap3A_947] {strides = array<i32>} : memref<640xf32, #tpu.memory_space<vmem>>, vector<16xf32>,
        tpu.vector_store %arg26[%swap3A_947], %max3A_946 {strides = array<i32>} : memref<640xf32, #tpu.memory_space<vmem>>, vector<16xf32>,
        %get3A_949 = arith.constant 256 : index
        %get3A_950 = tpu.vector_load %arg26[%get3A_949] {strides = array<i32>} : memref<640xf32, #tpu.memory_space<vmem>>, vector<16xf32>,
        %get3A_951 = arith.index_cast %scan3A_820 : i32 to index
        %get3A_952 = arith.constant 256 : index
        %get3A_953 = tpu.vector_load %arg28[%get3A_951, %get3A_952] {strides = array<i32>} : memref<16x640xf32, #tpu.memory_space<vmem>>, vector<16xf32>,
        %max3A_954 = arith.maximumf %get3A_950, %get3A_953 : vector<16xf32>
        %swap3A_955 = arith.constant 256 : index
        %swap3A_956 = tpu.vector_load %arg26[%swap3A_955] {strides = array<i32>} : memref<640xf32, #tpu.memory_space<vmem>>, vector<16xf32>,
        tpu.vector_store %arg26[%swap3A_955], %max3A_954 {strides = array<i32>} : memref<640xf32, #tpu.memory_space<vmem>>, vector<16xf32>,
        %get3A_957 = arith.constant 272 : index
        %get3A_958 = tpu.vector_load %arg26[%get3A_957] {strides = array<i32>} : memref<640xf32, #tpu.memory_space<vmem>>, vector<16xf32>,
        %get3A_959 = arith.index_cast %scan3A_820 : i32 to index
        %get3A_960 = arith.constant 272 : index
        %get3A_961 = tpu.vector_load %arg28[%get3A_959, %get3A_960] {strides = array<i32>} : memref<16x640xf32, #tpu.memory_space<vmem>>, vector<16xf32>,
        %max3A_962 = arith.maximumf %get3A_958, %get3A_961 : vector<16xf32>
        %swap3A_963 = arith.constant 272 : index
        %swap3A_964 = tpu.vector_load %arg26[%swap3A_963] {strides = array<i32>} : memref<640xf32, #tpu.memory_space<vmem>>, vector<16xf32>,
        tpu.vector_store %arg26[%swap3A_963], %max3A_962 {strides = array<i32>} : memref<640xf32, #tpu.memory_space<vmem>>, vector<16xf32>,
        %get3A_965 = arith.constant 288 : index
        %get3A_966 = tpu.vector_load %arg26[%get3A_965] {strides = array<i32>} : memref<640xf32, #tpu.memory_space<vmem>>, vector<16xf32>,
        %get3A_967 = arith.index_cast %scan3A_820 : i32 to index
        %get3A_968 = arith.constant 288 : index
        %get3A_969 = tpu.vector_load %arg28[%get3A_967, %get3A_968] {strides = array<i32>} : memref<16x640xf32, #tpu.memory_space<vmem>>, vector<16xf32>,
        %max3A_970 = arith.maximumf %get3A_966, %get3A_969 : vector<16xf32>
        %swap3A_971 = arith.constant 288 : index
        %swap3A_972 = tpu.vector_load %arg26[%swap3A_971] {strides = array<i32>} : memref<640xf32, #tpu.memory_space<vmem>>, vector<16xf32>,
        tpu.vector_store %arg26[%swap3A_971], %max3A_970 {strides = array<i32>} : memref<640xf32, #tpu.memory_space<vmem>>, vector<16xf32>,
        %get3A_973 = arith.constant 304 : index
        %get3A_974 = tpu.vector_load %arg26[%get3A_973] {strides = array<i32>} : memref<640xf32, #tpu.memory_space<vmem>>, vector<16xf32>,
        %get3A_975 = arith.index_cast %scan3A_820 : i32 to index
        %get3A_976 = arith.constant 304 : index
        %get3A_977 = tpu.vector_load %arg28[%get3A_975, %get3A_976] {strides = array<i32>} : memref<16x640xf32, #tpu.memory_space<vmem>>, vector<16xf32>,
        %max3A_978 = arith.maximumf %get3A_974, %get3A_977 : vector<16xf32>
        %swap3A_979 = arith.constant 304 : index
        %swap3A_980 = tpu.vector_load %arg26[%swap3A_979] {strides = array<i32>} : memref<640xf32, #tpu.memory_space<vmem>>, vector<16xf32>,
        tpu.vector_store %arg26[%swap3A_979], %max3A_978 {strides = array<i32>} : memref<640xf32, #tpu.memory_space<vmem>>, vector<16xf32>,
        %get3A_981 = arith.constant 320 : index
        %get3A_982 = tpu.vector_load %arg26[%get3A_981] {strides = array<i32>} : memref<640xf32, #tpu.memory_space<vmem>>, vector<16xf32>,
        %get3A_983 = arith.index_cast %scan3A_820 : i32 to index
        %get3A_984 = arith.constant 320 : index
        %get3A_985 = tpu.vector_load %arg28[%get3A_983, %get3A_984] {strides = array<i32>} : memref<16x640xf32, #tpu.memory_space<vmem>>, vector<16xf32>,
        %max3A_986 = arith.maximumf %get3A_982, %get3A_985 : vector<16xf32>
        %swap3A_987 = arith.constant 320 : index
        %swap3A_988 = tpu.vector_load %arg26[%swap3A_987] {strides = array<i32>} : memref<640xf32, #tpu.memory_space<vmem>>, vector<16xf32>,
        tpu.vector_store %arg26[%swap3A_987], %max3A_986 {strides = array<i32>} : memref<640xf32, #tpu.memory_space<vmem>>, vector<16xf32>,
        %get3A_989 = arith.constant 336 : index
        %get3A_990 = tpu.vector_load %arg26[%get3A_989] {strides = array<i32>} : memref<640xf32, #tpu.memory_space<vmem>>, vector<16xf32>,
        %get3A_991 = arith.index_cast %scan3A_820 : i32 to index
        %get3A_992 = arith.constant 336 : index
        %get3A_993 = tpu.vector_load %arg28[%get3A_991, %get3A_992] {strides = array<i32>} : memref<16x640xf32, #tpu.memory_space<vmem>>, vector<16xf32>,
        %max3A_994 = arith.maximumf %get3A_990, %get3A_993 : vector<16xf32>
        %swap3A_995 = arith.constant 336 : index
        %swap3A_996 = tpu.vector_load %arg26[%swap3A_995] {strides = array<i32>} : memref<640xf32, #tpu.memory_space<vmem>>, vector<16xf32>,
        tpu.vector_store %arg26[%swap3A_995], %max3A_994 {strides = array<i32>} : memref<640xf32, #tpu.memory_space<vmem>>, vector<16xf32>,
        %get3A_997 = arith.constant 352 : index
        %get3A_998 = tpu.vector_load %arg26[%get3A_997] {strides = array<i32>} : memref<640xf32, #tpu.memory_space<vmem>>, vector<16xf32>,
        %get3A_999 = arith.index_cast %scan3A_820 : i32 to index
        %get3A_1000 = arith.constant 352 : index
        %get3A_1001 = tpu.vector_load %arg28[%get3A_999, %get3A_1000] {strides = array<i32>} : memref<16x640xf32, #tpu.memory_space<vmem>>, vector<16xf32>,
        %max3A_1002 = arith.maximumf %get3A_998, %get3A_1001 : vector<16xf32>
        %swap3A_1003 = arith.constant 352 : index
        %swap3A_1004 = tpu.vector_load %arg26[%swap3A_1003] {strides = array<i32>} : memref<640xf32, #tpu.memory_space<vmem>>, vector<16xf32>,
        tpu.vector_store %arg26[%swap3A_1003], %max3A_1002 {strides = array<i32>} : memref<640xf32, #tpu.memory_space<vmem>>, vector<16xf32>,
        %get3A_1005 = arith.constant 368 : index
        %get3A_1006 = tpu.vector_load %arg26[%get3A_1005] {strides = array<i32>} : memref<640xf32, #tpu.memory_space<vmem>>, vector<16xf32>,
        %get3A_1007 = arith.index_cast %scan3A_820 : i32 to index
        %get3A_1008 = arith.constant 368 : index
        %get3A_1009 = tpu.vector_load %arg28[%get3A_1007, %get3A_1008] {strides = array<i32>} : memref<16x640xf32, #tpu.memory_space<vmem>>, vector<16xf32>,
        %max3A_1010 = arith.maximumf %get3A_1006, %get3A_1009 : vector<16xf32>
        %swap3A_1011 = arith.constant 368 : index
        %swap3A_1012 = tpu.vector_load %arg26[%swap3A_1011] {strides = array<i32>} : memref<640xf32, #tpu.memory_space<vmem>>, vector<16xf32>,
        tpu.vector_store %arg26[%swap3A_1011], %max3A_1010 {strides = array<i32>} : memref<640xf32, #tpu.memory_space<vmem>>, vector<16xf32>,
        %get3A_1013 = arith.constant 384 : index
        %get3A_1014 = tpu.vector_load %arg26[%get3A_1013] {strides = array<i32>} : memref<640xf32, #tpu.memory_space<vmem>>, vector<16xf32>,
        %get3A_1015 = arith.index_cast %scan3A_820 : i32 to index
        %get3A_1016 = arith.constant 384 : index
        %get3A_1017 = tpu.vector_load %arg28[%get3A_1015, %get3A_1016] {strides = array<i32>} : memref<16x640xf32, #tpu.memory_space<vmem>>, vector<16xf32>,
        %max3A_1018 = arith.maximumf %get3A_1014, %get3A_1017 : vector<16xf32>
        %swap3A_1019 = arith.constant 384 : index
        %swap3A_1020 = tpu.vector_load %arg26[%swap3A_1019] {strides = array<i32>} : memref<640xf32, #tpu.memory_space<vmem>>, vector<16xf32>,
        tpu.vector_store %arg26[%swap3A_1019], %max3A_1018 {strides = array<i32>} : memref<640xf32, #tpu.memory_space<vmem>>, vector<16xf32>,
        %get3A_1021 = arith.constant 400 : index
        %get3A_1022 = tpu.vector_load %arg26[%get3A_1021] {strides = array<i32>} : memref<640xf32, #tpu.memory_space<vmem>>, vector<16xf32>,
        %get3A_1023 = arith.index_cast %scan3A_820 : i32 to index
        %get3A_1024 = arith.constant 400 : index
        %get3A_1025 = tpu.vector_load %arg28[%get3A_1023, %get3A_1024] {strides = array<i32>} : memref<16x640xf32, #tpu.memory_space<vmem>>, vector<16xf32>,
        %max3A_1026 = arith.maximumf %get3A_1022, %get3A_1025 : vector<16xf32>
        %swap3A_1027 = arith.constant 400 : index
        %swap3A_1028 = tpu.vector_load %arg26[%swap3A_1027] {strides = array<i32>} : memref<640xf32, #tpu.memory_space<vmem>>, vector<16xf32>,
        tpu.vector_store %arg26[%swap3A_1027], %max3A_1026 {strides = array<i32>} : memref<640xf32, #tpu.memory_space<vmem>>, vector<16xf32>,
        %get3A_1029 = arith.constant 416 : index
        %get3A_1030 = tpu.vector_load %arg26[%get3A_1029] {strides = array<i32>} : memref<640xf32, #tpu.memory_space<vmem>>, vector<16xf32>,
        %get3A_1031 = arith.index_cast %scan3A_820 : i32 to index
        %get3A_1032 = arith.constant 416 : index
        %get3A_1033 = tpu.vector_load %arg28[%get3A_1031, %get3A_1032] {strides = array<i32>} : memref<16x640xf32, #tpu.memory_space<vmem>>, vector<16xf32>,
        %max3A_1034 = arith.maximumf %get3A_1030, %get3A_1033 : vector<16xf32>
        %swap3A_1035 = arith.constant 416 : index
        %swap3A_1036 = tpu.vector_load %arg26[%swap3A_1035] {strides = array<i32>} : memref<640xf32, #tpu.memory_space<vmem>>, vector<16xf32>,
        tpu.vector_store %arg26[%swap3A_1035], %max3A_1034 {strides = array<i32>} : memref<640xf32, #tpu.memory_space<vmem>>, vector<16xf32>,
        %get3A_1037 = arith.constant 432 : index
        %get3A_1038 = tpu.vector_load %arg26[%get3A_1037] {strides = array<i32>} : memref<640xf32, #tpu.memory_space<vmem>>, vector<16xf32>,
        %get3A_1039 = arith.index_cast %scan3A_820 : i32 to index
        %get3A_1040 = arith.constant 432 : index
        %get3A_1041 = tpu.vector_load %arg28[%get3A_1039, %get3A_1040] {strides = array<i32>} : memref<16x640xf32, #tpu.memory_space<vmem>>, vector<16xf32>,
        %max3A_1042 = arith.maximumf %get3A_1038, %get3A_1041 : vector<16xf32>
        %swap3A_1043 = arith.constant 432 : index
        %swap3A_1044 = tpu.vector_load %arg26[%swap3A_1043] {strides = array<i32>} : memref<640xf32, #tpu.memory_space<vmem>>, vector<16xf32>,
        tpu.vector_store %arg26[%swap3A_1043], %max3A_1042 {strides = array<i32>} : memref<640xf32, #tpu.memory_space<vmem>>, vector<16xf32>,
        %get3A_1045 = arith.constant 448 : index
        %get3A_1046 = tpu.vector_load %arg26[%get3A_1045] {strides = array<i32>} : memref<640xf32, #tpu.memory_space<vmem>>, vector<16xf32>,
        %get3A_1047 = arith.index_cast %scan3A_820 : i32 to index
        %get3A_1048 = arith.constant 448 : index
        %get3A_1049 = tpu.vector_load %arg28[%get3A_1047, %get3A_1048] {strides = array<i32>} : memref<16x640xf32, #tpu.memory_space<vmem>>, vector<16xf32>,
        %max3A_1050 = arith.maximumf %get3A_1046, %get3A_1049 : vector<16xf32>
        %swap3A_1051 = arith.constant 448 : index
        %swap3A_1052 = tpu.vector_load %arg26[%swap3A_1051] {strides = array<i32>} : memref<640xf32, #tpu.memory_space<vmem>>, vector<16xf32>,
        tpu.vector_store %arg26[%swap3A_1051], %max3A_1050 {strides = array<i32>} : memref<640xf32, #tpu.memory_space<vmem>>, vector<16xf32>,
        %get3A_1053 = arith.constant 464 : index
        %get3A_1054 = tpu.vector_load %arg26[%get3A_1053] {strides = array<i32>} : memref<640xf32, #tpu.memory_space<vmem>>, vector<16xf32>,
        %get3A_1055 = arith.index_cast %scan3A_820 : i32 to index
        %get3A_1056 = arith.constant 464 : index
        %get3A_1057 = tpu.vector_load %arg28[%get3A_1055, %get3A_1056] {strides = array<i32>} : memref<16x640xf32, #tpu.memory_space<vmem>>, vector<16xf32>,
        %max3A_1058 = arith.maximumf %get3A_1054, %get3A_1057 : vector<16xf32>
        %swap3A_1059 = arith.constant 464 : index
        %swap3A_1060 = tpu.vector_load %arg26[%swap3A_1059] {strides = array<i32>} : memref<640xf32, #tpu.memory_space<vmem>>, vector<16xf32>,
        tpu.vector_store %arg26[%swap3A_1059], %max3A_1058 {strides = array<i32>} : memref<640xf32, #tpu.memory_space<vmem>>, vector<16xf32>,
        %get3A_1061 = arith.constant 480 : index
        %get3A_1062 = tpu.vector_load %arg26[%get3A_1061] {strides = array<i32>} : memref<640xf32, #tpu.memory_space<vmem>>, vector<16xf32>,
        %get3A_1063 = arith.index_cast %scan3A_820 : i32 to index
        %get3A_1064 = arith.constant 480 : index
        %get3A_1065 = tpu.vector_load %arg28[%get3A_1063, %get3A_1064] {strides = array<i32>} : memref<16x640xf32, #tpu.memory_space<vmem>>, vector<16xf32>,
        %max3A_1066 = arith.maximumf %get3A_1062, %get3A_1065 : vector<16xf32>
        %swap3A_1067 = arith.constant 480 : index
        %swap3A_1068 = tpu.vector_load %arg26[%swap3A_1067] {strides = array<i32>} : memref<640xf32, #tpu.memory_space<vmem>>, vector<16xf32>,
        tpu.vector_store %arg26[%swap3A_1067], %max3A_1066 {strides = array<i32>} : memref<640xf32, #tpu.memory_space<vmem>>, vector<16xf32>,
        %get3A_1069 = arith.constant 496 : index
        %get3A_1070 = tpu.vector_load %arg26[%get3A_1069] {strides = array<i32>} : memref<640xf32, #tpu.memory_space<vmem>>, vector<16xf32>,
        %get3A_1071 = arith.index_cast %scan3A_820 : i32 to index
        %get3A_1072 = arith.constant 496 : index
        %get3A_1073 = tpu.vector_load %arg28[%get3A_1071, %get3A_1072] {strides = array<i32>} : memref<16x640xf32, #tpu.memory_space<vmem>>, vector<16xf32>,
        %max3A_1074 = arith.maximumf %get3A_1070, %get3A_1073 : vector<16xf32>
        %swap3A_1075 = arith.constant 496 : index
        %swap3A_1076 = tpu.vector_load %arg26[%swap3A_1075] {strides = array<i32>} : memref<640xf32, #tpu.memory_space<vmem>>, vector<16xf32>,
        tpu.vector_store %arg26[%swap3A_1075], %max3A_1074 {strides = array<i32>} : memref<640xf32, #tpu.memory_space<vmem>>, vector<16xf32>,
        %get3A_1077 = arith.constant 512 : index
        %get3A_1078 = tpu.vector_load %arg26[%get3A_1077] {strides = array<i32>} : memref<640xf32, #tpu.memory_space<vmem>>, vector<16xf32>,
        %get3A_1079 = arith.index_cast %scan3A_820 : i32 to index
        %get3A_1080 = arith.constant 512 : index
        %get3A_1081 = tpu.vector_load %arg28[%get3A_1079, %get3A_1080] {strides = array<i32>} : memref<16x640xf32, #tpu.memory_space<vmem>>, vector<16xf32>,
        %max3A_1082 = arith.maximumf %get3A_1078, %get3A_1081 : vector<16xf32>
        %swap3A_1083 = arith.constant 512 : index
        %swap3A_1084 = tpu.vector_load %arg26[%swap3A_1083] {strides = array<i32>} : memref<640xf32, #tpu.memory_space<vmem>>, vector<16xf32>,
        tpu.vector_store %arg26[%swap3A_1083], %max3A_1082 {strides = array<i32>} : memref<640xf32, #tpu.memory_space<vmem>>, vector<16xf32>,
        %get3A_1085 = arith.constant 528 : index
        %get3A_1086 = tpu.vector_load %arg26[%get3A_1085] {strides = array<i32>} : memref<640xf32, #tpu.memory_space<vmem>>, vector<16xf32>,
        %get3A_1087 = arith.index_cast %scan3A_820 : i32 to index
        %get3A_1088 = arith.constant 528 : index
        %get3A_1089 = tpu.vector_load %arg28[%get3A_1087, %get3A_1088] {strides = array<i32>} : memref<16x640xf32, #tpu.memory_space<vmem>>, vector<16xf32>,
        %max3A_1090 = arith.maximumf %get3A_1086, %get3A_1089 : vector<16xf32>
        %swap3A_1091 = arith.constant 528 : index
        %swap3A_1092 = tpu.vector_load %arg26[%swap3A_1091] {strides = array<i32>} : memref<640xf32, #tpu.memory_space<vmem>>, vector<16xf32>,
        tpu.vector_store %arg26[%swap3A_1091], %max3A_1090 {strides = array<i32>} : memref<640xf32, #tpu.memory_space<vmem>>, vector<16xf32>,
        %get3A_1093 = arith.constant 544 : index
        %get3A_1094 = tpu.vector_load %arg26[%get3A_1093] {strides = array<i32>} : memref<640xf32, #tpu.memory_space<vmem>>, vector<16xf32>,
        %get3A_1095 = arith.index_cast %scan3A_820 : i32 to index
        %get3A_1096 = arith.constant 544 : index
        %get3A_1097 = tpu.vector_load %arg28[%get3A_1095, %get3A_1096] {strides = array<i32>} : memref<16x640xf32, #tpu.memory_space<vmem>>, vector<16xf32>,
        %max3A_1098 = arith.maximumf %get3A_1094, %get3A_1097 : vector<16xf32>
        %swap3A_1099 = arith.constant 544 : index
        %swap3A_1100 = tpu.vector_load %arg26[%swap3A_1099] {strides = array<i32>} : memref<640xf32, #tpu.memory_space<vmem>>, vector<16xf32>,
        tpu.vector_store %arg26[%swap3A_1099], %max3A_1098 {strides = array<i32>} : memref<640xf32, #tpu.memory_space<vmem>>, vector<16xf32>,
        %get3A_1101 = arith.constant 560 : index
        %get3A_1102 = tpu.vector_load %arg26[%get3A_1101] {strides = array<i32>} : memref<640xf32, #tpu.memory_space<vmem>>, vector<16xf32>,
        %get3A_1103 = arith.index_cast %scan3A_820 : i32 to index
        %get3A_1104 = arith.constant 560 : index
        %get3A_1105 = tpu.vector_load %arg28[%get3A_1103, %get3A_1104] {strides = array<i32>} : memref<16x640xf32, #tpu.memory_space<vmem>>, vector<16xf32>,
        %max3A_1106 = arith.maximumf %get3A_1102, %get3A_1105 : vector<16xf32>
        %swap3A_1107 = arith.constant 560 : index
        %swap3A_1108 = tpu.vector_load %arg26[%swap3A_1107] {strides = array<i32>} : memref<640xf32, #tpu.memory_space<vmem>>, vector<16xf32>,
        tpu.vector_store %arg26[%swap3A_1107], %max3A_1106 {strides = array<i32>} : memref<640xf32, #tpu.memory_space<vmem>>, vector<16xf32>,
        %get3A_1109 = arith.constant 576 : index
        %get3A_1110 = tpu.vector_load %arg26[%get3A_1109] {strides = array<i32>} : memref<640xf32, #tpu.memory_space<vmem>>, vector<16xf32>,
        %get3A_1111 = arith.index_cast %scan3A_820 : i32 to index
        %get3A_1112 = arith.constant 576 : index
        %get3A_1113 = tpu.vector_load %arg28[%get3A_1111, %get3A_1112] {strides = array<i32>} : memref<16x640xf32, #tpu.memory_space<vmem>>, vector<16xf32>,
        %max3A_1114 = arith.maximumf %get3A_1110, %get3A_1113 : vector<16xf32>
        %swap3A_1115 = arith.constant 576 : index
        %swap3A_1116 = tpu.vector_load %arg26[%swap3A_1115] {strides = array<i32>} : memref<640xf32, #tpu.memory_space<vmem>>, vector<16xf32>,
        tpu.vector_store %arg26[%swap3A_1115], %max3A_1114 {strides = array<i32>} : memref<640xf32, #tpu.memory_space<vmem>>, vector<16xf32>,
        %get3A_1117 = arith.constant 592 : index
        %get3A_1118 = tpu.vector_load %arg26[%get3A_1117] {strides = array<i32>} : memref<640xf32, #tpu.memory_space<vmem>>, vector<16xf32>,
        %get3A_1119 = arith.index_cast %scan3A_820 : i32 to index
        %get3A_1120 = arith.constant 592 : index
        %get3A_1121 = tpu.vector_load %arg28[%get3A_1119, %get3A_1120] {strides = array<i32>} : memref<16x640xf32, #tpu.memory_space<vmem>>, vector<16xf32>,
        %max3A_1122 = arith.maximumf %get3A_1118, %get3A_1121 : vector<16xf32>
        %swap3A_1123 = arith.constant 592 : index
        %swap3A_1124 = tpu.vector_load %arg26[%swap3A_1123] {strides = array<i32>} : memref<640xf32, #tpu.memory_space<vmem>>, vector<16xf32>,
        tpu.vector_store %arg26[%swap3A_1123], %max3A_1122 {strides = array<i32>} : memref<640xf32, #tpu.memory_space<vmem>>, vector<16xf32>,
        %get3A_1125 = arith.constant 608 : index
        %get3A_1126 = tpu.vector_load %arg26[%get3A_1125] {strides = array<i32>} : memref<640xf32, #tpu.memory_space<vmem>>, vector<16xf32>,
        %get3A_1127 = arith.index_cast %scan3A_820 : i32 to index
        %get3A_1128 = arith.constant 608 : index
        %get3A_1129 = tpu.vector_load %arg28[%get3A_1127, %get3A_1128] {strides = array<i32>} : memref<16x640xf32, #tpu.memory_space<vmem>>, vector<16xf32>,
        %max3A_1130 = arith.maximumf %get3A_1126, %get3A_1129 : vector<16xf32>
        %swap3A_1131 = arith.constant 608 : index
        %swap3A_1132 = tpu.vector_load %arg26[%swap3A_1131] {strides = array<i32>} : memref<640xf32, #tpu.memory_space<vmem>>, vector<16xf32>,
        tpu.vector_store %arg26[%swap3A_1131], %max3A_1130 {strides = array<i32>} : memref<640xf32, #tpu.memory_space<vmem>>, vector<16xf32>,
        %get3A_1133 = arith.constant 624 : index
        %get3A_1134 = tpu.vector_load %arg26[%get3A_1133] {strides = array<i32>} : memref<640xf32, #tpu.memory_space<vmem>>, vector<16xf32>,
        %get3A_1135 = arith.index_cast %scan3A_820 : i32 to index
        %get3A_1136 = arith.constant 624 : index
        %get3A_1137 = tpu.vector_load %arg28[%get3A_1135, %get3A_1136] {strides = array<i32>} : memref<16x640xf32, #tpu.memory_space<vmem>>, vector<16xf32>,
        %max3A_1138 = arith.maximumf %get3A_1134, %get3A_1137 : vector<16xf32>
        %swap3A_1139 = arith.constant 624 : index
        %swap3A_1140 = tpu.vector_load %arg26[%swap3A_1139] {strides = array<i32>} : memref<640xf32, #tpu.memory_space<vmem>>, vector<16xf32>,
        tpu.vector_store %arg26[%swap3A_1139], %max3A_1138 {strides = array<i32>} : memref<640xf32, #tpu.memory_space<vmem>>, vector<16xf32>,
      }
      %scan3A_525 = arith.constant 14 : i32
      "tpu.region"() ({
        %run_scoped3A = tpu.sem_alloc : memref<!tpu.dma_semaphore, #tpu.memory_space<semaphore_mem>>
        %dma_start3A = tpu.memref_slice %arg12[%arg0, %mul3A_4] : memref<2x10240xf32, #tpu.memory_space<hbm>> -> memref<1x640xf32, #tpu.memory_space<hbm>>
        %dma_start3A_820 = tpu.memref_squeeze %dma_start3A : memref<1x640xf32, #tpu.memory_space<hbm>> -> memref<640xf32, #tpu.memory_space<hbm>>
        %dma_start3A_821 = tpu.memref_slice %arg12[%arg0, %mul3A_4] : memref<2x10240xf32, #tpu.memory_space<hbm>> -> memref<1x640xf32, #tpu.memory_space<hbm>>
        %dma_start3A_822 = tpu.memref_squeeze %dma_start3A_821 : memref<1x640xf32, #tpu.memory_space<hbm>> -> memref<640xf32, #tpu.memory_space<hbm>>
        tpu.enqueue_dma source(%arg26 : memref<640xf32, #tpu.memory_space<vmem>>) target(%dma_start3A_822 : memref<640xf32, #tpu.memory_space<hbm>>) target_semaphore(%run_scoped3A : memref<!tpu.dma_semaphore, #tpu.memory_space<semaphore_mem>>)
        %dma_wait3A = tpu.memref_slice %arg12[%arg0, %mul3A_4] : memref<2x10240xf32, #tpu.memory_space<hbm>> -> memref<1x640xf32, #tpu.memory_space<hbm>>
        %dma_wait3A_823 = tpu.memref_squeeze %dma_wait3A : memref<1x640xf32, #tpu.memory_space<hbm>> -> memref<640xf32, #tpu.memory_space<hbm>>
        %dma_wait3A_824 = tpu.memref_slice %arg12[%arg0, %mul3A_4] : memref<2x10240xf32, #tpu.memory_space<hbm>> -> memref<1x640xf32, #tpu.memory_space<hbm>>
        %dma_wait3A_825 = tpu.memref_squeeze %dma_wait3A_824 : memref<1x640xf32, #tpu.memory_space<hbm>> -> memref<640xf32, #tpu.memory_space<hbm>>
        tpu.wait_dma2 semaphore(%run_scoped3A : memref<!tpu.dma_semaphore, #tpu.memory_space<semaphore_mem>>) src(%arg26 : memref<640xf32, #tpu.memory_space<vmem>>) dst(%dma_wait3A_825 : memref<640xf32, #tpu.memory_space<hbm>>)
        tpu.yield
      }) : () -> ()
      %barrier3A_526 = arith.constant 0 : index
      tpu.barrier barrier_id(%barrier3A_526)
      %ne3A = arith.constant 0 : i32
      "tpu.trace_start"() <{level = 10 : i32, message = "sync_cores"}> : () -> ()
      %ne3A_527 = arith.cmpi ne, %arg0, %ne3A : i32
      %convert_element_type3A_528 = arith.extui %ne3A_527 : i1 to i32
      %cond3A_529 = arith.constant 0 : i32
      %cond3A_530 = arith.cmpi ne, %convert_element_type3A_528, %cond3A_529 : i32
      scf.if %cond3A_530 {
        %semaphore_signal3A = arith.constant 1 : i32
        %semaphore_signal3A_820 = arith.constant 0 : i32
        tpu.sem_signal %arg31, %semaphore_signal3A core_id %semaphore_signal3A_820 : memref<!tpu.semaphore, #tpu.memory_space<semaphore_mem>>
      } else {
      }
      %ne3A_531 = arith.constant 1 : i32
      %ne3A_532 = arith.cmpi ne, %arg0, %ne3A_531 : i32
      %convert_element_type3A_533 = arith.extui %ne3A_532 : i1 to i32
      %cond3A_534 = arith.constant 0 : i32
      %cond3A_535 = arith.cmpi ne, %convert_element_type3A_533, %cond3A_534 : i32
      scf.if %cond3A_535 {
        %semaphore_signal3A = arith.constant 1 : i32
        %semaphore_signal3A_820 = arith.constant 1 : i32
        tpu.sem_signal %arg31, %semaphore_signal3A core_id %semaphore_signal3A_820 : memref<!tpu.semaphore, #tpu.memory_space<semaphore_mem>>
      } else {
      }
      %semaphore_wait3A = arith.constant 1 : i32
      %semaphore_wait3A_536 = arith.constant true
      tpu.sem_wait %arg31, %semaphore_wait3A : memref<!tpu.semaphore, #tpu.memory_space<semaphore_mem>>
      "tpu.trace_stop"() : () -> ()
      %sub3A_537 = arith.constant 1 : i32
      %sub3A_538 = arith.subi %sub3A_537, %arg0 : i32
      "tpu.region"() ({
        %run_scoped3A = tpu.sem_alloc : memref<!tpu.dma_semaphore, #tpu.memory_space<semaphore_mem>>
        %dma_start3A = tpu.memref_slice %arg12[%sub3A_538, %mul3A_4] : memref<2x10240xf32, #tpu.memory_space<hbm>> -> memref<1x640xf32, #tpu.memory_space<hbm>>
        %dma_start3A_820 = tpu.memref_squeeze %dma_start3A : memref<1x640xf32, #tpu.memory_space<hbm>> -> memref<640xf32, #tpu.memory_space<hbm>>
        %dma_start3A_821 = tpu.memref_slice %arg12[%sub3A_538, %mul3A_4] : memref<2x10240xf32, #tpu.memory_space<hbm>> -> memref<1x640xf32, #tpu.memory_space<hbm>>
        %dma_start3A_822 = tpu.memref_squeeze %dma_start3A_821 : memref<1x640xf32, #tpu.memory_space<hbm>> -> memref<640xf32, #tpu.memory_space<hbm>>
        tpu.enqueue_dma source(%dma_start3A_822 : memref<640xf32, #tpu.memory_space<hbm>>) target(%arg27 : memref<640xf32, #tpu.memory_space<vmem>>) target_semaphore(%run_scoped3A : memref<!tpu.dma_semaphore, #tpu.memory_space<semaphore_mem>>)
        %dma_wait3A = tpu.memref_slice %arg12[%sub3A_538, %mul3A_4] : memref<2x10240xf32, #tpu.memory_space<hbm>> -> memref<1x640xf32, #tpu.memory_space<hbm>>
        %dma_wait3A_823 = tpu.memref_squeeze %dma_wait3A : memref<1x640xf32, #tpu.memory_space<hbm>> -> memref<640xf32, #tpu.memory_space<hbm>>
        %dma_wait3A_824 = tpu.memref_slice %arg12[%sub3A_538, %mul3A_4] : memref<2x10240xf32, #tpu.memory_space<hbm>> -> memref<1x640xf32, #tpu.memory_space<hbm>>
        %dma_wait3A_825 = tpu.memref_squeeze %dma_wait3A_824 : memref<1x640xf32, #tpu.memory_space<hbm>> -> memref<640xf32, #tpu.memory_space<hbm>>
        tpu.wait_dma2 semaphore(%run_scoped3A : memref<!tpu.dma_semaphore, #tpu.memory_space<semaphore_mem>>) src(%dma_wait3A_825 : memref<640xf32, #tpu.memory_space<hbm>>) dst(%arg27 : memref<640xf32, #tpu.memory_space<vmem>>)
        tpu.yield
      }) : () -> ()
      %get3A_539 = arith.constant 0 : index
      %get3A_540 = tpu.vector_load %arg26[%get3A_539] {strides = array<i32>} : memref<640xf32, #tpu.memory_space<vmem>>, vector<16xf32>,
      %get3A_541 = arith.constant 0 : index
      %get3A_542 = tpu.vector_load %arg27[%get3A_541] {strides = array<i32>} : memref<640xf32, #tpu.memory_space<vmem>>, vector<16xf32>,
      %max3A_543 = arith.maximumf %get3A_540, %get3A_542 : vector<16xf32>
      %swap3A_544 = arith.constant 0 : index
      %swap3A_545 = tpu.vector_load %arg26[%swap3A_544] {strides = array<i32>} : memref<640xf32, #tpu.memory_space<vmem>>, vector<16xf32>,
      tpu.vector_store %arg26[%swap3A_544], %max3A_543 {strides = array<i32>} : memref<640xf32, #tpu.memory_space<vmem>>, vector<16xf32>,
      %get3A_546 = arith.constant 16 : index
      %get3A_547 = tpu.vector_load %arg26[%get3A_546] {strides = array<i32>} : memref<640xf32, #tpu.memory_space<vmem>>, vector<16xf32>,
      %get3A_548 = arith.constant 16 : index
      %get3A_549 = tpu.vector_load %arg27[%get3A_548] {strides = array<i32>} : memref<640xf32, #tpu.memory_space<vmem>>, vector<16xf32>,
      %max3A_550 = arith.maximumf %get3A_547, %get3A_549 : vector<16xf32>
      %swap3A_551 = arith.constant 16 : index
      %swap3A_552 = tpu.vector_load %arg26[%swap3A_551] {strides = array<i32>} : memref<640xf32, #tpu.memory_space<vmem>>, vector<16xf32>,
      tpu.vector_store %arg26[%swap3A_551], %max3A_550 {strides = array<i32>} : memref<640xf32, #tpu.memory_space<vmem>>, vector<16xf32>,
      %get3A_553 = arith.constant 32 : index
      %get3A_554 = tpu.vector_load %arg26[%get3A_553] {strides = array<i32>} : memref<640xf32, #tpu.memory_space<vmem>>, vector<16xf32>,
      %get3A_555 = arith.constant 32 : index
      %get3A_556 = tpu.vector_load %arg27[%get3A_555] {strides = array<i32>} : memref<640xf32, #tpu.memory_space<vmem>>, vector<16xf32>,
      %max3A_557 = arith.maximumf %get3A_554, %get3A_556 : vector<16xf32>
      %swap3A_558 = arith.constant 32 : index
      %swap3A_559 = tpu.vector_load %arg26[%swap3A_558] {strides = array<i32>} : memref<640xf32, #tpu.memory_space<vmem>>, vector<16xf32>,
      tpu.vector_store %arg26[%swap3A_558], %max3A_557 {strides = array<i32>} : memref<640xf32, #tpu.memory_space<vmem>>, vector<16xf32>,
      %get3A_560 = arith.constant 48 : index
      %get3A_561 = tpu.vector_load %arg26[%get3A_560] {strides = array<i32>} : memref<640xf32, #tpu.memory_space<vmem>>, vector<16xf32>,
      %get3A_562 = arith.constant 48 : index
      %get3A_563 = tpu.vector_load %arg27[%get3A_562] {strides = array<i32>} : memref<640xf32, #tpu.memory_space<vmem>>, vector<16xf32>,
      %max3A_564 = arith.maximumf %get3A_561, %get3A_563 : vector<16xf32>
      %swap3A_565 = arith.constant 48 : index
      %swap3A_566 = tpu.vector_load %arg26[%swap3A_565] {strides = array<i32>} : memref<640xf32, #tpu.memory_space<vmem>>, vector<16xf32>,
      tpu.vector_store %arg26[%swap3A_565], %max3A_564 {strides = array<i32>} : memref<640xf32, #tpu.memory_space<vmem>>, vector<16xf32>,
      %get3A_567 = arith.constant 64 : index
      %get3A_568 = tpu.vector_load %arg26[%get3A_567] {strides = array<i32>} : memref<640xf32, #tpu.memory_space<vmem>>, vector<16xf32>,
      %get3A_569 = arith.constant 64 : index
      %get3A_570 = tpu.vector_load %arg27[%get3A_569] {strides = array<i32>} : memref<640xf32, #tpu.memory_space<vmem>>, vector<16xf32>,
      %max3A_571 = arith.maximumf %get3A_568, %get3A_570 : vector<16xf32>
      %swap3A_572 = arith.constant 64 : index
      %swap3A_573 = tpu.vector_load %arg26[%swap3A_572] {strides = array<i32>} : memref<640xf32, #tpu.memory_space<vmem>>, vector<16xf32>,
      tpu.vector_store %arg26[%swap3A_572], %max3A_571 {strides = array<i32>} : memref<640xf32, #tpu.memory_space<vmem>>, vector<16xf32>,
      %get3A_574 = arith.constant 80 : index
      %get3A_575 = tpu.vector_load %arg26[%get3A_574] {strides = array<i32>} : memref<640xf32, #tpu.memory_space<vmem>>, vector<16xf32>,
      %get3A_576 = arith.constant 80 : index
      %get3A_577 = tpu.vector_load %arg27[%get3A_576] {strides = array<i32>} : memref<640xf32, #tpu.memory_space<vmem>>, vector<16xf32>,
      %max3A_578 = arith.maximumf %get3A_575, %get3A_577 : vector<16xf32>
      %swap3A_579 = arith.constant 80 : index
      %swap3A_580 = tpu.vector_load %arg26[%swap3A_579] {strides = array<i32>} : memref<640xf32, #tpu.memory_space<vmem>>, vector<16xf32>,
      tpu.vector_store %arg26[%swap3A_579], %max3A_578 {strides = array<i32>} : memref<640xf32, #tpu.memory_space<vmem>>, vector<16xf32>,
      %get3A_581 = arith.constant 96 : index
      %get3A_582 = tpu.vector_load %arg26[%get3A_581] {strides = array<i32>} : memref<640xf32, #tpu.memory_space<vmem>>, vector<16xf32>,
      %get3A_583 = arith.constant 96 : index
      %get3A_584 = tpu.vector_load %arg27[%get3A_583] {strides = array<i32>} : memref<640xf32, #tpu.memory_space<vmem>>, vector<16xf32>,
      %max3A_585 = arith.maximumf %get3A_582, %get3A_584 : vector<16xf32>
      %swap3A_586 = arith.constant 96 : index
      %swap3A_587 = tpu.vector_load %arg26[%swap3A_586] {strides = array<i32>} : memref<640xf32, #tpu.memory_space<vmem>>, vector<16xf32>,
      tpu.vector_store %arg26[%swap3A_586], %max3A_585 {strides = array<i32>} : memref<640xf32, #tpu.memory_space<vmem>>, vector<16xf32>,
      %get3A_588 = arith.constant 112 : index
      %get3A_589 = tpu.vector_load %arg26[%get3A_588] {strides = array<i32>} : memref<640xf32, #tpu.memory_space<vmem>>, vector<16xf32>,
      %get3A_590 = arith.constant 112 : index
      %get3A_591 = tpu.vector_load %arg27[%get3A_590] {strides = array<i32>} : memref<640xf32, #tpu.memory_space<vmem>>, vector<16xf32>,
      %max3A_592 = arith.maximumf %get3A_589, %get3A_591 : vector<16xf32>
      %swap3A_593 = arith.constant 112 : index
      %swap3A_594 = tpu.vector_load %arg26[%swap3A_593] {strides = array<i32>} : memref<640xf32, #tpu.memory_space<vmem>>, vector<16xf32>,
      tpu.vector_store %arg26[%swap3A_593], %max3A_592 {strides = array<i32>} : memref<640xf32, #tpu.memory_space<vmem>>, vector<16xf32>,
      %get3A_595 = arith.constant 128 : index
      %get3A_596 = tpu.vector_load %arg26[%get3A_595] {strides = array<i32>} : memref<640xf32, #tpu.memory_space<vmem>>, vector<16xf32>,
      %get3A_597 = arith.constant 128 : index
      %get3A_598 = tpu.vector_load %arg27[%get3A_597] {strides = array<i32>} : memref<640xf32, #tpu.memory_space<vmem>>, vector<16xf32>,
      %max3A_599 = arith.maximumf %get3A_596, %get3A_598 : vector<16xf32>
      %swap3A_600 = arith.constant 128 : index
      %swap3A_601 = tpu.vector_load %arg26[%swap3A_600] {strides = array<i32>} : memref<640xf32, #tpu.memory_space<vmem>>, vector<16xf32>,
      tpu.vector_store %arg26[%swap3A_600], %max3A_599 {strides = array<i32>} : memref<640xf32, #tpu.memory_space<vmem>>, vector<16xf32>,
      %get3A_602 = arith.constant 144 : index
      %get3A_603 = tpu.vector_load %arg26[%get3A_602] {strides = array<i32>} : memref<640xf32, #tpu.memory_space<vmem>>, vector<16xf32>,
      %get3A_604 = arith.constant 144 : index
      %get3A_605 = tpu.vector_load %arg27[%get3A_604] {strides = array<i32>} : memref<640xf32, #tpu.memory_space<vmem>>, vector<16xf32>,
      %max3A_606 = arith.maximumf %get3A_603, %get3A_605 : vector<16xf32>
      %swap3A_607 = arith.constant 144 : index
      %swap3A_608 = tpu.vector_load %arg26[%swap3A_607] {strides = array<i32>} : memref<640xf32, #tpu.memory_space<vmem>>, vector<16xf32>,
      tpu.vector_store %arg26[%swap3A_607], %max3A_606 {strides = array<i32>} : memref<640xf32, #tpu.memory_space<vmem>>, vector<16xf32>,
      %get3A_609 = arith.constant 160 : index
      %get3A_610 = tpu.vector_load %arg26[%get3A_609] {strides = array<i32>} : memref<640xf32, #tpu.memory_space<vmem>>, vector<16xf32>,
      %get3A_611 = arith.constant 160 : index
      %get3A_612 = tpu.vector_load %arg27[%get3A_611] {strides = array<i32>} : memref<640xf32, #tpu.memory_space<vmem>>, vector<16xf32>,
      %max3A_613 = arith.maximumf %get3A_610, %get3A_612 : vector<16xf32>
      %swap3A_614 = arith.constant 160 : index
      %swap3A_615 = tpu.vector_load %arg26[%swap3A_614] {strides = array<i32>} : memref<640xf32, #tpu.memory_space<vmem>>, vector<16xf32>,
      tpu.vector_store %arg26[%swap3A_614], %max3A_613 {strides = array<i32>} : memref<640xf32, #tpu.memory_space<vmem>>, vector<16xf32>,
      %get3A_616 = arith.constant 176 : index
      %get3A_617 = tpu.vector_load %arg26[%get3A_616] {strides = array<i32>} : memref<640xf32, #tpu.memory_space<vmem>>, vector<16xf32>,
      %get3A_618 = arith.constant 176 : index
      %get3A_619 = tpu.vector_load %arg27[%get3A_618] {strides = array<i32>} : memref<640xf32, #tpu.memory_space<vmem>>, vector<16xf32>,
      %max3A_620 = arith.maximumf %get3A_617, %get3A_619 : vector<16xf32>
      %swap3A_621 = arith.constant 176 : index
      %swap3A_622 = tpu.vector_load %arg26[%swap3A_621] {strides = array<i32>} : memref<640xf32, #tpu.memory_space<vmem>>, vector<16xf32>,
      tpu.vector_store %arg26[%swap3A_621], %max3A_620 {strides = array<i32>} : memref<640xf32, #tpu.memory_space<vmem>>, vector<16xf32>,
      %get3A_623 = arith.constant 192 : index
      %get3A_624 = tpu.vector_load %arg26[%get3A_623] {strides = array<i32>} : memref<640xf32, #tpu.memory_space<vmem>>, vector<16xf32>,
      %get3A_625 = arith.constant 192 : index
      %get3A_626 = tpu.vector_load %arg27[%get3A_625] {strides = array<i32>} : memref<640xf32, #tpu.memory_space<vmem>>, vector<16xf32>,
      %max3A_627 = arith.maximumf %get3A_624, %get3A_626 : vector<16xf32>
      %swap3A_628 = arith.constant 192 : index
      %swap3A_629 = tpu.vector_load %arg26[%swap3A_628] {strides = array<i32>} : memref<640xf32, #tpu.memory_space<vmem>>, vector<16xf32>,
      tpu.vector_store %arg26[%swap3A_628], %max3A_627 {strides = array<i32>} : memref<640xf32, #tpu.memory_space<vmem>>, vector<16xf32>,
      %get3A_630 = arith.constant 208 : index
      %get3A_631 = tpu.vector_load %arg26[%get3A_630] {strides = array<i32>} : memref<640xf32, #tpu.memory_space<vmem>>, vector<16xf32>,
      %get3A_632 = arith.constant 208 : index
      %get3A_633 = tpu.vector_load %arg27[%get3A_632] {strides = array<i32>} : memref<640xf32, #tpu.memory_space<vmem>>, vector<16xf32>,
      %max3A_634 = arith.maximumf %get3A_631, %get3A_633 : vector<16xf32>
      %swap3A_635 = arith.constant 208 : index
      %swap3A_636 = tpu.vector_load %arg26[%swap3A_635] {strides = array<i32>} : memref<640xf32, #tpu.memory_space<vmem>>, vector<16xf32>,
      tpu.vector_store %arg26[%swap3A_635], %max3A_634 {strides = array<i32>} : memref<640xf32, #tpu.memory_space<vmem>>, vector<16xf32>,
      %get3A_637 = arith.constant 224 : index
      %get3A_638 = tpu.vector_load %arg26[%get3A_637] {strides = array<i32>} : memref<640xf32, #tpu.memory_space<vmem>>, vector<16xf32>,
      %get3A_639 = arith.constant 224 : index
      %get3A_640 = tpu.vector_load %arg27[%get3A_639] {strides = array<i32>} : memref<640xf32, #tpu.memory_space<vmem>>, vector<16xf32>,
      %max3A_641 = arith.maximumf %get3A_638, %get3A_640 : vector<16xf32>
      %swap3A_642 = arith.constant 224 : index
      %swap3A_643 = tpu.vector_load %arg26[%swap3A_642] {strides = array<i32>} : memref<640xf32, #tpu.memory_space<vmem>>, vector<16xf32>,
      tpu.vector_store %arg26[%swap3A_642], %max3A_641 {strides = array<i32>} : memref<640xf32, #tpu.memory_space<vmem>>, vector<16xf32>,
      %get3A_644 = arith.constant 240 : index
      %get3A_645 = tpu.vector_load %arg26[%get3A_644] {strides = array<i32>} : memref<640xf32, #tpu.memory_space<vmem>>, vector<16xf32>,
      %get3A_646 = arith.constant 240 : index
      %get3A_647 = tpu.vector_load %arg27[%get3A_646] {strides = array<i32>} : memref<640xf32, #tpu.memory_space<vmem>>, vector<16xf32>,
      %max3A_648 = arith.maximumf %get3A_645, %get3A_647 : vector<16xf32>
      %swap3A_649 = arith.constant 240 : index
      %swap3A_650 = tpu.vector_load %arg26[%swap3A_649] {strides = array<i32>} : memref<640xf32, #tpu.memory_space<vmem>>, vector<16xf32>,
      tpu.vector_store %arg26[%swap3A_649], %max3A_648 {strides = array<i32>} : memref<640xf32, #tpu.memory_space<vmem>>, vector<16xf32>,
      %get3A_651 = arith.constant 256 : index
      %get3A_652 = tpu.vector_load %arg26[%get3A_651] {strides = array<i32>} : memref<640xf32, #tpu.memory_space<vmem>>, vector<16xf32>,
      %get3A_653 = arith.constant 256 : index
      %get3A_654 = tpu.vector_load %arg27[%get3A_653] {strides = array<i32>} : memref<640xf32, #tpu.memory_space<vmem>>, vector<16xf32>,
      %max3A_655 = arith.maximumf %get3A_652, %get3A_654 : vector<16xf32>
      %swap3A_656 = arith.constant 256 : index
      %swap3A_657 = tpu.vector_load %arg26[%swap3A_656] {strides = array<i32>} : memref<640xf32, #tpu.memory_space<vmem>>, vector<16xf32>,
      tpu.vector_store %arg26[%swap3A_656], %max3A_655 {strides = array<i32>} : memref<640xf32, #tpu.memory_space<vmem>>, vector<16xf32>,
      %get3A_658 = arith.constant 272 : index
      %get3A_659 = tpu.vector_load %arg26[%get3A_658] {strides = array<i32>} : memref<640xf32, #tpu.memory_space<vmem>>, vector<16xf32>,
      %get3A_660 = arith.constant 272 : index
      %get3A_661 = tpu.vector_load %arg27[%get3A_660] {strides = array<i32>} : memref<640xf32, #tpu.memory_space<vmem>>, vector<16xf32>,
      %max3A_662 = arith.maximumf %get3A_659, %get3A_661 : vector<16xf32>
      %swap3A_663 = arith.constant 272 : index
      %swap3A_664 = tpu.vector_load %arg26[%swap3A_663] {strides = array<i32>} : memref<640xf32, #tpu.memory_space<vmem>>, vector<16xf32>,
      tpu.vector_store %arg26[%swap3A_663], %max3A_662 {strides = array<i32>} : memref<640xf32, #tpu.memory_space<vmem>>, vector<16xf32>,
      %get3A_665 = arith.constant 288 : index
      %get3A_666 = tpu.vector_load %arg26[%get3A_665] {strides = array<i32>} : memref<640xf32, #tpu.memory_space<vmem>>, vector<16xf32>,
      %get3A_667 = arith.constant 288 : index
      %get3A_668 = tpu.vector_load %arg27[%get3A_667] {strides = array<i32>} : memref<640xf32, #tpu.memory_space<vmem>>, vector<16xf32>,
      %max3A_669 = arith.maximumf %get3A_666, %get3A_668 : vector<16xf32>
      %swap3A_670 = arith.constant 288 : index
      %swap3A_671 = tpu.vector_load %arg26[%swap3A_670] {strides = array<i32>} : memref<640xf32, #tpu.memory_space<vmem>>, vector<16xf32>,
      tpu.vector_store %arg26[%swap3A_670], %max3A_669 {strides = array<i32>} : memref<640xf32, #tpu.memory_space<vmem>>, vector<16xf32>,
      %get3A_672 = arith.constant 304 : index
      %get3A_673 = tpu.vector_load %arg26[%get3A_672] {strides = array<i32>} : memref<640xf32, #tpu.memory_space<vmem>>, vector<16xf32>,
      %get3A_674 = arith.constant 304 : index
      %get3A_675 = tpu.vector_load %arg27[%get3A_674] {strides = array<i32>} : memref<640xf32, #tpu.memory_space<vmem>>, vector<16xf32>,
      %max3A_676 = arith.maximumf %get3A_673, %get3A_675 : vector<16xf32>
      %swap3A_677 = arith.constant 304 : index
      %swap3A_678 = tpu.vector_load %arg26[%swap3A_677] {strides = array<i32>} : memref<640xf32, #tpu.memory_space<vmem>>, vector<16xf32>,
      tpu.vector_store %arg26[%swap3A_677], %max3A_676 {strides = array<i32>} : memref<640xf32, #tpu.memory_space<vmem>>, vector<16xf32>,
      %get3A_679 = arith.constant 320 : index
      %get3A_680 = tpu.vector_load %arg26[%get3A_679] {strides = array<i32>} : memref<640xf32, #tpu.memory_space<vmem>>, vector<16xf32>,
      %get3A_681 = arith.constant 320 : index
      %get3A_682 = tpu.vector_load %arg27[%get3A_681] {strides = array<i32>} : memref<640xf32, #tpu.memory_space<vmem>>, vector<16xf32>,
      %max3A_683 = arith.maximumf %get3A_680, %get3A_682 : vector<16xf32>
      %swap3A_684 = arith.constant 320 : index
      %swap3A_685 = tpu.vector_load %arg26[%swap3A_684] {strides = array<i32>} : memref<640xf32, #tpu.memory_space<vmem>>, vector<16xf32>,
      tpu.vector_store %arg26[%swap3A_684], %max3A_683 {strides = array<i32>} : memref<640xf32, #tpu.memory_space<vmem>>, vector<16xf32>,
      %get3A_686 = arith.constant 336 : index
      %get3A_687 = tpu.vector_load %arg26[%get3A_686] {strides = array<i32>} : memref<640xf32, #tpu.memory_space<vmem>>, vector<16xf32>,
      %get3A_688 = arith.constant 336 : index
      %get3A_689 = tpu.vector_load %arg27[%get3A_688] {strides = array<i32>} : memref<640xf32, #tpu.memory_space<vmem>>, vector<16xf32>,
      %max3A_690 = arith.maximumf %get3A_687, %get3A_689 : vector<16xf32>
      %swap3A_691 = arith.constant 336 : index
      %swap3A_692 = tpu.vector_load %arg26[%swap3A_691] {strides = array<i32>} : memref<640xf32, #tpu.memory_space<vmem>>, vector<16xf32>,
      tpu.vector_store %arg26[%swap3A_691], %max3A_690 {strides = array<i32>} : memref<640xf32, #tpu.memory_space<vmem>>, vector<16xf32>,
      %get3A_693 = arith.constant 352 : index
      %get3A_694 = tpu.vector_load %arg26[%get3A_693] {strides = array<i32>} : memref<640xf32, #tpu.memory_space<vmem>>, vector<16xf32>,
      %get3A_695 = arith.constant 352 : index
      %get3A_696 = tpu.vector_load %arg27[%get3A_695] {strides = array<i32>} : memref<640xf32, #tpu.memory_space<vmem>>, vector<16xf32>,
      %max3A_697 = arith.maximumf %get3A_694, %get3A_696 : vector<16xf32>
      %swap3A_698 = arith.constant 352 : index
      %swap3A_699 = tpu.vector_load %arg26[%swap3A_698] {strides = array<i32>} : memref<640xf32, #tpu.memory_space<vmem>>, vector<16xf32>,
      tpu.vector_store %arg26[%swap3A_698], %max3A_697 {strides = array<i32>} : memref<640xf32, #tpu.memory_space<vmem>>, vector<16xf32>,
      %get3A_700 = arith.constant 368 : index
      %get3A_701 = tpu.vector_load %arg26[%get3A_700] {strides = array<i32>} : memref<640xf32, #tpu.memory_space<vmem>>, vector<16xf32>,
      %get3A_702 = arith.constant 368 : index
      %get3A_703 = tpu.vector_load %arg27[%get3A_702] {strides = array<i32>} : memref<640xf32, #tpu.memory_space<vmem>>, vector<16xf32>,
      %max3A_704 = arith.maximumf %get3A_701, %get3A_703 : vector<16xf32>
      %swap3A_705 = arith.constant 368 : index
      %swap3A_706 = tpu.vector_load %arg26[%swap3A_705] {strides = array<i32>} : memref<640xf32, #tpu.memory_space<vmem>>, vector<16xf32>,
      tpu.vector_store %arg26[%swap3A_705], %max3A_704 {strides = array<i32>} : memref<640xf32, #tpu.memory_space<vmem>>, vector<16xf32>,
      %get3A_707 = arith.constant 384 : index
      %get3A_708 = tpu.vector_load %arg26[%get3A_707] {strides = array<i32>} : memref<640xf32, #tpu.memory_space<vmem>>, vector<16xf32>,
      %get3A_709 = arith.constant 384 : index
      %get3A_710 = tpu.vector_load %arg27[%get3A_709] {strides = array<i32>} : memref<640xf32, #tpu.memory_space<vmem>>, vector<16xf32>,
      %max3A_711 = arith.maximumf %get3A_708, %get3A_710 : vector<16xf32>
      %swap3A_712 = arith.constant 384 : index
      %swap3A_713 = tpu.vector_load %arg26[%swap3A_712] {strides = array<i32>} : memref<640xf32, #tpu.memory_space<vmem>>, vector<16xf32>,
      tpu.vector_store %arg26[%swap3A_712], %max3A_711 {strides = array<i32>} : memref<640xf32, #tpu.memory_space<vmem>>, vector<16xf32>,
      %get3A_714 = arith.constant 400 : index
      %get3A_715 = tpu.vector_load %arg26[%get3A_714] {strides = array<i32>} : memref<640xf32, #tpu.memory_space<vmem>>, vector<16xf32>,
      %get3A_716 = arith.constant 400 : index
      %get3A_717 = tpu.vector_load %arg27[%get3A_716] {strides = array<i32>} : memref<640xf32, #tpu.memory_space<vmem>>, vector<16xf32>,
      %max3A_718 = arith.maximumf %get3A_715, %get3A_717 : vector<16xf32>
      %swap3A_719 = arith.constant 400 : index
      %swap3A_720 = tpu.vector_load %arg26[%swap3A_719] {strides = array<i32>} : memref<640xf32, #tpu.memory_space<vmem>>, vector<16xf32>,
      tpu.vector_store %arg26[%swap3A_719], %max3A_718 {strides = array<i32>} : memref<640xf32, #tpu.memory_space<vmem>>, vector<16xf32>,
      %get3A_721 = arith.constant 416 : index
      %get3A_722 = tpu.vector_load %arg26[%get3A_721] {strides = array<i32>} : memref<640xf32, #tpu.memory_space<vmem>>, vector<16xf32>,
      %get3A_723 = arith.constant 416 : index
      %get3A_724 = tpu.vector_load %arg27[%get3A_723] {strides = array<i32>} : memref<640xf32, #tpu.memory_space<vmem>>, vector<16xf32>,
      %max3A_725 = arith.maximumf %get3A_722, %get3A_724 : vector<16xf32>
      %swap3A_726 = arith.constant 416 : index
      %swap3A_727 = tpu.vector_load %arg26[%swap3A_726] {strides = array<i32>} : memref<640xf32, #tpu.memory_space<vmem>>, vector<16xf32>,
      tpu.vector_store %arg26[%swap3A_726], %max3A_725 {strides = array<i32>} : memref<640xf32, #tpu.memory_space<vmem>>, vector<16xf32>,
      %get3A_728 = arith.constant 432 : index
      %get3A_729 = tpu.vector_load %arg26[%get3A_728] {strides = array<i32>} : memref<640xf32, #tpu.memory_space<vmem>>, vector<16xf32>,
      %get3A_730 = arith.constant 432 : index
      %get3A_731 = tpu.vector_load %arg27[%get3A_730] {strides = array<i32>} : memref<640xf32, #tpu.memory_space<vmem>>, vector<16xf32>,
      %max3A_732 = arith.maximumf %get3A_729, %get3A_731 : vector<16xf32>
      %swap3A_733 = arith.constant 432 : index
      %swap3A_734 = tpu.vector_load %arg26[%swap3A_733] {strides = array<i32>} : memref<640xf32, #tpu.memory_space<vmem>>, vector<16xf32>,
      tpu.vector_store %arg26[%swap3A_733], %max3A_732 {strides = array<i32>} : memref<640xf32, #tpu.memory_space<vmem>>, vector<16xf32>,
      %get3A_735 = arith.constant 448 : index
      %get3A_736 = tpu.vector_load %arg26[%get3A_735] {strides = array<i32>} : memref<640xf32, #tpu.memory_space<vmem>>, vector<16xf32>,
      %get3A_737 = arith.constant 448 : index
      %get3A_738 = tpu.vector_load %arg27[%get3A_737] {strides = array<i32>} : memref<640xf32, #tpu.memory_space<vmem>>, vector<16xf32>,
      %max3A_739 = arith.maximumf %get3A_736, %get3A_738 : vector<16xf32>
      %swap3A_740 = arith.constant 448 : index
      %swap3A_741 = tpu.vector_load %arg26[%swap3A_740] {strides = array<i32>} : memref<640xf32, #tpu.memory_space<vmem>>, vector<16xf32>,
      tpu.vector_store %arg26[%swap3A_740], %max3A_739 {strides = array<i32>} : memref<640xf32, #tpu.memory_space<vmem>>, vector<16xf32>,
      %get3A_742 = arith.constant 464 : index
      %get3A_743 = tpu.vector_load %arg26[%get3A_742] {strides = array<i32>} : memref<640xf32, #tpu.memory_space<vmem>>, vector<16xf32>,
      %get3A_744 = arith.constant 464 : index
      %get3A_745 = tpu.vector_load %arg27[%get3A_744] {strides = array<i32>} : memref<640xf32, #tpu.memory_space<vmem>>, vector<16xf32>,
      %max3A_746 = arith.maximumf %get3A_743, %get3A_745 : vector<16xf32>
      %swap3A_747 = arith.constant 464 : index
      %swap3A_748 = tpu.vector_load %arg26[%swap3A_747] {strides = array<i32>} : memref<640xf32, #tpu.memory_space<vmem>>, vector<16xf32>,
      tpu.vector_store %arg26[%swap3A_747], %max3A_746 {strides = array<i32>} : memref<640xf32, #tpu.memory_space<vmem>>, vector<16xf32>,
      %get3A_749 = arith.constant 480 : index
      %get3A_750 = tpu.vector_load %arg26[%get3A_749] {strides = array<i32>} : memref<640xf32, #tpu.memory_space<vmem>>, vector<16xf32>,
      %get3A_751 = arith.constant 480 : index
      %get3A_752 = tpu.vector_load %arg27[%get3A_751] {strides = array<i32>} : memref<640xf32, #tpu.memory_space<vmem>>, vector<16xf32>,
      %max3A_753 = arith.maximumf %get3A_750, %get3A_752 : vector<16xf32>
      %swap3A_754 = arith.constant 480 : index
      %swap3A_755 = tpu.vector_load %arg26[%swap3A_754] {strides = array<i32>} : memref<640xf32, #tpu.memory_space<vmem>>, vector<16xf32>,
      tpu.vector_store %arg26[%swap3A_754], %max3A_753 {strides = array<i32>} : memref<640xf32, #tpu.memory_space<vmem>>, vector<16xf32>,
      %get3A_756 = arith.constant 496 : index
      %get3A_757 = tpu.vector_load %arg26[%get3A_756] {strides = array<i32>} : memref<640xf32, #tpu.memory_space<vmem>>, vector<16xf32>,
      %get3A_758 = arith.constant 496 : index
      %get3A_759 = tpu.vector_load %arg27[%get3A_758] {strides = array<i32>} : memref<640xf32, #tpu.memory_space<vmem>>, vector<16xf32>,
      %max3A_760 = arith.maximumf %get3A_757, %get3A_759 : vector<16xf32>
      %swap3A_761 = arith.constant 496 : index
      %swap3A_762 = tpu.vector_load %arg26[%swap3A_761] {strides = array<i32>} : memref<640xf32, #tpu.memory_space<vmem>>, vector<16xf32>,
      tpu.vector_store %arg26[%swap3A_761], %max3A_760 {strides = array<i32>} : memref<640xf32, #tpu.memory_space<vmem>>, vector<16xf32>,
      %get3A_763 = arith.constant 512 : index
      %get3A_764 = tpu.vector_load %arg26[%get3A_763] {strides = array<i32>} : memref<640xf32, #tpu.memory_space<vmem>>, vector<16xf32>,
      %get3A_765 = arith.constant 512 : index
      %get3A_766 = tpu.vector_load %arg27[%get3A_765] {strides = array<i32>} : memref<640xf32, #tpu.memory_space<vmem>>, vector<16xf32>,
      %max3A_767 = arith.maximumf %get3A_764, %get3A_766 : vector<16xf32>
      %swap3A_768 = arith.constant 512 : index
      %swap3A_769 = tpu.vector_load %arg26[%swap3A_768] {strides = array<i32>} : memref<640xf32, #tpu.memory_space<vmem>>, vector<16xf32>,
      tpu.vector_store %arg26[%swap3A_768], %max3A_767 {strides = array<i32>} : memref<640xf32, #tpu.memory_space<vmem>>, vector<16xf32>,
      %get3A_770 = arith.constant 528 : index
      %get3A_771 = tpu.vector_load %arg26[%get3A_770] {strides = array<i32>} : memref<640xf32, #tpu.memory_space<vmem>>, vector<16xf32>,
      %get3A_772 = arith.constant 528 : index
      %get3A_773 = tpu.vector_load %arg27[%get3A_772] {strides = array<i32>} : memref<640xf32, #tpu.memory_space<vmem>>, vector<16xf32>,
      %max3A_774 = arith.maximumf %get3A_771, %get3A_773 : vector<16xf32>
      %swap3A_775 = arith.constant 528 : index
      %swap3A_776 = tpu.vector_load %arg26[%swap3A_775] {strides = array<i32>} : memref<640xf32, #tpu.memory_space<vmem>>, vector<16xf32>,
      tpu.vector_store %arg26[%swap3A_775], %max3A_774 {strides = array<i32>} : memref<640xf32, #tpu.memory_space<vmem>>, vector<16xf32>,
      %get3A_777 = arith.constant 544 : index
      %get3A_778 = tpu.vector_load %arg26[%get3A_777] {strides = array<i32>} : memref<640xf32, #tpu.memory_space<vmem>>, vector<16xf32>,
      %get3A_779 = arith.constant 544 : index
      %get3A_780 = tpu.vector_load %arg27[%get3A_779] {strides = array<i32>} : memref<640xf32, #tpu.memory_space<vmem>>, vector<16xf32>,
      %max3A_781 = arith.maximumf %get3A_778, %get3A_780 : vector<16xf32>
      %swap3A_782 = arith.constant 544 : index
      %swap3A_783 = tpu.vector_load %arg26[%swap3A_782] {strides = array<i32>} : memref<640xf32, #tpu.memory_space<vmem>>, vector<16xf32>,
      tpu.vector_store %arg26[%swap3A_782], %max3A_781 {strides = array<i32>} : memref<640xf32, #tpu.memory_space<vmem>>, vector<16xf32>,
      %get3A_784 = arith.constant 560 : index
      %get3A_785 = tpu.vector_load %arg26[%get3A_784] {strides = array<i32>} : memref<640xf32, #tpu.memory_space<vmem>>, vector<16xf32>,
      %get3A_786 = arith.constant 560 : index
      %get3A_787 = tpu.vector_load %arg27[%get3A_786] {strides = array<i32>} : memref<640xf32, #tpu.memory_space<vmem>>, vector<16xf32>,
      %max3A_788 = arith.maximumf %get3A_785, %get3A_787 : vector<16xf32>
      %swap3A_789 = arith.constant 560 : index
      %swap3A_790 = tpu.vector_load %arg26[%swap3A_789] {strides = array<i32>} : memref<640xf32, #tpu.memory_space<vmem>>, vector<16xf32>,
      tpu.vector_store %arg26[%swap3A_789], %max3A_788 {strides = array<i32>} : memref<640xf32, #tpu.memory_space<vmem>>, vector<16xf32>,
      %get3A_791 = arith.constant 576 : index
      %get3A_792 = tpu.vector_load %arg26[%get3A_791] {strides = array<i32>} : memref<640xf32, #tpu.memory_space<vmem>>, vector<16xf32>,
      %get3A_793 = arith.constant 576 : index
      %get3A_794 = tpu.vector_load %arg27[%get3A_793] {strides = array<i32>} : memref<640xf32, #tpu.memory_space<vmem>>, vector<16xf32>,
      %max3A_795 = arith.maximumf %get3A_792, %get3A_794 : vector<16xf32>
      %swap3A_796 = arith.constant 576 : index
      %swap3A_797 = tpu.vector_load %arg26[%swap3A_796] {strides = array<i32>} : memref<640xf32, #tpu.memory_space<vmem>>, vector<16xf32>,
      tpu.vector_store %arg26[%swap3A_796], %max3A_795 {strides = array<i32>} : memref<640xf32, #tpu.memory_space<vmem>>, vector<16xf32>,
      %get3A_798 = arith.constant 592 : index
      %get3A_799 = tpu.vector_load %arg26[%get3A_798] {strides = array<i32>} : memref<640xf32, #tpu.memory_space<vmem>>, vector<16xf32>,
      %get3A_800 = arith.constant 592 : index
      %get3A_801 = tpu.vector_load %arg27[%get3A_800] {strides = array<i32>} : memref<640xf32, #tpu.memory_space<vmem>>, vector<16xf32>,
      %max3A_802 = arith.maximumf %get3A_799, %get3A_801 : vector<16xf32>
      %swap3A_803 = arith.constant 592 : index
      %swap3A_804 = tpu.vector_load %arg26[%swap3A_803] {strides = array<i32>} : memref<640xf32, #tpu.memory_space<vmem>>, vector<16xf32>,
      tpu.vector_store %arg26[%swap3A_803], %max3A_802 {strides = array<i32>} : memref<640xf32, #tpu.memory_space<vmem>>, vector<16xf32>,
      %get3A_805 = arith.constant 608 : index
      %get3A_806 = tpu.vector_load %arg26[%get3A_805] {strides = array<i32>} : memref<640xf32, #tpu.memory_space<vmem>>, vector<16xf32>,
      %get3A_807 = arith.constant 608 : index
      %get3A_808 = tpu.vector_load %arg27[%get3A_807] {strides = array<i32>} : memref<640xf32, #tpu.memory_space<vmem>>, vector<16xf32>,
      %max3A_809 = arith.maximumf %get3A_806, %get3A_808 : vector<16xf32>
      %swap3A_810 = arith.constant 608 : index
      %swap3A_811 = tpu.vector_load %arg26[%swap3A_810] {strides = array<i32>} : memref<640xf32, #tpu.memory_space<vmem>>, vector<16xf32>,
      tpu.vector_store %arg26[%swap3A_810], %max3A_809 {strides = array<i32>} : memref<640xf32, #tpu.memory_space<vmem>>, vector<16xf32>,
      %get3A_812 = arith.constant 624 : index
      %get3A_813 = tpu.vector_load %arg26[%get3A_812] {strides = array<i32>} : memref<640xf32, #tpu.memory_space<vmem>>, vector<16xf32>,
      %get3A_814 = arith.constant 624 : index
      %get3A_815 = tpu.vector_load %arg27[%get3A_814] {strides = array<i32>} : memref<640xf32, #tpu.memory_space<vmem>>, vector<16xf32>,
      %max3A_816 = arith.maximumf %get3A_813, %get3A_815 : vector<16xf32>
      %swap3A_817 = arith.constant 624 : index
      %swap3A_818 = tpu.vector_load %arg26[%swap3A_817] {strides = array<i32>} : memref<640xf32, #tpu.memory_space<vmem>>, vector<16xf32>,
      tpu.vector_store %arg26[%swap3A_817], %max3A_816 {strides = array<i32>} : memref<640xf32, #tpu.memory_space<vmem>>, vector<16xf32>,
      "tpu.region"() ({
        %run_scoped3A = tpu.sem_alloc : memref<!tpu.dma_semaphore, #tpu.memory_space<semaphore_mem>>
        %dma_start3A = tpu.memref_slice %arg30[%mul3A_4] : memref<10240xf32, #tpu.memory_space<vmem_shared>> -> memref<640xf32, #tpu.memory_space<vmem_shared>>
        %dma_start3A_820 = tpu.memref_slice %arg30[%mul3A_4] : memref<10240xf32, #tpu.memory_space<vmem_shared>> -> memref<640xf32, #tpu.memory_space<vmem_shared>>
        tpu.enqueue_dma source(%arg26 : memref<640xf32, #tpu.memory_space<vmem>>) target(%dma_start3A_820 : memref<640xf32, #tpu.memory_space<vmem_shared>>) target_semaphore(%run_scoped3A : memref<!tpu.dma_semaphore, #tpu.memory_space<semaphore_mem>>)
        %dma_wait3A = tpu.memref_slice %arg30[%mul3A_4] : memref<10240xf32, #tpu.memory_space<vmem_shared>> -> memref<640xf32, #tpu.memory_space<vmem_shared>>
        %dma_wait3A_821 = tpu.memref_slice %arg30[%mul3A_4] : memref<10240xf32, #tpu.memory_space<vmem_shared>> -> memref<640xf32, #tpu.memory_space<vmem_shared>>
        tpu.wait_dma2 semaphore(%run_scoped3A : memref<!tpu.dma_semaphore, #tpu.memory_space<semaphore_mem>>) src(%arg26 : memref<640xf32, #tpu.memory_space<vmem>>) dst(%dma_wait3A_821 : memref<640xf32, #tpu.memory_space<vmem_shared>>)
        tpu.yield
      }) : () -> ()
      %barrier3A_819 = arith.constant 0 : index
      tpu.barrier barrier_id(%barrier3A_819)
    }
    %while3A_55 = arith.constant 1 : i32
    scf.for %while3A_59 = %while3A_53 to %while3A_49 step %while3A_55  : i32 {
      tpu.enqueue_dma source(%arg30 : memref<10240xf32, #tpu.memory_space<vmem_shared>>) target(%arg13 : memref<10240xf32, #tpu.memory_space<vmem>>) target_semaphore(%arg32 : memref<!tpu.dma_semaphore, #tpu.memory_space<semaphore_mem>>)
      %scan3A_60 = arith.constant 0 : i32
      %scan3A_61 = arith.constant 0 : i32
      %scan3A_62 = arith.constant 40 : i32
      %scan3A_63 = arith.addi %scan3A_61, %scan3A_62 : i32
      %scan3A_64 = arith.constant 1 : i32
      scf.for %scan3A_820 = %scan3A_61 to %scan3A_63 step %scan3A_64  : i32 {
        %mul3A_821 = arith.constant 256 : i32
        %mul3A_822 = arith.muli %scan3A_820, %mul3A_821 : i32
        %add3A_823 = arith.constant 0 : i32
        %add3A_824 = arith.addi %mul3A_822, %add3A_823 : i32
        %swap3A_825 = arith.index_cast %add3A_824 : i32 to index
        %swap3A_826 = tpu.vector_load %arg14[%swap3A_825] {strides = array<i32>} : memref<10240xf32, #tpu.memory_space<vmem>>, vector<16xf32>,
        tpu.vector_store %arg14[%swap3A_825], %sub3A_9 {strides = array<i32>} : memref<10240xf32, #tpu.memory_space<vmem>>, vector<16xf32>,
        %mul3A_827 = arith.constant 256 : i32
        %mul3A_828 = arith.muli %scan3A_820, %mul3A_827 : i32
        %add3A_829 = arith.constant 16 : i32
        %add3A_830 = arith.addi %mul3A_828, %add3A_829 : i32
        %swap3A_831 = arith.index_cast %add3A_830 : i32 to index
        %swap3A_832 = tpu.vector_load %arg14[%swap3A_831] {strides = array<i32>} : memref<10240xf32, #tpu.memory_space<vmem>>, vector<16xf32>,
        tpu.vector_store %arg14[%swap3A_831], %sub3A_9 {strides = array<i32>} : memref<10240xf32, #tpu.memory_space<vmem>>, vector<16xf32>,
        %mul3A_833 = arith.constant 256 : i32
        %mul3A_834 = arith.muli %scan3A_820, %mul3A_833 : i32
        %add3A_835 = arith.constant 32 : i32
        %add3A_836 = arith.addi %mul3A_834, %add3A_835 : i32
        %swap3A_837 = arith.index_cast %add3A_836 : i32 to index
        %swap3A_838 = tpu.vector_load %arg14[%swap3A_837] {strides = array<i32>} : memref<10240xf32, #tpu.memory_space<vmem>>, vector<16xf32>,
        tpu.vector_store %arg14[%swap3A_837], %sub3A_9 {strides = array<i32>} : memref<10240xf32, #tpu.memory_space<vmem>>, vector<16xf32>,
        %mul3A_839 = arith.constant 256 : i32
        %mul3A_840 = arith.muli %scan3A_820, %mul3A_839 : i32
        %add3A_841 = arith.constant 48 : i32
        %add3A_842 = arith.addi %mul3A_840, %add3A_841 : i32
        %swap3A_843 = arith.index_cast %add3A_842 : i32 to index
        %swap3A_844 = tpu.vector_load %arg14[%swap3A_843] {strides = array<i32>} : memref<10240xf32, #tpu.memory_space<vmem>>, vector<16xf32>,
        tpu.vector_store %arg14[%swap3A_843], %sub3A_9 {strides = array<i32>} : memref<10240xf32, #tpu.memory_space<vmem>>, vector<16xf32>,
        %mul3A_845 = arith.constant 256 : i32
        %mul3A_846 = arith.muli %scan3A_820, %mul3A_845 : i32
        %add3A_847 = arith.constant 64 : i32
        %add3A_848 = arith.addi %mul3A_846, %add3A_847 : i32
        %swap3A_849 = arith.index_cast %add3A_848 : i32 to index
        %swap3A_850 = tpu.vector_load %arg14[%swap3A_849] {strides = array<i32>} : memref<10240xf32, #tpu.memory_space<vmem>>, vector<16xf32>,
        tpu.vector_store %arg14[%swap3A_849], %sub3A_9 {strides = array<i32>} : memref<10240xf32, #tpu.memory_space<vmem>>, vector<16xf32>,
        %mul3A_851 = arith.constant 256 : i32
        %mul3A_852 = arith.muli %scan3A_820, %mul3A_851 : i32
        %add3A_853 = arith.constant 80 : i32
        %add3A_854 = arith.addi %mul3A_852, %add3A_853 : i32
        %swap3A_855 = arith.index_cast %add3A_854 : i32 to index
        %swap3A_856 = tpu.vector_load %arg14[%swap3A_855] {strides = array<i32>} : memref<10240xf32, #tpu.memory_space<vmem>>, vector<16xf32>,
        tpu.vector_store %arg14[%swap3A_855], %sub3A_9 {strides = array<i32>} : memref<10240xf32, #tpu.memory_space<vmem>>, vector<16xf32>,
        %mul3A_857 = arith.constant 256 : i32
        %mul3A_858 = arith.muli %scan3A_820, %mul3A_857 : i32
        %add3A_859 = arith.constant 96 : i32
        %add3A_860 = arith.addi %mul3A_858, %add3A_859 : i32
        %swap3A_861 = arith.index_cast %add3A_860 : i32 to index
        %swap3A_862 = tpu.vector_load %arg14[%swap3A_861] {strides = array<i32>} : memref<10240xf32, #tpu.memory_space<vmem>>, vector<16xf32>,
        tpu.vector_store %arg14[%swap3A_861], %sub3A_9 {strides = array<i32>} : memref<10240xf32, #tpu.memory_space<vmem>>, vector<16xf32>,
        %mul3A_863 = arith.constant 256 : i32
        %mul3A_864 = arith.muli %scan3A_820, %mul3A_863 : i32
        %add3A_865 = arith.constant 112 : i32
        %add3A_866 = arith.addi %mul3A_864, %add3A_865 : i32
        %swap3A_867 = arith.index_cast %add3A_866 : i32 to index
        %swap3A_868 = tpu.vector_load %arg14[%swap3A_867] {strides = array<i32>} : memref<10240xf32, #tpu.memory_space<vmem>>, vector<16xf32>,
        tpu.vector_store %arg14[%swap3A_867], %sub3A_9 {strides = array<i32>} : memref<10240xf32, #tpu.memory_space<vmem>>, vector<16xf32>,
        %mul3A_869 = arith.constant 256 : i32
        %mul3A_870 = arith.muli %scan3A_820, %mul3A_869 : i32
        %add3A_871 = arith.constant 128 : i32
        %add3A_872 = arith.addi %mul3A_870, %add3A_871 : i32
        %swap3A_873 = arith.index_cast %add3A_872 : i32 to index
        %swap3A_874 = tpu.vector_load %arg14[%swap3A_873] {strides = array<i32>} : memref<10240xf32, #tpu.memory_space<vmem>>, vector<16xf32>,
        tpu.vector_store %arg14[%swap3A_873], %sub3A_9 {strides = array<i32>} : memref<10240xf32, #tpu.memory_space<vmem>>, vector<16xf32>,
        %mul3A_875 = arith.constant 256 : i32
        %mul3A_876 = arith.muli %scan3A_820, %mul3A_875 : i32
        %add3A_877 = arith.constant 144 : i32
        %add3A_878 = arith.addi %mul3A_876, %add3A_877 : i32
        %swap3A_879 = arith.index_cast %add3A_878 : i32 to index
        %swap3A_880 = tpu.vector_load %arg14[%swap3A_879] {strides = array<i32>} : memref<10240xf32, #tpu.memory_space<vmem>>, vector<16xf32>,
        tpu.vector_store %arg14[%swap3A_879], %sub3A_9 {strides = array<i32>} : memref<10240xf32, #tpu.memory_space<vmem>>, vector<16xf32>,
        %mul3A_881 = arith.constant 256 : i32
        %mul3A_882 = arith.muli %scan3A_820, %mul3A_881 : i32
        %add3A_883 = arith.constant 160 : i32
        %add3A_884 = arith.addi %mul3A_882, %add3A_883 : i32
        %swap3A_885 = arith.index_cast %add3A_884 : i32 to index
        %swap3A_886 = tpu.vector_load %arg14[%swap3A_885] {strides = array<i32>} : memref<10240xf32, #tpu.memory_space<vmem>>, vector<16xf32>,
        tpu.vector_store %arg14[%swap3A_885], %sub3A_9 {strides = array<i32>} : memref<10240xf32, #tpu.memory_space<vmem>>, vector<16xf32>,
        %mul3A_887 = arith.constant 256 : i32
        %mul3A_888 = arith.muli %scan3A_820, %mul3A_887 : i32
        %add3A_889 = arith.constant 176 : i32
        %add3A_890 = arith.addi %mul3A_888, %add3A_889 : i32
        %swap3A_891 = arith.index_cast %add3A_890 : i32 to index
        %swap3A_892 = tpu.vector_load %arg14[%swap3A_891] {strides = array<i32>} : memref<10240xf32, #tpu.memory_space<vmem>>, vector<16xf32>,
        tpu.vector_store %arg14[%swap3A_891], %sub3A_9 {strides = array<i32>} : memref<10240xf32, #tpu.memory_space<vmem>>, vector<16xf32>,
        %mul3A_893 = arith.constant 256 : i32
        %mul3A_894 = arith.muli %scan3A_820, %mul3A_893 : i32
        %add3A_895 = arith.constant 192 : i32
        %add3A_896 = arith.addi %mul3A_894, %add3A_895 : i32
        %swap3A_897 = arith.index_cast %add3A_896 : i32 to index
        %swap3A_898 = tpu.vector_load %arg14[%swap3A_897] {strides = array<i32>} : memref<10240xf32, #tpu.memory_space<vmem>>, vector<16xf32>,
        tpu.vector_store %arg14[%swap3A_897], %sub3A_9 {strides = array<i32>} : memref<10240xf32, #tpu.memory_space<vmem>>, vector<16xf32>,
        %mul3A_899 = arith.constant 256 : i32
        %mul3A_900 = arith.muli %scan3A_820, %mul3A_899 : i32
        %add3A_901 = arith.constant 208 : i32
        %add3A_902 = arith.addi %mul3A_900, %add3A_901 : i32
        %swap3A_903 = arith.index_cast %add3A_902 : i32 to index
        %swap3A_904 = tpu.vector_load %arg14[%swap3A_903] {strides = array<i32>} : memref<10240xf32, #tpu.memory_space<vmem>>, vector<16xf32>,
        tpu.vector_store %arg14[%swap3A_903], %sub3A_9 {strides = array<i32>} : memref<10240xf32, #tpu.memory_space<vmem>>, vector<16xf32>,
        %mul3A_905 = arith.constant 256 : i32
        %mul3A_906 = arith.muli %scan3A_820, %mul3A_905 : i32
        %add3A_907 = arith.constant 224 : i32
        %add3A_908 = arith.addi %mul3A_906, %add3A_907 : i32
        %swap3A_909 = arith.index_cast %add3A_908 : i32 to index
        %swap3A_910 = tpu.vector_load %arg14[%swap3A_909] {strides = array<i32>} : memref<10240xf32, #tpu.memory_space<vmem>>, vector<16xf32>,
        tpu.vector_store %arg14[%swap3A_909], %sub3A_9 {strides = array<i32>} : memref<10240xf32, #tpu.memory_space<vmem>>, vector<16xf32>,
        %mul3A_911 = arith.constant 256 : i32
        %mul3A_912 = arith.muli %scan3A_820, %mul3A_911 : i32
        %add3A_913 = arith.constant 240 : i32
        %add3A_914 = arith.addi %mul3A_912, %add3A_913 : i32
        %swap3A_915 = arith.index_cast %add3A_914 : i32 to index
        %swap3A_916 = tpu.vector_load %arg14[%swap3A_915] {strides = array<i32>} : memref<10240xf32, #tpu.memory_space<vmem>>, vector<16xf32>,
        tpu.vector_store %arg14[%swap3A_915], %sub3A_9 {strides = array<i32>} : memref<10240xf32, #tpu.memory_space<vmem>>, vector<16xf32>,
      }
      %scan3A_65 = arith.constant 40 : i32
      tpu.wait_dma2 semaphore(%arg32 : memref<!tpu.dma_semaphore, #tpu.memory_space<semaphore_mem>>) src(%arg30 : memref<10240xf32, #tpu.memory_space<vmem_shared>>) dst(%arg13 : memref<10240xf32, #tpu.memory_space<vmem>>)
      %scan3A_66 = arith.constant 0 : i32
      %scan3A_67 = arith.constant 0 : i32
      %scan3A_68 = arith.constant 20 : i32
      %scan3A_69 = arith.addi %scan3A_67, %scan3A_68 : i32
      %scan3A_70 = arith.constant 1 : i32
      scf.for %scan3A_820 = %scan3A_67 to %scan3A_69 step %scan3A_70  : i32 {
        %mul3A_821 = arith.constant 256 : i32
        %mul3A_822 = arith.muli %scan3A_820, %mul3A_821 : i32
        %add3A_823 = arith.constant 0 : i32
        %add3A_824 = arith.addi %mul3A_822, %add3A_823 : i32
        %get3A_825 = arith.index_cast %add3A_824 : i32 to index
        %get3A_826 = tpu.vector_load %arg16[%get3A_825] {strides = array<i32>} : memref<5120xi32, #tpu.memory_space<vmem>>, vector<16xi32>,
        %get3A_827 = arith.index_cast %add3A_824 : i32 to index
        %get3A_828 = tpu.vector_load %arg17[%get3A_827] {strides = array<i32>} : memref<5120xi32, #tpu.memory_space<vmem>>, vector<16xi32>,
        %get3A_829 = arith.index_cast %add3A_824 : i32 to index
        %get3A_830 = tpu.vector_load %arg18[%get3A_829] {strides = array<i32>} : memref<5120xf32, #tpu.memory_space<vmem>>, vector<16xf32>,
        %gather3A_831 = tpu.vector_load_idx %arg13[%get3A_826] : memref<10240xf32, #tpu.memory_space<vmem>>[vector<16xi32>], vector<16xf32>,
        %add3A_832 = arith.addf %gather3A_831, %get3A_830 : vector<16xf32>
        %gather3A_833 = tpu.vector_load_idx %arg14[%get3A_828] : memref<10240xf32, #tpu.memory_space<vmem>>[vector<16xi32>], vector<16xf32>,
        %max3A_834 = arith.maximumf %gather3A_833, %add3A_832 : vector<16xf32>
        tpu.vector_store_idx %arg14[%get3A_828], %max3A_834 : memref<10240xf32, #tpu.memory_space<vmem>>[vector<16xi32>], vector<16xf32>,
        %mul3A_835 = arith.constant 256 : i32
        %mul3A_836 = arith.muli %scan3A_820, %mul3A_835 : i32
        %add3A_837 = arith.constant 16 : i32
        %add3A_838 = arith.addi %mul3A_836, %add3A_837 : i32
        %get3A_839 = arith.index_cast %add3A_838 : i32 to index
        %get3A_840 = tpu.vector_load %arg16[%get3A_839] {strides = array<i32>} : memref<5120xi32, #tpu.memory_space<vmem>>, vector<16xi32>,
        %get3A_841 = arith.index_cast %add3A_838 : i32 to index
        %get3A_842 = tpu.vector_load %arg17[%get3A_841] {strides = array<i32>} : memref<5120xi32, #tpu.memory_space<vmem>>, vector<16xi32>,
        %get3A_843 = arith.index_cast %add3A_838 : i32 to index
        %get3A_844 = tpu.vector_load %arg18[%get3A_843] {strides = array<i32>} : memref<5120xf32, #tpu.memory_space<vmem>>, vector<16xf32>,
        %gather3A_845 = tpu.vector_load_idx %arg13[%get3A_840] : memref<10240xf32, #tpu.memory_space<vmem>>[vector<16xi32>], vector<16xf32>,
        %add3A_846 = arith.addf %gather3A_845, %get3A_844 : vector<16xf32>
        %gather3A_847 = tpu.vector_load_idx %arg14[%get3A_842] : memref<10240xf32, #tpu.memory_space<vmem>>[vector<16xi32>], vector<16xf32>,
        %max3A_848 = arith.maximumf %gather3A_847, %add3A_846 : vector<16xf32>
        tpu.vector_store_idx %arg14[%get3A_842], %max3A_848 : memref<10240xf32, #tpu.memory_space<vmem>>[vector<16xi32>], vector<16xf32>,
        %mul3A_849 = arith.constant 256 : i32
        %mul3A_850 = arith.muli %scan3A_820, %mul3A_849 : i32
        %add3A_851 = arith.constant 32 : i32
        %add3A_852 = arith.addi %mul3A_850, %add3A_851 : i32
        %get3A_853 = arith.index_cast %add3A_852 : i32 to index
        %get3A_854 = tpu.vector_load %arg16[%get3A_853] {strides = array<i32>} : memref<5120xi32, #tpu.memory_space<vmem>>, vector<16xi32>,
        %get3A_855 = arith.index_cast %add3A_852 : i32 to index
        %get3A_856 = tpu.vector_load %arg17[%get3A_855] {strides = array<i32>} : memref<5120xi32, #tpu.memory_space<vmem>>, vector<16xi32>,
        %get3A_857 = arith.index_cast %add3A_852 : i32 to index
        %get3A_858 = tpu.vector_load %arg18[%get3A_857] {strides = array<i32>} : memref<5120xf32, #tpu.memory_space<vmem>>, vector<16xf32>,
        %gather3A_859 = tpu.vector_load_idx %arg13[%get3A_854] : memref<10240xf32, #tpu.memory_space<vmem>>[vector<16xi32>], vector<16xf32>,
        %add3A_860 = arith.addf %gather3A_859, %get3A_858 : vector<16xf32>
        %gather3A_861 = tpu.vector_load_idx %arg14[%get3A_856] : memref<10240xf32, #tpu.memory_space<vmem>>[vector<16xi32>], vector<16xf32>,
        %max3A_862 = arith.maximumf %gather3A_861, %add3A_860 : vector<16xf32>
        tpu.vector_store_idx %arg14[%get3A_856], %max3A_862 : memref<10240xf32, #tpu.memory_space<vmem>>[vector<16xi32>], vector<16xf32>,
        %mul3A_863 = arith.constant 256 : i32
        %mul3A_864 = arith.muli %scan3A_820, %mul3A_863 : i32
        %add3A_865 = arith.constant 48 : i32
        %add3A_866 = arith.addi %mul3A_864, %add3A_865 : i32
        %get3A_867 = arith.index_cast %add3A_866 : i32 to index
        %get3A_868 = tpu.vector_load %arg16[%get3A_867] {strides = array<i32>} : memref<5120xi32, #tpu.memory_space<vmem>>, vector<16xi32>,
        %get3A_869 = arith.index_cast %add3A_866 : i32 to index
        %get3A_870 = tpu.vector_load %arg17[%get3A_869] {strides = array<i32>} : memref<5120xi32, #tpu.memory_space<vmem>>, vector<16xi32>,
        %get3A_871 = arith.index_cast %add3A_866 : i32 to index
        %get3A_872 = tpu.vector_load %arg18[%get3A_871] {strides = array<i32>} : memref<5120xf32, #tpu.memory_space<vmem>>, vector<16xf32>,
        %gather3A_873 = tpu.vector_load_idx %arg13[%get3A_868] : memref<10240xf32, #tpu.memory_space<vmem>>[vector<16xi32>], vector<16xf32>,
        %add3A_874 = arith.addf %gather3A_873, %get3A_872 : vector<16xf32>
        %gather3A_875 = tpu.vector_load_idx %arg14[%get3A_870] : memref<10240xf32, #tpu.memory_space<vmem>>[vector<16xi32>], vector<16xf32>,
        %max3A_876 = arith.maximumf %gather3A_875, %add3A_874 : vector<16xf32>
        tpu.vector_store_idx %arg14[%get3A_870], %max3A_876 : memref<10240xf32, #tpu.memory_space<vmem>>[vector<16xi32>], vector<16xf32>,
        %mul3A_877 = arith.constant 256 : i32
        %mul3A_878 = arith.muli %scan3A_820, %mul3A_877 : i32
        %add3A_879 = arith.constant 64 : i32
        %add3A_880 = arith.addi %mul3A_878, %add3A_879 : i32
        %get3A_881 = arith.index_cast %add3A_880 : i32 to index
        %get3A_882 = tpu.vector_load %arg16[%get3A_881] {strides = array<i32>} : memref<5120xi32, #tpu.memory_space<vmem>>, vector<16xi32>,
        %get3A_883 = arith.index_cast %add3A_880 : i32 to index
        %get3A_884 = tpu.vector_load %arg17[%get3A_883] {strides = array<i32>} : memref<5120xi32, #tpu.memory_space<vmem>>, vector<16xi32>,
        %get3A_885 = arith.index_cast %add3A_880 : i32 to index
        %get3A_886 = tpu.vector_load %arg18[%get3A_885] {strides = array<i32>} : memref<5120xf32, #tpu.memory_space<vmem>>, vector<16xf32>,
        %gather3A_887 = tpu.vector_load_idx %arg13[%get3A_882] : memref<10240xf32, #tpu.memory_space<vmem>>[vector<16xi32>], vector<16xf32>,
        %add3A_888 = arith.addf %gather3A_887, %get3A_886 : vector<16xf32>
        %gather3A_889 = tpu.vector_load_idx %arg14[%get3A_884] : memref<10240xf32, #tpu.memory_space<vmem>>[vector<16xi32>], vector<16xf32>,
        %max3A_890 = arith.maximumf %gather3A_889, %add3A_888 : vector<16xf32>
        tpu.vector_store_idx %arg14[%get3A_884], %max3A_890 : memref<10240xf32, #tpu.memory_space<vmem>>[vector<16xi32>], vector<16xf32>,
        %mul3A_891 = arith.constant 256 : i32
        %mul3A_892 = arith.muli %scan3A_820, %mul3A_891 : i32
        %add3A_893 = arith.constant 80 : i32
        %add3A_894 = arith.addi %mul3A_892, %add3A_893 : i32
        %get3A_895 = arith.index_cast %add3A_894 : i32 to index
        %get3A_896 = tpu.vector_load %arg16[%get3A_895] {strides = array<i32>} : memref<5120xi32, #tpu.memory_space<vmem>>, vector<16xi32>,
        %get3A_897 = arith.index_cast %add3A_894 : i32 to index
        %get3A_898 = tpu.vector_load %arg17[%get3A_897] {strides = array<i32>} : memref<5120xi32, #tpu.memory_space<vmem>>, vector<16xi32>,
        %get3A_899 = arith.index_cast %add3A_894 : i32 to index
        %get3A_900 = tpu.vector_load %arg18[%get3A_899] {strides = array<i32>} : memref<5120xf32, #tpu.memory_space<vmem>>, vector<16xf32>,
        %gather3A_901 = tpu.vector_load_idx %arg13[%get3A_896] : memref<10240xf32, #tpu.memory_space<vmem>>[vector<16xi32>], vector<16xf32>,
        %add3A_902 = arith.addf %gather3A_901, %get3A_900 : vector<16xf32>
        %gather3A_903 = tpu.vector_load_idx %arg14[%get3A_898] : memref<10240xf32, #tpu.memory_space<vmem>>[vector<16xi32>], vector<16xf32>,
        %max3A_904 = arith.maximumf %gather3A_903, %add3A_902 : vector<16xf32>
        tpu.vector_store_idx %arg14[%get3A_898], %max3A_904 : memref<10240xf32, #tpu.memory_space<vmem>>[vector<16xi32>], vector<16xf32>,
        %mul3A_905 = arith.constant 256 : i32
        %mul3A_906 = arith.muli %scan3A_820, %mul3A_905 : i32
        %add3A_907 = arith.constant 96 : i32
        %add3A_908 = arith.addi %mul3A_906, %add3A_907 : i32
        %get3A_909 = arith.index_cast %add3A_908 : i32 to index
        %get3A_910 = tpu.vector_load %arg16[%get3A_909] {strides = array<i32>} : memref<5120xi32, #tpu.memory_space<vmem>>, vector<16xi32>,
        %get3A_911 = arith.index_cast %add3A_908 : i32 to index
        %get3A_912 = tpu.vector_load %arg17[%get3A_911] {strides = array<i32>} : memref<5120xi32, #tpu.memory_space<vmem>>, vector<16xi32>,
        %get3A_913 = arith.index_cast %add3A_908 : i32 to index
        %get3A_914 = tpu.vector_load %arg18[%get3A_913] {strides = array<i32>} : memref<5120xf32, #tpu.memory_space<vmem>>, vector<16xf32>,
        %gather3A_915 = tpu.vector_load_idx %arg13[%get3A_910] : memref<10240xf32, #tpu.memory_space<vmem>>[vector<16xi32>], vector<16xf32>,
        %add3A_916 = arith.addf %gather3A_915, %get3A_914 : vector<16xf32>
        %gather3A_917 = tpu.vector_load_idx %arg14[%get3A_912] : memref<10240xf32, #tpu.memory_space<vmem>>[vector<16xi32>], vector<16xf32>,
        %max3A_918 = arith.maximumf %gather3A_917, %add3A_916 : vector<16xf32>
        tpu.vector_store_idx %arg14[%get3A_912], %max3A_918 : memref<10240xf32, #tpu.memory_space<vmem>>[vector<16xi32>], vector<16xf32>,
        %mul3A_919 = arith.constant 256 : i32
        %mul3A_920 = arith.muli %scan3A_820, %mul3A_919 : i32
        %add3A_921 = arith.constant 112 : i32
        %add3A_922 = arith.addi %mul3A_920, %add3A_921 : i32
        %get3A_923 = arith.index_cast %add3A_922 : i32 to index
        %get3A_924 = tpu.vector_load %arg16[%get3A_923] {strides = array<i32>} : memref<5120xi32, #tpu.memory_space<vmem>>, vector<16xi32>,
        %get3A_925 = arith.index_cast %add3A_922 : i32 to index
        %get3A_926 = tpu.vector_load %arg17[%get3A_925] {strides = array<i32>} : memref<5120xi32, #tpu.memory_space<vmem>>, vector<16xi32>,
        %get3A_927 = arith.index_cast %add3A_922 : i32 to index
        %get3A_928 = tpu.vector_load %arg18[%get3A_927] {strides = array<i32>} : memref<5120xf32, #tpu.memory_space<vmem>>, vector<16xf32>,
        %gather3A_929 = tpu.vector_load_idx %arg13[%get3A_924] : memref<10240xf32, #tpu.memory_space<vmem>>[vector<16xi32>], vector<16xf32>,
        %add3A_930 = arith.addf %gather3A_929, %get3A_928 : vector<16xf32>
        %gather3A_931 = tpu.vector_load_idx %arg14[%get3A_926] : memref<10240xf32, #tpu.memory_space<vmem>>[vector<16xi32>], vector<16xf32>,
        %max3A_932 = arith.maximumf %gather3A_931, %add3A_930 : vector<16xf32>
        tpu.vector_store_idx %arg14[%get3A_926], %max3A_932 : memref<10240xf32, #tpu.memory_space<vmem>>[vector<16xi32>], vector<16xf32>,
        %mul3A_933 = arith.constant 256 : i32
        %mul3A_934 = arith.muli %scan3A_820, %mul3A_933 : i32
        %add3A_935 = arith.constant 128 : i32
        %add3A_936 = arith.addi %mul3A_934, %add3A_935 : i32
        %get3A_937 = arith.index_cast %add3A_936 : i32 to index
        %get3A_938 = tpu.vector_load %arg16[%get3A_937] {strides = array<i32>} : memref<5120xi32, #tpu.memory_space<vmem>>, vector<16xi32>,
        %get3A_939 = arith.index_cast %add3A_936 : i32 to index
        %get3A_940 = tpu.vector_load %arg17[%get3A_939] {strides = array<i32>} : memref<5120xi32, #tpu.memory_space<vmem>>, vector<16xi32>,
        %get3A_941 = arith.index_cast %add3A_936 : i32 to index
        %get3A_942 = tpu.vector_load %arg18[%get3A_941] {strides = array<i32>} : memref<5120xf32, #tpu.memory_space<vmem>>, vector<16xf32>,
        %gather3A_943 = tpu.vector_load_idx %arg13[%get3A_938] : memref<10240xf32, #tpu.memory_space<vmem>>[vector<16xi32>], vector<16xf32>,
        %add3A_944 = arith.addf %gather3A_943, %get3A_942 : vector<16xf32>
        %gather3A_945 = tpu.vector_load_idx %arg14[%get3A_940] : memref<10240xf32, #tpu.memory_space<vmem>>[vector<16xi32>], vector<16xf32>,
        %max3A_946 = arith.maximumf %gather3A_945, %add3A_944 : vector<16xf32>
        tpu.vector_store_idx %arg14[%get3A_940], %max3A_946 : memref<10240xf32, #tpu.memory_space<vmem>>[vector<16xi32>], vector<16xf32>,
        %mul3A_947 = arith.constant 256 : i32
        %mul3A_948 = arith.muli %scan3A_820, %mul3A_947 : i32
        %add3A_949 = arith.constant 144 : i32
        %add3A_950 = arith.addi %mul3A_948, %add3A_949 : i32
        %get3A_951 = arith.index_cast %add3A_950 : i32 to index
        %get3A_952 = tpu.vector_load %arg16[%get3A_951] {strides = array<i32>} : memref<5120xi32, #tpu.memory_space<vmem>>, vector<16xi32>,
        %get3A_953 = arith.index_cast %add3A_950 : i32 to index
        %get3A_954 = tpu.vector_load %arg17[%get3A_953] {strides = array<i32>} : memref<5120xi32, #tpu.memory_space<vmem>>, vector<16xi32>,
        %get3A_955 = arith.index_cast %add3A_950 : i32 to index
        %get3A_956 = tpu.vector_load %arg18[%get3A_955] {strides = array<i32>} : memref<5120xf32, #tpu.memory_space<vmem>>, vector<16xf32>,
        %gather3A_957 = tpu.vector_load_idx %arg13[%get3A_952] : memref<10240xf32, #tpu.memory_space<vmem>>[vector<16xi32>], vector<16xf32>,
        %add3A_958 = arith.addf %gather3A_957, %get3A_956 : vector<16xf32>
        %gather3A_959 = tpu.vector_load_idx %arg14[%get3A_954] : memref<10240xf32, #tpu.memory_space<vmem>>[vector<16xi32>], vector<16xf32>,
        %max3A_960 = arith.maximumf %gather3A_959, %add3A_958 : vector<16xf32>
        tpu.vector_store_idx %arg14[%get3A_954], %max3A_960 : memref<10240xf32, #tpu.memory_space<vmem>>[vector<16xi32>], vector<16xf32>,
        %mul3A_961 = arith.constant 256 : i32
        %mul3A_962 = arith.muli %scan3A_820, %mul3A_961 : i32
        %add3A_963 = arith.constant 160 : i32
        %add3A_964 = arith.addi %mul3A_962, %add3A_963 : i32
        %get3A_965 = arith.index_cast %add3A_964 : i32 to index
        %get3A_966 = tpu.vector_load %arg16[%get3A_965] {strides = array<i32>} : memref<5120xi32, #tpu.memory_space<vmem>>, vector<16xi32>,
        %get3A_967 = arith.index_cast %add3A_964 : i32 to index
        %get3A_968 = tpu.vector_load %arg17[%get3A_967] {strides = array<i32>} : memref<5120xi32, #tpu.memory_space<vmem>>, vector<16xi32>,
        %get3A_969 = arith.index_cast %add3A_964 : i32 to index
        %get3A_970 = tpu.vector_load %arg18[%get3A_969] {strides = array<i32>} : memref<5120xf32, #tpu.memory_space<vmem>>, vector<16xf32>,
        %gather3A_971 = tpu.vector_load_idx %arg13[%get3A_966] : memref<10240xf32, #tpu.memory_space<vmem>>[vector<16xi32>], vector<16xf32>,
        %add3A_972 = arith.addf %gather3A_971, %get3A_970 : vector<16xf32>
        %gather3A_973 = tpu.vector_load_idx %arg14[%get3A_968] : memref<10240xf32, #tpu.memory_space<vmem>>[vector<16xi32>], vector<16xf32>,
        %max3A_974 = arith.maximumf %gather3A_973, %add3A_972 : vector<16xf32>
        tpu.vector_store_idx %arg14[%get3A_968], %max3A_974 : memref<10240xf32, #tpu.memory_space<vmem>>[vector<16xi32>], vector<16xf32>,
        %mul3A_975 = arith.constant 256 : i32
        %mul3A_976 = arith.muli %scan3A_820, %mul3A_975 : i32
        %add3A_977 = arith.constant 176 : i32
        %add3A_978 = arith.addi %mul3A_976, %add3A_977 : i32
        %get3A_979 = arith.index_cast %add3A_978 : i32 to index
        %get3A_980 = tpu.vector_load %arg16[%get3A_979] {strides = array<i32>} : memref<5120xi32, #tpu.memory_space<vmem>>, vector<16xi32>,
        %get3A_981 = arith.index_cast %add3A_978 : i32 to index
        %get3A_982 = tpu.vector_load %arg17[%get3A_981] {strides = array<i32>} : memref<5120xi32, #tpu.memory_space<vmem>>, vector<16xi32>,
        %get3A_983 = arith.index_cast %add3A_978 : i32 to index
        %get3A_984 = tpu.vector_load %arg18[%get3A_983] {strides = array<i32>} : memref<5120xf32, #tpu.memory_space<vmem>>, vector<16xf32>,
        %gather3A_985 = tpu.vector_load_idx %arg13[%get3A_980] : memref<10240xf32, #tpu.memory_space<vmem>>[vector<16xi32>], vector<16xf32>,
        %add3A_986 = arith.addf %gather3A_985, %get3A_984 : vector<16xf32>
        %gather3A_987 = tpu.vector_load_idx %arg14[%get3A_982] : memref<10240xf32, #tpu.memory_space<vmem>>[vector<16xi32>], vector<16xf32>,
        %max3A_988 = arith.maximumf %gather3A_987, %add3A_986 : vector<16xf32>
        tpu.vector_store_idx %arg14[%get3A_982], %max3A_988 : memref<10240xf32, #tpu.memory_space<vmem>>[vector<16xi32>], vector<16xf32>,
        %mul3A_989 = arith.constant 256 : i32
        %mul3A_990 = arith.muli %scan3A_820, %mul3A_989 : i32
        %add3A_991 = arith.constant 192 : i32
        %add3A_992 = arith.addi %mul3A_990, %add3A_991 : i32
        %get3A_993 = arith.index_cast %add3A_992 : i32 to index
        %get3A_994 = tpu.vector_load %arg16[%get3A_993] {strides = array<i32>} : memref<5120xi32, #tpu.memory_space<vmem>>, vector<16xi32>,
        %get3A_995 = arith.index_cast %add3A_992 : i32 to index
        %get3A_996 = tpu.vector_load %arg17[%get3A_995] {strides = array<i32>} : memref<5120xi32, #tpu.memory_space<vmem>>, vector<16xi32>,
        %get3A_997 = arith.index_cast %add3A_992 : i32 to index
        %get3A_998 = tpu.vector_load %arg18[%get3A_997] {strides = array<i32>} : memref<5120xf32, #tpu.memory_space<vmem>>, vector<16xf32>,
        %gather3A_999 = tpu.vector_load_idx %arg13[%get3A_994] : memref<10240xf32, #tpu.memory_space<vmem>>[vector<16xi32>], vector<16xf32>,
        %add3A_1000 = arith.addf %gather3A_999, %get3A_998 : vector<16xf32>
        %gather3A_1001 = tpu.vector_load_idx %arg14[%get3A_996] : memref<10240xf32, #tpu.memory_space<vmem>>[vector<16xi32>], vector<16xf32>,
        %max3A_1002 = arith.maximumf %gather3A_1001, %add3A_1000 : vector<16xf32>
        tpu.vector_store_idx %arg14[%get3A_996], %max3A_1002 : memref<10240xf32, #tpu.memory_space<vmem>>[vector<16xi32>], vector<16xf32>,
        %mul3A_1003 = arith.constant 256 : i32
        %mul3A_1004 = arith.muli %scan3A_820, %mul3A_1003 : i32
        %add3A_1005 = arith.constant 208 : i32
        %add3A_1006 = arith.addi %mul3A_1004, %add3A_1005 : i32
        %get3A_1007 = arith.index_cast %add3A_1006 : i32 to index
        %get3A_1008 = tpu.vector_load %arg16[%get3A_1007] {strides = array<i32>} : memref<5120xi32, #tpu.memory_space<vmem>>, vector<16xi32>,
        %get3A_1009 = arith.index_cast %add3A_1006 : i32 to index
        %get3A_1010 = tpu.vector_load %arg17[%get3A_1009] {strides = array<i32>} : memref<5120xi32, #tpu.memory_space<vmem>>, vector<16xi32>,
        %get3A_1011 = arith.index_cast %add3A_1006 : i32 to index
        %get3A_1012 = tpu.vector_load %arg18[%get3A_1011] {strides = array<i32>} : memref<5120xf32, #tpu.memory_space<vmem>>, vector<16xf32>,
        %gather3A_1013 = tpu.vector_load_idx %arg13[%get3A_1008] : memref<10240xf32, #tpu.memory_space<vmem>>[vector<16xi32>], vector<16xf32>,
        %add3A_1014 = arith.addf %gather3A_1013, %get3A_1012 : vector<16xf32>
        %gather3A_1015 = tpu.vector_load_idx %arg14[%get3A_1010] : memref<10240xf32, #tpu.memory_space<vmem>>[vector<16xi32>], vector<16xf32>,
        %max3A_1016 = arith.maximumf %gather3A_1015, %add3A_1014 : vector<16xf32>
        tpu.vector_store_idx %arg14[%get3A_1010], %max3A_1016 : memref<10240xf32, #tpu.memory_space<vmem>>[vector<16xi32>], vector<16xf32>,
        %mul3A_1017 = arith.constant 256 : i32
        %mul3A_1018 = arith.muli %scan3A_820, %mul3A_1017 : i32
        %add3A_1019 = arith.constant 224 : i32
        %add3A_1020 = arith.addi %mul3A_1018, %add3A_1019 : i32
        %get3A_1021 = arith.index_cast %add3A_1020 : i32 to index
        %get3A_1022 = tpu.vector_load %arg16[%get3A_1021] {strides = array<i32>} : memref<5120xi32, #tpu.memory_space<vmem>>, vector<16xi32>,
        %get3A_1023 = arith.index_cast %add3A_1020 : i32 to index
        %get3A_1024 = tpu.vector_load %arg17[%get3A_1023] {strides = array<i32>} : memref<5120xi32, #tpu.memory_space<vmem>>, vector<16xi32>,
        %get3A_1025 = arith.index_cast %add3A_1020 : i32 to index
        %get3A_1026 = tpu.vector_load %arg18[%get3A_1025] {strides = array<i32>} : memref<5120xf32, #tpu.memory_space<vmem>>, vector<16xf32>,
        %gather3A_1027 = tpu.vector_load_idx %arg13[%get3A_1022] : memref<10240xf32, #tpu.memory_space<vmem>>[vector<16xi32>], vector<16xf32>,
        %add3A_1028 = arith.addf %gather3A_1027, %get3A_1026 : vector<16xf32>
        %gather3A_1029 = tpu.vector_load_idx %arg14[%get3A_1024] : memref<10240xf32, #tpu.memory_space<vmem>>[vector<16xi32>], vector<16xf32>,
        %max3A_1030 = arith.maximumf %gather3A_1029, %add3A_1028 : vector<16xf32>
        tpu.vector_store_idx %arg14[%get3A_1024], %max3A_1030 : memref<10240xf32, #tpu.memory_space<vmem>>[vector<16xi32>], vector<16xf32>,
        %mul3A_1031 = arith.constant 256 : i32
        %mul3A_1032 = arith.muli %scan3A_820, %mul3A_1031 : i32
        %add3A_1033 = arith.constant 240 : i32
        %add3A_1034 = arith.addi %mul3A_1032, %add3A_1033 : i32
        %get3A_1035 = arith.index_cast %add3A_1034 : i32 to index
        %get3A_1036 = tpu.vector_load %arg16[%get3A_1035] {strides = array<i32>} : memref<5120xi32, #tpu.memory_space<vmem>>, vector<16xi32>,
        %get3A_1037 = arith.index_cast %add3A_1034 : i32 to index
        %get3A_1038 = tpu.vector_load %arg17[%get3A_1037] {strides = array<i32>} : memref<5120xi32, #tpu.memory_space<vmem>>, vector<16xi32>,
        %get3A_1039 = arith.index_cast %add3A_1034 : i32 to index
        %get3A_1040 = tpu.vector_load %arg18[%get3A_1039] {strides = array<i32>} : memref<5120xf32, #tpu.memory_space<vmem>>, vector<16xf32>,
        %gather3A_1041 = tpu.vector_load_idx %arg13[%get3A_1036] : memref<10240xf32, #tpu.memory_space<vmem>>[vector<16xi32>], vector<16xf32>,
        %add3A_1042 = arith.addf %gather3A_1041, %get3A_1040 : vector<16xf32>
        %gather3A_1043 = tpu.vector_load_idx %arg14[%get3A_1038] : memref<10240xf32, #tpu.memory_space<vmem>>[vector<16xi32>], vector<16xf32>,
        %max3A_1044 = arith.maximumf %gather3A_1043, %add3A_1042 : vector<16xf32>
        tpu.vector_store_idx %arg14[%get3A_1038], %max3A_1044 : memref<10240xf32, #tpu.memory_space<vmem>>[vector<16xi32>], vector<16xf32>,
      }
      %scan3A_71 = arith.constant 20 : i32
      %while3A_72 = arith.constant 0 : i32
      %while3A_73 = arith.constant 0 : i32
      %while3A_74 = arith.subi %convert_element_type3A_46, %while3A_73 : i32
      %while3A_75 = arith.addi %while3A_73, %while3A_74 : i32
      %while3A_76 = arith.constant 1 : i32
      %while3A_77 = arith.divsi %while3A_74, %while3A_76 : i32
      %while3A_78 = arith.muli %while3A_77, %while3A_76 : i32
      %while3A_79 = arith.addi %while3A_73, %while3A_78 : i32
      %while3A_80 = arith.constant 1 : i32
      scf.for %while3A_820 = %while3A_73 to %while3A_79 step %while3A_80  : i32 {
        %mul3A_821 = arith.constant 0 : i32
        %mul3A_822 = vector.broadcast %mul3A_821 : i32 to vector<16xi32>
        %mul3A_823 = arith.muli %iota3A, %mul3A_822 : vector<16xi32>
        %add3A_824 = vector.broadcast %while3A_820 : i32 to vector<16xi32>
        %add3A_825 = arith.addi %mul3A_823, %add3A_824 : vector<16xi32>
        %gather3A_826 = tpu.vector_load_idx %arg19[%add3A_825] : memref<320xf32, #tpu.memory_space<vmem>>[vector<16xi32>], vector<16xf32>,
        %slice3A_827 = vector.extract_strided_slice %gather3A_826 {offsets = [0], sizes = [1], strides = [1]} : vector<16xf32> to vector<1xf32>
        %squeeze3A_828 = vector.extract %slice3A_827[0] : f32 from vector<1xf32>
        %convert_element_type3A_829 = arith.fptosi %squeeze3A_828 : f32 to i32
        %mul3A_830 = arith.constant 16 : i32
        %mul3A_831 = arith.muli %convert_element_type3A_829, %mul3A_830 : i32
        %get3A_832 = arith.index_cast %mul3A_831 : i32 to index
        %get3A_833 = tpu.vector_load %arg16[%get3A_832] {strides = array<i32>} : memref<5120xi32, #tpu.memory_space<vmem>>, vector<16xi32>,
        %get3A_834 = arith.index_cast %mul3A_831 : i32 to index
        %get3A_835 = tpu.vector_load %arg17[%get3A_834] {strides = array<i32>} : memref<5120xi32, #tpu.memory_space<vmem>>, vector<16xi32>,
        %get3A_836 = arith.index_cast %mul3A_831 : i32 to index
        %get3A_837 = tpu.vector_load %arg18[%get3A_836] {strides = array<i32>} : memref<5120xf32, #tpu.memory_space<vmem>>, vector<16xf32>,
        %gather3A_838 = tpu.vector_load_idx %arg13[%get3A_833] : memref<10240xf32, #tpu.memory_space<vmem>>[vector<16xi32>], vector<16xf32>,
        %add3A_839 = arith.addf %gather3A_838, %get3A_837 : vector<16xf32>
        %while3A_840 = arith.constant true
        %while3A_841 = scf.while (%while3A_842 = %while3A_840) : (i1) -> i1 {
          scf.condition(%while3A_842) %while3A_842 : i1
        } do {
        ^bb0(%while3A_842: i1):
          %gather3A_843 = tpu.vector_load_idx %arg14[%get3A_835] : memref<10240xf32, #tpu.memory_space<vmem>>[vector<16xi32>], vector<16xf32>,
          %lt3A = arith.cmpf olt, %gather3A_843, %add3A_839 : vector<16xf32>
          %max3A_844 = arith.maximumf %gather3A_843, %add3A_839 : vector<16xf32>
          tpu.vector_store_idx %arg14[%get3A_835], %max3A_844 masked %lt3A : memref<10240xf32, #tpu.memory_space<vmem>>[vector<16xi32>], vector<16xf32>, vector<16xi1>
          %gather3A_845 = tpu.vector_load_idx %arg14[%get3A_835] : memref<10240xf32, #tpu.memory_space<vmem>>[vector<16xi32>], vector<16xf32>,
          %lt3A_846 = arith.cmpf olt, %gather3A_845, %add3A_839 : vector<16xf32>
          %reduce_or3A = arith.constant 1.000000e+00 : f32
          %reduce_or3A_847 = arith.constant 0.000000e+00 : f32
          %reduce_or3A_848 = vector.broadcast %reduce_or3A : f32 to vector<16xf32>
          %reduce_or3A_849 = vector.broadcast %reduce_or3A_847 : f32 to vector<16xf32>
          %reduce_or3A_850 = arith.select %lt3A_846, %reduce_or3A_848, %reduce_or3A_849 : vector<16xi1>, vector<16xf32>
          %reduce_or3A_851 = arith.constant true
          %reduce_or3A_852 = vector.broadcast %reduce_or3A_851 : i1 to vector<16xi1>
          %reduce_or3A_853 = tpu.scan <max>, %reduce_or3A_850 masked %reduce_or3A_852 : vector<16xf32>, vector<16xi1> -> vector<16xf32>
          %reduce_or3A_854 = vector.extract %reduce_or3A_853[15] : f32 from vector<16xf32>
          %reduce_or3A_855 = arith.constant 0.000000e+00 : f32
          %reduce_or3A_856 = arith.cmpf ogt, %reduce_or3A_854, %reduce_or3A_855 : f32
          scf.yield %reduce_or3A_856 : i1
        }
      }
      %while3A_81 = arith.constant 1 : i32
      scf.for %while3A_820 = %while3A_79 to %while3A_75 step %while3A_81  : i32 {
        %mul3A_821 = arith.constant 0 : i32
        %mul3A_822 = vector.broadcast %mul3A_821 : i32 to vector<16xi32>
        %mul3A_823 = arith.muli %iota3A, %mul3A_822 : vector<16xi32>
        %add3A_824 = vector.broadcast %while3A_820 : i32 to vector<16xi32>
        %add3A_825 = arith.addi %mul3A_823, %add3A_824 : vector<16xi32>
        %gather3A_826 = tpu.vector_load_idx %arg19[%add3A_825] : memref<320xf32, #tpu.memory_space<vmem>>[vector<16xi32>], vector<16xf32>,
        %slice3A_827 = vector.extract_strided_slice %gather3A_826 {offsets = [0], sizes = [1], strides = [1]} : vector<16xf32> to vector<1xf32>
        %squeeze3A_828 = vector.extract %slice3A_827[0] : f32 from vector<1xf32>
        %convert_element_type3A_829 = arith.fptosi %squeeze3A_828 : f32 to i32
        %mul3A_830 = arith.constant 16 : i32
        %mul3A_831 = arith.muli %convert_element_type3A_829, %mul3A_830 : i32
        %get3A_832 = arith.index_cast %mul3A_831 : i32 to index
        %get3A_833 = tpu.vector_load %arg16[%get3A_832] {strides = array<i32>} : memref<5120xi32, #tpu.memory_space<vmem>>, vector<16xi32>,
        %get3A_834 = arith.index_cast %mul3A_831 : i32 to index
        %get3A_835 = tpu.vector_load %arg17[%get3A_834] {strides = array<i32>} : memref<5120xi32, #tpu.memory_space<vmem>>, vector<16xi32>,
        %get3A_836 = arith.index_cast %mul3A_831 : i32 to index
        %get3A_837 = tpu.vector_load %arg18[%get3A_836] {strides = array<i32>} : memref<5120xf32, #tpu.memory_space<vmem>>, vector<16xf32>,
        %gather3A_838 = tpu.vector_load_idx %arg13[%get3A_833] : memref<10240xf32, #tpu.memory_space<vmem>>[vector<16xi32>], vector<16xf32>,
        %add3A_839 = arith.addf %gather3A_838, %get3A_837 : vector<16xf32>
        %while3A_840 = arith.constant true
        %while3A_841 = scf.while (%while3A_842 = %while3A_840) : (i1) -> i1 {
          scf.condition(%while3A_842) %while3A_842 : i1
        } do {
        ^bb0(%while3A_842: i1):
          %gather3A_843 = tpu.vector_load_idx %arg14[%get3A_835] : memref<10240xf32, #tpu.memory_space<vmem>>[vector<16xi32>], vector<16xf32>,
          %lt3A = arith.cmpf olt, %gather3A_843, %add3A_839 : vector<16xf32>
          %max3A_844 = arith.maximumf %gather3A_843, %add3A_839 : vector<16xf32>
          tpu.vector_store_idx %arg14[%get3A_835], %max3A_844 masked %lt3A : memref<10240xf32, #tpu.memory_space<vmem>>[vector<16xi32>], vector<16xf32>, vector<16xi1>
          %gather3A_845 = tpu.vector_load_idx %arg14[%get3A_835] : memref<10240xf32, #tpu.memory_space<vmem>>[vector<16xi32>], vector<16xf32>,
          %lt3A_846 = arith.cmpf olt, %gather3A_845, %add3A_839 : vector<16xf32>
          %reduce_or3A = arith.constant 1.000000e+00 : f32
          %reduce_or3A_847 = arith.constant 0.000000e+00 : f32
          %reduce_or3A_848 = vector.broadcast %reduce_or3A : f32 to vector<16xf32>
          %reduce_or3A_849 = vector.broadcast %reduce_or3A_847 : f32 to vector<16xf32>
          %reduce_or3A_850 = arith.select %lt3A_846, %reduce_or3A_848, %reduce_or3A_849 : vector<16xi1>, vector<16xf32>
          %reduce_or3A_851 = arith.constant true
          %reduce_or3A_852 = vector.broadcast %reduce_or3A_851 : i1 to vector<16xi1>
          %reduce_or3A_853 = tpu.scan <max>, %reduce_or3A_850 masked %reduce_or3A_852 : vector<16xf32>, vector<16xi1> -> vector<16xf32>
          %reduce_or3A_854 = vector.extract %reduce_or3A_853[15] : f32 from vector<16xf32>
          %reduce_or3A_855 = arith.constant 0.000000e+00 : f32
          %reduce_or3A_856 = arith.cmpf ogt, %reduce_or3A_854, %reduce_or3A_855 : f32
          scf.yield %reduce_or3A_856 : i1
        }
      }
      "tpu.region"() ({
        %run_scoped3A = tpu.sem_alloc : memref<!tpu.dma_semaphore, #tpu.memory_space<semaphore_mem>>
        %dma_start3A = arith.constant 0 : i32
        %dma_start3A_820 = tpu.memref_slice %arg29[%arg1, %dma_start3A] : memref<16x10240xf32, #tpu.memory_space<vmem_shared>> -> memref<1x10240xf32, #tpu.memory_space<vmem_shared>>
        %dma_start3A_821 = tpu.memref_squeeze %dma_start3A_820 : memref<1x10240xf32, #tpu.memory_space<vmem_shared>> -> memref<10240xf32, #tpu.memory_space<vmem_shared>>
        %dma_start3A_822 = arith.constant 0 : i32
        %dma_start3A_823 = tpu.memref_slice %arg29[%arg1, %dma_start3A_822] : memref<16x10240xf32, #tpu.memory_space<vmem_shared>> -> memref<1x10240xf32, #tpu.memory_space<vmem_shared>>
        %dma_start3A_824 = tpu.memref_squeeze %dma_start3A_823 : memref<1x10240xf32, #tpu.memory_space<vmem_shared>> -> memref<10240xf32, #tpu.memory_space<vmem_shared>>
        tpu.enqueue_dma source(%arg14 : memref<10240xf32, #tpu.memory_space<vmem>>) target(%dma_start3A_824 : memref<10240xf32, #tpu.memory_space<vmem_shared>>) target_semaphore(%run_scoped3A : memref<!tpu.dma_semaphore, #tpu.memory_space<semaphore_mem>>)
        %dma_wait3A = arith.constant 0 : i32
        %dma_wait3A_825 = tpu.memref_slice %arg29[%arg1, %dma_wait3A] : memref<16x10240xf32, #tpu.memory_space<vmem_shared>> -> memref<1x10240xf32, #tpu.memory_space<vmem_shared>>
        %dma_wait3A_826 = tpu.memref_squeeze %dma_wait3A_825 : memref<1x10240xf32, #tpu.memory_space<vmem_shared>> -> memref<10240xf32, #tpu.memory_space<vmem_shared>>
        %dma_wait3A_827 = arith.constant 0 : i32
        %dma_wait3A_828 = tpu.memref_slice %arg29[%arg1, %dma_wait3A_827] : memref<16x10240xf32, #tpu.memory_space<vmem_shared>> -> memref<1x10240xf32, #tpu.memory_space<vmem_shared>>
        %dma_wait3A_829 = tpu.memref_squeeze %dma_wait3A_828 : memref<1x10240xf32, #tpu.memory_space<vmem_shared>> -> memref<10240xf32, #tpu.memory_space<vmem_shared>>
        tpu.wait_dma2 semaphore(%run_scoped3A : memref<!tpu.dma_semaphore, #tpu.memory_space<semaphore_mem>>) src(%arg14 : memref<10240xf32, #tpu.memory_space<vmem>>) dst(%dma_wait3A_829 : memref<10240xf32, #tpu.memory_space<vmem_shared>>)
        tpu.yield
      }) : () -> ()
      %barrier3A_82 = arith.constant 0 : index
      tpu.barrier barrier_id(%barrier3A_82)
      "tpu.region"() ({
        %run_scoped3A = tpu.sem_alloc : memref<!tpu.dma_semaphore, #tpu.memory_space<semaphore_mem>>
        %dma_start3A = arith.constant 0 : i32
        %dma_start3A_820 = tpu.memref_slice %arg29[%dma_start3A, %mul3A_4] : memref<16x10240xf32, #tpu.memory_space<vmem_shared>> -> memref<16x640xf32, #tpu.memory_space<vmem_shared>>
        %dma_start3A_821 = arith.constant 0 : i32
        %dma_start3A_822 = tpu.memref_slice %arg29[%dma_start3A_821, %mul3A_4] : memref<16x10240xf32, #tpu.memory_space<vmem_shared>> -> memref<16x640xf32, #tpu.memory_space<vmem_shared>>
        tpu.enqueue_dma source(%dma_start3A_822 : memref<16x640xf32, #tpu.memory_space<vmem_shared>>) target(%arg28 : memref<16x640xf32, #tpu.memory_space<vmem>>) target_semaphore(%run_scoped3A : memref<!tpu.dma_semaphore, #tpu.memory_space<semaphore_mem>>)
        %dma_wait3A = arith.constant 0 : i32
        %dma_wait3A_823 = tpu.memref_slice %arg29[%dma_wait3A, %mul3A_4] : memref<16x10240xf32, #tpu.memory_space<vmem_shared>> -> memref<16x640xf32, #tpu.memory_space<vmem_shared>>
        %dma_wait3A_824 = arith.constant 0 : i32
        %dma_wait3A_825 = tpu.memref_slice %arg29[%dma_wait3A_824, %mul3A_4] : memref<16x10240xf32, #tpu.memory_space<vmem_shared>> -> memref<16x640xf32, #tpu.memory_space<vmem_shared>>
        tpu.wait_dma2 semaphore(%run_scoped3A : memref<!tpu.dma_semaphore, #tpu.memory_space<semaphore_mem>>) src(%dma_wait3A_825 : memref<16x640xf32, #tpu.memory_space<vmem_shared>>) dst(%arg28 : memref<16x640xf32, #tpu.memory_space<vmem>>)
        tpu.yield
      }) : () -> ()
      %get3A = arith.constant 0 : i32
      %get3A_83 = arith.index_cast %get3A : i32 to index
      %get3A_84 = arith.constant 0 : index
      %get3A_85 = tpu.vector_load %arg28[%get3A_83, %get3A_84] {strides = array<i32>} : memref<16x640xf32, #tpu.memory_space<vmem>>, vector<16xf32>,
      %get3A_86 = arith.constant 1 : i32
      %get3A_87 = arith.index_cast %get3A_86 : i32 to index
      %get3A_88 = arith.constant 0 : index
      %get3A_89 = tpu.vector_load %arg28[%get3A_87, %get3A_88] {strides = array<i32>} : memref<16x640xf32, #tpu.memory_space<vmem>>, vector<16xf32>,
      %max3A = arith.maximumf %get3A_85, %get3A_89 : vector<16xf32>
      %swap3A = arith.constant 0 : index
      %swap3A_90 = tpu.vector_load %arg26[%swap3A] {strides = array<i32>} : memref<640xf32, #tpu.memory_space<vmem>>, vector<16xf32>,
      tpu.vector_store %arg26[%swap3A], %max3A {strides = array<i32>} : memref<640xf32, #tpu.memory_space<vmem>>, vector<16xf32>,
      %get3A_91 = arith.constant 0 : i32
      %get3A_92 = arith.index_cast %get3A_91 : i32 to index
      %get3A_93 = arith.constant 16 : index
      %get3A_94 = tpu.vector_load %arg28[%get3A_92, %get3A_93] {strides = array<i32>} : memref<16x640xf32, #tpu.memory_space<vmem>>, vector<16xf32>,
      %get3A_95 = arith.constant 1 : i32
      %get3A_96 = arith.index_cast %get3A_95 : i32 to index
      %get3A_97 = arith.constant 16 : index
      %get3A_98 = tpu.vector_load %arg28[%get3A_96, %get3A_97] {strides = array<i32>} : memref<16x640xf32, #tpu.memory_space<vmem>>, vector<16xf32>,
      %max3A_99 = arith.maximumf %get3A_94, %get3A_98 : vector<16xf32>
      %swap3A_100 = arith.constant 16 : index
      %swap3A_101 = tpu.vector_load %arg26[%swap3A_100] {strides = array<i32>} : memref<640xf32, #tpu.memory_space<vmem>>, vector<16xf32>,
      tpu.vector_store %arg26[%swap3A_100], %max3A_99 {strides = array<i32>} : memref<640xf32, #tpu.memory_space<vmem>>, vector<16xf32>,
      %get3A_102 = arith.constant 0 : i32
      %get3A_103 = arith.index_cast %get3A_102 : i32 to index
      %get3A_104 = arith.constant 32 : index
      %get3A_105 = tpu.vector_load %arg28[%get3A_103, %get3A_104] {strides = array<i32>} : memref<16x640xf32, #tpu.memory_space<vmem>>, vector<16xf32>,
      %get3A_106 = arith.constant 1 : i32
      %get3A_107 = arith.index_cast %get3A_106 : i32 to index
      %get3A_108 = arith.constant 32 : index
      %get3A_109 = tpu.vector_load %arg28[%get3A_107, %get3A_108] {strides = array<i32>} : memref<16x640xf32, #tpu.memory_space<vmem>>, vector<16xf32>,
      %max3A_110 = arith.maximumf %get3A_105, %get3A_109 : vector<16xf32>
      %swap3A_111 = arith.constant 32 : index
      %swap3A_112 = tpu.vector_load %arg26[%swap3A_111] {strides = array<i32>} : memref<640xf32, #tpu.memory_space<vmem>>, vector<16xf32>,
      tpu.vector_store %arg26[%swap3A_111], %max3A_110 {strides = array<i32>} : memref<640xf32, #tpu.memory_space<vmem>>, vector<16xf32>,
      %get3A_113 = arith.constant 0 : i32
      %get3A_114 = arith.index_cast %get3A_113 : i32 to index
      %get3A_115 = arith.constant 48 : index
      %get3A_116 = tpu.vector_load %arg28[%get3A_114, %get3A_115] {strides = array<i32>} : memref<16x640xf32, #tpu.memory_space<vmem>>, vector<16xf32>,
      %get3A_117 = arith.constant 1 : i32
      %get3A_118 = arith.index_cast %get3A_117 : i32 to index
      %get3A_119 = arith.constant 48 : index
      %get3A_120 = tpu.vector_load %arg28[%get3A_118, %get3A_119] {strides = array<i32>} : memref<16x640xf32, #tpu.memory_space<vmem>>, vector<16xf32>,
      %max3A_121 = arith.maximumf %get3A_116, %get3A_120 : vector<16xf32>
      %swap3A_122 = arith.constant 48 : index
      %swap3A_123 = tpu.vector_load %arg26[%swap3A_122] {strides = array<i32>} : memref<640xf32, #tpu.memory_space<vmem>>, vector<16xf32>,
      tpu.vector_store %arg26[%swap3A_122], %max3A_121 {strides = array<i32>} : memref<640xf32, #tpu.memory_space<vmem>>, vector<16xf32>,
      %get3A_124 = arith.constant 0 : i32
      %get3A_125 = arith.index_cast %get3A_124 : i32 to index
      %get3A_126 = arith.constant 64 : index
      %get3A_127 = tpu.vector_load %arg28[%get3A_125, %get3A_126] {strides = array<i32>} : memref<16x640xf32, #tpu.memory_space<vmem>>, vector<16xf32>,
      %get3A_128 = arith.constant 1 : i32
      %get3A_129 = arith.index_cast %get3A_128 : i32 to index
      %get3A_130 = arith.constant 64 : index
      %get3A_131 = tpu.vector_load %arg28[%get3A_129, %get3A_130] {strides = array<i32>} : memref<16x640xf32, #tpu.memory_space<vmem>>, vector<16xf32>,
      %max3A_132 = arith.maximumf %get3A_127, %get3A_131 : vector<16xf32>
      %swap3A_133 = arith.constant 64 : index
      %swap3A_134 = tpu.vector_load %arg26[%swap3A_133] {strides = array<i32>} : memref<640xf32, #tpu.memory_space<vmem>>, vector<16xf32>,
      tpu.vector_store %arg26[%swap3A_133], %max3A_132 {strides = array<i32>} : memref<640xf32, #tpu.memory_space<vmem>>, vector<16xf32>,
      %get3A_135 = arith.constant 0 : i32
      %get3A_136 = arith.index_cast %get3A_135 : i32 to index
      %get3A_137 = arith.constant 80 : index
      %get3A_138 = tpu.vector_load %arg28[%get3A_136, %get3A_137] {strides = array<i32>} : memref<16x640xf32, #tpu.memory_space<vmem>>, vector<16xf32>,
      %get3A_139 = arith.constant 1 : i32
      %get3A_140 = arith.index_cast %get3A_139 : i32 to index
      %get3A_141 = arith.constant 80 : index
      %get3A_142 = tpu.vector_load %arg28[%get3A_140, %get3A_141] {strides = array<i32>} : memref<16x640xf32, #tpu.memory_space<vmem>>, vector<16xf32>,
      %max3A_143 = arith.maximumf %get3A_138, %get3A_142 : vector<16xf32>
      %swap3A_144 = arith.constant 80 : index
      %swap3A_145 = tpu.vector_load %arg26[%swap3A_144] {strides = array<i32>} : memref<640xf32, #tpu.memory_space<vmem>>, vector<16xf32>,
      tpu.vector_store %arg26[%swap3A_144], %max3A_143 {strides = array<i32>} : memref<640xf32, #tpu.memory_space<vmem>>, vector<16xf32>,
      %get3A_146 = arith.constant 0 : i32
      %get3A_147 = arith.index_cast %get3A_146 : i32 to index
      %get3A_148 = arith.constant 96 : index
      %get3A_149 = tpu.vector_load %arg28[%get3A_147, %get3A_148] {strides = array<i32>} : memref<16x640xf32, #tpu.memory_space<vmem>>, vector<16xf32>,
      %get3A_150 = arith.constant 1 : i32
      %get3A_151 = arith.index_cast %get3A_150 : i32 to index
      %get3A_152 = arith.constant 96 : index
      %get3A_153 = tpu.vector_load %arg28[%get3A_151, %get3A_152] {strides = array<i32>} : memref<16x640xf32, #tpu.memory_space<vmem>>, vector<16xf32>,
      %max3A_154 = arith.maximumf %get3A_149, %get3A_153 : vector<16xf32>
      %swap3A_155 = arith.constant 96 : index
      %swap3A_156 = tpu.vector_load %arg26[%swap3A_155] {strides = array<i32>} : memref<640xf32, #tpu.memory_space<vmem>>, vector<16xf32>,
      tpu.vector_store %arg26[%swap3A_155], %max3A_154 {strides = array<i32>} : memref<640xf32, #tpu.memory_space<vmem>>, vector<16xf32>,
      %get3A_157 = arith.constant 0 : i32
      %get3A_158 = arith.index_cast %get3A_157 : i32 to index
      %get3A_159 = arith.constant 112 : index
      %get3A_160 = tpu.vector_load %arg28[%get3A_158, %get3A_159] {strides = array<i32>} : memref<16x640xf32, #tpu.memory_space<vmem>>, vector<16xf32>,
      %get3A_161 = arith.constant 1 : i32
      %get3A_162 = arith.index_cast %get3A_161 : i32 to index
      %get3A_163 = arith.constant 112 : index
      %get3A_164 = tpu.vector_load %arg28[%get3A_162, %get3A_163] {strides = array<i32>} : memref<16x640xf32, #tpu.memory_space<vmem>>, vector<16xf32>,
      %max3A_165 = arith.maximumf %get3A_160, %get3A_164 : vector<16xf32>
      %swap3A_166 = arith.constant 112 : index
      %swap3A_167 = tpu.vector_load %arg26[%swap3A_166] {strides = array<i32>} : memref<640xf32, #tpu.memory_space<vmem>>, vector<16xf32>,
      tpu.vector_store %arg26[%swap3A_166], %max3A_165 {strides = array<i32>} : memref<640xf32, #tpu.memory_space<vmem>>, vector<16xf32>,
      %get3A_168 = arith.constant 0 : i32
      %get3A_169 = arith.index_cast %get3A_168 : i32 to index
      %get3A_170 = arith.constant 128 : index
      %get3A_171 = tpu.vector_load %arg28[%get3A_169, %get3A_170] {strides = array<i32>} : memref<16x640xf32, #tpu.memory_space<vmem>>, vector<16xf32>,
      %get3A_172 = arith.constant 1 : i32
      %get3A_173 = arith.index_cast %get3A_172 : i32 to index
      %get3A_174 = arith.constant 128 : index
      %get3A_175 = tpu.vector_load %arg28[%get3A_173, %get3A_174] {strides = array<i32>} : memref<16x640xf32, #tpu.memory_space<vmem>>, vector<16xf32>,
      %max3A_176 = arith.maximumf %get3A_171, %get3A_175 : vector<16xf32>
      %swap3A_177 = arith.constant 128 : index
      %swap3A_178 = tpu.vector_load %arg26[%swap3A_177] {strides = array<i32>} : memref<640xf32, #tpu.memory_space<vmem>>, vector<16xf32>,
      tpu.vector_store %arg26[%swap3A_177], %max3A_176 {strides = array<i32>} : memref<640xf32, #tpu.memory_space<vmem>>, vector<16xf32>,
      %get3A_179 = arith.constant 0 : i32
      %get3A_180 = arith.index_cast %get3A_179 : i32 to index
      %get3A_181 = arith.constant 144 : index
      %get3A_182 = tpu.vector_load %arg28[%get3A_180, %get3A_181] {strides = array<i32>} : memref<16x640xf32, #tpu.memory_space<vmem>>, vector<16xf32>,
      %get3A_183 = arith.constant 1 : i32
      %get3A_184 = arith.index_cast %get3A_183 : i32 to index
      %get3A_185 = arith.constant 144 : index
      %get3A_186 = tpu.vector_load %arg28[%get3A_184, %get3A_185] {strides = array<i32>} : memref<16x640xf32, #tpu.memory_space<vmem>>, vector<16xf32>,
      %max3A_187 = arith.maximumf %get3A_182, %get3A_186 : vector<16xf32>
      %swap3A_188 = arith.constant 144 : index
      %swap3A_189 = tpu.vector_load %arg26[%swap3A_188] {strides = array<i32>} : memref<640xf32, #tpu.memory_space<vmem>>, vector<16xf32>,
      tpu.vector_store %arg26[%swap3A_188], %max3A_187 {strides = array<i32>} : memref<640xf32, #tpu.memory_space<vmem>>, vector<16xf32>,
      %get3A_190 = arith.constant 0 : i32
      %get3A_191 = arith.index_cast %get3A_190 : i32 to index
      %get3A_192 = arith.constant 160 : index
      %get3A_193 = tpu.vector_load %arg28[%get3A_191, %get3A_192] {strides = array<i32>} : memref<16x640xf32, #tpu.memory_space<vmem>>, vector<16xf32>,
      %get3A_194 = arith.constant 1 : i32
      %get3A_195 = arith.index_cast %get3A_194 : i32 to index
      %get3A_196 = arith.constant 160 : index
      %get3A_197 = tpu.vector_load %arg28[%get3A_195, %get3A_196] {strides = array<i32>} : memref<16x640xf32, #tpu.memory_space<vmem>>, vector<16xf32>,
      %max3A_198 = arith.maximumf %get3A_193, %get3A_197 : vector<16xf32>
      %swap3A_199 = arith.constant 160 : index
      %swap3A_200 = tpu.vector_load %arg26[%swap3A_199] {strides = array<i32>} : memref<640xf32, #tpu.memory_space<vmem>>, vector<16xf32>,
      tpu.vector_store %arg26[%swap3A_199], %max3A_198 {strides = array<i32>} : memref<640xf32, #tpu.memory_space<vmem>>, vector<16xf32>,
      %get3A_201 = arith.constant 0 : i32
      %get3A_202 = arith.index_cast %get3A_201 : i32 to index
      %get3A_203 = arith.constant 176 : index
      %get3A_204 = tpu.vector_load %arg28[%get3A_202, %get3A_203] {strides = array<i32>} : memref<16x640xf32, #tpu.memory_space<vmem>>, vector<16xf32>,
      %get3A_205 = arith.constant 1 : i32
      %get3A_206 = arith.index_cast %get3A_205 : i32 to index
      %get3A_207 = arith.constant 176 : index
      %get3A_208 = tpu.vector_load %arg28[%get3A_206, %get3A_207] {strides = array<i32>} : memref<16x640xf32, #tpu.memory_space<vmem>>, vector<16xf32>,
      %max3A_209 = arith.maximumf %get3A_204, %get3A_208 : vector<16xf32>
      %swap3A_210 = arith.constant 176 : index
      %swap3A_211 = tpu.vector_load %arg26[%swap3A_210] {strides = array<i32>} : memref<640xf32, #tpu.memory_space<vmem>>, vector<16xf32>,
      tpu.vector_store %arg26[%swap3A_210], %max3A_209 {strides = array<i32>} : memref<640xf32, #tpu.memory_space<vmem>>, vector<16xf32>,
      %get3A_212 = arith.constant 0 : i32
      %get3A_213 = arith.index_cast %get3A_212 : i32 to index
      %get3A_214 = arith.constant 192 : index
      %get3A_215 = tpu.vector_load %arg28[%get3A_213, %get3A_214] {strides = array<i32>} : memref<16x640xf32, #tpu.memory_space<vmem>>, vector<16xf32>,
      %get3A_216 = arith.constant 1 : i32
      %get3A_217 = arith.index_cast %get3A_216 : i32 to index
      %get3A_218 = arith.constant 192 : index
      %get3A_219 = tpu.vector_load %arg28[%get3A_217, %get3A_218] {strides = array<i32>} : memref<16x640xf32, #tpu.memory_space<vmem>>, vector<16xf32>,
      %max3A_220 = arith.maximumf %get3A_215, %get3A_219 : vector<16xf32>
      %swap3A_221 = arith.constant 192 : index
      %swap3A_222 = tpu.vector_load %arg26[%swap3A_221] {strides = array<i32>} : memref<640xf32, #tpu.memory_space<vmem>>, vector<16xf32>,
      tpu.vector_store %arg26[%swap3A_221], %max3A_220 {strides = array<i32>} : memref<640xf32, #tpu.memory_space<vmem>>, vector<16xf32>,
      %get3A_223 = arith.constant 0 : i32
      %get3A_224 = arith.index_cast %get3A_223 : i32 to index
      %get3A_225 = arith.constant 208 : index
      %get3A_226 = tpu.vector_load %arg28[%get3A_224, %get3A_225] {strides = array<i32>} : memref<16x640xf32, #tpu.memory_space<vmem>>, vector<16xf32>,
      %get3A_227 = arith.constant 1 : i32
      %get3A_228 = arith.index_cast %get3A_227 : i32 to index
      %get3A_229 = arith.constant 208 : index
      %get3A_230 = tpu.vector_load %arg28[%get3A_228, %get3A_229] {strides = array<i32>} : memref<16x640xf32, #tpu.memory_space<vmem>>, vector<16xf32>,
      %max3A_231 = arith.maximumf %get3A_226, %get3A_230 : vector<16xf32>
      %swap3A_232 = arith.constant 208 : index
      %swap3A_233 = tpu.vector_load %arg26[%swap3A_232] {strides = array<i32>} : memref<640xf32, #tpu.memory_space<vmem>>, vector<16xf32>,
      tpu.vector_store %arg26[%swap3A_232], %max3A_231 {strides = array<i32>} : memref<640xf32, #tpu.memory_space<vmem>>, vector<16xf32>,
      %get3A_234 = arith.constant 0 : i32
      %get3A_235 = arith.index_cast %get3A_234 : i32 to index
      %get3A_236 = arith.constant 224 : index
      %get3A_237 = tpu.vector_load %arg28[%get3A_235, %get3A_236] {strides = array<i32>} : memref<16x640xf32, #tpu.memory_space<vmem>>, vector<16xf32>,
      %get3A_238 = arith.constant 1 : i32
      %get3A_239 = arith.index_cast %get3A_238 : i32 to index
      %get3A_240 = arith.constant 224 : index
      %get3A_241 = tpu.vector_load %arg28[%get3A_239, %get3A_240] {strides = array<i32>} : memref<16x640xf32, #tpu.memory_space<vmem>>, vector<16xf32>,
      %max3A_242 = arith.maximumf %get3A_237, %get3A_241 : vector<16xf32>
      %swap3A_243 = arith.constant 224 : index
      %swap3A_244 = tpu.vector_load %arg26[%swap3A_243] {strides = array<i32>} : memref<640xf32, #tpu.memory_space<vmem>>, vector<16xf32>,
      tpu.vector_store %arg26[%swap3A_243], %max3A_242 {strides = array<i32>} : memref<640xf32, #tpu.memory_space<vmem>>, vector<16xf32>,
      %get3A_245 = arith.constant 0 : i32
      %get3A_246 = arith.index_cast %get3A_245 : i32 to index
      %get3A_247 = arith.constant 240 : index
      %get3A_248 = tpu.vector_load %arg28[%get3A_246, %get3A_247] {strides = array<i32>} : memref<16x640xf32, #tpu.memory_space<vmem>>, vector<16xf32>,
      %get3A_249 = arith.constant 1 : i32
      %get3A_250 = arith.index_cast %get3A_249 : i32 to index
      %get3A_251 = arith.constant 240 : index
      %get3A_252 = tpu.vector_load %arg28[%get3A_250, %get3A_251] {strides = array<i32>} : memref<16x640xf32, #tpu.memory_space<vmem>>, vector<16xf32>,
      %max3A_253 = arith.maximumf %get3A_248, %get3A_252 : vector<16xf32>
      %swap3A_254 = arith.constant 240 : index
      %swap3A_255 = tpu.vector_load %arg26[%swap3A_254] {strides = array<i32>} : memref<640xf32, #tpu.memory_space<vmem>>, vector<16xf32>,
      tpu.vector_store %arg26[%swap3A_254], %max3A_253 {strides = array<i32>} : memref<640xf32, #tpu.memory_space<vmem>>, vector<16xf32>,
      %get3A_256 = arith.constant 0 : i32
      %get3A_257 = arith.index_cast %get3A_256 : i32 to index
      %get3A_258 = arith.constant 256 : index
      %get3A_259 = tpu.vector_load %arg28[%get3A_257, %get3A_258] {strides = array<i32>} : memref<16x640xf32, #tpu.memory_space<vmem>>, vector<16xf32>,
      %get3A_260 = arith.constant 1 : i32
      %get3A_261 = arith.index_cast %get3A_260 : i32 to index
      %get3A_262 = arith.constant 256 : index
      %get3A_263 = tpu.vector_load %arg28[%get3A_261, %get3A_262] {strides = array<i32>} : memref<16x640xf32, #tpu.memory_space<vmem>>, vector<16xf32>,
      %max3A_264 = arith.maximumf %get3A_259, %get3A_263 : vector<16xf32>
      %swap3A_265 = arith.constant 256 : index
      %swap3A_266 = tpu.vector_load %arg26[%swap3A_265] {strides = array<i32>} : memref<640xf32, #tpu.memory_space<vmem>>, vector<16xf32>,
      tpu.vector_store %arg26[%swap3A_265], %max3A_264 {strides = array<i32>} : memref<640xf32, #tpu.memory_space<vmem>>, vector<16xf32>,
      %get3A_267 = arith.constant 0 : i32
      %get3A_268 = arith.index_cast %get3A_267 : i32 to index
      %get3A_269 = arith.constant 272 : index
      %get3A_270 = tpu.vector_load %arg28[%get3A_268, %get3A_269] {strides = array<i32>} : memref<16x640xf32, #tpu.memory_space<vmem>>, vector<16xf32>,
      %get3A_271 = arith.constant 1 : i32
      %get3A_272 = arith.index_cast %get3A_271 : i32 to index
      %get3A_273 = arith.constant 272 : index
      %get3A_274 = tpu.vector_load %arg28[%get3A_272, %get3A_273] {strides = array<i32>} : memref<16x640xf32, #tpu.memory_space<vmem>>, vector<16xf32>,
      %max3A_275 = arith.maximumf %get3A_270, %get3A_274 : vector<16xf32>
      %swap3A_276 = arith.constant 272 : index
      %swap3A_277 = tpu.vector_load %arg26[%swap3A_276] {strides = array<i32>} : memref<640xf32, #tpu.memory_space<vmem>>, vector<16xf32>,
      tpu.vector_store %arg26[%swap3A_276], %max3A_275 {strides = array<i32>} : memref<640xf32, #tpu.memory_space<vmem>>, vector<16xf32>,
      %get3A_278 = arith.constant 0 : i32
      %get3A_279 = arith.index_cast %get3A_278 : i32 to index
      %get3A_280 = arith.constant 288 : index
      %get3A_281 = tpu.vector_load %arg28[%get3A_279, %get3A_280] {strides = array<i32>} : memref<16x640xf32, #tpu.memory_space<vmem>>, vector<16xf32>,
      %get3A_282 = arith.constant 1 : i32
      %get3A_283 = arith.index_cast %get3A_282 : i32 to index
      %get3A_284 = arith.constant 288 : index
      %get3A_285 = tpu.vector_load %arg28[%get3A_283, %get3A_284] {strides = array<i32>} : memref<16x640xf32, #tpu.memory_space<vmem>>, vector<16xf32>,
      %max3A_286 = arith.maximumf %get3A_281, %get3A_285 : vector<16xf32>
      %swap3A_287 = arith.constant 288 : index
      %swap3A_288 = tpu.vector_load %arg26[%swap3A_287] {strides = array<i32>} : memref<640xf32, #tpu.memory_space<vmem>>, vector<16xf32>,
      tpu.vector_store %arg26[%swap3A_287], %max3A_286 {strides = array<i32>} : memref<640xf32, #tpu.memory_space<vmem>>, vector<16xf32>,
      %get3A_289 = arith.constant 0 : i32
      %get3A_290 = arith.index_cast %get3A_289 : i32 to index
      %get3A_291 = arith.constant 304 : index
      %get3A_292 = tpu.vector_load %arg28[%get3A_290, %get3A_291] {strides = array<i32>} : memref<16x640xf32, #tpu.memory_space<vmem>>, vector<16xf32>,
      %get3A_293 = arith.constant 1 : i32
      %get3A_294 = arith.index_cast %get3A_293 : i32 to index
      %get3A_295 = arith.constant 304 : index
      %get3A_296 = tpu.vector_load %arg28[%get3A_294, %get3A_295] {strides = array<i32>} : memref<16x640xf32, #tpu.memory_space<vmem>>, vector<16xf32>,
      %max3A_297 = arith.maximumf %get3A_292, %get3A_296 : vector<16xf32>
      %swap3A_298 = arith.constant 304 : index
      %swap3A_299 = tpu.vector_load %arg26[%swap3A_298] {strides = array<i32>} : memref<640xf32, #tpu.memory_space<vmem>>, vector<16xf32>,
      tpu.vector_store %arg26[%swap3A_298], %max3A_297 {strides = array<i32>} : memref<640xf32, #tpu.memory_space<vmem>>, vector<16xf32>,
      %get3A_300 = arith.constant 0 : i32
      %get3A_301 = arith.index_cast %get3A_300 : i32 to index
      %get3A_302 = arith.constant 320 : index
      %get3A_303 = tpu.vector_load %arg28[%get3A_301, %get3A_302] {strides = array<i32>} : memref<16x640xf32, #tpu.memory_space<vmem>>, vector<16xf32>,
      %get3A_304 = arith.constant 1 : i32
      %get3A_305 = arith.index_cast %get3A_304 : i32 to index
      %get3A_306 = arith.constant 320 : index
      %get3A_307 = tpu.vector_load %arg28[%get3A_305, %get3A_306] {strides = array<i32>} : memref<16x640xf32, #tpu.memory_space<vmem>>, vector<16xf32>,
      %max3A_308 = arith.maximumf %get3A_303, %get3A_307 : vector<16xf32>
      %swap3A_309 = arith.constant 320 : index
      %swap3A_310 = tpu.vector_load %arg26[%swap3A_309] {strides = array<i32>} : memref<640xf32, #tpu.memory_space<vmem>>, vector<16xf32>,
      tpu.vector_store %arg26[%swap3A_309], %max3A_308 {strides = array<i32>} : memref<640xf32, #tpu.memory_space<vmem>>, vector<16xf32>,
      %get3A_311 = arith.constant 0 : i32
      %get3A_312 = arith.index_cast %get3A_311 : i32 to index
      %get3A_313 = arith.constant 336 : index
      %get3A_314 = tpu.vector_load %arg28[%get3A_312, %get3A_313] {strides = array<i32>} : memref<16x640xf32, #tpu.memory_space<vmem>>, vector<16xf32>,
      %get3A_315 = arith.constant 1 : i32
      %get3A_316 = arith.index_cast %get3A_315 : i32 to index
      %get3A_317 = arith.constant 336 : index
      %get3A_318 = tpu.vector_load %arg28[%get3A_316, %get3A_317] {strides = array<i32>} : memref<16x640xf32, #tpu.memory_space<vmem>>, vector<16xf32>,
      %max3A_319 = arith.maximumf %get3A_314, %get3A_318 : vector<16xf32>
      %swap3A_320 = arith.constant 336 : index
      %swap3A_321 = tpu.vector_load %arg26[%swap3A_320] {strides = array<i32>} : memref<640xf32, #tpu.memory_space<vmem>>, vector<16xf32>,
      tpu.vector_store %arg26[%swap3A_320], %max3A_319 {strides = array<i32>} : memref<640xf32, #tpu.memory_space<vmem>>, vector<16xf32>,
      %get3A_322 = arith.constant 0 : i32
      %get3A_323 = arith.index_cast %get3A_322 : i32 to index
      %get3A_324 = arith.constant 352 : index
      %get3A_325 = tpu.vector_load %arg28[%get3A_323, %get3A_324] {strides = array<i32>} : memref<16x640xf32, #tpu.memory_space<vmem>>, vector<16xf32>,
      %get3A_326 = arith.constant 1 : i32
      %get3A_327 = arith.index_cast %get3A_326 : i32 to index
      %get3A_328 = arith.constant 352 : index
      %get3A_329 = tpu.vector_load %arg28[%get3A_327, %get3A_328] {strides = array<i32>} : memref<16x640xf32, #tpu.memory_space<vmem>>, vector<16xf32>,
      %max3A_330 = arith.maximumf %get3A_325, %get3A_329 : vector<16xf32>
      %swap3A_331 = arith.constant 352 : index
      %swap3A_332 = tpu.vector_load %arg26[%swap3A_331] {strides = array<i32>} : memref<640xf32, #tpu.memory_space<vmem>>, vector<16xf32>,
      tpu.vector_store %arg26[%swap3A_331], %max3A_330 {strides = array<i32>} : memref<640xf32, #tpu.memory_space<vmem>>, vector<16xf32>,
      %get3A_333 = arith.constant 0 : i32
      %get3A_334 = arith.index_cast %get3A_333 : i32 to index
      %get3A_335 = arith.constant 368 : index
      %get3A_336 = tpu.vector_load %arg28[%get3A_334, %get3A_335] {strides = array<i32>} : memref<16x640xf32, #tpu.memory_space<vmem>>, vector<16xf32>,
      %get3A_337 = arith.constant 1 : i32
      %get3A_338 = arith.index_cast %get3A_337 : i32 to index
      %get3A_339 = arith.constant 368 : index
      %get3A_340 = tpu.vector_load %arg28[%get3A_338, %get3A_339] {strides = array<i32>} : memref<16x640xf32, #tpu.memory_space<vmem>>, vector<16xf32>,
      %max3A_341 = arith.maximumf %get3A_336, %get3A_340 : vector<16xf32>
      %swap3A_342 = arith.constant 368 : index
      %swap3A_343 = tpu.vector_load %arg26[%swap3A_342] {strides = array<i32>} : memref<640xf32, #tpu.memory_space<vmem>>, vector<16xf32>,
      tpu.vector_store %arg26[%swap3A_342], %max3A_341 {strides = array<i32>} : memref<640xf32, #tpu.memory_space<vmem>>, vector<16xf32>,
      %get3A_344 = arith.constant 0 : i32
      %get3A_345 = arith.index_cast %get3A_344 : i32 to index
      %get3A_346 = arith.constant 384 : index
      %get3A_347 = tpu.vector_load %arg28[%get3A_345, %get3A_346] {strides = array<i32>} : memref<16x640xf32, #tpu.memory_space<vmem>>, vector<16xf32>,
      %get3A_348 = arith.constant 1 : i32
      %get3A_349 = arith.index_cast %get3A_348 : i32 to index
      %get3A_350 = arith.constant 384 : index
      %get3A_351 = tpu.vector_load %arg28[%get3A_349, %get3A_350] {strides = array<i32>} : memref<16x640xf32, #tpu.memory_space<vmem>>, vector<16xf32>,
      %max3A_352 = arith.maximumf %get3A_347, %get3A_351 : vector<16xf32>
      %swap3A_353 = arith.constant 384 : index
      %swap3A_354 = tpu.vector_load %arg26[%swap3A_353] {strides = array<i32>} : memref<640xf32, #tpu.memory_space<vmem>>, vector<16xf32>,
      tpu.vector_store %arg26[%swap3A_353], %max3A_352 {strides = array<i32>} : memref<640xf32, #tpu.memory_space<vmem>>, vector<16xf32>,
      %get3A_355 = arith.constant 0 : i32
      %get3A_356 = arith.index_cast %get3A_355 : i32 to index
      %get3A_357 = arith.constant 400 : index
      %get3A_358 = tpu.vector_load %arg28[%get3A_356, %get3A_357] {strides = array<i32>} : memref<16x640xf32, #tpu.memory_space<vmem>>, vector<16xf32>,
      %get3A_359 = arith.constant 1 : i32
      %get3A_360 = arith.index_cast %get3A_359 : i32 to index
      %get3A_361 = arith.constant 400 : index
      %get3A_362 = tpu.vector_load %arg28[%get3A_360, %get3A_361] {strides = array<i32>} : memref<16x640xf32, #tpu.memory_space<vmem>>, vector<16xf32>,
      %max3A_363 = arith.maximumf %get3A_358, %get3A_362 : vector<16xf32>
      %swap3A_364 = arith.constant 400 : index
      %swap3A_365 = tpu.vector_load %arg26[%swap3A_364] {strides = array<i32>} : memref<640xf32, #tpu.memory_space<vmem>>, vector<16xf32>,
      tpu.vector_store %arg26[%swap3A_364], %max3A_363 {strides = array<i32>} : memref<640xf32, #tpu.memory_space<vmem>>, vector<16xf32>,
      %get3A_366 = arith.constant 0 : i32
      %get3A_367 = arith.index_cast %get3A_366 : i32 to index
      %get3A_368 = arith.constant 416 : index
      %get3A_369 = tpu.vector_load %arg28[%get3A_367, %get3A_368] {strides = array<i32>} : memref<16x640xf32, #tpu.memory_space<vmem>>, vector<16xf32>,
      %get3A_370 = arith.constant 1 : i32
      %get3A_371 = arith.index_cast %get3A_370 : i32 to index
      %get3A_372 = arith.constant 416 : index
      %get3A_373 = tpu.vector_load %arg28[%get3A_371, %get3A_372] {strides = array<i32>} : memref<16x640xf32, #tpu.memory_space<vmem>>, vector<16xf32>,
      %max3A_374 = arith.maximumf %get3A_369, %get3A_373 : vector<16xf32>
      %swap3A_375 = arith.constant 416 : index
      %swap3A_376 = tpu.vector_load %arg26[%swap3A_375] {strides = array<i32>} : memref<640xf32, #tpu.memory_space<vmem>>, vector<16xf32>,
      tpu.vector_store %arg26[%swap3A_375], %max3A_374 {strides = array<i32>} : memref<640xf32, #tpu.memory_space<vmem>>, vector<16xf32>,
      %get3A_377 = arith.constant 0 : i32
      %get3A_378 = arith.index_cast %get3A_377 : i32 to index
      %get3A_379 = arith.constant 432 : index
      %get3A_380 = tpu.vector_load %arg28[%get3A_378, %get3A_379] {strides = array<i32>} : memref<16x640xf32, #tpu.memory_space<vmem>>, vector<16xf32>,
      %get3A_381 = arith.constant 1 : i32
      %get3A_382 = arith.index_cast %get3A_381 : i32 to index
      %get3A_383 = arith.constant 432 : index
      %get3A_384 = tpu.vector_load %arg28[%get3A_382, %get3A_383] {strides = array<i32>} : memref<16x640xf32, #tpu.memory_space<vmem>>, vector<16xf32>,
      %max3A_385 = arith.maximumf %get3A_380, %get3A_384 : vector<16xf32>
      %swap3A_386 = arith.constant 432 : index
      %swap3A_387 = tpu.vector_load %arg26[%swap3A_386] {strides = array<i32>} : memref<640xf32, #tpu.memory_space<vmem>>, vector<16xf32>,
      tpu.vector_store %arg26[%swap3A_386], %max3A_385 {strides = array<i32>} : memref<640xf32, #tpu.memory_space<vmem>>, vector<16xf32>,
      %get3A_388 = arith.constant 0 : i32
      %get3A_389 = arith.index_cast %get3A_388 : i32 to index
      %get3A_390 = arith.constant 448 : index
      %get3A_391 = tpu.vector_load %arg28[%get3A_389, %get3A_390] {strides = array<i32>} : memref<16x640xf32, #tpu.memory_space<vmem>>, vector<16xf32>,
      %get3A_392 = arith.constant 1 : i32
      %get3A_393 = arith.index_cast %get3A_392 : i32 to index
      %get3A_394 = arith.constant 448 : index
      %get3A_395 = tpu.vector_load %arg28[%get3A_393, %get3A_394] {strides = array<i32>} : memref<16x640xf32, #tpu.memory_space<vmem>>, vector<16xf32>,
      %max3A_396 = arith.maximumf %get3A_391, %get3A_395 : vector<16xf32>
      %swap3A_397 = arith.constant 448 : index
      %swap3A_398 = tpu.vector_load %arg26[%swap3A_397] {strides = array<i32>} : memref<640xf32, #tpu.memory_space<vmem>>, vector<16xf32>,
      tpu.vector_store %arg26[%swap3A_397], %max3A_396 {strides = array<i32>} : memref<640xf32, #tpu.memory_space<vmem>>, vector<16xf32>,
      %get3A_399 = arith.constant 0 : i32
      %get3A_400 = arith.index_cast %get3A_399 : i32 to index
      %get3A_401 = arith.constant 464 : index
      %get3A_402 = tpu.vector_load %arg28[%get3A_400, %get3A_401] {strides = array<i32>} : memref<16x640xf32, #tpu.memory_space<vmem>>, vector<16xf32>,
      %get3A_403 = arith.constant 1 : i32
      %get3A_404 = arith.index_cast %get3A_403 : i32 to index
      %get3A_405 = arith.constant 464 : index
      %get3A_406 = tpu.vector_load %arg28[%get3A_404, %get3A_405] {strides = array<i32>} : memref<16x640xf32, #tpu.memory_space<vmem>>, vector<16xf32>,
      %max3A_407 = arith.maximumf %get3A_402, %get3A_406 : vector<16xf32>
      %swap3A_408 = arith.constant 464 : index
      %swap3A_409 = tpu.vector_load %arg26[%swap3A_408] {strides = array<i32>} : memref<640xf32, #tpu.memory_space<vmem>>, vector<16xf32>,
      tpu.vector_store %arg26[%swap3A_408], %max3A_407 {strides = array<i32>} : memref<640xf32, #tpu.memory_space<vmem>>, vector<16xf32>,
      %get3A_410 = arith.constant 0 : i32
      %get3A_411 = arith.index_cast %get3A_410 : i32 to index
      %get3A_412 = arith.constant 480 : index
      %get3A_413 = tpu.vector_load %arg28[%get3A_411, %get3A_412] {strides = array<i32>} : memref<16x640xf32, #tpu.memory_space<vmem>>, vector<16xf32>,
      %get3A_414 = arith.constant 1 : i32
      %get3A_415 = arith.index_cast %get3A_414 : i32 to index
      %get3A_416 = arith.constant 480 : index
      %get3A_417 = tpu.vector_load %arg28[%get3A_415, %get3A_416] {strides = array<i32>} : memref<16x640xf32, #tpu.memory_space<vmem>>, vector<16xf32>,
      %max3A_418 = arith.maximumf %get3A_413, %get3A_417 : vector<16xf32>
      %swap3A_419 = arith.constant 480 : index
      %swap3A_420 = tpu.vector_load %arg26[%swap3A_419] {strides = array<i32>} : memref<640xf32, #tpu.memory_space<vmem>>, vector<16xf32>,
      tpu.vector_store %arg26[%swap3A_419], %max3A_418 {strides = array<i32>} : memref<640xf32, #tpu.memory_space<vmem>>, vector<16xf32>,
      %get3A_421 = arith.constant 0 : i32
      %get3A_422 = arith.index_cast %get3A_421 : i32 to index
      %get3A_423 = arith.constant 496 : index
      %get3A_424 = tpu.vector_load %arg28[%get3A_422, %get3A_423] {strides = array<i32>} : memref<16x640xf32, #tpu.memory_space<vmem>>, vector<16xf32>,
      %get3A_425 = arith.constant 1 : i32
      %get3A_426 = arith.index_cast %get3A_425 : i32 to index
      %get3A_427 = arith.constant 496 : index
      %get3A_428 = tpu.vector_load %arg28[%get3A_426, %get3A_427] {strides = array<i32>} : memref<16x640xf32, #tpu.memory_space<vmem>>, vector<16xf32>,
      %max3A_429 = arith.maximumf %get3A_424, %get3A_428 : vector<16xf32>
      %swap3A_430 = arith.constant 496 : index
      %swap3A_431 = tpu.vector_load %arg26[%swap3A_430] {strides = array<i32>} : memref<640xf32, #tpu.memory_space<vmem>>, vector<16xf32>,
      tpu.vector_store %arg26[%swap3A_430], %max3A_429 {strides = array<i32>} : memref<640xf32, #tpu.memory_space<vmem>>, vector<16xf32>,
      %get3A_432 = arith.constant 0 : i32
      %get3A_433 = arith.index_cast %get3A_432 : i32 to index
      %get3A_434 = arith.constant 512 : index
      %get3A_435 = tpu.vector_load %arg28[%get3A_433, %get3A_434] {strides = array<i32>} : memref<16x640xf32, #tpu.memory_space<vmem>>, vector<16xf32>,
      %get3A_436 = arith.constant 1 : i32
      %get3A_437 = arith.index_cast %get3A_436 : i32 to index
      %get3A_438 = arith.constant 512 : index
      %get3A_439 = tpu.vector_load %arg28[%get3A_437, %get3A_438] {strides = array<i32>} : memref<16x640xf32, #tpu.memory_space<vmem>>, vector<16xf32>,
      %max3A_440 = arith.maximumf %get3A_435, %get3A_439 : vector<16xf32>
      %swap3A_441 = arith.constant 512 : index
      %swap3A_442 = tpu.vector_load %arg26[%swap3A_441] {strides = array<i32>} : memref<640xf32, #tpu.memory_space<vmem>>, vector<16xf32>,
      tpu.vector_store %arg26[%swap3A_441], %max3A_440 {strides = array<i32>} : memref<640xf32, #tpu.memory_space<vmem>>, vector<16xf32>,
      %get3A_443 = arith.constant 0 : i32
      %get3A_444 = arith.index_cast %get3A_443 : i32 to index
      %get3A_445 = arith.constant 528 : index
      %get3A_446 = tpu.vector_load %arg28[%get3A_444, %get3A_445] {strides = array<i32>} : memref<16x640xf32, #tpu.memory_space<vmem>>, vector<16xf32>,
      %get3A_447 = arith.constant 1 : i32
      %get3A_448 = arith.index_cast %get3A_447 : i32 to index
      %get3A_449 = arith.constant 528 : index
      %get3A_450 = tpu.vector_load %arg28[%get3A_448, %get3A_449] {strides = array<i32>} : memref<16x640xf32, #tpu.memory_space<vmem>>, vector<16xf32>,
      %max3A_451 = arith.maximumf %get3A_446, %get3A_450 : vector<16xf32>
      %swap3A_452 = arith.constant 528 : index
      %swap3A_453 = tpu.vector_load %arg26[%swap3A_452] {strides = array<i32>} : memref<640xf32, #tpu.memory_space<vmem>>, vector<16xf32>,
      tpu.vector_store %arg26[%swap3A_452], %max3A_451 {strides = array<i32>} : memref<640xf32, #tpu.memory_space<vmem>>, vector<16xf32>,
      %get3A_454 = arith.constant 0 : i32
      %get3A_455 = arith.index_cast %get3A_454 : i32 to index
      %get3A_456 = arith.constant 544 : index
      %get3A_457 = tpu.vector_load %arg28[%get3A_455, %get3A_456] {strides = array<i32>} : memref<16x640xf32, #tpu.memory_space<vmem>>, vector<16xf32>,
      %get3A_458 = arith.constant 1 : i32
      %get3A_459 = arith.index_cast %get3A_458 : i32 to index
      %get3A_460 = arith.constant 544 : index
      %get3A_461 = tpu.vector_load %arg28[%get3A_459, %get3A_460] {strides = array<i32>} : memref<16x640xf32, #tpu.memory_space<vmem>>, vector<16xf32>,
      %max3A_462 = arith.maximumf %get3A_457, %get3A_461 : vector<16xf32>
      %swap3A_463 = arith.constant 544 : index
      %swap3A_464 = tpu.vector_load %arg26[%swap3A_463] {strides = array<i32>} : memref<640xf32, #tpu.memory_space<vmem>>, vector<16xf32>,
      tpu.vector_store %arg26[%swap3A_463], %max3A_462 {strides = array<i32>} : memref<640xf32, #tpu.memory_space<vmem>>, vector<16xf32>,
      %get3A_465 = arith.constant 0 : i32
      %get3A_466 = arith.index_cast %get3A_465 : i32 to index
      %get3A_467 = arith.constant 560 : index
      %get3A_468 = tpu.vector_load %arg28[%get3A_466, %get3A_467] {strides = array<i32>} : memref<16x640xf32, #tpu.memory_space<vmem>>, vector<16xf32>,
      %get3A_469 = arith.constant 1 : i32
      %get3A_470 = arith.index_cast %get3A_469 : i32 to index
      %get3A_471 = arith.constant 560 : index
      %get3A_472 = tpu.vector_load %arg28[%get3A_470, %get3A_471] {strides = array<i32>} : memref<16x640xf32, #tpu.memory_space<vmem>>, vector<16xf32>,
      %max3A_473 = arith.maximumf %get3A_468, %get3A_472 : vector<16xf32>
      %swap3A_474 = arith.constant 560 : index
      %swap3A_475 = tpu.vector_load %arg26[%swap3A_474] {strides = array<i32>} : memref<640xf32, #tpu.memory_space<vmem>>, vector<16xf32>,
      tpu.vector_store %arg26[%swap3A_474], %max3A_473 {strides = array<i32>} : memref<640xf32, #tpu.memory_space<vmem>>, vector<16xf32>,
      %get3A_476 = arith.constant 0 : i32
      %get3A_477 = arith.index_cast %get3A_476 : i32 to index
      %get3A_478 = arith.constant 576 : index
      %get3A_479 = tpu.vector_load %arg28[%get3A_477, %get3A_478] {strides = array<i32>} : memref<16x640xf32, #tpu.memory_space<vmem>>, vector<16xf32>,
      %get3A_480 = arith.constant 1 : i32
      %get3A_481 = arith.index_cast %get3A_480 : i32 to index
      %get3A_482 = arith.constant 576 : index
      %get3A_483 = tpu.vector_load %arg28[%get3A_481, %get3A_482] {strides = array<i32>} : memref<16x640xf32, #tpu.memory_space<vmem>>, vector<16xf32>,
      %max3A_484 = arith.maximumf %get3A_479, %get3A_483 : vector<16xf32>
      %swap3A_485 = arith.constant 576 : index
      %swap3A_486 = tpu.vector_load %arg26[%swap3A_485] {strides = array<i32>} : memref<640xf32, #tpu.memory_space<vmem>>, vector<16xf32>,
      tpu.vector_store %arg26[%swap3A_485], %max3A_484 {strides = array<i32>} : memref<640xf32, #tpu.memory_space<vmem>>, vector<16xf32>,
      %get3A_487 = arith.constant 0 : i32
      %get3A_488 = arith.index_cast %get3A_487 : i32 to index
      %get3A_489 = arith.constant 592 : index
      %get3A_490 = tpu.vector_load %arg28[%get3A_488, %get3A_489] {strides = array<i32>} : memref<16x640xf32, #tpu.memory_space<vmem>>, vector<16xf32>,
      %get3A_491 = arith.constant 1 : i32
      %get3A_492 = arith.index_cast %get3A_491 : i32 to index
      %get3A_493 = arith.constant 592 : index
      %get3A_494 = tpu.vector_load %arg28[%get3A_492, %get3A_493] {strides = array<i32>} : memref<16x640xf32, #tpu.memory_space<vmem>>, vector<16xf32>,
      %max3A_495 = arith.maximumf %get3A_490, %get3A_494 : vector<16xf32>
      %swap3A_496 = arith.constant 592 : index
      %swap3A_497 = tpu.vector_load %arg26[%swap3A_496] {strides = array<i32>} : memref<640xf32, #tpu.memory_space<vmem>>, vector<16xf32>,
      tpu.vector_store %arg26[%swap3A_496], %max3A_495 {strides = array<i32>} : memref<640xf32, #tpu.memory_space<vmem>>, vector<16xf32>,
      %get3A_498 = arith.constant 0 : i32
      %get3A_499 = arith.index_cast %get3A_498 : i32 to index
      %get3A_500 = arith.constant 608 : index
      %get3A_501 = tpu.vector_load %arg28[%get3A_499, %get3A_500] {strides = array<i32>} : memref<16x640xf32, #tpu.memory_space<vmem>>, vector<16xf32>,
      %get3A_502 = arith.constant 1 : i32
      %get3A_503 = arith.index_cast %get3A_502 : i32 to index
      %get3A_504 = arith.constant 608 : index
      %get3A_505 = tpu.vector_load %arg28[%get3A_503, %get3A_504] {strides = array<i32>} : memref<16x640xf32, #tpu.memory_space<vmem>>, vector<16xf32>,
      %max3A_506 = arith.maximumf %get3A_501, %get3A_505 : vector<16xf32>
      %swap3A_507 = arith.constant 608 : index
      %swap3A_508 = tpu.vector_load %arg26[%swap3A_507] {strides = array<i32>} : memref<640xf32, #tpu.memory_space<vmem>>, vector<16xf32>,
      tpu.vector_store %arg26[%swap3A_507], %max3A_506 {strides = array<i32>} : memref<640xf32, #tpu.memory_space<vmem>>, vector<16xf32>,
      %get3A_509 = arith.constant 0 : i32
      %get3A_510 = arith.index_cast %get3A_509 : i32 to index
      %get3A_511 = arith.constant 624 : index
      %get3A_512 = tpu.vector_load %arg28[%get3A_510, %get3A_511] {strides = array<i32>} : memref<16x640xf32, #tpu.memory_space<vmem>>, vector<16xf32>,
      %get3A_513 = arith.constant 1 : i32
      %get3A_514 = arith.index_cast %get3A_513 : i32 to index
      %get3A_515 = arith.constant 624 : index
      %get3A_516 = tpu.vector_load %arg28[%get3A_514, %get3A_515] {strides = array<i32>} : memref<16x640xf32, #tpu.memory_space<vmem>>, vector<16xf32>,
      %max3A_517 = arith.maximumf %get3A_512, %get3A_516 : vector<16xf32>
      %swap3A_518 = arith.constant 624 : index
      %swap3A_519 = tpu.vector_load %arg26[%swap3A_518] {strides = array<i32>} : memref<640xf32, #tpu.memory_space<vmem>>, vector<16xf32>,
      tpu.vector_store %arg26[%swap3A_518], %max3A_517 {strides = array<i32>} : memref<640xf32, #tpu.memory_space<vmem>>, vector<16xf32>,
      %scan3A_520 = arith.constant 0 : i32
      %scan3A_521 = arith.constant 2 : i32
      %scan3A_522 = arith.constant 14 : i32
      %scan3A_523 = arith.addi %scan3A_521, %scan3A_522 : i32
      %scan3A_524 = arith.constant 1 : i32
      scf.for %scan3A_820 = %scan3A_521 to %scan3A_523 step %scan3A_524  : i32 {
        %get3A_821 = arith.constant 0 : index
        %get3A_822 = tpu.vector_load %arg26[%get3A_821] {strides = array<i32>} : memref<640xf32, #tpu.memory_space<vmem>>, vector<16xf32>,
        %get3A_823 = arith.index_cast %scan3A_820 : i32 to index
        %get3A_824 = arith.constant 0 : index
        %get3A_825 = tpu.vector_load %arg28[%get3A_823, %get3A_824] {strides = array<i32>} : memref<16x640xf32, #tpu.memory_space<vmem>>, vector<16xf32>,
        %max3A_826 = arith.maximumf %get3A_822, %get3A_825 : vector<16xf32>
        %swap3A_827 = arith.constant 0 : index
        %swap3A_828 = tpu.vector_load %arg26[%swap3A_827] {strides = array<i32>} : memref<640xf32, #tpu.memory_space<vmem>>, vector<16xf32>,
        tpu.vector_store %arg26[%swap3A_827], %max3A_826 {strides = array<i32>} : memref<640xf32, #tpu.memory_space<vmem>>, vector<16xf32>,
        %get3A_829 = arith.constant 16 : index
        %get3A_830 = tpu.vector_load %arg26[%get3A_829] {strides = array<i32>} : memref<640xf32, #tpu.memory_space<vmem>>, vector<16xf32>,
        %get3A_831 = arith.index_cast %scan3A_820 : i32 to index
        %get3A_832 = arith.constant 16 : index
        %get3A_833 = tpu.vector_load %arg28[%get3A_831, %get3A_832] {strides = array<i32>} : memref<16x640xf32, #tpu.memory_space<vmem>>, vector<16xf32>,
        %max3A_834 = arith.maximumf %get3A_830, %get3A_833 : vector<16xf32>
        %swap3A_835 = arith.constant 16 : index
        %swap3A_836 = tpu.vector_load %arg26[%swap3A_835] {strides = array<i32>} : memref<640xf32, #tpu.memory_space<vmem>>, vector<16xf32>,
        tpu.vector_store %arg26[%swap3A_835], %max3A_834 {strides = array<i32>} : memref<640xf32, #tpu.memory_space<vmem>>, vector<16xf32>,
        %get3A_837 = arith.constant 32 : index
        %get3A_838 = tpu.vector_load %arg26[%get3A_837] {strides = array<i32>} : memref<640xf32, #tpu.memory_space<vmem>>, vector<16xf32>,
        %get3A_839 = arith.index_cast %scan3A_820 : i32 to index
        %get3A_840 = arith.constant 32 : index
        %get3A_841 = tpu.vector_load %arg28[%get3A_839, %get3A_840] {strides = array<i32>} : memref<16x640xf32, #tpu.memory_space<vmem>>, vector<16xf32>,
        %max3A_842 = arith.maximumf %get3A_838, %get3A_841 : vector<16xf32>
        %swap3A_843 = arith.constant 32 : index
        %swap3A_844 = tpu.vector_load %arg26[%swap3A_843] {strides = array<i32>} : memref<640xf32, #tpu.memory_space<vmem>>, vector<16xf32>,
        tpu.vector_store %arg26[%swap3A_843], %max3A_842 {strides = array<i32>} : memref<640xf32, #tpu.memory_space<vmem>>, vector<16xf32>,
        %get3A_845 = arith.constant 48 : index
        %get3A_846 = tpu.vector_load %arg26[%get3A_845] {strides = array<i32>} : memref<640xf32, #tpu.memory_space<vmem>>, vector<16xf32>,
        %get3A_847 = arith.index_cast %scan3A_820 : i32 to index
        %get3A_848 = arith.constant 48 : index
        %get3A_849 = tpu.vector_load %arg28[%get3A_847, %get3A_848] {strides = array<i32>} : memref<16x640xf32, #tpu.memory_space<vmem>>, vector<16xf32>,
        %max3A_850 = arith.maximumf %get3A_846, %get3A_849 : vector<16xf32>
        %swap3A_851 = arith.constant 48 : index
        %swap3A_852 = tpu.vector_load %arg26[%swap3A_851] {strides = array<i32>} : memref<640xf32, #tpu.memory_space<vmem>>, vector<16xf32>,
        tpu.vector_store %arg26[%swap3A_851], %max3A_850 {strides = array<i32>} : memref<640xf32, #tpu.memory_space<vmem>>, vector<16xf32>,
        %get3A_853 = arith.constant 64 : index
        %get3A_854 = tpu.vector_load %arg26[%get3A_853] {strides = array<i32>} : memref<640xf32, #tpu.memory_space<vmem>>, vector<16xf32>,
        %get3A_855 = arith.index_cast %scan3A_820 : i32 to index
        %get3A_856 = arith.constant 64 : index
        %get3A_857 = tpu.vector_load %arg28[%get3A_855, %get3A_856] {strides = array<i32>} : memref<16x640xf32, #tpu.memory_space<vmem>>, vector<16xf32>,
        %max3A_858 = arith.maximumf %get3A_854, %get3A_857 : vector<16xf32>
        %swap3A_859 = arith.constant 64 : index
        %swap3A_860 = tpu.vector_load %arg26[%swap3A_859] {strides = array<i32>} : memref<640xf32, #tpu.memory_space<vmem>>, vector<16xf32>,
        tpu.vector_store %arg26[%swap3A_859], %max3A_858 {strides = array<i32>} : memref<640xf32, #tpu.memory_space<vmem>>, vector<16xf32>,
        %get3A_861 = arith.constant 80 : index
        %get3A_862 = tpu.vector_load %arg26[%get3A_861] {strides = array<i32>} : memref<640xf32, #tpu.memory_space<vmem>>, vector<16xf32>,
        %get3A_863 = arith.index_cast %scan3A_820 : i32 to index
        %get3A_864 = arith.constant 80 : index
        %get3A_865 = tpu.vector_load %arg28[%get3A_863, %get3A_864] {strides = array<i32>} : memref<16x640xf32, #tpu.memory_space<vmem>>, vector<16xf32>,
        %max3A_866 = arith.maximumf %get3A_862, %get3A_865 : vector<16xf32>
        %swap3A_867 = arith.constant 80 : index
        %swap3A_868 = tpu.vector_load %arg26[%swap3A_867] {strides = array<i32>} : memref<640xf32, #tpu.memory_space<vmem>>, vector<16xf32>,
        tpu.vector_store %arg26[%swap3A_867], %max3A_866 {strides = array<i32>} : memref<640xf32, #tpu.memory_space<vmem>>, vector<16xf32>,
        %get3A_869 = arith.constant 96 : index
        %get3A_870 = tpu.vector_load %arg26[%get3A_869] {strides = array<i32>} : memref<640xf32, #tpu.memory_space<vmem>>, vector<16xf32>,
        %get3A_871 = arith.index_cast %scan3A_820 : i32 to index
        %get3A_872 = arith.constant 96 : index
        %get3A_873 = tpu.vector_load %arg28[%get3A_871, %get3A_872] {strides = array<i32>} : memref<16x640xf32, #tpu.memory_space<vmem>>, vector<16xf32>,
        %max3A_874 = arith.maximumf %get3A_870, %get3A_873 : vector<16xf32>
        %swap3A_875 = arith.constant 96 : index
        %swap3A_876 = tpu.vector_load %arg26[%swap3A_875] {strides = array<i32>} : memref<640xf32, #tpu.memory_space<vmem>>, vector<16xf32>,
        tpu.vector_store %arg26[%swap3A_875], %max3A_874 {strides = array<i32>} : memref<640xf32, #tpu.memory_space<vmem>>, vector<16xf32>,
        %get3A_877 = arith.constant 112 : index
        %get3A_878 = tpu.vector_load %arg26[%get3A_877] {strides = array<i32>} : memref<640xf32, #tpu.memory_space<vmem>>, vector<16xf32>,
        %get3A_879 = arith.index_cast %scan3A_820 : i32 to index
        %get3A_880 = arith.constant 112 : index
        %get3A_881 = tpu.vector_load %arg28[%get3A_879, %get3A_880] {strides = array<i32>} : memref<16x640xf32, #tpu.memory_space<vmem>>, vector<16xf32>,
        %max3A_882 = arith.maximumf %get3A_878, %get3A_881 : vector<16xf32>
        %swap3A_883 = arith.constant 112 : index
        %swap3A_884 = tpu.vector_load %arg26[%swap3A_883] {strides = array<i32>} : memref<640xf32, #tpu.memory_space<vmem>>, vector<16xf32>,
        tpu.vector_store %arg26[%swap3A_883], %max3A_882 {strides = array<i32>} : memref<640xf32, #tpu.memory_space<vmem>>, vector<16xf32>,
        %get3A_885 = arith.constant 128 : index
        %get3A_886 = tpu.vector_load %arg26[%get3A_885] {strides = array<i32>} : memref<640xf32, #tpu.memory_space<vmem>>, vector<16xf32>,
        %get3A_887 = arith.index_cast %scan3A_820 : i32 to index
        %get3A_888 = arith.constant 128 : index
        %get3A_889 = tpu.vector_load %arg28[%get3A_887, %get3A_888] {strides = array<i32>} : memref<16x640xf32, #tpu.memory_space<vmem>>, vector<16xf32>,
        %max3A_890 = arith.maximumf %get3A_886, %get3A_889 : vector<16xf32>
        %swap3A_891 = arith.constant 128 : index
        %swap3A_892 = tpu.vector_load %arg26[%swap3A_891] {strides = array<i32>} : memref<640xf32, #tpu.memory_space<vmem>>, vector<16xf32>,
        tpu.vector_store %arg26[%swap3A_891], %max3A_890 {strides = array<i32>} : memref<640xf32, #tpu.memory_space<vmem>>, vector<16xf32>,
        %get3A_893 = arith.constant 144 : index
        %get3A_894 = tpu.vector_load %arg26[%get3A_893] {strides = array<i32>} : memref<640xf32, #tpu.memory_space<vmem>>, vector<16xf32>,
        %get3A_895 = arith.index_cast %scan3A_820 : i32 to index
        %get3A_896 = arith.constant 144 : index
        %get3A_897 = tpu.vector_load %arg28[%get3A_895, %get3A_896] {strides = array<i32>} : memref<16x640xf32, #tpu.memory_space<vmem>>, vector<16xf32>,
        %max3A_898 = arith.maximumf %get3A_894, %get3A_897 : vector<16xf32>
        %swap3A_899 = arith.constant 144 : index
        %swap3A_900 = tpu.vector_load %arg26[%swap3A_899] {strides = array<i32>} : memref<640xf32, #tpu.memory_space<vmem>>, vector<16xf32>,
        tpu.vector_store %arg26[%swap3A_899], %max3A_898 {strides = array<i32>} : memref<640xf32, #tpu.memory_space<vmem>>, vector<16xf32>,
        %get3A_901 = arith.constant 160 : index
        %get3A_902 = tpu.vector_load %arg26[%get3A_901] {strides = array<i32>} : memref<640xf32, #tpu.memory_space<vmem>>, vector<16xf32>,
        %get3A_903 = arith.index_cast %scan3A_820 : i32 to index
        %get3A_904 = arith.constant 160 : index
        %get3A_905 = tpu.vector_load %arg28[%get3A_903, %get3A_904] {strides = array<i32>} : memref<16x640xf32, #tpu.memory_space<vmem>>, vector<16xf32>,
        %max3A_906 = arith.maximumf %get3A_902, %get3A_905 : vector<16xf32>
        %swap3A_907 = arith.constant 160 : index
        %swap3A_908 = tpu.vector_load %arg26[%swap3A_907] {strides = array<i32>} : memref<640xf32, #tpu.memory_space<vmem>>, vector<16xf32>,
        tpu.vector_store %arg26[%swap3A_907], %max3A_906 {strides = array<i32>} : memref<640xf32, #tpu.memory_space<vmem>>, vector<16xf32>,
        %get3A_909 = arith.constant 176 : index
        %get3A_910 = tpu.vector_load %arg26[%get3A_909] {strides = array<i32>} : memref<640xf32, #tpu.memory_space<vmem>>, vector<16xf32>,
        %get3A_911 = arith.index_cast %scan3A_820 : i32 to index
        %get3A_912 = arith.constant 176 : index
        %get3A_913 = tpu.vector_load %arg28[%get3A_911, %get3A_912] {strides = array<i32>} : memref<16x640xf32, #tpu.memory_space<vmem>>, vector<16xf32>,
        %max3A_914 = arith.maximumf %get3A_910, %get3A_913 : vector<16xf32>
        %swap3A_915 = arith.constant 176 : index
        %swap3A_916 = tpu.vector_load %arg26[%swap3A_915] {strides = array<i32>} : memref<640xf32, #tpu.memory_space<vmem>>, vector<16xf32>,
        tpu.vector_store %arg26[%swap3A_915], %max3A_914 {strides = array<i32>} : memref<640xf32, #tpu.memory_space<vmem>>, vector<16xf32>,
        %get3A_917 = arith.constant 192 : index
        %get3A_918 = tpu.vector_load %arg26[%get3A_917] {strides = array<i32>} : memref<640xf32, #tpu.memory_space<vmem>>, vector<16xf32>,
        %get3A_919 = arith.index_cast %scan3A_820 : i32 to index
        %get3A_920 = arith.constant 192 : index
        %get3A_921 = tpu.vector_load %arg28[%get3A_919, %get3A_920] {strides = array<i32>} : memref<16x640xf32, #tpu.memory_space<vmem>>, vector<16xf32>,
        %max3A_922 = arith.maximumf %get3A_918, %get3A_921 : vector<16xf32>
        %swap3A_923 = arith.constant 192 : index
        %swap3A_924 = tpu.vector_load %arg26[%swap3A_923] {strides = array<i32>} : memref<640xf32, #tpu.memory_space<vmem>>, vector<16xf32>,
        tpu.vector_store %arg26[%swap3A_923], %max3A_922 {strides = array<i32>} : memref<640xf32, #tpu.memory_space<vmem>>, vector<16xf32>,
        %get3A_925 = arith.constant 208 : index
        %get3A_926 = tpu.vector_load %arg26[%get3A_925] {strides = array<i32>} : memref<640xf32, #tpu.memory_space<vmem>>, vector<16xf32>,
        %get3A_927 = arith.index_cast %scan3A_820 : i32 to index
        %get3A_928 = arith.constant 208 : index
        %get3A_929 = tpu.vector_load %arg28[%get3A_927, %get3A_928] {strides = array<i32>} : memref<16x640xf32, #tpu.memory_space<vmem>>, vector<16xf32>,
        %max3A_930 = arith.maximumf %get3A_926, %get3A_929 : vector<16xf32>
        %swap3A_931 = arith.constant 208 : index
        %swap3A_932 = tpu.vector_load %arg26[%swap3A_931] {strides = array<i32>} : memref<640xf32, #tpu.memory_space<vmem>>, vector<16xf32>,
        tpu.vector_store %arg26[%swap3A_931], %max3A_930 {strides = array<i32>} : memref<640xf32, #tpu.memory_space<vmem>>, vector<16xf32>,
        %get3A_933 = arith.constant 224 : index
        %get3A_934 = tpu.vector_load %arg26[%get3A_933] {strides = array<i32>} : memref<640xf32, #tpu.memory_space<vmem>>, vector<16xf32>,
        %get3A_935 = arith.index_cast %scan3A_820 : i32 to index
        %get3A_936 = arith.constant 224 : index
        %get3A_937 = tpu.vector_load %arg28[%get3A_935, %get3A_936] {strides = array<i32>} : memref<16x640xf32, #tpu.memory_space<vmem>>, vector<16xf32>,
        %max3A_938 = arith.maximumf %get3A_934, %get3A_937 : vector<16xf32>
        %swap3A_939 = arith.constant 224 : index
        %swap3A_940 = tpu.vector_load %arg26[%swap3A_939] {strides = array<i32>} : memref<640xf32, #tpu.memory_space<vmem>>, vector<16xf32>,
        tpu.vector_store %arg26[%swap3A_939], %max3A_938 {strides = array<i32>} : memref<640xf32, #tpu.memory_space<vmem>>, vector<16xf32>,
        %get3A_941 = arith.constant 240 : index
        %get3A_942 = tpu.vector_load %arg26[%get3A_941] {strides = array<i32>} : memref<640xf32, #tpu.memory_space<vmem>>, vector<16xf32>,
        %get3A_943 = arith.index_cast %scan3A_820 : i32 to index
        %get3A_944 = arith.constant 240 : index
        %get3A_945 = tpu.vector_load %arg28[%get3A_943, %get3A_944] {strides = array<i32>} : memref<16x640xf32, #tpu.memory_space<vmem>>, vector<16xf32>,
        %max3A_946 = arith.maximumf %get3A_942, %get3A_945 : vector<16xf32>
        %swap3A_947 = arith.constant 240 : index
        %swap3A_948 = tpu.vector_load %arg26[%swap3A_947] {strides = array<i32>} : memref<640xf32, #tpu.memory_space<vmem>>, vector<16xf32>,
        tpu.vector_store %arg26[%swap3A_947], %max3A_946 {strides = array<i32>} : memref<640xf32, #tpu.memory_space<vmem>>, vector<16xf32>,
        %get3A_949 = arith.constant 256 : index
        %get3A_950 = tpu.vector_load %arg26[%get3A_949] {strides = array<i32>} : memref<640xf32, #tpu.memory_space<vmem>>, vector<16xf32>,
        %get3A_951 = arith.index_cast %scan3A_820 : i32 to index
        %get3A_952 = arith.constant 256 : index
        %get3A_953 = tpu.vector_load %arg28[%get3A_951, %get3A_952] {strides = array<i32>} : memref<16x640xf32, #tpu.memory_space<vmem>>, vector<16xf32>,
        %max3A_954 = arith.maximumf %get3A_950, %get3A_953 : vector<16xf32>
        %swap3A_955 = arith.constant 256 : index
        %swap3A_956 = tpu.vector_load %arg26[%swap3A_955] {strides = array<i32>} : memref<640xf32, #tpu.memory_space<vmem>>, vector<16xf32>,
        tpu.vector_store %arg26[%swap3A_955], %max3A_954 {strides = array<i32>} : memref<640xf32, #tpu.memory_space<vmem>>, vector<16xf32>,
        %get3A_957 = arith.constant 272 : index
        %get3A_958 = tpu.vector_load %arg26[%get3A_957] {strides = array<i32>} : memref<640xf32, #tpu.memory_space<vmem>>, vector<16xf32>,
        %get3A_959 = arith.index_cast %scan3A_820 : i32 to index
        %get3A_960 = arith.constant 272 : index
        %get3A_961 = tpu.vector_load %arg28[%get3A_959, %get3A_960] {strides = array<i32>} : memref<16x640xf32, #tpu.memory_space<vmem>>, vector<16xf32>,
        %max3A_962 = arith.maximumf %get3A_958, %get3A_961 : vector<16xf32>
        %swap3A_963 = arith.constant 272 : index
        %swap3A_964 = tpu.vector_load %arg26[%swap3A_963] {strides = array<i32>} : memref<640xf32, #tpu.memory_space<vmem>>, vector<16xf32>,
        tpu.vector_store %arg26[%swap3A_963], %max3A_962 {strides = array<i32>} : memref<640xf32, #tpu.memory_space<vmem>>, vector<16xf32>,
        %get3A_965 = arith.constant 288 : index
        %get3A_966 = tpu.vector_load %arg26[%get3A_965] {strides = array<i32>} : memref<640xf32, #tpu.memory_space<vmem>>, vector<16xf32>,
        %get3A_967 = arith.index_cast %scan3A_820 : i32 to index
        %get3A_968 = arith.constant 288 : index
        %get3A_969 = tpu.vector_load %arg28[%get3A_967, %get3A_968] {strides = array<i32>} : memref<16x640xf32, #tpu.memory_space<vmem>>, vector<16xf32>,
        %max3A_970 = arith.maximumf %get3A_966, %get3A_969 : vector<16xf32>
        %swap3A_971 = arith.constant 288 : index
        %swap3A_972 = tpu.vector_load %arg26[%swap3A_971] {strides = array<i32>} : memref<640xf32, #tpu.memory_space<vmem>>, vector<16xf32>,
        tpu.vector_store %arg26[%swap3A_971], %max3A_970 {strides = array<i32>} : memref<640xf32, #tpu.memory_space<vmem>>, vector<16xf32>,
        %get3A_973 = arith.constant 304 : index
        %get3A_974 = tpu.vector_load %arg26[%get3A_973] {strides = array<i32>} : memref<640xf32, #tpu.memory_space<vmem>>, vector<16xf32>,
        %get3A_975 = arith.index_cast %scan3A_820 : i32 to index
        %get3A_976 = arith.constant 304 : index
        %get3A_977 = tpu.vector_load %arg28[%get3A_975, %get3A_976] {strides = array<i32>} : memref<16x640xf32, #tpu.memory_space<vmem>>, vector<16xf32>,
        %max3A_978 = arith.maximumf %get3A_974, %get3A_977 : vector<16xf32>
        %swap3A_979 = arith.constant 304 : index
        %swap3A_980 = tpu.vector_load %arg26[%swap3A_979] {strides = array<i32>} : memref<640xf32, #tpu.memory_space<vmem>>, vector<16xf32>,
        tpu.vector_store %arg26[%swap3A_979], %max3A_978 {strides = array<i32>} : memref<640xf32, #tpu.memory_space<vmem>>, vector<16xf32>,
        %get3A_981 = arith.constant 320 : index
        %get3A_982 = tpu.vector_load %arg26[%get3A_981] {strides = array<i32>} : memref<640xf32, #tpu.memory_space<vmem>>, vector<16xf32>,
        %get3A_983 = arith.index_cast %scan3A_820 : i32 to index
        %get3A_984 = arith.constant 320 : index
        %get3A_985 = tpu.vector_load %arg28[%get3A_983, %get3A_984] {strides = array<i32>} : memref<16x640xf32, #tpu.memory_space<vmem>>, vector<16xf32>,
        %max3A_986 = arith.maximumf %get3A_982, %get3A_985 : vector<16xf32>
        %swap3A_987 = arith.constant 320 : index
        %swap3A_988 = tpu.vector_load %arg26[%swap3A_987] {strides = array<i32>} : memref<640xf32, #tpu.memory_space<vmem>>, vector<16xf32>,
        tpu.vector_store %arg26[%swap3A_987], %max3A_986 {strides = array<i32>} : memref<640xf32, #tpu.memory_space<vmem>>, vector<16xf32>,
        %get3A_989 = arith.constant 336 : index
        %get3A_990 = tpu.vector_load %arg26[%get3A_989] {strides = array<i32>} : memref<640xf32, #tpu.memory_space<vmem>>, vector<16xf32>,
        %get3A_991 = arith.index_cast %scan3A_820 : i32 to index
        %get3A_992 = arith.constant 336 : index
        %get3A_993 = tpu.vector_load %arg28[%get3A_991, %get3A_992] {strides = array<i32>} : memref<16x640xf32, #tpu.memory_space<vmem>>, vector<16xf32>,
        %max3A_994 = arith.maximumf %get3A_990, %get3A_993 : vector<16xf32>
        %swap3A_995 = arith.constant 336 : index
        %swap3A_996 = tpu.vector_load %arg26[%swap3A_995] {strides = array<i32>} : memref<640xf32, #tpu.memory_space<vmem>>, vector<16xf32>,
        tpu.vector_store %arg26[%swap3A_995], %max3A_994 {strides = array<i32>} : memref<640xf32, #tpu.memory_space<vmem>>, vector<16xf32>,
        %get3A_997 = arith.constant 352 : index
        %get3A_998 = tpu.vector_load %arg26[%get3A_997] {strides = array<i32>} : memref<640xf32, #tpu.memory_space<vmem>>, vector<16xf32>,
        %get3A_999 = arith.index_cast %scan3A_820 : i32 to index
        %get3A_1000 = arith.constant 352 : index
        %get3A_1001 = tpu.vector_load %arg28[%get3A_999, %get3A_1000] {strides = array<i32>} : memref<16x640xf32, #tpu.memory_space<vmem>>, vector<16xf32>,
        %max3A_1002 = arith.maximumf %get3A_998, %get3A_1001 : vector<16xf32>
        %swap3A_1003 = arith.constant 352 : index
        %swap3A_1004 = tpu.vector_load %arg26[%swap3A_1003] {strides = array<i32>} : memref<640xf32, #tpu.memory_space<vmem>>, vector<16xf32>,
        tpu.vector_store %arg26[%swap3A_1003], %max3A_1002 {strides = array<i32>} : memref<640xf32, #tpu.memory_space<vmem>>, vector<16xf32>,
        %get3A_1005 = arith.constant 368 : index
        %get3A_1006 = tpu.vector_load %arg26[%get3A_1005] {strides = array<i32>} : memref<640xf32, #tpu.memory_space<vmem>>, vector<16xf32>,
        %get3A_1007 = arith.index_cast %scan3A_820 : i32 to index
        %get3A_1008 = arith.constant 368 : index
        %get3A_1009 = tpu.vector_load %arg28[%get3A_1007, %get3A_1008] {strides = array<i32>} : memref<16x640xf32, #tpu.memory_space<vmem>>, vector<16xf32>,
        %max3A_1010 = arith.maximumf %get3A_1006, %get3A_1009 : vector<16xf32>
        %swap3A_1011 = arith.constant 368 : index
        %swap3A_1012 = tpu.vector_load %arg26[%swap3A_1011] {strides = array<i32>} : memref<640xf32, #tpu.memory_space<vmem>>, vector<16xf32>,
        tpu.vector_store %arg26[%swap3A_1011], %max3A_1010 {strides = array<i32>} : memref<640xf32, #tpu.memory_space<vmem>>, vector<16xf32>,
        %get3A_1013 = arith.constant 384 : index
        %get3A_1014 = tpu.vector_load %arg26[%get3A_1013] {strides = array<i32>} : memref<640xf32, #tpu.memory_space<vmem>>, vector<16xf32>,
        %get3A_1015 = arith.index_cast %scan3A_820 : i32 to index
        %get3A_1016 = arith.constant 384 : index
        %get3A_1017 = tpu.vector_load %arg28[%get3A_1015, %get3A_1016] {strides = array<i32>} : memref<16x640xf32, #tpu.memory_space<vmem>>, vector<16xf32>,
        %max3A_1018 = arith.maximumf %get3A_1014, %get3A_1017 : vector<16xf32>
        %swap3A_1019 = arith.constant 384 : index
        %swap3A_1020 = tpu.vector_load %arg26[%swap3A_1019] {strides = array<i32>} : memref<640xf32, #tpu.memory_space<vmem>>, vector<16xf32>,
        tpu.vector_store %arg26[%swap3A_1019], %max3A_1018 {strides = array<i32>} : memref<640xf32, #tpu.memory_space<vmem>>, vector<16xf32>,
        %get3A_1021 = arith.constant 400 : index
        %get3A_1022 = tpu.vector_load %arg26[%get3A_1021] {strides = array<i32>} : memref<640xf32, #tpu.memory_space<vmem>>, vector<16xf32>,
        %get3A_1023 = arith.index_cast %scan3A_820 : i32 to index
        %get3A_1024 = arith.constant 400 : index
        %get3A_1025 = tpu.vector_load %arg28[%get3A_1023, %get3A_1024] {strides = array<i32>} : memref<16x640xf32, #tpu.memory_space<vmem>>, vector<16xf32>,
        %max3A_1026 = arith.maximumf %get3A_1022, %get3A_1025 : vector<16xf32>
        %swap3A_1027 = arith.constant 400 : index
        %swap3A_1028 = tpu.vector_load %arg26[%swap3A_1027] {strides = array<i32>} : memref<640xf32, #tpu.memory_space<vmem>>, vector<16xf32>,
        tpu.vector_store %arg26[%swap3A_1027], %max3A_1026 {strides = array<i32>} : memref<640xf32, #tpu.memory_space<vmem>>, vector<16xf32>,
        %get3A_1029 = arith.constant 416 : index
        %get3A_1030 = tpu.vector_load %arg26[%get3A_1029] {strides = array<i32>} : memref<640xf32, #tpu.memory_space<vmem>>, vector<16xf32>,
        %get3A_1031 = arith.index_cast %scan3A_820 : i32 to index
        %get3A_1032 = arith.constant 416 : index
        %get3A_1033 = tpu.vector_load %arg28[%get3A_1031, %get3A_1032] {strides = array<i32>} : memref<16x640xf32, #tpu.memory_space<vmem>>, vector<16xf32>,
        %max3A_1034 = arith.maximumf %get3A_1030, %get3A_1033 : vector<16xf32>
        %swap3A_1035 = arith.constant 416 : index
        %swap3A_1036 = tpu.vector_load %arg26[%swap3A_1035] {strides = array<i32>} : memref<640xf32, #tpu.memory_space<vmem>>, vector<16xf32>,
        tpu.vector_store %arg26[%swap3A_1035], %max3A_1034 {strides = array<i32>} : memref<640xf32, #tpu.memory_space<vmem>>, vector<16xf32>,
        %get3A_1037 = arith.constant 432 : index
        %get3A_1038 = tpu.vector_load %arg26[%get3A_1037] {strides = array<i32>} : memref<640xf32, #tpu.memory_space<vmem>>, vector<16xf32>,
        %get3A_1039 = arith.index_cast %scan3A_820 : i32 to index
        %get3A_1040 = arith.constant 432 : index
        %get3A_1041 = tpu.vector_load %arg28[%get3A_1039, %get3A_1040] {strides = array<i32>} : memref<16x640xf32, #tpu.memory_space<vmem>>, vector<16xf32>,
        %max3A_1042 = arith.maximumf %get3A_1038, %get3A_1041 : vector<16xf32>
        %swap3A_1043 = arith.constant 432 : index
        %swap3A_1044 = tpu.vector_load %arg26[%swap3A_1043] {strides = array<i32>} : memref<640xf32, #tpu.memory_space<vmem>>, vector<16xf32>,
        tpu.vector_store %arg26[%swap3A_1043], %max3A_1042 {strides = array<i32>} : memref<640xf32, #tpu.memory_space<vmem>>, vector<16xf32>,
        %get3A_1045 = arith.constant 448 : index
        %get3A_1046 = tpu.vector_load %arg26[%get3A_1045] {strides = array<i32>} : memref<640xf32, #tpu.memory_space<vmem>>, vector<16xf32>,
        %get3A_1047 = arith.index_cast %scan3A_820 : i32 to index
        %get3A_1048 = arith.constant 448 : index
        %get3A_1049 = tpu.vector_load %arg28[%get3A_1047, %get3A_1048] {strides = array<i32>} : memref<16x640xf32, #tpu.memory_space<vmem>>, vector<16xf32>,
        %max3A_1050 = arith.maximumf %get3A_1046, %get3A_1049 : vector<16xf32>
        %swap3A_1051 = arith.constant 448 : index
        %swap3A_1052 = tpu.vector_load %arg26[%swap3A_1051] {strides = array<i32>} : memref<640xf32, #tpu.memory_space<vmem>>, vector<16xf32>,
        tpu.vector_store %arg26[%swap3A_1051], %max3A_1050 {strides = array<i32>} : memref<640xf32, #tpu.memory_space<vmem>>, vector<16xf32>,
        %get3A_1053 = arith.constant 464 : index
        %get3A_1054 = tpu.vector_load %arg26[%get3A_1053] {strides = array<i32>} : memref<640xf32, #tpu.memory_space<vmem>>, vector<16xf32>,
        %get3A_1055 = arith.index_cast %scan3A_820 : i32 to index
        %get3A_1056 = arith.constant 464 : index
        %get3A_1057 = tpu.vector_load %arg28[%get3A_1055, %get3A_1056] {strides = array<i32>} : memref<16x640xf32, #tpu.memory_space<vmem>>, vector<16xf32>,
        %max3A_1058 = arith.maximumf %get3A_1054, %get3A_1057 : vector<16xf32>
        %swap3A_1059 = arith.constant 464 : index
        %swap3A_1060 = tpu.vector_load %arg26[%swap3A_1059] {strides = array<i32>} : memref<640xf32, #tpu.memory_space<vmem>>, vector<16xf32>,
        tpu.vector_store %arg26[%swap3A_1059], %max3A_1058 {strides = array<i32>} : memref<640xf32, #tpu.memory_space<vmem>>, vector<16xf32>,
        %get3A_1061 = arith.constant 480 : index
        %get3A_1062 = tpu.vector_load %arg26[%get3A_1061] {strides = array<i32>} : memref<640xf32, #tpu.memory_space<vmem>>, vector<16xf32>,
        %get3A_1063 = arith.index_cast %scan3A_820 : i32 to index
        %get3A_1064 = arith.constant 480 : index
        %get3A_1065 = tpu.vector_load %arg28[%get3A_1063, %get3A_1064] {strides = array<i32>} : memref<16x640xf32, #tpu.memory_space<vmem>>, vector<16xf32>,
        %max3A_1066 = arith.maximumf %get3A_1062, %get3A_1065 : vector<16xf32>
        %swap3A_1067 = arith.constant 480 : index
        %swap3A_1068 = tpu.vector_load %arg26[%swap3A_1067] {strides = array<i32>} : memref<640xf32, #tpu.memory_space<vmem>>, vector<16xf32>,
        tpu.vector_store %arg26[%swap3A_1067], %max3A_1066 {strides = array<i32>} : memref<640xf32, #tpu.memory_space<vmem>>, vector<16xf32>,
        %get3A_1069 = arith.constant 496 : index
        %get3A_1070 = tpu.vector_load %arg26[%get3A_1069] {strides = array<i32>} : memref<640xf32, #tpu.memory_space<vmem>>, vector<16xf32>,
        %get3A_1071 = arith.index_cast %scan3A_820 : i32 to index
        %get3A_1072 = arith.constant 496 : index
        %get3A_1073 = tpu.vector_load %arg28[%get3A_1071, %get3A_1072] {strides = array<i32>} : memref<16x640xf32, #tpu.memory_space<vmem>>, vector<16xf32>,
        %max3A_1074 = arith.maximumf %get3A_1070, %get3A_1073 : vector<16xf32>
        %swap3A_1075 = arith.constant 496 : index
        %swap3A_1076 = tpu.vector_load %arg26[%swap3A_1075] {strides = array<i32>} : memref<640xf32, #tpu.memory_space<vmem>>, vector<16xf32>,
        tpu.vector_store %arg26[%swap3A_1075], %max3A_1074 {strides = array<i32>} : memref<640xf32, #tpu.memory_space<vmem>>, vector<16xf32>,
        %get3A_1077 = arith.constant 512 : index
        %get3A_1078 = tpu.vector_load %arg26[%get3A_1077] {strides = array<i32>} : memref<640xf32, #tpu.memory_space<vmem>>, vector<16xf32>,
        %get3A_1079 = arith.index_cast %scan3A_820 : i32 to index
        %get3A_1080 = arith.constant 512 : index
        %get3A_1081 = tpu.vector_load %arg28[%get3A_1079, %get3A_1080] {strides = array<i32>} : memref<16x640xf32, #tpu.memory_space<vmem>>, vector<16xf32>,
        %max3A_1082 = arith.maximumf %get3A_1078, %get3A_1081 : vector<16xf32>
        %swap3A_1083 = arith.constant 512 : index
        %swap3A_1084 = tpu.vector_load %arg26[%swap3A_1083] {strides = array<i32>} : memref<640xf32, #tpu.memory_space<vmem>>, vector<16xf32>,
        tpu.vector_store %arg26[%swap3A_1083], %max3A_1082 {strides = array<i32>} : memref<640xf32, #tpu.memory_space<vmem>>, vector<16xf32>,
        %get3A_1085 = arith.constant 528 : index
        %get3A_1086 = tpu.vector_load %arg26[%get3A_1085] {strides = array<i32>} : memref<640xf32, #tpu.memory_space<vmem>>, vector<16xf32>,
        %get3A_1087 = arith.index_cast %scan3A_820 : i32 to index
        %get3A_1088 = arith.constant 528 : index
        %get3A_1089 = tpu.vector_load %arg28[%get3A_1087, %get3A_1088] {strides = array<i32>} : memref<16x640xf32, #tpu.memory_space<vmem>>, vector<16xf32>,
        %max3A_1090 = arith.maximumf %get3A_1086, %get3A_1089 : vector<16xf32>
        %swap3A_1091 = arith.constant 528 : index
        %swap3A_1092 = tpu.vector_load %arg26[%swap3A_1091] {strides = array<i32>} : memref<640xf32, #tpu.memory_space<vmem>>, vector<16xf32>,
        tpu.vector_store %arg26[%swap3A_1091], %max3A_1090 {strides = array<i32>} : memref<640xf32, #tpu.memory_space<vmem>>, vector<16xf32>,
        %get3A_1093 = arith.constant 544 : index
        %get3A_1094 = tpu.vector_load %arg26[%get3A_1093] {strides = array<i32>} : memref<640xf32, #tpu.memory_space<vmem>>, vector<16xf32>,
        %get3A_1095 = arith.index_cast %scan3A_820 : i32 to index
        %get3A_1096 = arith.constant 544 : index
        %get3A_1097 = tpu.vector_load %arg28[%get3A_1095, %get3A_1096] {strides = array<i32>} : memref<16x640xf32, #tpu.memory_space<vmem>>, vector<16xf32>,
        %max3A_1098 = arith.maximumf %get3A_1094, %get3A_1097 : vector<16xf32>
        %swap3A_1099 = arith.constant 544 : index
        %swap3A_1100 = tpu.vector_load %arg26[%swap3A_1099] {strides = array<i32>} : memref<640xf32, #tpu.memory_space<vmem>>, vector<16xf32>,
        tpu.vector_store %arg26[%swap3A_1099], %max3A_1098 {strides = array<i32>} : memref<640xf32, #tpu.memory_space<vmem>>, vector<16xf32>,
        %get3A_1101 = arith.constant 560 : index
        %get3A_1102 = tpu.vector_load %arg26[%get3A_1101] {strides = array<i32>} : memref<640xf32, #tpu.memory_space<vmem>>, vector<16xf32>,
        %get3A_1103 = arith.index_cast %scan3A_820 : i32 to index
        %get3A_1104 = arith.constant 560 : index
        %get3A_1105 = tpu.vector_load %arg28[%get3A_1103, %get3A_1104] {strides = array<i32>} : memref<16x640xf32, #tpu.memory_space<vmem>>, vector<16xf32>,
        %max3A_1106 = arith.maximumf %get3A_1102, %get3A_1105 : vector<16xf32>
        %swap3A_1107 = arith.constant 560 : index
        %swap3A_1108 = tpu.vector_load %arg26[%swap3A_1107] {strides = array<i32>} : memref<640xf32, #tpu.memory_space<vmem>>, vector<16xf32>,
        tpu.vector_store %arg26[%swap3A_1107], %max3A_1106 {strides = array<i32>} : memref<640xf32, #tpu.memory_space<vmem>>, vector<16xf32>,
        %get3A_1109 = arith.constant 576 : index
        %get3A_1110 = tpu.vector_load %arg26[%get3A_1109] {strides = array<i32>} : memref<640xf32, #tpu.memory_space<vmem>>, vector<16xf32>,
        %get3A_1111 = arith.index_cast %scan3A_820 : i32 to index
        %get3A_1112 = arith.constant 576 : index
        %get3A_1113 = tpu.vector_load %arg28[%get3A_1111, %get3A_1112] {strides = array<i32>} : memref<16x640xf32, #tpu.memory_space<vmem>>, vector<16xf32>,
        %max3A_1114 = arith.maximumf %get3A_1110, %get3A_1113 : vector<16xf32>
        %swap3A_1115 = arith.constant 576 : index
        %swap3A_1116 = tpu.vector_load %arg26[%swap3A_1115] {strides = array<i32>} : memref<640xf32, #tpu.memory_space<vmem>>, vector<16xf32>,
        tpu.vector_store %arg26[%swap3A_1115], %max3A_1114 {strides = array<i32>} : memref<640xf32, #tpu.memory_space<vmem>>, vector<16xf32>,
        %get3A_1117 = arith.constant 592 : index
        %get3A_1118 = tpu.vector_load %arg26[%get3A_1117] {strides = array<i32>} : memref<640xf32, #tpu.memory_space<vmem>>, vector<16xf32>,
        %get3A_1119 = arith.index_cast %scan3A_820 : i32 to index
        %get3A_1120 = arith.constant 592 : index
        %get3A_1121 = tpu.vector_load %arg28[%get3A_1119, %get3A_1120] {strides = array<i32>} : memref<16x640xf32, #tpu.memory_space<vmem>>, vector<16xf32>,
        %max3A_1122 = arith.maximumf %get3A_1118, %get3A_1121 : vector<16xf32>
        %swap3A_1123 = arith.constant 592 : index
        %swap3A_1124 = tpu.vector_load %arg26[%swap3A_1123] {strides = array<i32>} : memref<640xf32, #tpu.memory_space<vmem>>, vector<16xf32>,
        tpu.vector_store %arg26[%swap3A_1123], %max3A_1122 {strides = array<i32>} : memref<640xf32, #tpu.memory_space<vmem>>, vector<16xf32>,
        %get3A_1125 = arith.constant 608 : index
        %get3A_1126 = tpu.vector_load %arg26[%get3A_1125] {strides = array<i32>} : memref<640xf32, #tpu.memory_space<vmem>>, vector<16xf32>,
        %get3A_1127 = arith.index_cast %scan3A_820 : i32 to index
        %get3A_1128 = arith.constant 608 : index
        %get3A_1129 = tpu.vector_load %arg28[%get3A_1127, %get3A_1128] {strides = array<i32>} : memref<16x640xf32, #tpu.memory_space<vmem>>, vector<16xf32>,
        %max3A_1130 = arith.maximumf %get3A_1126, %get3A_1129 : vector<16xf32>
        %swap3A_1131 = arith.constant 608 : index
        %swap3A_1132 = tpu.vector_load %arg26[%swap3A_1131] {strides = array<i32>} : memref<640xf32, #tpu.memory_space<vmem>>, vector<16xf32>,
        tpu.vector_store %arg26[%swap3A_1131], %max3A_1130 {strides = array<i32>} : memref<640xf32, #tpu.memory_space<vmem>>, vector<16xf32>,
        %get3A_1133 = arith.constant 624 : index
        %get3A_1134 = tpu.vector_load %arg26[%get3A_1133] {strides = array<i32>} : memref<640xf32, #tpu.memory_space<vmem>>, vector<16xf32>,
        %get3A_1135 = arith.index_cast %scan3A_820 : i32 to index
        %get3A_1136 = arith.constant 624 : index
        %get3A_1137 = tpu.vector_load %arg28[%get3A_1135, %get3A_1136] {strides = array<i32>} : memref<16x640xf32, #tpu.memory_space<vmem>>, vector<16xf32>,
        %max3A_1138 = arith.maximumf %get3A_1134, %get3A_1137 : vector<16xf32>
        %swap3A_1139 = arith.constant 624 : index
        %swap3A_1140 = tpu.vector_load %arg26[%swap3A_1139] {strides = array<i32>} : memref<640xf32, #tpu.memory_space<vmem>>, vector<16xf32>,
        tpu.vector_store %arg26[%swap3A_1139], %max3A_1138 {strides = array<i32>} : memref<640xf32, #tpu.memory_space<vmem>>, vector<16xf32>,
      }
      %scan3A_525 = arith.constant 14 : i32
      "tpu.region"() ({
        %run_scoped3A = tpu.sem_alloc : memref<!tpu.dma_semaphore, #tpu.memory_space<semaphore_mem>>
        %dma_start3A = tpu.memref_slice %arg12[%arg0, %mul3A_4] : memref<2x10240xf32, #tpu.memory_space<hbm>> -> memref<1x640xf32, #tpu.memory_space<hbm>>
        %dma_start3A_820 = tpu.memref_squeeze %dma_start3A : memref<1x640xf32, #tpu.memory_space<hbm>> -> memref<640xf32, #tpu.memory_space<hbm>>
        %dma_start3A_821 = tpu.memref_slice %arg12[%arg0, %mul3A_4] : memref<2x10240xf32, #tpu.memory_space<hbm>> -> memref<1x640xf32, #tpu.memory_space<hbm>>
        %dma_start3A_822 = tpu.memref_squeeze %dma_start3A_821 : memref<1x640xf32, #tpu.memory_space<hbm>> -> memref<640xf32, #tpu.memory_space<hbm>>
        tpu.enqueue_dma source(%arg26 : memref<640xf32, #tpu.memory_space<vmem>>) target(%dma_start3A_822 : memref<640xf32, #tpu.memory_space<hbm>>) target_semaphore(%run_scoped3A : memref<!tpu.dma_semaphore, #tpu.memory_space<semaphore_mem>>)
        %dma_wait3A = tpu.memref_slice %arg12[%arg0, %mul3A_4] : memref<2x10240xf32, #tpu.memory_space<hbm>> -> memref<1x640xf32, #tpu.memory_space<hbm>>
        %dma_wait3A_823 = tpu.memref_squeeze %dma_wait3A : memref<1x640xf32, #tpu.memory_space<hbm>> -> memref<640xf32, #tpu.memory_space<hbm>>
        %dma_wait3A_824 = tpu.memref_slice %arg12[%arg0, %mul3A_4] : memref<2x10240xf32, #tpu.memory_space<hbm>> -> memref<1x640xf32, #tpu.memory_space<hbm>>
        %dma_wait3A_825 = tpu.memref_squeeze %dma_wait3A_824 : memref<1x640xf32, #tpu.memory_space<hbm>> -> memref<640xf32, #tpu.memory_space<hbm>>
        tpu.wait_dma2 semaphore(%run_scoped3A : memref<!tpu.dma_semaphore, #tpu.memory_space<semaphore_mem>>) src(%arg26 : memref<640xf32, #tpu.memory_space<vmem>>) dst(%dma_wait3A_825 : memref<640xf32, #tpu.memory_space<hbm>>)
        tpu.yield
      }) : () -> ()
      %barrier3A_526 = arith.constant 0 : index
      tpu.barrier barrier_id(%barrier3A_526)
      %ne3A = arith.constant 0 : i32
      "tpu.trace_start"() <{level = 10 : i32, message = "sync_cores"}> : () -> ()
      %ne3A_527 = arith.cmpi ne, %arg0, %ne3A : i32
      %convert_element_type3A_528 = arith.extui %ne3A_527 : i1 to i32
      %cond3A_529 = arith.constant 0 : i32
      %cond3A_530 = arith.cmpi ne, %convert_element_type3A_528, %cond3A_529 : i32
      scf.if %cond3A_530 {
        %semaphore_signal3A = arith.constant 1 : i32
        %semaphore_signal3A_820 = arith.constant 0 : i32
        tpu.sem_signal %arg31, %semaphore_signal3A core_id %semaphore_signal3A_820 : memref<!tpu.semaphore, #tpu.memory_space<semaphore_mem>>
      } else {
      }
      %ne3A_531 = arith.constant 1 : i32
      %ne3A_532 = arith.cmpi ne, %arg0, %ne3A_531 : i32
      %convert_element_type3A_533 = arith.extui %ne3A_532 : i1 to i32
      %cond3A_534 = arith.constant 0 : i32
      %cond3A_535 = arith.cmpi ne, %convert_element_type3A_533, %cond3A_534 : i32
      scf.if %cond3A_535 {
        %semaphore_signal3A = arith.constant 1 : i32
        %semaphore_signal3A_820 = arith.constant 1 : i32
        tpu.sem_signal %arg31, %semaphore_signal3A core_id %semaphore_signal3A_820 : memref<!tpu.semaphore, #tpu.memory_space<semaphore_mem>>
      } else {
      }
      %semaphore_wait3A = arith.constant 1 : i32
      %semaphore_wait3A_536 = arith.constant true
      tpu.sem_wait %arg31, %semaphore_wait3A : memref<!tpu.semaphore, #tpu.memory_space<semaphore_mem>>
      "tpu.trace_stop"() : () -> ()
      %sub3A_537 = arith.constant 1 : i32
      %sub3A_538 = arith.subi %sub3A_537, %arg0 : i32
      "tpu.region"() ({
        %run_scoped3A = tpu.sem_alloc : memref<!tpu.dma_semaphore, #tpu.memory_space<semaphore_mem>>
        %dma_start3A = tpu.memref_slice %arg12[%sub3A_538, %mul3A_4] : memref<2x10240xf32, #tpu.memory_space<hbm>> -> memref<1x640xf32, #tpu.memory_space<hbm>>
        %dma_start3A_820 = tpu.memref_squeeze %dma_start3A : memref<1x640xf32, #tpu.memory_space<hbm>> -> memref<640xf32, #tpu.memory_space<hbm>>
        %dma_start3A_821 = tpu.memref_slice %arg12[%sub3A_538, %mul3A_4] : memref<2x10240xf32, #tpu.memory_space<hbm>> -> memref<1x640xf32, #tpu.memory_space<hbm>>
        %dma_start3A_822 = tpu.memref_squeeze %dma_start3A_821 : memref<1x640xf32, #tpu.memory_space<hbm>> -> memref<640xf32, #tpu.memory_space<hbm>>
        tpu.enqueue_dma source(%dma_start3A_822 : memref<640xf32, #tpu.memory_space<hbm>>) target(%arg27 : memref<640xf32, #tpu.memory_space<vmem>>) target_semaphore(%run_scoped3A : memref<!tpu.dma_semaphore, #tpu.memory_space<semaphore_mem>>)
        %dma_wait3A = tpu.memref_slice %arg12[%sub3A_538, %mul3A_4] : memref<2x10240xf32, #tpu.memory_space<hbm>> -> memref<1x640xf32, #tpu.memory_space<hbm>>
        %dma_wait3A_823 = tpu.memref_squeeze %dma_wait3A : memref<1x640xf32, #tpu.memory_space<hbm>> -> memref<640xf32, #tpu.memory_space<hbm>>
        %dma_wait3A_824 = tpu.memref_slice %arg12[%sub3A_538, %mul3A_4] : memref<2x10240xf32, #tpu.memory_space<hbm>> -> memref<1x640xf32, #tpu.memory_space<hbm>>
        %dma_wait3A_825 = tpu.memref_squeeze %dma_wait3A_824 : memref<1x640xf32, #tpu.memory_space<hbm>> -> memref<640xf32, #tpu.memory_space<hbm>>
        tpu.wait_dma2 semaphore(%run_scoped3A : memref<!tpu.dma_semaphore, #tpu.memory_space<semaphore_mem>>) src(%dma_wait3A_825 : memref<640xf32, #tpu.memory_space<hbm>>) dst(%arg27 : memref<640xf32, #tpu.memory_space<vmem>>)
        tpu.yield
      }) : () -> ()
      %get3A_539 = arith.constant 0 : index
      %get3A_540 = tpu.vector_load %arg26[%get3A_539] {strides = array<i32>} : memref<640xf32, #tpu.memory_space<vmem>>, vector<16xf32>,
      %get3A_541 = arith.constant 0 : index
      %get3A_542 = tpu.vector_load %arg27[%get3A_541] {strides = array<i32>} : memref<640xf32, #tpu.memory_space<vmem>>, vector<16xf32>,
      %max3A_543 = arith.maximumf %get3A_540, %get3A_542 : vector<16xf32>
      %swap3A_544 = arith.constant 0 : index
      %swap3A_545 = tpu.vector_load %arg26[%swap3A_544] {strides = array<i32>} : memref<640xf32, #tpu.memory_space<vmem>>, vector<16xf32>,
      tpu.vector_store %arg26[%swap3A_544], %max3A_543 {strides = array<i32>} : memref<640xf32, #tpu.memory_space<vmem>>, vector<16xf32>,
      %get3A_546 = arith.constant 16 : index
      %get3A_547 = tpu.vector_load %arg26[%get3A_546] {strides = array<i32>} : memref<640xf32, #tpu.memory_space<vmem>>, vector<16xf32>,
      %get3A_548 = arith.constant 16 : index
      %get3A_549 = tpu.vector_load %arg27[%get3A_548] {strides = array<i32>} : memref<640xf32, #tpu.memory_space<vmem>>, vector<16xf32>,
      %max3A_550 = arith.maximumf %get3A_547, %get3A_549 : vector<16xf32>
      %swap3A_551 = arith.constant 16 : index
      %swap3A_552 = tpu.vector_load %arg26[%swap3A_551] {strides = array<i32>} : memref<640xf32, #tpu.memory_space<vmem>>, vector<16xf32>,
      tpu.vector_store %arg26[%swap3A_551], %max3A_550 {strides = array<i32>} : memref<640xf32, #tpu.memory_space<vmem>>, vector<16xf32>,
      %get3A_553 = arith.constant 32 : index
      %get3A_554 = tpu.vector_load %arg26[%get3A_553] {strides = array<i32>} : memref<640xf32, #tpu.memory_space<vmem>>, vector<16xf32>,
      %get3A_555 = arith.constant 32 : index
      %get3A_556 = tpu.vector_load %arg27[%get3A_555] {strides = array<i32>} : memref<640xf32, #tpu.memory_space<vmem>>, vector<16xf32>,
      %max3A_557 = arith.maximumf %get3A_554, %get3A_556 : vector<16xf32>
      %swap3A_558 = arith.constant 32 : index
      %swap3A_559 = tpu.vector_load %arg26[%swap3A_558] {strides = array<i32>} : memref<640xf32, #tpu.memory_space<vmem>>, vector<16xf32>,
      tpu.vector_store %arg26[%swap3A_558], %max3A_557 {strides = array<i32>} : memref<640xf32, #tpu.memory_space<vmem>>, vector<16xf32>,
      %get3A_560 = arith.constant 48 : index
      %get3A_561 = tpu.vector_load %arg26[%get3A_560] {strides = array<i32>} : memref<640xf32, #tpu.memory_space<vmem>>, vector<16xf32>,
      %get3A_562 = arith.constant 48 : index
      %get3A_563 = tpu.vector_load %arg27[%get3A_562] {strides = array<i32>} : memref<640xf32, #tpu.memory_space<vmem>>, vector<16xf32>,
      %max3A_564 = arith.maximumf %get3A_561, %get3A_563 : vector<16xf32>
      %swap3A_565 = arith.constant 48 : index
      %swap3A_566 = tpu.vector_load %arg26[%swap3A_565] {strides = array<i32>} : memref<640xf32, #tpu.memory_space<vmem>>, vector<16xf32>,
      tpu.vector_store %arg26[%swap3A_565], %max3A_564 {strides = array<i32>} : memref<640xf32, #tpu.memory_space<vmem>>, vector<16xf32>,
      %get3A_567 = arith.constant 64 : index
      %get3A_568 = tpu.vector_load %arg26[%get3A_567] {strides = array<i32>} : memref<640xf32, #tpu.memory_space<vmem>>, vector<16xf32>,
      %get3A_569 = arith.constant 64 : index
      %get3A_570 = tpu.vector_load %arg27[%get3A_569] {strides = array<i32>} : memref<640xf32, #tpu.memory_space<vmem>>, vector<16xf32>,
      %max3A_571 = arith.maximumf %get3A_568, %get3A_570 : vector<16xf32>
      %swap3A_572 = arith.constant 64 : index
      %swap3A_573 = tpu.vector_load %arg26[%swap3A_572] {strides = array<i32>} : memref<640xf32, #tpu.memory_space<vmem>>, vector<16xf32>,
      tpu.vector_store %arg26[%swap3A_572], %max3A_571 {strides = array<i32>} : memref<640xf32, #tpu.memory_space<vmem>>, vector<16xf32>,
      %get3A_574 = arith.constant 80 : index
      %get3A_575 = tpu.vector_load %arg26[%get3A_574] {strides = array<i32>} : memref<640xf32, #tpu.memory_space<vmem>>, vector<16xf32>,
      %get3A_576 = arith.constant 80 : index
      %get3A_577 = tpu.vector_load %arg27[%get3A_576] {strides = array<i32>} : memref<640xf32, #tpu.memory_space<vmem>>, vector<16xf32>,
      %max3A_578 = arith.maximumf %get3A_575, %get3A_577 : vector<16xf32>
      %swap3A_579 = arith.constant 80 : index
      %swap3A_580 = tpu.vector_load %arg26[%swap3A_579] {strides = array<i32>} : memref<640xf32, #tpu.memory_space<vmem>>, vector<16xf32>,
      tpu.vector_store %arg26[%swap3A_579], %max3A_578 {strides = array<i32>} : memref<640xf32, #tpu.memory_space<vmem>>, vector<16xf32>,
      %get3A_581 = arith.constant 96 : index
      %get3A_582 = tpu.vector_load %arg26[%get3A_581] {strides = array<i32>} : memref<640xf32, #tpu.memory_space<vmem>>, vector<16xf32>,
      %get3A_583 = arith.constant 96 : index
      %get3A_584 = tpu.vector_load %arg27[%get3A_583] {strides = array<i32>} : memref<640xf32, #tpu.memory_space<vmem>>, vector<16xf32>,
      %max3A_585 = arith.maximumf %get3A_582, %get3A_584 : vector<16xf32>
      %swap3A_586 = arith.constant 96 : index
      %swap3A_587 = tpu.vector_load %arg26[%swap3A_586] {strides = array<i32>} : memref<640xf32, #tpu.memory_space<vmem>>, vector<16xf32>,
      tpu.vector_store %arg26[%swap3A_586], %max3A_585 {strides = array<i32>} : memref<640xf32, #tpu.memory_space<vmem>>, vector<16xf32>,
      %get3A_588 = arith.constant 112 : index
      %get3A_589 = tpu.vector_load %arg26[%get3A_588] {strides = array<i32>} : memref<640xf32, #tpu.memory_space<vmem>>, vector<16xf32>,
      %get3A_590 = arith.constant 112 : index
      %get3A_591 = tpu.vector_load %arg27[%get3A_590] {strides = array<i32>} : memref<640xf32, #tpu.memory_space<vmem>>, vector<16xf32>,
      %max3A_592 = arith.maximumf %get3A_589, %get3A_591 : vector<16xf32>
      %swap3A_593 = arith.constant 112 : index
      %swap3A_594 = tpu.vector_load %arg26[%swap3A_593] {strides = array<i32>} : memref<640xf32, #tpu.memory_space<vmem>>, vector<16xf32>,
      tpu.vector_store %arg26[%swap3A_593], %max3A_592 {strides = array<i32>} : memref<640xf32, #tpu.memory_space<vmem>>, vector<16xf32>,
      %get3A_595 = arith.constant 128 : index
      %get3A_596 = tpu.vector_load %arg26[%get3A_595] {strides = array<i32>} : memref<640xf32, #tpu.memory_space<vmem>>, vector<16xf32>,
      %get3A_597 = arith.constant 128 : index
      %get3A_598 = tpu.vector_load %arg27[%get3A_597] {strides = array<i32>} : memref<640xf32, #tpu.memory_space<vmem>>, vector<16xf32>,
      %max3A_599 = arith.maximumf %get3A_596, %get3A_598 : vector<16xf32>
      %swap3A_600 = arith.constant 128 : index
      %swap3A_601 = tpu.vector_load %arg26[%swap3A_600] {strides = array<i32>} : memref<640xf32, #tpu.memory_space<vmem>>, vector<16xf32>,
      tpu.vector_store %arg26[%swap3A_600], %max3A_599 {strides = array<i32>} : memref<640xf32, #tpu.memory_space<vmem>>, vector<16xf32>,
      %get3A_602 = arith.constant 144 : index
      %get3A_603 = tpu.vector_load %arg26[%get3A_602] {strides = array<i32>} : memref<640xf32, #tpu.memory_space<vmem>>, vector<16xf32>,
      %get3A_604 = arith.constant 144 : index
      %get3A_605 = tpu.vector_load %arg27[%get3A_604] {strides = array<i32>} : memref<640xf32, #tpu.memory_space<vmem>>, vector<16xf32>,
      %max3A_606 = arith.maximumf %get3A_603, %get3A_605 : vector<16xf32>
      %swap3A_607 = arith.constant 144 : index
      %swap3A_608 = tpu.vector_load %arg26[%swap3A_607] {strides = array<i32>} : memref<640xf32, #tpu.memory_space<vmem>>, vector<16xf32>,
      tpu.vector_store %arg26[%swap3A_607], %max3A_606 {strides = array<i32>} : memref<640xf32, #tpu.memory_space<vmem>>, vector<16xf32>,
      %get3A_609 = arith.constant 160 : index
      %get3A_610 = tpu.vector_load %arg26[%get3A_609] {strides = array<i32>} : memref<640xf32, #tpu.memory_space<vmem>>, vector<16xf32>,
      %get3A_611 = arith.constant 160 : index
      %get3A_612 = tpu.vector_load %arg27[%get3A_611] {strides = array<i32>} : memref<640xf32, #tpu.memory_space<vmem>>, vector<16xf32>,
      %max3A_613 = arith.maximumf %get3A_610, %get3A_612 : vector<16xf32>
      %swap3A_614 = arith.constant 160 : index
      %swap3A_615 = tpu.vector_load %arg26[%swap3A_614] {strides = array<i32>} : memref<640xf32, #tpu.memory_space<vmem>>, vector<16xf32>,
      tpu.vector_store %arg26[%swap3A_614], %max3A_613 {strides = array<i32>} : memref<640xf32, #tpu.memory_space<vmem>>, vector<16xf32>,
      %get3A_616 = arith.constant 176 : index
      %get3A_617 = tpu.vector_load %arg26[%get3A_616] {strides = array<i32>} : memref<640xf32, #tpu.memory_space<vmem>>, vector<16xf32>,
      %get3A_618 = arith.constant 176 : index
      %get3A_619 = tpu.vector_load %arg27[%get3A_618] {strides = array<i32>} : memref<640xf32, #tpu.memory_space<vmem>>, vector<16xf32>,
      %max3A_620 = arith.maximumf %get3A_617, %get3A_619 : vector<16xf32>
      %swap3A_621 = arith.constant 176 : index
      %swap3A_622 = tpu.vector_load %arg26[%swap3A_621] {strides = array<i32>} : memref<640xf32, #tpu.memory_space<vmem>>, vector<16xf32>,
      tpu.vector_store %arg26[%swap3A_621], %max3A_620 {strides = array<i32>} : memref<640xf32, #tpu.memory_space<vmem>>, vector<16xf32>,
      %get3A_623 = arith.constant 192 : index
      %get3A_624 = tpu.vector_load %arg26[%get3A_623] {strides = array<i32>} : memref<640xf32, #tpu.memory_space<vmem>>, vector<16xf32>,
      %get3A_625 = arith.constant 192 : index
      %get3A_626 = tpu.vector_load %arg27[%get3A_625] {strides = array<i32>} : memref<640xf32, #tpu.memory_space<vmem>>, vector<16xf32>,
      %max3A_627 = arith.maximumf %get3A_624, %get3A_626 : vector<16xf32>
      %swap3A_628 = arith.constant 192 : index
      %swap3A_629 = tpu.vector_load %arg26[%swap3A_628] {strides = array<i32>} : memref<640xf32, #tpu.memory_space<vmem>>, vector<16xf32>,
      tpu.vector_store %arg26[%swap3A_628], %max3A_627 {strides = array<i32>} : memref<640xf32, #tpu.memory_space<vmem>>, vector<16xf32>,
      %get3A_630 = arith.constant 208 : index
      %get3A_631 = tpu.vector_load %arg26[%get3A_630] {strides = array<i32>} : memref<640xf32, #tpu.memory_space<vmem>>, vector<16xf32>,
      %get3A_632 = arith.constant 208 : index
      %get3A_633 = tpu.vector_load %arg27[%get3A_632] {strides = array<i32>} : memref<640xf32, #tpu.memory_space<vmem>>, vector<16xf32>,
      %max3A_634 = arith.maximumf %get3A_631, %get3A_633 : vector<16xf32>
      %swap3A_635 = arith.constant 208 : index
      %swap3A_636 = tpu.vector_load %arg26[%swap3A_635] {strides = array<i32>} : memref<640xf32, #tpu.memory_space<vmem>>, vector<16xf32>,
      tpu.vector_store %arg26[%swap3A_635], %max3A_634 {strides = array<i32>} : memref<640xf32, #tpu.memory_space<vmem>>, vector<16xf32>,
      %get3A_637 = arith.constant 224 : index
      %get3A_638 = tpu.vector_load %arg26[%get3A_637] {strides = array<i32>} : memref<640xf32, #tpu.memory_space<vmem>>, vector<16xf32>,
      %get3A_639 = arith.constant 224 : index
      %get3A_640 = tpu.vector_load %arg27[%get3A_639] {strides = array<i32>} : memref<640xf32, #tpu.memory_space<vmem>>, vector<16xf32>,
      %max3A_641 = arith.maximumf %get3A_638, %get3A_640 : vector<16xf32>
      %swap3A_642 = arith.constant 224 : index
      %swap3A_643 = tpu.vector_load %arg26[%swap3A_642] {strides = array<i32>} : memref<640xf32, #tpu.memory_space<vmem>>, vector<16xf32>,
      tpu.vector_store %arg26[%swap3A_642], %max3A_641 {strides = array<i32>} : memref<640xf32, #tpu.memory_space<vmem>>, vector<16xf32>,
      %get3A_644 = arith.constant 240 : index
      %get3A_645 = tpu.vector_load %arg26[%get3A_644] {strides = array<i32>} : memref<640xf32, #tpu.memory_space<vmem>>, vector<16xf32>,
      %get3A_646 = arith.constant 240 : index
      %get3A_647 = tpu.vector_load %arg27[%get3A_646] {strides = array<i32>} : memref<640xf32, #tpu.memory_space<vmem>>, vector<16xf32>,
      %max3A_648 = arith.maximumf %get3A_645, %get3A_647 : vector<16xf32>
      %swap3A_649 = arith.constant 240 : index
      %swap3A_650 = tpu.vector_load %arg26[%swap3A_649] {strides = array<i32>} : memref<640xf32, #tpu.memory_space<vmem>>, vector<16xf32>,
      tpu.vector_store %arg26[%swap3A_649], %max3A_648 {strides = array<i32>} : memref<640xf32, #tpu.memory_space<vmem>>, vector<16xf32>,
      %get3A_651 = arith.constant 256 : index
      %get3A_652 = tpu.vector_load %arg26[%get3A_651] {strides = array<i32>} : memref<640xf32, #tpu.memory_space<vmem>>, vector<16xf32>,
      %get3A_653 = arith.constant 256 : index
      %get3A_654 = tpu.vector_load %arg27[%get3A_653] {strides = array<i32>} : memref<640xf32, #tpu.memory_space<vmem>>, vector<16xf32>,
      %max3A_655 = arith.maximumf %get3A_652, %get3A_654 : vector<16xf32>
      %swap3A_656 = arith.constant 256 : index
      %swap3A_657 = tpu.vector_load %arg26[%swap3A_656] {strides = array<i32>} : memref<640xf32, #tpu.memory_space<vmem>>, vector<16xf32>,
      tpu.vector_store %arg26[%swap3A_656], %max3A_655 {strides = array<i32>} : memref<640xf32, #tpu.memory_space<vmem>>, vector<16xf32>,
      %get3A_658 = arith.constant 272 : index
      %get3A_659 = tpu.vector_load %arg26[%get3A_658] {strides = array<i32>} : memref<640xf32, #tpu.memory_space<vmem>>, vector<16xf32>,
      %get3A_660 = arith.constant 272 : index
      %get3A_661 = tpu.vector_load %arg27[%get3A_660] {strides = array<i32>} : memref<640xf32, #tpu.memory_space<vmem>>, vector<16xf32>,
      %max3A_662 = arith.maximumf %get3A_659, %get3A_661 : vector<16xf32>
      %swap3A_663 = arith.constant 272 : index
      %swap3A_664 = tpu.vector_load %arg26[%swap3A_663] {strides = array<i32>} : memref<640xf32, #tpu.memory_space<vmem>>, vector<16xf32>,
      tpu.vector_store %arg26[%swap3A_663], %max3A_662 {strides = array<i32>} : memref<640xf32, #tpu.memory_space<vmem>>, vector<16xf32>,
      %get3A_665 = arith.constant 288 : index
      %get3A_666 = tpu.vector_load %arg26[%get3A_665] {strides = array<i32>} : memref<640xf32, #tpu.memory_space<vmem>>, vector<16xf32>,
      %get3A_667 = arith.constant 288 : index
      %get3A_668 = tpu.vector_load %arg27[%get3A_667] {strides = array<i32>} : memref<640xf32, #tpu.memory_space<vmem>>, vector<16xf32>,
      %max3A_669 = arith.maximumf %get3A_666, %get3A_668 : vector<16xf32>
      %swap3A_670 = arith.constant 288 : index
      %swap3A_671 = tpu.vector_load %arg26[%swap3A_670] {strides = array<i32>} : memref<640xf32, #tpu.memory_space<vmem>>, vector<16xf32>,
      tpu.vector_store %arg26[%swap3A_670], %max3A_669 {strides = array<i32>} : memref<640xf32, #tpu.memory_space<vmem>>, vector<16xf32>,
      %get3A_672 = arith.constant 304 : index
      %get3A_673 = tpu.vector_load %arg26[%get3A_672] {strides = array<i32>} : memref<640xf32, #tpu.memory_space<vmem>>, vector<16xf32>,
      %get3A_674 = arith.constant 304 : index
      %get3A_675 = tpu.vector_load %arg27[%get3A_674] {strides = array<i32>} : memref<640xf32, #tpu.memory_space<vmem>>, vector<16xf32>,
      %max3A_676 = arith.maximumf %get3A_673, %get3A_675 : vector<16xf32>
      %swap3A_677 = arith.constant 304 : index
      %swap3A_678 = tpu.vector_load %arg26[%swap3A_677] {strides = array<i32>} : memref<640xf32, #tpu.memory_space<vmem>>, vector<16xf32>,
      tpu.vector_store %arg26[%swap3A_677], %max3A_676 {strides = array<i32>} : memref<640xf32, #tpu.memory_space<vmem>>, vector<16xf32>,
      %get3A_679 = arith.constant 320 : index
      %get3A_680 = tpu.vector_load %arg26[%get3A_679] {strides = array<i32>} : memref<640xf32, #tpu.memory_space<vmem>>, vector<16xf32>,
      %get3A_681 = arith.constant 320 : index
      %get3A_682 = tpu.vector_load %arg27[%get3A_681] {strides = array<i32>} : memref<640xf32, #tpu.memory_space<vmem>>, vector<16xf32>,
      %max3A_683 = arith.maximumf %get3A_680, %get3A_682 : vector<16xf32>
      %swap3A_684 = arith.constant 320 : index
      %swap3A_685 = tpu.vector_load %arg26[%swap3A_684] {strides = array<i32>} : memref<640xf32, #tpu.memory_space<vmem>>, vector<16xf32>,
      tpu.vector_store %arg26[%swap3A_684], %max3A_683 {strides = array<i32>} : memref<640xf32, #tpu.memory_space<vmem>>, vector<16xf32>,
      %get3A_686 = arith.constant 336 : index
      %get3A_687 = tpu.vector_load %arg26[%get3A_686] {strides = array<i32>} : memref<640xf32, #tpu.memory_space<vmem>>, vector<16xf32>,
      %get3A_688 = arith.constant 336 : index
      %get3A_689 = tpu.vector_load %arg27[%get3A_688] {strides = array<i32>} : memref<640xf32, #tpu.memory_space<vmem>>, vector<16xf32>,
      %max3A_690 = arith.maximumf %get3A_687, %get3A_689 : vector<16xf32>
      %swap3A_691 = arith.constant 336 : index
      %swap3A_692 = tpu.vector_load %arg26[%swap3A_691] {strides = array<i32>} : memref<640xf32, #tpu.memory_space<vmem>>, vector<16xf32>,
      tpu.vector_store %arg26[%swap3A_691], %max3A_690 {strides = array<i32>} : memref<640xf32, #tpu.memory_space<vmem>>, vector<16xf32>,
      %get3A_693 = arith.constant 352 : index
      %get3A_694 = tpu.vector_load %arg26[%get3A_693] {strides = array<i32>} : memref<640xf32, #tpu.memory_space<vmem>>, vector<16xf32>,
      %get3A_695 = arith.constant 352 : index
      %get3A_696 = tpu.vector_load %arg27[%get3A_695] {strides = array<i32>} : memref<640xf32, #tpu.memory_space<vmem>>, vector<16xf32>,
      %max3A_697 = arith.maximumf %get3A_694, %get3A_696 : vector<16xf32>
      %swap3A_698 = arith.constant 352 : index
      %swap3A_699 = tpu.vector_load %arg26[%swap3A_698] {strides = array<i32>} : memref<640xf32, #tpu.memory_space<vmem>>, vector<16xf32>,
      tpu.vector_store %arg26[%swap3A_698], %max3A_697 {strides = array<i32>} : memref<640xf32, #tpu.memory_space<vmem>>, vector<16xf32>,
      %get3A_700 = arith.constant 368 : index
      %get3A_701 = tpu.vector_load %arg26[%get3A_700] {strides = array<i32>} : memref<640xf32, #tpu.memory_space<vmem>>, vector<16xf32>,
      %get3A_702 = arith.constant 368 : index
      %get3A_703 = tpu.vector_load %arg27[%get3A_702] {strides = array<i32>} : memref<640xf32, #tpu.memory_space<vmem>>, vector<16xf32>,
      %max3A_704 = arith.maximumf %get3A_701, %get3A_703 : vector<16xf32>
      %swap3A_705 = arith.constant 368 : index
      %swap3A_706 = tpu.vector_load %arg26[%swap3A_705] {strides = array<i32>} : memref<640xf32, #tpu.memory_space<vmem>>, vector<16xf32>,
      tpu.vector_store %arg26[%swap3A_705], %max3A_704 {strides = array<i32>} : memref<640xf32, #tpu.memory_space<vmem>>, vector<16xf32>,
      %get3A_707 = arith.constant 384 : index
      %get3A_708 = tpu.vector_load %arg26[%get3A_707] {strides = array<i32>} : memref<640xf32, #tpu.memory_space<vmem>>, vector<16xf32>,
      %get3A_709 = arith.constant 384 : index
      %get3A_710 = tpu.vector_load %arg27[%get3A_709] {strides = array<i32>} : memref<640xf32, #tpu.memory_space<vmem>>, vector<16xf32>,
      %max3A_711 = arith.maximumf %get3A_708, %get3A_710 : vector<16xf32>
      %swap3A_712 = arith.constant 384 : index
      %swap3A_713 = tpu.vector_load %arg26[%swap3A_712] {strides = array<i32>} : memref<640xf32, #tpu.memory_space<vmem>>, vector<16xf32>,
      tpu.vector_store %arg26[%swap3A_712], %max3A_711 {strides = array<i32>} : memref<640xf32, #tpu.memory_space<vmem>>, vector<16xf32>,
      %get3A_714 = arith.constant 400 : index
      %get3A_715 = tpu.vector_load %arg26[%get3A_714] {strides = array<i32>} : memref<640xf32, #tpu.memory_space<vmem>>, vector<16xf32>,
      %get3A_716 = arith.constant 400 : index
      %get3A_717 = tpu.vector_load %arg27[%get3A_716] {strides = array<i32>} : memref<640xf32, #tpu.memory_space<vmem>>, vector<16xf32>,
      %max3A_718 = arith.maximumf %get3A_715, %get3A_717 : vector<16xf32>
      %swap3A_719 = arith.constant 400 : index
      %swap3A_720 = tpu.vector_load %arg26[%swap3A_719] {strides = array<i32>} : memref<640xf32, #tpu.memory_space<vmem>>, vector<16xf32>,
      tpu.vector_store %arg26[%swap3A_719], %max3A_718 {strides = array<i32>} : memref<640xf32, #tpu.memory_space<vmem>>, vector<16xf32>,
      %get3A_721 = arith.constant 416 : index
      %get3A_722 = tpu.vector_load %arg26[%get3A_721] {strides = array<i32>} : memref<640xf32, #tpu.memory_space<vmem>>, vector<16xf32>,
      %get3A_723 = arith.constant 416 : index
      %get3A_724 = tpu.vector_load %arg27[%get3A_723] {strides = array<i32>} : memref<640xf32, #tpu.memory_space<vmem>>, vector<16xf32>,
      %max3A_725 = arith.maximumf %get3A_722, %get3A_724 : vector<16xf32>
      %swap3A_726 = arith.constant 416 : index
      %swap3A_727 = tpu.vector_load %arg26[%swap3A_726] {strides = array<i32>} : memref<640xf32, #tpu.memory_space<vmem>>, vector<16xf32>,
      tpu.vector_store %arg26[%swap3A_726], %max3A_725 {strides = array<i32>} : memref<640xf32, #tpu.memory_space<vmem>>, vector<16xf32>,
      %get3A_728 = arith.constant 432 : index
      %get3A_729 = tpu.vector_load %arg26[%get3A_728] {strides = array<i32>} : memref<640xf32, #tpu.memory_space<vmem>>, vector<16xf32>,
      %get3A_730 = arith.constant 432 : index
      %get3A_731 = tpu.vector_load %arg27[%get3A_730] {strides = array<i32>} : memref<640xf32, #tpu.memory_space<vmem>>, vector<16xf32>,
      %max3A_732 = arith.maximumf %get3A_729, %get3A_731 : vector<16xf32>
      %swap3A_733 = arith.constant 432 : index
      %swap3A_734 = tpu.vector_load %arg26[%swap3A_733] {strides = array<i32>} : memref<640xf32, #tpu.memory_space<vmem>>, vector<16xf32>,
      tpu.vector_store %arg26[%swap3A_733], %max3A_732 {strides = array<i32>} : memref<640xf32, #tpu.memory_space<vmem>>, vector<16xf32>,
      %get3A_735 = arith.constant 448 : index
      %get3A_736 = tpu.vector_load %arg26[%get3A_735] {strides = array<i32>} : memref<640xf32, #tpu.memory_space<vmem>>, vector<16xf32>,
      %get3A_737 = arith.constant 448 : index
      %get3A_738 = tpu.vector_load %arg27[%get3A_737] {strides = array<i32>} : memref<640xf32, #tpu.memory_space<vmem>>, vector<16xf32>,
      %max3A_739 = arith.maximumf %get3A_736, %get3A_738 : vector<16xf32>
      %swap3A_740 = arith.constant 448 : index
      %swap3A_741 = tpu.vector_load %arg26[%swap3A_740] {strides = array<i32>} : memref<640xf32, #tpu.memory_space<vmem>>, vector<16xf32>,
      tpu.vector_store %arg26[%swap3A_740], %max3A_739 {strides = array<i32>} : memref<640xf32, #tpu.memory_space<vmem>>, vector<16xf32>,
      %get3A_742 = arith.constant 464 : index
      %get3A_743 = tpu.vector_load %arg26[%get3A_742] {strides = array<i32>} : memref<640xf32, #tpu.memory_space<vmem>>, vector<16xf32>,
      %get3A_744 = arith.constant 464 : index
      %get3A_745 = tpu.vector_load %arg27[%get3A_744] {strides = array<i32>} : memref<640xf32, #tpu.memory_space<vmem>>, vector<16xf32>,
      %max3A_746 = arith.maximumf %get3A_743, %get3A_745 : vector<16xf32>
      %swap3A_747 = arith.constant 464 : index
      %swap3A_748 = tpu.vector_load %arg26[%swap3A_747] {strides = array<i32>} : memref<640xf32, #tpu.memory_space<vmem>>, vector<16xf32>,
      tpu.vector_store %arg26[%swap3A_747], %max3A_746 {strides = array<i32>} : memref<640xf32, #tpu.memory_space<vmem>>, vector<16xf32>,
      %get3A_749 = arith.constant 480 : index
      %get3A_750 = tpu.vector_load %arg26[%get3A_749] {strides = array<i32>} : memref<640xf32, #tpu.memory_space<vmem>>, vector<16xf32>,
      %get3A_751 = arith.constant 480 : index
      %get3A_752 = tpu.vector_load %arg27[%get3A_751] {strides = array<i32>} : memref<640xf32, #tpu.memory_space<vmem>>, vector<16xf32>,
      %max3A_753 = arith.maximumf %get3A_750, %get3A_752 : vector<16xf32>
      %swap3A_754 = arith.constant 480 : index
      %swap3A_755 = tpu.vector_load %arg26[%swap3A_754] {strides = array<i32>} : memref<640xf32, #tpu.memory_space<vmem>>, vector<16xf32>,
      tpu.vector_store %arg26[%swap3A_754], %max3A_753 {strides = array<i32>} : memref<640xf32, #tpu.memory_space<vmem>>, vector<16xf32>,
      %get3A_756 = arith.constant 496 : index
      %get3A_757 = tpu.vector_load %arg26[%get3A_756] {strides = array<i32>} : memref<640xf32, #tpu.memory_space<vmem>>, vector<16xf32>,
      %get3A_758 = arith.constant 496 : index
      %get3A_759 = tpu.vector_load %arg27[%get3A_758] {strides = array<i32>} : memref<640xf32, #tpu.memory_space<vmem>>, vector<16xf32>,
      %max3A_760 = arith.maximumf %get3A_757, %get3A_759 : vector<16xf32>
      %swap3A_761 = arith.constant 496 : index
      %swap3A_762 = tpu.vector_load %arg26[%swap3A_761] {strides = array<i32>} : memref<640xf32, #tpu.memory_space<vmem>>, vector<16xf32>,
      tpu.vector_store %arg26[%swap3A_761], %max3A_760 {strides = array<i32>} : memref<640xf32, #tpu.memory_space<vmem>>, vector<16xf32>,
      %get3A_763 = arith.constant 512 : index
      %get3A_764 = tpu.vector_load %arg26[%get3A_763] {strides = array<i32>} : memref<640xf32, #tpu.memory_space<vmem>>, vector<16xf32>,
      %get3A_765 = arith.constant 512 : index
      %get3A_766 = tpu.vector_load %arg27[%get3A_765] {strides = array<i32>} : memref<640xf32, #tpu.memory_space<vmem>>, vector<16xf32>,
      %max3A_767 = arith.maximumf %get3A_764, %get3A_766 : vector<16xf32>
      %swap3A_768 = arith.constant 512 : index
      %swap3A_769 = tpu.vector_load %arg26[%swap3A_768] {strides = array<i32>} : memref<640xf32, #tpu.memory_space<vmem>>, vector<16xf32>,
      tpu.vector_store %arg26[%swap3A_768], %max3A_767 {strides = array<i32>} : memref<640xf32, #tpu.memory_space<vmem>>, vector<16xf32>,
      %get3A_770 = arith.constant 528 : index
      %get3A_771 = tpu.vector_load %arg26[%get3A_770] {strides = array<i32>} : memref<640xf32, #tpu.memory_space<vmem>>, vector<16xf32>,
      %get3A_772 = arith.constant 528 : index
      %get3A_773 = tpu.vector_load %arg27[%get3A_772] {strides = array<i32>} : memref<640xf32, #tpu.memory_space<vmem>>, vector<16xf32>,
      %max3A_774 = arith.maximumf %get3A_771, %get3A_773 : vector<16xf32>
      %swap3A_775 = arith.constant 528 : index
      %swap3A_776 = tpu.vector_load %arg26[%swap3A_775] {strides = array<i32>} : memref<640xf32, #tpu.memory_space<vmem>>, vector<16xf32>,
      tpu.vector_store %arg26[%swap3A_775], %max3A_774 {strides = array<i32>} : memref<640xf32, #tpu.memory_space<vmem>>, vector<16xf32>,
      %get3A_777 = arith.constant 544 : index
      %get3A_778 = tpu.vector_load %arg26[%get3A_777] {strides = array<i32>} : memref<640xf32, #tpu.memory_space<vmem>>, vector<16xf32>,
      %get3A_779 = arith.constant 544 : index
      %get3A_780 = tpu.vector_load %arg27[%get3A_779] {strides = array<i32>} : memref<640xf32, #tpu.memory_space<vmem>>, vector<16xf32>,
      %max3A_781 = arith.maximumf %get3A_778, %get3A_780 : vector<16xf32>
      %swap3A_782 = arith.constant 544 : index
      %swap3A_783 = tpu.vector_load %arg26[%swap3A_782] {strides = array<i32>} : memref<640xf32, #tpu.memory_space<vmem>>, vector<16xf32>,
      tpu.vector_store %arg26[%swap3A_782], %max3A_781 {strides = array<i32>} : memref<640xf32, #tpu.memory_space<vmem>>, vector<16xf32>,
      %get3A_784 = arith.constant 560 : index
      %get3A_785 = tpu.vector_load %arg26[%get3A_784] {strides = array<i32>} : memref<640xf32, #tpu.memory_space<vmem>>, vector<16xf32>,
      %get3A_786 = arith.constant 560 : index
      %get3A_787 = tpu.vector_load %arg27[%get3A_786] {strides = array<i32>} : memref<640xf32, #tpu.memory_space<vmem>>, vector<16xf32>,
      %max3A_788 = arith.maximumf %get3A_785, %get3A_787 : vector<16xf32>
      %swap3A_789 = arith.constant 560 : index
      %swap3A_790 = tpu.vector_load %arg26[%swap3A_789] {strides = array<i32>} : memref<640xf32, #tpu.memory_space<vmem>>, vector<16xf32>,
      tpu.vector_store %arg26[%swap3A_789], %max3A_788 {strides = array<i32>} : memref<640xf32, #tpu.memory_space<vmem>>, vector<16xf32>,
      %get3A_791 = arith.constant 576 : index
      %get3A_792 = tpu.vector_load %arg26[%get3A_791] {strides = array<i32>} : memref<640xf32, #tpu.memory_space<vmem>>, vector<16xf32>,
      %get3A_793 = arith.constant 576 : index
      %get3A_794 = tpu.vector_load %arg27[%get3A_793] {strides = array<i32>} : memref<640xf32, #tpu.memory_space<vmem>>, vector<16xf32>,
      %max3A_795 = arith.maximumf %get3A_792, %get3A_794 : vector<16xf32>
      %swap3A_796 = arith.constant 576 : index
      %swap3A_797 = tpu.vector_load %arg26[%swap3A_796] {strides = array<i32>} : memref<640xf32, #tpu.memory_space<vmem>>, vector<16xf32>,
      tpu.vector_store %arg26[%swap3A_796], %max3A_795 {strides = array<i32>} : memref<640xf32, #tpu.memory_space<vmem>>, vector<16xf32>,
      %get3A_798 = arith.constant 592 : index
      %get3A_799 = tpu.vector_load %arg26[%get3A_798] {strides = array<i32>} : memref<640xf32, #tpu.memory_space<vmem>>, vector<16xf32>,
      %get3A_800 = arith.constant 592 : index
      %get3A_801 = tpu.vector_load %arg27[%get3A_800] {strides = array<i32>} : memref<640xf32, #tpu.memory_space<vmem>>, vector<16xf32>,
      %max3A_802 = arith.maximumf %get3A_799, %get3A_801 : vector<16xf32>
      %swap3A_803 = arith.constant 592 : index
      %swap3A_804 = tpu.vector_load %arg26[%swap3A_803] {strides = array<i32>} : memref<640xf32, #tpu.memory_space<vmem>>, vector<16xf32>,
      tpu.vector_store %arg26[%swap3A_803], %max3A_802 {strides = array<i32>} : memref<640xf32, #tpu.memory_space<vmem>>, vector<16xf32>,
      %get3A_805 = arith.constant 608 : index
      %get3A_806 = tpu.vector_load %arg26[%get3A_805] {strides = array<i32>} : memref<640xf32, #tpu.memory_space<vmem>>, vector<16xf32>,
      %get3A_807 = arith.constant 608 : index
      %get3A_808 = tpu.vector_load %arg27[%get3A_807] {strides = array<i32>} : memref<640xf32, #tpu.memory_space<vmem>>, vector<16xf32>,
      %max3A_809 = arith.maximumf %get3A_806, %get3A_808 : vector<16xf32>
      %swap3A_810 = arith.constant 608 : index
      %swap3A_811 = tpu.vector_load %arg26[%swap3A_810] {strides = array<i32>} : memref<640xf32, #tpu.memory_space<vmem>>, vector<16xf32>,
      tpu.vector_store %arg26[%swap3A_810], %max3A_809 {strides = array<i32>} : memref<640xf32, #tpu.memory_space<vmem>>, vector<16xf32>,
      %get3A_812 = arith.constant 624 : index
      %get3A_813 = tpu.vector_load %arg26[%get3A_812] {strides = array<i32>} : memref<640xf32, #tpu.memory_space<vmem>>, vector<16xf32>,
      %get3A_814 = arith.constant 624 : index
      %get3A_815 = tpu.vector_load %arg27[%get3A_814] {strides = array<i32>} : memref<640xf32, #tpu.memory_space<vmem>>, vector<16xf32>,
      %max3A_816 = arith.maximumf %get3A_813, %get3A_815 : vector<16xf32>
      %swap3A_817 = arith.constant 624 : index
      %swap3A_818 = tpu.vector_load %arg26[%swap3A_817] {strides = array<i32>} : memref<640xf32, #tpu.memory_space<vmem>>, vector<16xf32>,
      tpu.vector_store %arg26[%swap3A_817], %max3A_816 {strides = array<i32>} : memref<640xf32, #tpu.memory_space<vmem>>, vector<16xf32>,
      "tpu.region"() ({
        %run_scoped3A = tpu.sem_alloc : memref<!tpu.dma_semaphore, #tpu.memory_space<semaphore_mem>>
        %dma_start3A = tpu.memref_slice %arg30[%mul3A_4] : memref<10240xf32, #tpu.memory_space<vmem_shared>> -> memref<640xf32, #tpu.memory_space<vmem_shared>>
        %dma_start3A_820 = tpu.memref_slice %arg30[%mul3A_4] : memref<10240xf32, #tpu.memory_space<vmem_shared>> -> memref<640xf32, #tpu.memory_space<vmem_shared>>
        tpu.enqueue_dma source(%arg26 : memref<640xf32, #tpu.memory_space<vmem>>) target(%dma_start3A_820 : memref<640xf32, #tpu.memory_space<vmem_shared>>) target_semaphore(%run_scoped3A : memref<!tpu.dma_semaphore, #tpu.memory_space<semaphore_mem>>)
        %dma_wait3A = tpu.memref_slice %arg30[%mul3A_4] : memref<10240xf32, #tpu.memory_space<vmem_shared>> -> memref<640xf32, #tpu.memory_space<vmem_shared>>
        %dma_wait3A_821 = tpu.memref_slice %arg30[%mul3A_4] : memref<10240xf32, #tpu.memory_space<vmem_shared>> -> memref<640xf32, #tpu.memory_space<vmem_shared>>
        tpu.wait_dma2 semaphore(%run_scoped3A : memref<!tpu.dma_semaphore, #tpu.memory_space<semaphore_mem>>) src(%arg26 : memref<640xf32, #tpu.memory_space<vmem>>) dst(%dma_wait3A_821 : memref<640xf32, #tpu.memory_space<vmem_shared>>)
        tpu.yield
      }) : () -> ()
      %barrier3A_819 = arith.constant 0 : index
      tpu.barrier barrier_id(%barrier3A_819)
    }
    %eq3A = arith.constant 0 : i32
    %eq3A_56 = arith.cmpi eq, %arg0, %eq3A : i32
    %convert_element_type3A_57 = arith.extui %eq3A_56 : i1 to i32
    %cond3A = arith.constant 0 : i32
    %cond3A_58 = arith.cmpi ne, %convert_element_type3A_57, %cond3A : i32
    scf.if %cond3A_58 {
      "tpu.region"() ({
        %run_scoped3A = tpu.sem_alloc : memref<!tpu.dma_semaphore, #tpu.memory_space<semaphore_mem>>
        %dma_start3A = tpu.memref_slice %arg11[%mul3A_4] : memref<10240xf32, #tpu.memory_space<hbm>> -> memref<640xf32, #tpu.memory_space<hbm>>
        %dma_start3A_59 = tpu.memref_slice %arg30[%mul3A_4] : memref<10240xf32, #tpu.memory_space<vmem_shared>> -> memref<640xf32, #tpu.memory_space<vmem_shared>>
        tpu.enqueue_dma source(%dma_start3A_59 : memref<640xf32, #tpu.memory_space<vmem_shared>>) target(%dma_start3A : memref<640xf32, #tpu.memory_space<hbm>>) target_semaphore(%run_scoped3A : memref<!tpu.dma_semaphore, #tpu.memory_space<semaphore_mem>>)
        %dma_wait3A = tpu.memref_slice %arg11[%mul3A_4] : memref<10240xf32, #tpu.memory_space<hbm>> -> memref<640xf32, #tpu.memory_space<hbm>>
        %dma_wait3A_60 = tpu.memref_slice %arg30[%mul3A_4] : memref<10240xf32, #tpu.memory_space<vmem_shared>> -> memref<640xf32, #tpu.memory_space<vmem_shared>>
        tpu.wait_dma2 semaphore(%run_scoped3A : memref<!tpu.dma_semaphore, #tpu.memory_space<semaphore_mem>>) src(%dma_wait3A_60 : memref<640xf32, #tpu.memory_space<vmem_shared>>) dst(%dma_wait3A : memref<640xf32, #tpu.memory_space<hbm>>)
        tpu.yield
      }) : () -> ()
    } else {
    }
    return
  }
}

module attributes {stable_mosaic.version = 14 : i64} {
  func.func @body(%arg0: i32, %arg1: memref<2000x128xf32, #tpu.memory_space<vmem>>, %arg2: memref<1x128xf32, #tpu.memory_space<vmem>>, %arg3: memref<1x1xf32, #tpu.memory_space<vmem>>, %arg4: memref<2000x1xf32, #tpu.memory_space<vmem>>) attributes {dimension_semantics = [#tpu.dimension_semantics<arbitrary>], iteration_bounds = array<i64: 80>, scalar_prefetch = 0 : i64, scratch_operands = 0 : i64, tpu.core_type = #tpu.core_type<tc>, window_params = [{transform_indices = @transform_0, window_bounds = array<i64: 2000, 128>}, {pipeline_mode = #tpu.pipeline_mode<synchronous>, transform_indices = @transform_1, window_bounds = array<i64: 1, 128>}, {pipeline_mode = #tpu.pipeline_mode<synchronous>, transform_indices = @transform_2, window_bounds = array<i64: 1, 1>}, {transform_indices = @transform_3, window_bounds = array<i64: 2000, 1>}]} {
    %get3A = arith.constant 0 : index
    %get3A_0 = arith.constant 0 : index
    %get3A_1 = vector.load %arg1[%get3A, %get3A_0] : memref<2000x128xf32, #tpu.memory_space<vmem>>, vector<2000x128xf32>
    %get3A_2 = arith.constant 0 : index
    %get3A_3 = arith.constant 0 : index
    %get3A_4 = vector.load %arg2[%get3A_2, %get3A_3] : memref<1x128xf32, #tpu.memory_space<vmem>>, vector<1x128xf32>
    %mul3A = vector.broadcast %get3A_4 : vector<1x128xf32> to vector<2000x128xf32>
    %mul3A_5 = arith.mulf %get3A_1, %mul3A : vector<2000x128xf32>
    %reduce_sum3A = arith.constant dense<0.000000e+00> : vector<2000xf32>
    %reduce_sum3A_6 = vector.multi_reduction <add>, %mul3A_5, %reduce_sum3A [1] : vector<2000x128xf32> to vector<2000xf32>
    %broadcast_in_dim3A = vector.shape_cast %reduce_sum3A_6 : vector<2000xf32> to vector<2000x1xf32>
    %get3A_7 = arith.constant 0 : index
    %get3A_8 = arith.constant 0 : index
    %get3A_9 = vector.load %arg3[%get3A_7, %get3A_8] : memref<1x1xf32, #tpu.memory_space<vmem>>, vector<1x1xf32>
    %add3A = vector.broadcast %get3A_9 : vector<1x1xf32> to vector<2000x1xf32>
    %add3A_10 = arith.addf %broadcast_in_dim3A, %add3A : vector<2000x1xf32>
    %swap3A = arith.constant 0 : index
    %swap3A_11 = arith.constant 0 : index
    %swap3A_12 = vector.load %arg4[%swap3A, %swap3A_11] : memref<2000x1xf32, #tpu.memory_space<vmem>>, vector<2000x1xf32>
    tpu.vector_store %arg4[%swap3A, %swap3A_11], %add3A_10 {strides = array<i32>} : memref<2000x1xf32, #tpu.memory_space<vmem>>, vector<2000x1xf32>,
    return
  }
  func.func @transform_0(%arg0: i32) -> (i32, i32) {
    %c0_i32 = arith.constant 0 : i32
    %c0_i32_0 = arith.constant 0 : i32
    return %arg0, %c0_i32 : i32, i32
  }
  func.func @transform_1(%arg0: i32) -> (i32, i32) {
    %c0_i32 = arith.constant 0 : i32
    %c0_i32_0 = arith.constant 0 : i32
    %c0_i32_1 = arith.constant 0 : i32
    return %c0_i32, %c0_i32_0 : i32, i32
  }
  func.func @transform_2(%arg0: i32) -> (i32, i32) {
    %c0_i32 = arith.constant 0 : i32
    %c0_i32_0 = arith.constant 0 : i32
    %c0_i32_1 = arith.constant 0 : i32
    return %c0_i32, %c0_i32_0 : i32, i32
  }
  func.func @transform_3(%arg0: i32) -> (i32, i32) {
    %c0_i32 = arith.constant 0 : i32
    %c0_i32_0 = arith.constant 0 : i32
    return %arg0, %c0_i32 : i32, i32
  }
}

</mosaic_0001>

<sc_bundles>
// kernel: kernel.4.cloned.1.call-start
scs
__scs_entry_jumppad:
0x0: {  	(pc) =	sbr.rel $0x88, $3  }
0x1: {  	(tag) =	ssettag $0x0;
	lr =	simm.s32 $0x1  }
0x2: {  	[smem:$0x3F9B] =	sst lr;
	_ =	strace $0xD0000000  }
0x3: {  	_ = 	snop  }
0x4: {  	_ = 	snop  }
0x5: {  	_ = 	snop  }
0x6: {  	_ = 	snop  }
0x7: {  	_ = 	snop  }
__scs_overlays_trampoline_lowered:
0x8: {  	[smem:$0x3FAA] =	sst s0  }
0x9: {  	[smem:$0x3FAB] =	sst s1  }
0xa: {  	[smem:$0x3FAC] =	sst s2  }
0xb: {  	[smem:$0x3FAD] =	sst s3  }
0xc: {  	[smem:$0x3FAE] =	sst s4  }
0xd: {  	[smem:$0x3FAF] =	sst s5  }
0xe: {  	[smem:$0x3FB0] =	sst s6  }
0xf: {  	[smem:$0x3FB1] =	sst s7  }
0x10: {  	[smem:$0x3FB2] =	sst s8  }
0x11: {  	[smem:$0x3FB3] =	sst s9;
	s0 =	simm.s32 @!p0 $0x0  }
0x12: {  	s1 =	sld [smem:$0x3F99];
	s0 =	simm.s32 @p0 $0x1  }
0x13: {  	[smem:$0x3FB4] =	sst s0;
	s0 =	simm.s32 @!p1 $0x0  }
0x14: {  	s2 =	sld [smem:$0x3F98];
	s0 =	simm.s32 @p1 $0x1  }
0x15: {  	[smem:$0x3FB5] =	sst s0;
	s0 =	simm.s32 @!p2 $0x0  }
0x16: {  	s3 =	sld [smem:$0x3FDB];
	s0 =	simm.s32 @p2 $0x1  }
0x17: {  	s4 =	simm.s32 $0x1BF5;
	[smem:$0x3FB7] =	sst s0  }
0x18: {  	s0 =	sld [smem:$0x3F9A];
	_ =	swait.ge [sflag:s4], $0x0  }
0x19: {  	s7 =	sld [smem:$0x3F9B]  }
0x1a: {  	s8 =	sadd.s32 $0xFFFFE003, lr  }
0x1b: {  	s9 =	sadd.s32 $0xFFFFFEF7, lr;
	s5 =	simm.s32 $0xFFFFFFFF;
	p2 =	slt.u32 s8, $0xFFFFF086  }
0x1c: {  	p1 =	slt.u32 s9, $0xF7A;
	s5 =	simm.s32 @!p2 $0x0  }
0x1d: {  	s5 =	simm.s32 @p1 $0x1;
	p0 =	seq.s32 s7, s2  }
0x1e: {  	s7 =	smul.u32 @!p0 $0xF7A, s2;
	p2 =	seq.s32 @!p0 s5, $0x0  }
0x1f: {  	s9 =	smul.u32 $0xF7A, s1;
	s8 =	simm.s32 @!p0 $0x1BF5;
	p2 =	por !p2, p0  }
0x20: {  	[sflag:s8] =	ssyncset.s32 @!p0 $0xFFFFF086;
	s6 =	sadd.s32 @!p0 s3, s7;
	s7 =	simm.s32 @!p0 $0x108  }
0x21: {  	s3 =	sadd.s32 s3, s9;
	s6 =	sadd.s32 @!p0 $0x88, s6;
	s7 =	simm.s32 @p2 $0x1082  }
0x22: {  	[simem:s7], [sflag:s8] =	dma.local @!p0 [hbm:s6], $0xF7A  }
0x23: {  	s9 =	sor.u32 $0xD0000000, s2;
	s6 =	simm.s32 $0x108;
	_ =	swait.ge @!p0 [sflag:s8], $0x0  }
0x24: {  	s3 =	sadd.s32 $0x88, s3;
	s6 =	simm.s32 @!p1 $0x1082;
	[sflag:s4] =	ssyncset.s32 $0xFFFFF086  }
0x25: {  	[simem:s6], [sflag:s4] =	dma.local [hbm:s3], $0xF7A  }
0x26: {  	[smem:$0x3F9B] =	sst s1;
	(tag) =	ssettag s2;
	_ =	strace s9  }
0x27: {  	s1 =	sld [smem:$0x3FAB]  }
0x28: {  	s2 =	sld [smem:$0x3FAC]  }
0x29: {  	s4 =	sld [smem:$0x3FAE]  }
0x2a: {  	p0 =	seq.s32 s5, $0x0;
	s5 =	sld [smem:$0x3FAF]  }
0x2b: {  	s6 =	sld [smem:$0x3FB0]  }
0x2c: {  	s7 =	sld [smem:$0x3FB1]  }
0x2d: {  	s3 =	simm.s32 $0x108;
	s8 =	sld [smem:$0x3FB2]  }
0x2e: {  	s3 =	simm.s32 @!p0 $0x1082;
	s9 =	sld [smem:$0x3FB3]  }
0x2f: {  	lr =	sadd.s32 s0, s3;
	s0 =	sld [smem:$0x3FAA]  }
0x30: {  	s3 =	sld [smem:$0x3FAD]  }
0x31: {  	[smem:$0x3FB6] =	sst s10  }
0x32: {  	s10 =	sld [smem:$0x3FB4];
	_ =	sdelay $0x3  }
0x33: {  	p0 =	seq.s32 s10, $0x1;
	s10 =	sld [smem:$0x3FB6];
	_ =	sdelay $0x3  }
0x34: {  	[smem:$0x3FB6] =	sst s10  }
0x35: {  	s10 =	sld [smem:$0x3FB5];
	_ =	sdelay $0x3  }
0x36: {  	p1 =	seq.s32 s10, $0x1;
	s10 =	sld [smem:$0x3FB6];
	_ =	sdelay $0x3  }
0x37: {  	[smem:$0x3FB6] =	sst s10  }
0x38: {  	s10 =	sld [smem:$0x3FB7]  }
0x39: {  	_ = 	snop;
	(pc) =	sbr.ind lr, $3  }
0x3a: {  	_ = 	snop  }
0x3b: {  	_ = 	snop  }
0x3c: {  	p2 =	seq.s32 s10, $0x1;
	s10 =	sld [smem:$0x3FB6]  }
0x3d: {  	_ =	shalt  }
0x3e: {  	_ =	shalt  }
0x3f: {  	_ =	shalt  }
0x40: {  	_ =	shalt  }
0x41: {  	_ =	shalt  }
0x42: {  	_ =	shalt  }
0x43: {  	_ =	shalt  }
0x44: {  	_ =	shalt  }
0x45: {  	_ =	shalt  }
0x46: {  	_ =	shalt  }
0x47: {  	_ =	shalt  }
0x48: {  	_ =	shalt  }
0x49: {  	_ =	shalt  }
0x4a: {  	_ =	shalt  }
0x4b: {  	_ =	shalt  }
0x4c: {  	_ =	shalt  }
0x4d: {  	_ =	shalt  }
0x4e: {  	_ =	shalt  }
0x4f: {  	_ =	shalt  }
0x50: {  	_ =	shalt  }
0x51: {  	_ =	shalt  }
0x52: {  	_ =	shalt  }
0x53: {  	_ =	shalt  }
0x54: {  	_ =	shalt  }
0x55: {  	_ =	shalt  }
0x56: {  	_ =	shalt  }
0x57: {  	_ =	shalt  }
0x58: {  	_ =	shalt  }
0x59: {  	_ =	shalt  }
0x5a: {  	_ =	shalt  }
0x5b: {  	_ =	shalt  }
0x5c: {  	_ =	shalt  }
0x5d: {  	_ =	shalt  }
0x5e: {  	_ =	shalt  }
0x5f: {  	_ =	shalt  }
0x60: {  	_ =	shalt  }
0x61: {  	_ =	shalt  }
0x62: {  	_ =	shalt  }
0x63: {  	_ =	shalt  }
0x64: {  	_ =	shalt  }
0x65: {  	_ =	shalt  }
0x66: {  	_ =	shalt  }
0x67: {  	_ =	shalt  }
0x68: {  	_ =	shalt  }
0x69: {  	_ =	shalt  }
0x6a: {  	_ =	shalt  }
0x6b: {  	_ =	shalt  }
0x6c: {  	_ =	shalt  }
0x6d: {  	_ =	shalt  }
0x6e: {  	_ =	shalt  }
0x6f: {  	_ =	shalt  }
0x70: {  	_ =	shalt  }
0x71: {  	_ =	shalt  }
0x72: {  	_ =	shalt  }
0x73: {  	_ =	shalt  }
0x74: {  	_ =	shalt  }
0x75: {  	_ =	shalt  }
0x76: {  	_ =	shalt  }
0x77: {  	_ =	shalt  }
0x78: {  	_ =	shalt  }
0x79: {  	_ =	shalt  }
0x7a: {  	_ =	shalt  }
0x7b: {  	_ =	shalt  }
0x7c: {  	_ =	shalt  }
0x7d: {  	_ =	shalt  }
0x7e: {  	_ =	shalt  }
0x7f: {  	_ =	shalt  }
0x80: {  	_ =	shalt  }
0x81: {  	_ =	shalt  }
0x82: {  	_ =	shalt  }
0x83: {  	_ =	shalt  }
0x84: {  	_ =	shalt  }
0x85: {  	_ =	shalt  }
0x86: {  	_ =	shalt  }
0x87: {  	_ =	shalt  }
.Lfunc_end0:
.L_simem_size_0:
called_computation_lowered:
.L_overlay_start_0:
0x88: {  	s2 =	sld [smem:$0x3FD9]  }
0x89: {  	s3 =	sld [smem:$0x3FFE];
	_ =	sdelay $0x1  }
0x8a: {  	s1 =	srdreg.scid  }
0x8b: {  	s0 =	sand.u32 $0x1, s1  }
0x8c: {  	s17 =	sshll.u32 s0, $0xA;
	s2 =	sadd.s32 s3, s2  }
0x8d: {  	s2 =	sadd.s32 s2, s17  }
0x8e: {  	[smem:$0x3FC2] =	sst s2  }
0x8f: {  	_ = 	snop  }
0x90: {  	s2 =	sld [smem:$0x3FC7];
	(tm) =	ssettm $0x1  }
0x91: {  	s18 =	sld [smem:$0x3FFB];
	_ =	sdelay $0x3  }
0x92: {  	_ =	strace s18  }
0x93: {  	s3 =	sld [smem:$0x3FFC];
	_ =	sdelay $0x3  }
0x94: {  	_ =	strace s3  }
0x95: {  	s3 =	sld [smem:$0x3FFD];
	_ =	sdelay $0x3  }
0x96: {  	_ =	strace s3  }
0x97: {  	_ =	strace $0x8FFFFFFF  }
0x98: {  	s19 =	sld [smem:$0x3FDB];
	_ =	sdelay $0x1  }
0x99: {  	s4 =	simm.s32 $_scs_section_size  }
0x9a: {  	s5 =	simm.s32 $_size__tile_overlayer_lowered;
	s6 =	simm.s32 $_tile_overlayer_lowered  }
0x9b: {  	s22 =	simm.s32 $0x1BFF;
	s21 =	sshll.u32 s6, $0x1;
	s3 =	sadd.s32 s4, s19  }
0x9c: {  	s7 =	simm.s32 $0x0;
	s20 =	sshll.u32 s5, $0x1;
	s5 =	sadd.s32 s21, s3  }
0x9d: {  	[timem:s7], [sflag:s22] =	dma.local [hbm:s5], s20  }
0x9e: {  	_ =	swait.ge [sflag:s22], s20  }
0x9f: {  	s4 =	ssub.s32 $0x0, s20;
	[sflag:s22] =	ssyncset.done $0x0  }
0xa0: {  	[sflag:s22] =	ssyncadd.s32 s4;
	_ =	sdelay $0x1  }
0xa1: {  	s23 =	simm.s32 $0x1B8B  }
0xa2: {  	_ =	swait.ge [sflag:s23], $0x1  }
0xa3: {  	[sflag:s23] =	ssyncset.done $0x0  }
0xa4: {  	s25 =	simm.s32 $0x1B8E;
	s24 =	sld [smem:$0x3FFE];
	[sflag:s23] =	ssyncadd.s32 $0xFFFFFFFF  }
0xa5: {  	s26 =	simm.s32 $execute0_lowered;
	[smem:$0x3FD2] =	sst s25  }
0xa6: {  	s5 =	sshll.u32 s26, $0x1;
	_ =	strace $0x80000046;
	[dreg:$0x1] =	wrdreg $0xFFFFFFFF  }
0xa7: {  	s28 =	simm.s32 $_size_execute0_lowered;
	s3 =	sadd.s32 s3, s5;
	[dreg:$0x0] =	wrdreg $0x0  }
0xa8: {  	s5 =	sshll.u32 s28, $0x1;
	[dreg:$0x2] =	wrdreg s3  }
0xa9: {  	[dreg:$0x3] =	wrdreg s5  }
0xaa: {  	[dreg:$0x4] =	wrdreg $0xC0  }
0xab: {  	_ =	task [dreg:s7], $0x5FFFF  }
0xac: {  	[dreg:$0x1] =	wrdreg $0xFFFFFFFF  }
0xad: {  	[dreg:$0x0] =	wrdreg $0x60  }
0xae: {  	[dreg:$0x2] =	wrdreg s24  }
0xaf: {  	[dreg:$0x3] =	wrdreg s2  }
0xb0: {  	[dreg:$0x4] =	wrdreg $0x183800  }
0xb1: {  	[dreg:$0x5] =	wrdreg $0x15B800  }
0xb2: {  	[dreg:$0x6] =	wrdreg $0x9  }
0xb3: {  	_ =	task.clear_ibuf [dreg:s7], $0x7FFFF;
	_ =	strace $0x90000046  }
0xb4: {  	s29 =	simm.s32 $0x9;
	_ =	strace $0x80000049  }
0xb5: {  	_ =	swait.ge [sflag:s29], $0x1  }
0xb6: {  	[sflag:s29] =	ssyncadd.s32 $0xFFFFFFFF  }
0xb7: {  	_ =	strace $0x90000049  }
0xb8: {  	_ =	sfence  }
0xb9: {  	s30 =	sld [smem:$0x0];
	_ =	sdelay $0x2  }
0xba: {  	s31 =	sshll.u32 s1, $0xD;
	s1 =	sshrl.u32 s1, $0x2  }
0xbb: {  	s3 =	sand.u32 $0x4000, s31;
	s1 =	sadd.s32 s1, s30  }
0xbc: {  	s0 =	sor.u32 s3, s0;
	s1 =	sshll.u32 s1, $0x11  }
0xbd: {  	s0 =	sor.u32 s1, s0  }
0xbe: {  	s0 =	sadd.s32 $0x8F2B, s0  }
0xbf: {  	[sflag:s0] =	ssyncadd.remote.s32 $0x1  }
0xc0: {  	_ =	sfence.sel $0xFFFF  }
0xc1: {  	[dreg:$0x0] =	wrdreg $0xFFFFFFFF;
	(pc) =	sbr.abs _section_cstart, $3  }
0xc2: {  	[dreg:$0x1] =	wrdreg $0xFFFFFFFF  }
0xc3: {  	_ =	task.clear_ibuf [dreg:s7], $0x2FFFF;
	_ =	strace $0x9FFFFFFF  }
0xc4: {  	(tm) =	ssettm $0x7FFFFFFF  }
0xc5: {  	_ =	shalt  }
tec
execute0_lowered:
.L_overlay_start_1:
0x0: {  	(tag) =	ssettag $0x1  }
0x1: {  	s10 =	rddreg [dreg:$0x0];
	s1 =	srdreg.scid  }
0x2: {  	s0 =	stileid.u32;
	s14 =	rddreg [dreg:$0x2]  }
0x3: {  	s4 =	rddreg [dreg:$0x3];
	s5 =	simm.s32 $0x0;
	s28 =	simm.s32 $0xB400  }
0x4: {  	s30 =	simm.s32 $0x2800;
	s31 =	simm.s32 $0x80;
	s2 =	sand.u32 $0x1, s1  }
0x5: {  	s3 =	sshll.u32 s0, $0x1;
	[smem:$0x7FF] =	sst s5;
	s15 =	smul.u32 $0x280, s0  }
0x6: {  	s8 =	sadd.s32 $0x600, s10;
	s13 =	sadd.s32 $0xC00, s10;
	s9 =	sadd.s32 $0x5600, s10  }
0x7: {  	s12 =	sshrl.u32 s0, $0x3;
	_ =	strace $0x80000047;
	[dreg:$0x6] =	wrdreg s8  }
0x8: {  	s21 =	smul.u32 $0x500, s0;
	s22 =	sshll.u32 s0, $0x7;
	[dreg:$0x7] =	wrdreg s13  }
0x9: {  	s3 =	sor.u32 s2, s3;
	[dreg:$0x8] =	wrdreg s9;
	s19 =	smul.u32 $0x50000, s12  }
0xa: {  	s17 =	ssub.s32 $0x2, s2;
	s23 =	sshll.u32 s2, $0x7;
	s13 =	smul.u32 $0x5000, s0  }
0xb: {  	p0 =	sne.s32 s2, $0x0;
	s12 =	simm.s32 $0x13100;
	s6 =	smul.u32 $0x280, s3  }
0xc: {  	s7 =	smul.u32 $0x28, s3;
	s16 =	sshrl.u32 s15, $0x3;
	s11 =	sshrl.u32 s17, $0x1  }
0xd: {  	[dreg:$0x5] =	wrdreg s15;
	s14 =	sadd.s32 s15, s14;
	s8 =	sadd.s32 s16, s10  }
0xe: {  	s9 =	ssub.s32 s17, s11;
	s11 =	sshrl.u32 s19, $0x2;
	s24 =	sshrl.u32 s13, $0x2  }
0xf: {  	s6 =	sadd.s32 s6, s10;
	s7 =	sadd.s32 s7, s10;
	s26 =	sadd.s32 $0x1C00, s8  }
0x10: {  	s10 =	sadd.s32 $0x1200, s10;
	s29 =	smax.u32 s9, $0x1;
	[dreg:$0xd] =	wrdreg s26  }
0x11: {  	s11 =	sadd.s32 s11, s4;
	s18 =	sadd.s32 $0x280800, s6;
	[dreg:$0xe] =	wrdreg s29  }
0x12: {  	s16 =	sadd.s32 s24, s4;
	s20 =	sadd.s32 $0x5800, s6;
	[dreg:$0x9] =	wrdreg s18  }
0x13: {  	s8 =	simm.s32 $0x100;
	s6 =	sadd.s32 $0x27B800, s6;
	[dreg:$0xa] =	wrdreg s20  }
0x14: {  	s9 =	simm.s32 $0x12E80;
	s7 =	sadd.s32 $0x5000, s7;
	[dreg:$0xb] =	wrdreg s6  }
0x15: {  	s4 =	simm.s32 $0x0;
	s26 =	simm.s32 $0x2;
	[dreg:$0xc] =	wrdreg s7  }
0x16: {  	s6 =	sor.u32 s23, s21;
	s7 =	sand.u32 $0x380, s22;
	s18 =	sshrl.u32 s1, $0x2  }
0x17: {  	s1 =	sand.u32 $0x3, s1;
	s23 =	simm.s32 $0x3;
	s20 =	simm.s32 $0xB580  }
.Ltmp0:
0x18: {  	s22 =	simm.s32 $0x12C80;
	s21 =	simm.s32 $0x0;
	(pc) =	sbr.rel .LBB2_1-.Ltmp0, $4  }
0x19: {  	s15 =	sadd.s32 s7, s11;
	s6 =	sshrl.u32 s6, $0x3;
	s1 =	sxor.u32 $0x5, s1  }
0x1a: {  	s7 =	simm.s32 $0x13380;
	s11 =	simm.s32 $0x1;
	s17 =	sadd.s32 s10, s6  }
0x1b: {  	v1 =	vimm.f32 $-Inf;
	v2 =	vimm.f32 $0.0e+00;
	s25 =	sxor.u32 $0x10, s6;
	s24 =	sshll.u32 s1, $0xE;
	s1 =	simm.s32 $0x14000  }
0x1c: {  	v3 =	vimm.f32 $-1.000000000e+00;
	v4 =	vlaneseq.u32;
	v0 =	vmov s3;
	s19 =	sadd.s32 s10, s25;
	s25 =	simm.s32 $0x12D80;
	s10 =	simm.s32 $0x100000  }
.LBB2_18:
0x1d: {  	s2 =	sshll.u32 @!p0 s0, $0x6  }
0x1e: {  	s3 =	sshrl.u32 @!p0 s14, $0x3;
	s4 =	rddreg [dreg:$0xd];
	s2 =	sor.u32 @!p0 $0x1C03, s2  }
0x1f: {  	[hbm:s4], [sflag:s2] =	dma.local @!p0 [spmem:s3], $0x50  }
0x20: {  	s2 =	simm.s32 @!p0 $0x3  }
0x21: {  	_ =	swait.ge @!p0 [sflag:s2], $0x50  }
0x22: {  	s20 =	rddreg [dreg:$0xf]  }
0x23: {  	s29 =	rddreg [dreg:$0xe];
	s4 =	sadd.s32 $0x1, s20  }
0x24: {  	p1 =	sne.s32 s4, s29  }
.Ltmp1:
0x25: {  	_ = 	snop;
	(pc) =	sbr.rel @!p1 .LBB2_19-.Ltmp1, $3  }
0x26: {  	_ =	sdelay $0x1  }
0x27: {  	[sflag:s2] =	ssyncset.done @!p0 $0x0  }
0x28: {  	[sflag:s2] =	ssyncadd.s32 @!p0 $0xFFFFFFB0;
	s20 =	simm.s32 $0xB580  }
.LBB2_1:
0x29: {  	[dreg:$0xf] =	wrdreg s4  }
0x2a: {  	s2 =	rddreg [dreg:$0x9];
	s3 =	simm.s32 $0x7800  }
0x2b: {  	[tilespmem:s3], [sflag:$0x3] =	stream.linear.gather [hbm4b:s2+s5], $0x1400, $0x38;
	[tilespmem:$0x18600] =	vst v63  }
0x2c: {  	_ =	swait.ge [sflag:s23], $0x1400  }
0x2d: {  	[sflag:s23] =	ssyncset.done $0x0  }
0x2e: {  	s4 =	simm.s32 $0x8C00;
	s3 =	rddreg [dreg:$0xa];
	[sflag:s23] =	ssyncadd.s32 $0xFFFFEC00  }
0x2f: {  	[tilespmem:s4], [sflag:$0x3] =	stream.linear.gather [hbm4b:s3+s5], $0x1400, $0x38;
	[tilespmem:$0x18600] =	vst v63  }
0x30: {  	_ =	swait.ge [sflag:s23], $0x1400  }
0x31: {  	[sflag:s23] =	ssyncset.done $0x0  }
0x32: {  	s13 =	simm.s32 $0xA000;
	s6 =	rddreg [dreg:$0xb];
	[sflag:s23] =	ssyncadd.s32 $0xFFFFEC00  }
0x33: {  	[tilespmem:s13], [sflag:$0x3] =	stream.linear.gather [hbm4b:s6+s5], $0x1400, $0x38;
	[tilespmem:$0x18600] =	vst v63  }
0x34: {  	_ =	swait.ge [sflag:s23], $0x1400  }
0x35: {  	[sflag:s23] =	ssyncset.done $0x0  }
0x36: {  	s29 =	rddreg [dreg:$0xc];
	[sflag:s23] =	ssyncadd.s32 $0xFFFFEC00  }
0x37: {  	[tilespmem:s28], [sflag:$0x3] =	stream.linear.gather [hbm4b:s29+s5], $0x140, $0x38;
	[tilespmem:$0x18600] =	vst v63  }
0x38: {  	_ =	swait.ge [sflag:s23], $0x140  }
0x39: {  	[sflag:s23] =	ssyncset.done $0x0  }
0x3a: {  	s3 =	rddreg [dreg:$0x8];
	[sflag:s23] =	ssyncadd.s32 $0xFFFFFEC0  }
0x3b: {  	[tilespmem:s20], [sflag:$0x3] =	stream.linear.gather [hbm4b:s3+s5], $0x80, $0x38;
	[tilespmem:$0x18600] =	vst v63  }
0x3c: {  	_ =	swait.ge [sflag:s23], $0x80  }
0x3d: {  	[sflag:s23] =	ssyncset.done $0x0  }
0x3e: {  	[sflag:s23] =	ssyncadd.s32 $0xFFFFFF80  }
0x3f: {  	s6 =	simm.s32 $0xB600;
	s4 =	rddreg [dreg:$0x1]  }
0x40: {  	[tilespmem:s6], [sflag:$0x3] =	stream.linear.gather [hbm4b:s4+s5], $0x2780, $0x38;
	[tilespmem:$0x18600] =	vst v63  }
0x41: {  	_ =	swait.ge [sflag:s23], $0x2780  }
0x42: {  	[sflag:s23] =	ssyncset.done $0x0  }
0x43: {  	s29 =	simm.s32 $0xDD80;
	s13 =	rddreg [dreg:$0x6];
	[sflag:s23] =	ssyncadd.s32 $0xFFFFD880  }
0x44: {  	[tilespmem:s29], [sflag:$0x3] =	stream.linear.gather [hbm4b:s13+s5], $0x2780, $0x38;
	[tilespmem:$0x18600] =	vst v63  }
0x45: {  	_ =	swait.ge [sflag:s23], $0x2780  }
0x46: {  	[sflag:s23] =	ssyncset.done $0x0  }
0x47: {  	s6 =	simm.s32 $0x10500;
	s4 =	rddreg [dreg:$0x7];
	[sflag:s23] =	ssyncadd.s32 $0xFFFFD880  }
0x48: {  	[tilespmem:s6], [sflag:$0x3] =	stream.linear.gather [hbm4b:s4+s5], $0x2780, $0x38;
	[tilespmem:$0x18600] =	vst v63  }
0x49: {  	_ =	swait.ge [sflag:s23], $0x2780  }
0x4a: {  	[sflag:s23] =	ssyncset.done $0x0  }
0x4b: {  	[sflag:s23] =	ssyncadd.s32 $0xFFFFD880  }
0x4c: {  	s29 =	simm.s32 $0x5000;
	s13 =	rddreg [dreg:$0x0]  }
0x4d: {  	[tilespmem:s29], [sflag:$0x3] =	stream.linear.gather [hbm4b:s13+s5], $0x2800, $0x38;
	[tilespmem:$0x18600] =	vst v63  }
0x4e: {  	_ =	swait.ge [sflag:s23], $0x2800  }
0x4f: {  	[sflag:s23] =	ssyncset.done $0x0  }
0x50: {  	s2 =	simm.s32 $0x0;
	[sflag:s23] =	ssyncadd.s32 $0xFFFFD800  }
0x51: {  	v5 =	vld [tilespmem:s2+$0x5000]  }
0x52: {  	s3 =	simm.s32 $0x40  }
.LBB2_2:
0x53: {  	p1 =	sne.s32 s3, $0x9FC0  }
.Ltmp2:
0x54: {  	_ = 	snop;
	(pc) =	sbr.rel @p1 .LBB2_2-.Ltmp2, $4  }
0x55: {  	_ = 	snop  }
0x56: {  	s4 =	sshra.s32 s3, $0x2;
	s3 =	sadd.s32 $0x40, s3;
	vm0 =	vgt.f32 v5, $0.0e+00  }
0x57: {  	v5 =	vld [tilespmem:s4+$0x5000];
	v6 =	vsel vm0, $0x0, v1  }
0x58: {  	[tilespmem:s2+$0x0] =	vst v6;
	s2 =	smov.u32 s4  }
0x59: {  	_ =	sdelay $0x2  }
0x5a: {  	vm0 =	vgt.f32 v5, $0.0e+00  }
0x5b: {  	v5 =	vsel vm0, $0x0, v1  }
0x5c: {  	s29 =	rddreg [dreg:$0x5];
	[tilespmem:s2+$0x0] =	vst v5  }
0x5d: {  	[spmem:s14] =	stream.linear.scatter [tilespmem:s29], [sflag:$0x3], $0x280, $0x38;
	[tilespmem:$0x18600] =	vst v63  }
0x5e: {  	_ =	swait.ge [sflag:s23], $0x280  }
0x5f: {  	[sflag:s23] =	ssyncset.done $0x0  }
0x60: {  	[sflag:s23] =	ssyncadd.s32 $0xFFFFFD80  }
0x61: {  	[bflag:$0x0] =	sbarrier.arrive $0xFFFF  }
0x62: {  	[tilespmem:$0x12C80] =	vst v2  }
0x63: {  	[tilespmem:$0x12D80] =	vst v3  }
0x64: {  	[tilespmem:$0x12C90] =	vst v2  }
0x65: {  	[tilespmem:$0x12D90] =	vst v3  }
0x66: {  	[tilespmem:$0x12CA0] =	vst v2  }
0x67: {  	[tilespmem:$0x12DA0] =	vst v3  }
0x68: {  	[tilespmem:$0x12CB0] =	vst v2  }
0x69: {  	[tilespmem:$0x12DB0] =	vst v3  }
0x6a: {  	[tilespmem:$0x12CC0] =	vst v2  }
0x6b: {  	[tilespmem:$0x12DC0] =	vst v3  }
0x6c: {  	[tilespmem:$0x12CD0] =	vst v2  }
0x6d: {  	[tilespmem:$0x12DD0] =	vst v3  }
0x6e: {  	[tilespmem:$0x12CE0] =	vst v2  }
0x6f: {  	[tilespmem:$0x12DE0] =	vst v3  }
0x70: {  	[tilespmem:$0x12CF0] =	vst v2  }
0x71: {  	[tilespmem:$0x12DF0] =	vst v3  }
0x72: {  	[tilespmem:$0x12D00] =	vst v2  }
0x73: {  	[tilespmem:$0x12E00] =	vst v3  }
0x74: {  	[tilespmem:$0x12D10] =	vst v2  }
0x75: {  	[tilespmem:$0x12E10] =	vst v3  }
0x76: {  	[tilespmem:$0x12D20] =	vst v2  }
0x77: {  	[tilespmem:$0x12E20] =	vst v3  }
0x78: {  	[tilespmem:$0x12D30] =	vst v2  }
0x79: {  	[tilespmem:$0x12E30] =	vst v3  }
0x7a: {  	[tilespmem:$0x12D40] =	vst v2  }
0x7b: {  	[tilespmem:$0x12E40] =	vst v3  }
0x7c: {  	[tilespmem:$0x12D50] =	vst v2  }
0x7d: {  	[tilespmem:$0x12E50] =	vst v3  }
0x7e: {  	[tilespmem:$0x12D60] =	vst v2  }
0x7f: {  	[tilespmem:$0x12E60] =	vst v3  }
0x80: {  	[tilespmem:$0x12D70] =	vst v2  }
0x81: {  	s2 =	simm.s32 $0xDD80;
	[tilespmem:$0x12E70] =	vst v3  }
0x82: {  	s3 =	simm.s32 $0xB600;
	v6 =	vld [tilespmem:s2+$0x0]  }
0x83: {  	s6 =	simm.s32 $0x10500;
	v5 =	vld [tilespmem:s3+$0x0]  }
0x84: {  	s4 =	simm.s32 $0x0;
	s13 =	simm.s32 $0x10;
	v7 =	vld [tilespmem:s6+$0x0]  }
.LBB2_4:
0x85: {  	p1 =	sne.s32 s13, $0x2700;
	_ =	sdelay $0x2  }
0x86: {  	vm0 =	vne.s32 v5, v6  }
0x87: {  	vm1 =	vne.s32 v5, v7;
	_ =	sdelay $0x1  }
0x88: {  	v6 =	vor.u32 s4, v4;
	s4 =	smov.u32 s13  }
0x89: {  	v6 =	vcvt.s32.f32 v6;
	_ =	sdelay $0x1  }
.Ltmp3:
0x8a: {  	[tilespmem:v5+s22+$0x0] =	vst.idx.msk vm0, v6;
	(pc) =	sbr.rel @p1 .LBB2_4-.Ltmp3, $4  }
0x8b: {  	s2 =	sadd.s32 $0x10, s2;
	[tilespmem:v5+s25+$0x0] =	vst.idx.msk vm1, v6  }
0x8c: {  	s3 =	sadd.s32 $0x10, s3;
	v6 =	vld [tilespmem:s2+$0x0]  }
0x8d: {  	s6 =	sadd.s32 $0x10, s6;
	v5 =	vld [tilespmem:s3+$0x0]  }
0x8e: {  	s13 =	sadd.s32 $0x10, s13;
	v7 =	vld [tilespmem:s6+$0x0]  }
0x8f: {  	_ =	sdelay $0x2  }
0x90: {  	vm0 =	vne.s32 v5, v6  }
0x91: {  	vm1 =	vne.s32 v5, v7;
	_ =	sdelay $0x1  }
0x92: {  	v6 =	vor.u32 s4, v4  }
0x93: {  	v6 =	vcvt.s32.f32 v6;
	_ =	sdelay $0x1  }
0x94: {  	[tilespmem:v5+s22+$0x0] =	vst.idx.msk vm0, v6  }
0x95: {  	[tilespmem:v5+s25+$0x0] =	vst.idx.msk vm1, v6  }
0x96: {  	v5 =	vld [tilespmem:$0x12D80]  }
0x97: {  	v6 =	vld [tilespmem:$0x12C80]  }
0x98: {  	v7 =	vld [tilespmem:$0x12D90]  }
0x99: {  	v8 =	vld [tilespmem:$0x12C90]  }
0x9a: {  	v9 =	vld [tilespmem:$0x12DA0]  }
0x9b: {  	v10 =	vld [tilespmem:$0x12CA0]  }
0x9c: {  	v11 =	vld [tilespmem:$0x12DB0]  }
0x9d: {  	v12 =	vld [tilespmem:$0x12CB0]  }
0x9e: {  	v13 =	vld [tilespmem:$0x12DC0]  }
0x9f: {  	v14 =	vld [tilespmem:$0x12CC0]  }
0xa0: {  	v15 =	vld [tilespmem:$0x12DD0]  }
0xa1: {  	v16 =	vld [tilespmem:$0x12CD0]  }
0xa2: {  	v17 =	vld [tilespmem:$0x12DE0]  }
0xa3: {  	v18 =	vld [tilespmem:$0x12CE0]  }
0xa4: {  	v19 =	vld [tilespmem:$0x12DF0]  }
0xa5: {  	v20 =	vld [tilespmem:$0x12CF0]  }
0xa6: {  	v21 =	vld [tilespmem:$0x12E00]  }
0xa7: {  	v22 =	vld [tilespmem:$0x12D00]  }
0xa8: {  	v23 =	vld [tilespmem:$0x12E10]  }
0xa9: {  	v24 =	vld [tilespmem:$0x12D10]  }
0xaa: {  	v25 =	vld [tilespmem:$0x12E20]  }
0xab: {  	v43 =	vld [tilespmem:$0x12E30];
	v5 =	vsub.f32 v5, v6  }
0xac: {  	v44 =	vld [tilespmem:$0x12D30];
	v7 =	vsub.f32 v7, v8  }
0xad: {  	v45 =	vld [tilespmem:$0x12E40];
	v9 =	vsub.f32 v9, v10;
	v5 =	vadd.f32 $1.000000000e+00, v5  }
0xae: {  	v46 =	vld [tilespmem:$0x12D40];
	v11 =	vsub.f32 v11, v12;
	v7 =	vadd.f32 $1.000000000e+00, v7  }
0xaf: {  	v48 =	vld [tilespmem:$0x12E50];
	v13 =	vsub.f32 v13, v14;
	v9 =	vadd.f32 $1.000000000e+00, v9;
	v5 =	vmax.f32 v5, $0.0e+00  }
0xb0: {  	v6 =	vld [tilespmem:$0x12D20];
	v47 =	vsub.f32 v15, v16;
	v5 =	vmax.f32 v5, v7;
	v7 =	vadd.f32 $1.000000000e+00, v11  }
0xb1: {  	v51 =	vld [tilespmem:$0x12D50];
	v50 =	vsub.f32 v17, v18;
	v49 =	vadd.f32 $1.000000000e+00, v13;
	v5 =	vmax.f32 v5, v9  }
0xb2: {  	v53 =	vld [tilespmem:$0x12E60];
	v52 =	vsub.f32 v19, v20;
	v5 =	vmax.f32 v5, v7;
	v7 =	vadd.f32 $1.000000000e+00, v47  }
0xb3: {  	v56 =	vld [tilespmem:$0x12D60];
	v55 =	vsub.f32 v21, v22;
	v54 =	vadd.f32 $1.000000000e+00, v50;
	v5 =	vmax.f32 v5, v49  }
0xb4: {  	v58 =	vld [tilespmem:$0x12E70];
	v57 =	vsub.f32 v23, v24;
	v5 =	vmax.f32 v5, v7;
	v7 =	vadd.f32 $1.000000000e+00, v52  }
0xb5: {  	v60 =	vld [tilespmem:$0x12D70];
	v59 =	vadd.f32 $1.000000000e+00, v55;
	v6 =	vsub.f32 v25, v6;
	v5 =	vmax.f32 v5, v54  }
0xb6: {  	v61 =	vadd.f32 $1.000000000e+00, v57;
	v5 =	vmax.f32 v5, v7;
	v7 =	vsub.f32 v43, v44  }
0xb7: {  	v62 =	vsub.f32 v45, v46;
	v6 =	vadd.f32 $1.000000000e+00, v6;
	v5 =	vmax.f32 v5, v59  }
0xb8: {  	v63 =	vsub.f32 v48, v51;
	v5 =	vmax.f32 v5, v61;
	v7 =	vadd.f32 $1.000000000e+00, v7  }
0xb9: {  	v9 =	vadd.f32 $1.000000000e+00, v62;
	v5 =	vmax.f32 v5, v6;
	v6 =	vsub.f32 v53, v56  }
0xba: {  	v8 =	vadd.f32 $1.000000000e+00, v63;
	v5 =	vmax.f32 v5, v7;
	v7 =	vsub.f32 v58, v60  }
0xbb: {  	v5 =	vmax.f32 v5, v9;
	v6 =	vadd.f32 $1.000000000e+00, v6  }
0xbc: {  	v5 =	vmax.f32 v5, v8;
	v7 =	vadd.f32 $1.000000000e+00, v7  }
0xbd: {  	v5 =	vmax.f32 v5, v6  }
0xbe: {  	v5 =	vmax.f32 v5, v7  }
0xbf: {  	(xrf0) =	vmax.scan.msk.f32 $0xffff, v5;
	_ =	sdelay $0x5  }
0xc0: {  	v5, _, _ =	vpop (xrf0)  }
0xc1: {  	(v2sf) =	vpush v5, $0xF;
	_ =	sdelay $0x3  }
0xc2: {  	v5 =	vld.idx.msk [tilespmem:v0+s20+$0x0], $0xffff;
	_ =	sdelay $0x4  }
0xc3: {  	(v2sf) =	vpush v5, $0x0;
	_ =	sdelay $0x5  }
0xc4: {  	s2 =	spop (v2sf)  }
0xc5: {  	s2 =	scvt.f32.s32 s2;
	_ =	sdelay $0x1  }
0xc6: {  	s29 =	sadd.s32 $0xFFFFFFFF, s2  }
0xc7: {  	p1 =	slt.s32 s29, $0x1  }
.Ltmp4:
0xc8: {  	_ = 	snop;
	(pc) =	sbr.rel @p1 .LBB2_18-.Ltmp4, $2  }
0xc9: {  	_ =	sdelay $0x2  }
0xca: {  	s2 =	spop (v2sf)  }
0xcb: {  	s20 =	scvt.f32.s32 s2;
	s6 =	simm.s32 $0x0  }
.LBB2_7:
0xcc: {  	s2 =	rddreg [dreg:$0x2]  }
0xcd: {  	[tilespmem:s21], [sflag:$0x2] =	stream.linear.gather [spmem:s2], $0x2800, $0x38;
	[tilespmem:$0x18600] =	vst v63  }
0xce: {  	s3 =	simm.s32 $0x400;
	s2 =	simm.s32 $0x0  }
.LBB2_8:
0xcf: {  	p1 =	sne.s32 s3, $0x9C00;
	[tilespmem:s2+$0x28F0] =	vst v1  }
0xd0: {  	[tilespmem:s2+$0x2800] =	vst v1  }
0xd1: {  	[tilespmem:s2+$0x2810] =	vst v1  }
0xd2: {  	[tilespmem:s2+$0x2820] =	vst v1  }
0xd3: {  	[tilespmem:s2+$0x2830] =	vst v1  }
0xd4: {  	[tilespmem:s2+$0x2840] =	vst v1  }
0xd5: {  	[tilespmem:s2+$0x2850] =	vst v1  }
0xd6: {  	[tilespmem:s2+$0x2860] =	vst v1  }
0xd7: {  	[tilespmem:s2+$0x2870] =	vst v1  }
0xd8: {  	[tilespmem:s2+$0x2880] =	vst v1  }
0xd9: {  	[tilespmem:s2+$0x2890] =	vst v1  }
.Ltmp5:
0xda: {  	[tilespmem:s2+$0x28A0] =	vst v1;
	(pc) =	sbr.rel @p1 .LBB2_8-.Ltmp5, $4  }
0xdb: {  	[tilespmem:s2+$0x28B0] =	vst v1  }
0xdc: {  	[tilespmem:s2+$0x28C0] =	vst v1  }
0xdd: {  	[tilespmem:s2+$0x28D0] =	vst v1  }
0xde: {  	[tilespmem:s2+$0x28E0] =	vst v1;
	s2 =	sshra.s32 s3, $0x2;
	s3 =	sadd.s32 $0x400, s3  }
0xdf: {  	[tilespmem:s2+$0x28F0] =	vst v1  }
0xe0: {  	[tilespmem:s2+$0x2800] =	vst v1  }
0xe1: {  	[tilespmem:s2+$0x2810] =	vst v1  }
0xe2: {  	[tilespmem:s2+$0x2820] =	vst v1  }
0xe3: {  	[tilespmem:s2+$0x2830] =	vst v1  }
0xe4: {  	[tilespmem:s2+$0x2840] =	vst v1  }
0xe5: {  	[tilespmem:s2+$0x2850] =	vst v1  }
0xe6: {  	[tilespmem:s2+$0x2860] =	vst v1  }
0xe7: {  	[tilespmem:s2+$0x2870] =	vst v1  }
0xe8: {  	[tilespmem:s2+$0x2880] =	vst v1  }
0xe9: {  	[tilespmem:s2+$0x2890] =	vst v1  }
0xea: {  	[tilespmem:s2+$0x28A0] =	vst v1  }
0xeb: {  	[tilespmem:s2+$0x28B0] =	vst v1  }
0xec: {  	[tilespmem:s2+$0x28C0] =	vst v1  }
0xed: {  	[tilespmem:s2+$0x28D0] =	vst v1  }
0xee: {  	[tilespmem:s2+$0x28E0] =	vst v1  }
0xef: {  	_ =	swait.ge [sflag:s26], $0x2800  }
0xf0: {  	[sflag:s26] =	ssyncset.done $0x0  }
0xf1: {  	s3 =	simm.s32 $0x0;
	[sflag:s26] =	ssyncadd.s32 $0xFFFFD800  }
.LBB2_10:
0xf2: {  	s4 =	sshra.s32 s3, $0x2  }
0xf3: {  	v5 =	vld [tilespmem:s4+$0x7800];
	_ =	sdelay $0x1  }
0xf4: {  	v6 =	vld [tilespmem:s4+$0x8C00];
	_ =	sdelay $0x4  }
0xf5: {  	v7 =	vld [tilespmem:s4+$0xA000]  }
0xf6: {  	v5 =	vld.idx.msk [tilespmem:v5+s5+$0x0], $0xffff;
	_ =	sdelay $0x1  }
0xf7: {  	v8 =	vld.idx.msk [tilespmem:v6+s30+$0x0], $0xffff;
	_ =	sdelay $0x2  }
0xf8: {  	v5 =	vadd.f32 v5, v7;
	_ =	sdelay $0x1  }
0xf9: {  	v5 =	vmax.f32 v8, v5  }
0xfa: {  	[tilespmem:v6+s30+$0x0] =	vst.idx.msk $0xffff, v5  }
0xfb: {  	v5 =	vld [tilespmem:s4+$0x7810];
	_ =	sdelay $0x1  }
0xfc: {  	v6 =	vld [tilespmem:s4+$0x8C10];
	_ =	sdelay $0x4  }
0xfd: {  	v7 =	vld [tilespmem:s4+$0xA010]  }
0xfe: {  	v5 =	vld.idx.msk [tilespmem:v5+s5+$0x0], $0xffff;
	_ =	sdelay $0x1  }
0xff: {  	v49 =	vld.idx.msk [tilespmem:v6+s30+$0x0], $0xffff;
	_ =	sdelay $0x2  }
0x100: {  	v5 =	vadd.f32 v5, v7;
	_ =	sdelay $0x1  }
0x101: {  	v5 =	vmax.f32 v49, v5  }
0x102: {  	[tilespmem:v6+s30+$0x0] =	vst.idx.msk $0xffff, v5  }
0x103: {  	v5 =	vld [tilespmem:s4+$0x7820];
	_ =	sdelay $0x1  }
0x104: {  	v6 =	vld [tilespmem:s4+$0x8C20];
	_ =	sdelay $0x4  }
0x105: {  	v7 =	vld [tilespmem:s4+$0xA020]  }
0x106: {  	v5 =	vld.idx.msk [tilespmem:v5+s5+$0x0], $0xffff;
	_ =	sdelay $0x1  }
0x107: {  	v50 =	vld.idx.msk [tilespmem:v6+s30+$0x0], $0xffff;
	_ =	sdelay $0x2  }
0x108: {  	v5 =	vadd.f32 v5, v7;
	_ =	sdelay $0x1  }
0x109: {  	v5 =	vmax.f32 v50, v5  }
0x10a: {  	[tilespmem:v6+s30+$0x0] =	vst.idx.msk $0xffff, v5  }
0x10b: {  	v5 =	vld [tilespmem:s4+$0x7830];
	_ =	sdelay $0x1  }
0x10c: {  	v6 =	vld [tilespmem:s4+$0x8C30];
	_ =	sdelay $0x4  }
0x10d: {  	v7 =	vld [tilespmem:s4+$0xA030]  }
0x10e: {  	v5 =	vld.idx.msk [tilespmem:v5+s5+$0x0], $0xffff;
	_ =	sdelay $0x1  }
0x10f: {  	v51 =	vld.idx.msk [tilespmem:v6+s30+$0x0], $0xffff;
	_ =	sdelay $0x2  }
0x110: {  	v5 =	vadd.f32 v5, v7;
	_ =	sdelay $0x1  }
0x111: {  	v5 =	vmax.f32 v51, v5  }
0x112: {  	[tilespmem:v6+s30+$0x0] =	vst.idx.msk $0xffff, v5  }
0x113: {  	v5 =	vld [tilespmem:s4+$0x7840];
	_ =	sdelay $0x1  }
0x114: {  	v6 =	vld [tilespmem:s4+$0x8C40];
	_ =	sdelay $0x4  }
0x115: {  	v7 =	vld [tilespmem:s4+$0xA040]  }
0x116: {  	v5 =	vld.idx.msk [tilespmem:v5+s5+$0x0], $0xffff;
	_ =	sdelay $0x1  }
0x117: {  	v52 =	vld.idx.msk [tilespmem:v6+s30+$0x0], $0xffff;
	_ =	sdelay $0x2  }
0x118: {  	v5 =	vadd.f32 v5, v7;
	_ =	sdelay $0x1  }
0x119: {  	v5 =	vmax.f32 v52, v5  }
0x11a: {  	[tilespmem:v6+s30+$0x0] =	vst.idx.msk $0xffff, v5  }
0x11b: {  	v5 =	vld [tilespmem:s4+$0x7850];
	_ =	sdelay $0x1  }
0x11c: {  	v6 =	vld [tilespmem:s4+$0x8C50];
	_ =	sdelay $0x4  }
0x11d: {  	v7 =	vld [tilespmem:s4+$0xA050]  }
0x11e: {  	v5 =	vld.idx.msk [tilespmem:v5+s5+$0x0], $0xffff;
	_ =	sdelay $0x1  }
0x11f: {  	v53 =	vld.idx.msk [tilespmem:v6+s30+$0x0], $0xffff;
	_ =	sdelay $0x2  }
0x120: {  	v5 =	vadd.f32 v5, v7;
	_ =	sdelay $0x1  }
0x121: {  	v5 =	vmax.f32 v53, v5  }
0x122: {  	[tilespmem:v6+s30+$0x0] =	vst.idx.msk $0xffff, v5  }
0x123: {  	v5 =	vld [tilespmem:s4+$0x7860];
	_ =	sdelay $0x1  }
0x124: {  	v6 =	vld [tilespmem:s4+$0x8C60];
	_ =	sdelay $0x4  }
0x125: {  	v7 =	vld [tilespmem:s4+$0xA060]  }
0x126: {  	v5 =	vld.idx.msk [tilespmem:v5+s5+$0x0], $0xffff;
	_ =	sdelay $0x1  }
0x127: {  	v54 =	vld.idx.msk [tilespmem:v6+s30+$0x0], $0xffff;
	_ =	sdelay $0x2  }
0x128: {  	v5 =	vadd.f32 v5, v7;
	_ =	sdelay $0x1  }
0x129: {  	v5 =	vmax.f32 v54, v5  }
0x12a: {  	[tilespmem:v6+s30+$0x0] =	vst.idx.msk $0xffff, v5  }
0x12b: {  	v5 =	vld [tilespmem:s4+$0x7870];
	_ =	sdelay $0x1  }
0x12c: {  	v6 =	vld [tilespmem:s4+$0x8C70];
	_ =	sdelay $0x4  }
0x12d: {  	v7 =	vld [tilespmem:s4+$0xA070]  }
0x12e: {  	v5 =	vld.idx.msk [tilespmem:v5+s5+$0x0], $0xffff;
	_ =	sdelay $0x1  }
0x12f: {  	v55 =	vld.idx.msk [tilespmem:v6+s30+$0x0], $0xffff;
	_ =	sdelay $0x2  }
0x130: {  	v5 =	vadd.f32 v5, v7;
	_ =	sdelay $0x1  }
0x131: {  	v5 =	vmax.f32 v55, v5  }
0x132: {  	[tilespmem:v6+s30+$0x0] =	vst.idx.msk $0xffff, v5  }
0x133: {  	v5 =	vld [tilespmem:s4+$0x7880];
	_ =	sdelay $0x1  }
0x134: {  	v6 =	vld [tilespmem:s4+$0x8C80];
	_ =	sdelay $0x4  }
0x135: {  	v7 =	vld [tilespmem:s4+$0xA080]  }
0x136: {  	v5 =	vld.idx.msk [tilespmem:v5+s5+$0x0], $0xffff;
	_ =	sdelay $0x1  }
0x137: {  	v56 =	vld.idx.msk [tilespmem:v6+s30+$0x0], $0xffff;
	_ =	sdelay $0x2  }
0x138: {  	v5 =	vadd.f32 v5, v7;
	_ =	sdelay $0x1  }
0x139: {  	v5 =	vmax.f32 v56, v5  }
0x13a: {  	[tilespmem:v6+s30+$0x0] =	vst.idx.msk $0xffff, v5  }
0x13b: {  	v5 =	vld [tilespmem:s4+$0x7890];
	_ =	sdelay $0x1  }
0x13c: {  	v6 =	vld [tilespmem:s4+$0x8C90];
	_ =	sdelay $0x4  }
0x13d: {  	v7 =	vld [tilespmem:s4+$0xA090]  }
0x13e: {  	v5 =	vld.idx.msk [tilespmem:v5+s5+$0x0], $0xffff;
	_ =	sdelay $0x1  }
0x13f: {  	v57 =	vld.idx.msk [tilespmem:v6+s30+$0x0], $0xffff;
	_ =	sdelay $0x2  }
0x140: {  	v5 =	vadd.f32 v5, v7;
	_ =	sdelay $0x1  }
0x141: {  	v5 =	vmax.f32 v57, v5  }
0x142: {  	[tilespmem:v6+s30+$0x0] =	vst.idx.msk $0xffff, v5  }
0x143: {  	v5 =	vld [tilespmem:s4+$0x78A0];
	_ =	sdelay $0x1  }
0x144: {  	v6 =	vld [tilespmem:s4+$0x8CA0];
	_ =	sdelay $0x4  }
0x145: {  	v7 =	vld [tilespmem:s4+$0xA0A0]  }
0x146: {  	v5 =	vld.idx.msk [tilespmem:v5+s5+$0x0], $0xffff;
	_ =	sdelay $0x1  }
0x147: {  	v58 =	vld.idx.msk [tilespmem:v6+s30+$0x0], $0xffff;
	_ =	sdelay $0x2  }
0x148: {  	v5 =	vadd.f32 v5, v7;
	_ =	sdelay $0x1  }
0x149: {  	v5 =	vmax.f32 v58, v5  }
0x14a: {  	[tilespmem:v6+s30+$0x0] =	vst.idx.msk $0xffff, v5  }
0x14b: {  	v5 =	vld [tilespmem:s4+$0x78B0];
	_ =	sdelay $0x1  }
0x14c: {  	v6 =	vld [tilespmem:s4+$0x8CB0];
	_ =	sdelay $0x4  }
0x14d: {  	v7 =	vld [tilespmem:s4+$0xA0B0]  }
0x14e: {  	v5 =	vld.idx.msk [tilespmem:v5+s5+$0x0], $0xffff;
	_ =	sdelay $0x1  }
0x14f: {  	v59 =	vld.idx.msk [tilespmem:v6+s30+$0x0], $0xffff;
	_ =	sdelay $0x2  }
0x150: {  	v5 =	vadd.f32 v5, v7;
	_ =	sdelay $0x1  }
0x151: {  	v5 =	vmax.f32 v59, v5  }
0x152: {  	[tilespmem:v6+s30+$0x0] =	vst.idx.msk $0xffff, v5  }
0x153: {  	v5 =	vld [tilespmem:s4+$0x78C0];
	_ =	sdelay $0x1  }
0x154: {  	v6 =	vld [tilespmem:s4+$0x8CC0];
	_ =	sdelay $0x4  }
0x155: {  	v7 =	vld [tilespmem:s4+$0xA0C0]  }
0x156: {  	v5 =	vld.idx.msk [tilespmem:v5+s5+$0x0], $0xffff;
	_ =	sdelay $0x1  }
0x157: {  	v60 =	vld.idx.msk [tilespmem:v6+s30+$0x0], $0xffff;
	_ =	sdelay $0x2  }
0x158: {  	v5 =	vadd.f32 v5, v7;
	_ =	sdelay $0x1  }
0x159: {  	v5 =	vmax.f32 v60, v5  }
0x15a: {  	[tilespmem:v6+s30+$0x0] =	vst.idx.msk $0xffff, v5  }
0x15b: {  	v5 =	vld [tilespmem:s4+$0x78D0];
	_ =	sdelay $0x1  }
0x15c: {  	v6 =	vld [tilespmem:s4+$0x8CD0];
	_ =	sdelay $0x4  }
0x15d: {  	v7 =	vld [tilespmem:s4+$0xA0D0]  }
0x15e: {  	v5 =	vld.idx.msk [tilespmem:v5+s5+$0x0], $0xffff;
	_ =	sdelay $0x1  }
0x15f: {  	v61 =	vld.idx.msk [tilespmem:v6+s30+$0x0], $0xffff;
	_ =	sdelay $0x2  }
0x160: {  	v5 =	vadd.f32 v5, v7;
	_ =	sdelay $0x1  }
0x161: {  	v5 =	vmax.f32 v61, v5  }
0x162: {  	[tilespmem:v6+s30+$0x0] =	vst.idx.msk $0xffff, v5  }
0x163: {  	v5 =	vld [tilespmem:s4+$0x78E0];
	_ =	sdelay $0x1  }
0x164: {  	v6 =	vld [tilespmem:s4+$0x8CE0];
	_ =	sdelay $0x4  }
0x165: {  	v7 =	vld [tilespmem:s4+$0xA0E0]  }
0x166: {  	v5 =	vld.idx.msk [tilespmem:v5+s5+$0x0], $0xffff;
	_ =	sdelay $0x1  }
0x167: {  	v62 =	vld.idx.msk [tilespmem:v6+s30+$0x0], $0xffff;
	_ =	sdelay $0x2  }
0x168: {  	v5 =	vadd.f32 v5, v7;
	_ =	sdelay $0x1  }
0x169: {  	v5 =	vmax.f32 v62, v5  }
0x16a: {  	[tilespmem:v6+s30+$0x0] =	vst.idx.msk $0xffff, v5  }
0x16b: {  	v5 =	vld [tilespmem:s4+$0x78F0];
	_ =	sdelay $0x1  }
0x16c: {  	v6 =	vld [tilespmem:s4+$0x8CF0];
	_ =	sdelay $0x4  }
0x16d: {  	v7 =	vld [tilespmem:s4+$0xA0F0]  }
0x16e: {  	v5 =	vld.idx.msk [tilespmem:v5+s5+$0x0], $0xffff;
	_ =	sdelay $0x1  }
0x16f: {  	v63 =	vld.idx.msk [tilespmem:v6+s30+$0x0], $0xffff  }
0x170: {  	p1 =	seq.s32 s3, $0x4C00  }
.Ltmp6:
0x171: {  	_ = 	snop;
	(pc) =	sbr.rel @!p1 .LBB2_10-.Ltmp6, $3  }
0x172: {  	v5 =	vadd.f32 v5, v7;
	_ =	sdelay $0x1  }
0x173: {  	v5 =	vmax.f32 v63, v5  }
0x174: {  	s3 =	sadd.s32 $0x400, s3;
	[tilespmem:v6+s30+$0x0] =	vst.idx.msk $0xffff, v5  }
0x175: {  	p1 =	sgt.s32 s20, $0x0  }
.Ltmp7:
0x176: {  	_ = 	snop;
	(pc) =	sbr.rel @!p1 .LBB2_15-.Ltmp7, $2  }
0x177: {  	_ =	sdelay $0x2  }
0x178: {  	s2 =	simm.s32 $0x0  }
.LBB2_12:
0x179: {  	v5 =	vmov s2;
	_ =	sdelay $0x4  }
0x17a: {  	v5 =	vld.idx.msk [tilespmem:v5+s28+$0x0], $0xffff;
	_ =	sdelay $0x4  }
0x17b: {  	(v2sf) =	vpush v5, $0x0;
	_ =	sdelay $0xe  }
0x17c: {  	s3 =	spop (v2sf)  }
0x17d: {  	s3 =	scvt.f32.s32 s3;
	_ =	sdelay $0x1  }
0x17e: {  	s3 =	sshll.u32 s3, $0x4  }
0x17f: {  	v5 =	vld [tilespmem:s3+$0x7800];
	_ =	sdelay $0x7  }
0x180: {  	v7 =	vld.idx.msk [tilespmem:v5+s5+$0x0], $0xffff  }
0x181: {  	v5 =	vld [tilespmem:s3+$0x8C00];
	_ =	sdelay $0x1  }
0x182: {  	v6 =	vld [tilespmem:s3+$0xA000];
	_ =	sdelay $0x4  }
0x183: {  	v6 =	vadd.f32 v7, v6  }
.LBB2_13:
0x184: {  	v7 =	vld.idx.msk [tilespmem:v5+s30+$0x0], $0xffff;
	_ =	sdelay $0x4  }
0x185: {  	vm0 =	vlt.f32 v7, v6;
	_ =	sdelay $0x4  }
0x186: {  	v7 =	vmax.f32 v7, v6  }
0x187: {  	[tilespmem:v5+s30+$0x0] =	vst.idx.msk vm0, v7  }
0x188: {  	v7 =	vld.idx.msk [tilespmem:v5+s30+$0x0], $0xffff;
	_ =	sdelay $0x4  }
0x189: {  	vm15 =	vlt.f32 v7, v6  }
0x18a: {  	v7 =	vsel vm15, $0x3F800000, v2  }
0x18b: {  	(xrf0) =	vmax.scan.msk.f32 $0xffff, v7;
	_ =	sdelay $0x5  }
0x18c: {  	v7, _, _ =	vpop (xrf0)  }
0x18d: {  	(v2sf) =	vpush v7, $0xF;
	_ =	sdelay $0xe  }
0x18e: {  	s3 =	spop (v2sf)  }
0x18f: {  	p1 =	sgt.f32 s3, $0.0e+00  }
.Ltmp8:
0x190: {  	_ = 	snop;
	(pc) =	sbr.rel @p1 .LBB2_13-.Ltmp8, $1  }
0x191: {  	_ =	sdelay $0x3  }
0x192: {  	s2 =	sadd.s32 $0x1, s2  }
0x193: {  	p1 =	sne.s32 s2, s20  }
.Ltmp9:
0x194: {  	_ = 	snop;
	(pc) =	sbr.rel @p1 .LBB2_12-.Ltmp9, $1  }
0x195: {  	_ =	sdelay $0x3  }
.LBB2_15:
0x196: {  	s2 =	simm.s32 $0x400  }
0x197: {  	[spmem:s15] =	stream.strided.scatter [tilespmem:s30], [sflag:$0x3], $0x2800, s2, s31, $0x38;
	[tilespmem:$0x18600] =	vst v63  }
0x198: {  	_ =	swait.ge [sflag:s23], $0x2800  }
0x199: {  	[sflag:s23] =	ssyncset.done $0x0  }
0x19a: {  	[sflag:s23] =	ssyncadd.s32 $0xFFFFD800  }
0x19b: {  	s13 =	simm.s32 $0x1400;
	[bflag:$0x0] =	sbarrier.arrive $0xFFFF  }
0x19c: {  	[tilespmem:s7], [sflag:$0x3] =	stream.strided.gather [spmem:s16], $0x2800, s1, s13, $0x38;
	[tilespmem:$0x18600] =	vst v63  }
0x19d: {  	_ =	swait.ge [sflag:s23], $0x2800  }
0x19e: {  	[sflag:s23] =	ssyncset.done $0x0  }
0x19f: {  	[sflag:s23] =	ssyncadd.s32 $0xFFFFD800  }
0x1a0: {  	v5 =	vld [tilespmem:$0x13380]  }
0x1a1: {  	v6 =	vld [tilespmem:$0x13400]  }
0x1a2: {  	v7 =	vld [tilespmem:$0x13390]  }
0x1a3: {  	v8 =	vld [tilespmem:$0x13410]  }
0x1a4: {  	v9 =	vld [tilespmem:$0x133A0]  }
0x1a5: {  	v10 =	vld [tilespmem:$0x13420]  }
0x1a6: {  	v11 =	vld [tilespmem:$0x133B0]  }
0x1a7: {  	v12 =	vld [tilespmem:$0x13430]  }
0x1a8: {  	v13 =	vld [tilespmem:$0x133C0]  }
0x1a9: {  	v14 =	vld [tilespmem:$0x13440]  }
0x1aa: {  	v15 =	vld [tilespmem:$0x133D0]  }
0x1ab: {  	v16 =	vld [tilespmem:$0x13450]  }
0x1ac: {  	v17 =	vld [tilespmem:$0x133E0]  }
0x1ad: {  	v18 =	vld [tilespmem:$0x13460]  }
0x1ae: {  	v19 =	vld [tilespmem:$0x133F0]  }
0x1af: {  	v20 =	vld [tilespmem:$0x13470]  }
0x1b0: {  	v21 =	vld [tilespmem:$0x13780]  }
0x1b1: {  	v22 =	vld [tilespmem:$0x13800]  }
0x1b2: {  	v23 =	vld [tilespmem:$0x13790]  }
0x1b3: {  	v24 =	vld [tilespmem:$0x13810]  }
0x1b4: {  	v25 =	vld [tilespmem:$0x137A0]  }
0x1b5: {  	v26 =	vld [tilespmem:$0x13820]  }
0x1b6: {  	v27 =	vld [tilespmem:$0x137B0]  }
0x1b7: {  	v28 =	vld [tilespmem:$0x13830]  }
0x1b8: {  	v29 =	vld [tilespmem:$0x137C0]  }
0x1b9: {  	v30 =	vld [tilespmem:$0x13840]  }
0x1ba: {  	v31 =	vld [tilespmem:$0x137D0]  }
0x1bb: {  	v32 =	vld [tilespmem:$0x13850]  }
0x1bc: {  	v33 =	vld [tilespmem:$0x137E0]  }
0x1bd: {  	v34 =	vld [tilespmem:$0x13860]  }
0x1be: {  	v35 =	vld [tilespmem:$0x137F0]  }
0x1bf: {  	v36 =	vld [tilespmem:$0x13870]  }
0x1c0: {  	v37 =	vld [tilespmem:$0x13B80]  }
0x1c1: {  	v38 =	vld [tilespmem:$0x13C00]  }
0x1c2: {  	v39 =	vld [tilespmem:$0x13B90]  }
0x1c3: {  	v40 =	vld [tilespmem:$0x13C10]  }
0x1c4: {  	v41 =	vld [tilespmem:$0x13BA0]  }
0x1c5: {  	v42 =	vld [tilespmem:$0x13C20]  }
0x1c6: {  	v43 =	vld [tilespmem:$0x13BB0]  }
0x1c7: {  	v44 =	vld [tilespmem:$0x13C30]  }
0x1c8: {  	v45 =	vld [tilespmem:$0x13BC0]  }
0x1c9: {  	v46 =	vld [tilespmem:$0x13C40]  }
0x1ca: {  	v47 =	vld [tilespmem:$0x13BD0]  }
0x1cb: {  	v48 =	vld [tilespmem:$0x13C50]  }
0x1cc: {  	v49 =	vld [tilespmem:$0x13BE0]  }
0x1cd: {  	v52 =	vld [tilespmem:$0x14390];
	v5 =	vmax.f32 v5, v6  }
0x1ce: {  	v6 =	vld [tilespmem:$0x13C60];
	[tilespmem:$0x12E80] =	vst v5;
	v5 =	vmax.f32 v7, v8  }
0x1cf: {  	v7 =	vld [tilespmem:$0x13BF0];
	[tilespmem:$0x12E90] =	vst v5;
	v5 =	vmax.f32 v9, v10  }
0x1d0: {  	v8 =	vld [tilespmem:$0x13C70];
	[tilespmem:$0x12EA0] =	vst v5;
	v5 =	vmax.f32 v11, v12  }
0x1d1: {  	[tilespmem:$0x12EB0] =	vst v5;
	v5 =	vmax.f32 v13, v14;
	v13 =	vld [tilespmem:$0x13FA0]  }
0x1d2: {  	v14 =	vld [tilespmem:$0x14020];
	[tilespmem:$0x12EC0] =	vst v5;
	v5 =	vmax.f32 v15, v16  }
0x1d3: {  	v9 =	vld [tilespmem:$0x13F80];
	[tilespmem:$0x12ED0] =	vst v5;
	v5 =	vmax.f32 v17, v18  }
0x1d4: {  	v15 =	vld [tilespmem:$0x13FB0];
	[tilespmem:$0x12EE0] =	vst v5;
	v5 =	vmax.f32 v19, v20  }
0x1d5: {  	v16 =	vld [tilespmem:$0x14030];
	[tilespmem:$0x12EF0] =	vst v5;
	v5 =	vmax.f32 v21, v22  }
0x1d6: {  	v10 =	vld [tilespmem:$0x14000];
	[tilespmem:$0x12F00] =	vst v5;
	v5 =	vmax.f32 v23, v24  }
0x1d7: {  	v11 =	vld [tilespmem:$0x13F90];
	v53 =	vmax.f32 v13, v14;
	[tilespmem:$0x12F10] =	vst v5  }
0x1d8: {  	v17 =	vld [tilespmem:$0x13FC0];
	v5 =	vmax.f32 v25, v26;
	[tilespmem:$0x13020] =	vst v53  }
0x1d9: {  	v18 =	vld [tilespmem:$0x14040];
	v26 =	vmax.f32 v45, v46;
	[tilespmem:$0x12F20] =	vst v5  }
0x1da: {  	v12 =	vld [tilespmem:$0x14010];
	v54 =	vmax.f32 v15, v16;
	[tilespmem:$0x12FC0] =	vst v26  }
0x1db: {  	v19 =	vld [tilespmem:$0x13FD0];
	v5 =	vmax.f32 v27, v28;
	[tilespmem:$0x13030] =	vst v54  }
0x1dc: {  	v20 =	vld [tilespmem:$0x14050];
	v27 =	vmax.f32 v47, v48;
	[tilespmem:$0x12F30] =	vst v5  }
0x1dd: {  	v21 =	vld [tilespmem:$0x13FE0];
	v28 =	vmax.f32 v49, v6;
	[tilespmem:$0x12FD0] =	vst v27  }
0x1de: {  	v22 =	vld [tilespmem:$0x14060];
	v55 =	vmax.f32 v17, v18;
	[tilespmem:$0x12FE0] =	vst v28  }
0x1df: {  	v23 =	vld [tilespmem:$0x13FF0];
	v5 =	vmax.f32 v29, v30;
	[tilespmem:$0x13040] =	vst v55  }
0x1e0: {  	v24 =	vld [tilespmem:$0x14070];
	v29 =	vmax.f32 v7, v8;
	[tilespmem:$0x12F40] =	vst v5  }
0x1e1: {  	v13 =	vld [tilespmem:$0x143D0];
	v30 =	vmax.f32 v9, v10;
	[tilespmem:$0x12FF0] =	vst v29  }
0x1e2: {  	v14 =	vld [tilespmem:$0x14450];
	v5 =	vmax.f32 v31, v32;
	[tilespmem:$0x13000] =	vst v30  }
0x1e3: {  	v25 =	vld [tilespmem:$0x14380];
	[tilespmem:$0x12F50] =	vst v5;
	v5 =	vmax.f32 v33, v34  }
0x1e4: {  	v6 =	vld [tilespmem:$0x14410];
	[tilespmem:$0x12F60] =	vst v5;
	v5 =	vmax.f32 v35, v36  }
0x1e5: {  	v7 =	vld [tilespmem:$0x143A0];
	[tilespmem:$0x12F70] =	vst v5;
	v5 =	vmax.f32 v37, v38  }
0x1e6: {  	v8 =	vld [tilespmem:$0x14420];
	[tilespmem:$0x12F80] =	vst v5;
	v5 =	vmax.f32 v39, v40  }
0x1e7: {  	v9 =	vld [tilespmem:$0x143B0];
	[tilespmem:$0x12F90] =	vst v5;
	v5 =	vmax.f32 v41, v42  }
0x1e8: {  	v10 =	vld [tilespmem:$0x14430];
	[tilespmem:$0x12FA0] =	vst v5;
	v5 =	vmax.f32 v43, v44  }
0x1e9: {  	v56 =	vmax.f32 v19, v20;
	[tilespmem:$0x12FB0] =	vst v5;
	v5 =	vld [tilespmem:$0x14400]  }
0x1ea: {  	v31 =	vmax.f32 v11, v12;
	v11 =	vld [tilespmem:$0x143C0];
	[tilespmem:$0x13050] =	vst v56  }
0x1eb: {  	v12 =	vld [tilespmem:$0x14440];
	v57 =	vmax.f32 v21, v22;
	[tilespmem:$0x13010] =	vst v31  }
0x1ec: {  	v15 =	vld [tilespmem:$0x143E0];
	[tilespmem:$0x13060] =	vst v57;
	v58 =	vmax.f32 v23, v24  }
0x1ed: {  	[tilespmem:$0x13070] =	vst v58;
	v39 =	vmax.f32 v52, v6;
	v6 =	vld [tilespmem:$0x143F0]  }
0x1ee: {  	v40 =	vmax.f32 v7, v8;
	[tilespmem:$0x13090] =	vst v39;
	v59 =	vmax.f32 v25, v5;
	v5 =	vld [tilespmem:$0x14460]  }
0x1ef: {  	v7 =	vld [tilespmem:$0x14470];
	[tilespmem:$0x130A0] =	vst v40;
	v41 =	vmax.f32 v9, v10  }
0x1f0: {  	v42 =	vmax.f32 v11, v12;
	[tilespmem:$0x130B0] =	vst v41  }
0x1f1: {  	s3 =	simm.s32 $0x0;
	[tilespmem:$0x130C0] =	vst v42;
	v43 =	vmax.f32 v13, v14  }
0x1f2: {  	s2 =	smul.u32 $0x5000, s3;
	[tilespmem:$0x130D0] =	vst v43  }
0x1f3: {  	s13 =	simm.s32 $0x100;
	[tilespmem:$0x13080] =	vst v59;
	v44 =	vmax.f32 v15, v5  }
0x1f4: {  	s2 =	sshra.s32 s2, $0x2;
	s3 =	sand.u32 $0x380, s13;
	v5 =	vmax.f32 v6, v7;
	[tilespmem:$0x130E0] =	vst v44  }
0x1f5: {  	s3 =	sor.u32 s3, s2;
	v6 =	vld [tilespmem:$0x12E80];
	[tilespmem:$0x130F0] =	vst v5  }
0x1f6: {  	v7 =	vld [tilespmem:s3+$0x13380];
	_ =	sdelay $0x4  }
0x1f7: {  	v6 =	vmax.f32 v6, v7  }
0x1f8: {  	s2 =	sadd.s32 $0x13380, s3;
	v7 =	vld [tilespmem:$0x12E90];
	[tilespmem:$0x12E80] =	vst v6  }
0x1f9: {  	v8 =	vld [tilespmem:s2+$0x10];
	_ =	sdelay $0x4  }
0x1fa: {  	v7 =	vmax.f32 v7, v8  }
0x1fb: {  	v8 =	vld [tilespmem:$0x12EA0];
	[tilespmem:$0x12E90] =	vst v7  }
0x1fc: {  	v9 =	vld [tilespmem:s2+$0x20];
	_ =	sdelay $0x4  }
0x1fd: {  	v8 =	vmax.f32 v8, v9  }
0x1fe: {  	v9 =	vld [tilespmem:$0x12EB0];
	[tilespmem:$0x12EA0] =	vst v8  }
0x1ff: {  	v10 =	vld [tilespmem:s2+$0x30];
	_ =	sdelay $0x4  }
0x200: {  	v9 =	vmax.f32 v9, v10  }
0x201: {  	v10 =	vld [tilespmem:$0x12EC0];
	[tilespmem:$0x12EB0] =	vst v9  }
0x202: {  	v11 =	vld [tilespmem:s2+$0x40];
	_ =	sdelay $0x4  }
0x203: {  	v10 =	vmax.f32 v10, v11  }
0x204: {  	v11 =	vld [tilespmem:$0x12ED0];
	[tilespmem:$0x12EC0] =	vst v10  }
0x205: {  	v12 =	vld [tilespmem:s2+$0x50];
	_ =	sdelay $0x4  }
0x206: {  	v11 =	vmax.f32 v11, v12  }
0x207: {  	v12 =	vld [tilespmem:$0x12EE0];
	[tilespmem:$0x12ED0] =	vst v11  }
0x208: {  	v13 =	vld [tilespmem:s2+$0x60];
	_ =	sdelay $0x4  }
0x209: {  	v12 =	vmax.f32 v12, v13  }
0x20a: {  	v13 =	vld [tilespmem:$0x12EF0];
	[tilespmem:$0x12EE0] =	vst v12  }
0x20b: {  	v14 =	vld [tilespmem:s2+$0x70];
	_ =	sdelay $0x4  }
0x20c: {  	v13 =	vmax.f32 v13, v14  }
0x20d: {  	v14 =	vld [tilespmem:$0x12F00];
	[tilespmem:$0x12EF0] =	vst v13  }
0x20e: {  	v15 =	vld [tilespmem:s3+$0x13780];
	_ =	sdelay $0x4  }
0x20f: {  	v14 =	vmax.f32 v14, v15  }
0x210: {  	s4 =	sadd.s32 $0x13780, s3;
	v15 =	vld [tilespmem:$0x12F10];
	[tilespmem:$0x12F00] =	vst v14  }
0x211: {  	v16 =	vld [tilespmem:s4+$0x10];
	_ =	sdelay $0x4  }
0x212: {  	v15 =	vmax.f32 v15, v16  }
0x213: {  	v16 =	vld [tilespmem:$0x12F20];
	[tilespmem:$0x12F10] =	vst v15  }
0x214: {  	v17 =	vld [tilespmem:s4+$0x20];
	_ =	sdelay $0x4  }
0x215: {  	v16 =	vmax.f32 v16, v17  }
0x216: {  	v17 =	vld [tilespmem:$0x12F30];
	[tilespmem:$0x12F20] =	vst v16  }
0x217: {  	v18 =	vld [tilespmem:s4+$0x30];
	_ =	sdelay $0x4  }
0x218: {  	v17 =	vmax.f32 v17, v18  }
0x219: {  	v18 =	vld [tilespmem:$0x12F40];
	[tilespmem:$0x12F30] =	vst v17  }
0x21a: {  	v19 =	vld [tilespmem:s4+$0x40];
	_ =	sdelay $0x4  }
0x21b: {  	v18 =	vmax.f32 v18, v19  }
0x21c: {  	v19 =	vld [tilespmem:$0x12F50];
	[tilespmem:$0x12F40] =	vst v18  }
0x21d: {  	v20 =	vld [tilespmem:s4+$0x50];
	_ =	sdelay $0x4  }
0x21e: {  	v19 =	vmax.f32 v19, v20  }
0x21f: {  	v20 =	vld [tilespmem:$0x12F60];
	[tilespmem:$0x12F50] =	vst v19  }
0x220: {  	v21 =	vld [tilespmem:s4+$0x60];
	_ =	sdelay $0x4  }
0x221: {  	v20 =	vmax.f32 v20, v21  }
0x222: {  	v21 =	vld [tilespmem:$0x12F70];
	[tilespmem:$0x12F60] =	vst v20  }
0x223: {  	v22 =	vld [tilespmem:s4+$0x70];
	_ =	sdelay $0x4  }
0x224: {  	v21 =	vmax.f32 v21, v22  }
0x225: {  	v22 =	vld [tilespmem:$0x12F80];
	[tilespmem:$0x12F70] =	vst v21  }
0x226: {  	v23 =	vld [tilespmem:s3+$0x13B80];
	_ =	sdelay $0x4  }
0x227: {  	v22 =	vmax.f32 v22, v23  }
0x228: {  	s4 =	sadd.s32 $0x13B80, s3;
	v23 =	vld [tilespmem:$0x12F90];
	[tilespmem:$0x12F80] =	vst v22  }
0x229: {  	v24 =	vld [tilespmem:s4+$0x10];
	_ =	sdelay $0x4  }
0x22a: {  	v23 =	vmax.f32 v23, v24  }
0x22b: {  	v24 =	vld [tilespmem:$0x12FA0];
	[tilespmem:$0x12F90] =	vst v23  }
0x22c: {  	v25 =	vld [tilespmem:s4+$0x20];
	_ =	sdelay $0x4  }
0x22d: {  	v24 =	vmax.f32 v24, v25  }
0x22e: {  	v25 =	vld [tilespmem:$0x12FB0];
	[tilespmem:$0x12FA0] =	vst v24  }
0x22f: {  	v60 =	vld [tilespmem:s4+$0x30];
	_ =	sdelay $0x4  }
0x230: {  	v25 =	vmax.f32 v25, v60  }
0x231: {  	[tilespmem:$0x12FB0] =	vst v25  }
0x232: {  	v61 =	vld [tilespmem:s4+$0x40];
	_ =	sdelay $0x4  }
0x233: {  	v26 =	vmax.f32 v26, v61  }
0x234: {  	[tilespmem:$0x12FC0] =	vst v26  }
0x235: {  	v62 =	vld [tilespmem:s4+$0x50];
	_ =	sdelay $0x4  }
0x236: {  	v27 =	vmax.f32 v27, v62  }
0x237: {  	[tilespmem:$0x12FD0] =	vst v27  }
0x238: {  	v63 =	vld [tilespmem:s4+$0x60];
	_ =	sdelay $0x4  }
0x239: {  	v28 =	vmax.f32 v28, v63  }
0x23a: {  	[tilespmem:$0x12FE0] =	vst v28  }
0x23b: {  	v48 =	vld [tilespmem:s4+$0x70];
	_ =	sdelay $0x4  }
0x23c: {  	v29 =	vmax.f32 v29, v48  }
0x23d: {  	[tilespmem:$0x12FF0] =	vst v29  }
0x23e: {  	v49 =	vld [tilespmem:s3+$0x13F80];
	_ =	sdelay $0x4  }
0x23f: {  	v30 =	vmax.f32 v30, v49  }
0x240: {  	s4 =	sadd.s32 $0x13F80, s3;
	[tilespmem:$0x13000] =	vst v30  }
0x241: {  	v50 =	vld [tilespmem:s4+$0x10];
	_ =	sdelay $0x4  }
0x242: {  	v31 =	vmax.f32 v31, v50  }
0x243: {  	[tilespmem:$0x13010] =	vst v31  }
0x244: {  	v51 =	vld [tilespmem:s4+$0x20];
	_ =	sdelay $0x4  }
0x245: {  	v32 =	vmax.f32 v53, v51  }
0x246: {  	[tilespmem:$0x13020] =	vst v32  }
0x247: {  	v52 =	vld [tilespmem:s4+$0x30];
	_ =	sdelay $0x4  }
0x248: {  	v33 =	vmax.f32 v54, v52  }
0x249: {  	[tilespmem:$0x13030] =	vst v33  }
0x24a: {  	v53 =	vld [tilespmem:s4+$0x40];
	_ =	sdelay $0x4  }
0x24b: {  	v34 =	vmax.f32 v55, v53  }
0x24c: {  	[tilespmem:$0x13040] =	vst v34  }
0x24d: {  	v54 =	vld [tilespmem:s4+$0x50];
	_ =	sdelay $0x4  }
0x24e: {  	v35 =	vmax.f32 v56, v54  }
0x24f: {  	[tilespmem:$0x13050] =	vst v35  }
0x250: {  	v55 =	vld [tilespmem:s4+$0x60];
	_ =	sdelay $0x4  }
0x251: {  	v36 =	vmax.f32 v57, v55  }
0x252: {  	[tilespmem:$0x13060] =	vst v36  }
0x253: {  	v56 =	vld [tilespmem:s4+$0x70];
	_ =	sdelay $0x4  }
0x254: {  	v37 =	vmax.f32 v58, v56  }
0x255: {  	[tilespmem:$0x13070] =	vst v37  }
0x256: {  	v57 =	vld [tilespmem:s3+$0x14380];
	_ =	sdelay $0x4  }
0x257: {  	v38 =	vmax.f32 v59, v57  }
0x258: {  	s4 =	sadd.s32 $0x14380, s3;
	[tilespmem:$0x13080] =	vst v38  }
0x259: {  	v58 =	vld [tilespmem:s4+$0x10];
	_ =	sdelay $0x4  }
0x25a: {  	v39 =	vmax.f32 v39, v58  }
0x25b: {  	[tilespmem:$0x13090] =	vst v39  }
0x25c: {  	v59 =	vld [tilespmem:s4+$0x20];
	_ =	sdelay $0x4  }
0x25d: {  	v40 =	vmax.f32 v40, v59  }
0x25e: {  	[tilespmem:$0x130A0] =	vst v40  }
0x25f: {  	v60 =	vld [tilespmem:s4+$0x30];
	_ =	sdelay $0x4  }
0x260: {  	v41 =	vmax.f32 v41, v60  }
0x261: {  	[tilespmem:$0x130B0] =	vst v41  }
0x262: {  	v61 =	vld [tilespmem:s4+$0x40];
	_ =	sdelay $0x4  }
0x263: {  	v42 =	vmax.f32 v42, v61  }
0x264: {  	[tilespmem:$0x130C0] =	vst v42  }
0x265: {  	v62 =	vld [tilespmem:s4+$0x50];
	_ =	sdelay $0x4  }
0x266: {  	v43 =	vmax.f32 v43, v62  }
0x267: {  	[tilespmem:$0x130D0] =	vst v43  }
0x268: {  	v63 =	vld [tilespmem:s4+$0x60];
	_ =	sdelay $0x4  }
0x269: {  	v44 =	vmax.f32 v44, v63  }
0x26a: {  	[tilespmem:$0x130E0] =	vst v44  }
0x26b: {  	v45 =	vld [tilespmem:s4+$0x70];
	_ =	sdelay $0x1  }
0x26c: {  	s2 =	simm.s32 $0x0;
	s4 =	simm.s32 $0x4  }
.LBB2_16:
0x26d: {  	p1 =	sne.s32 s4, $0xF;
	s2 =	smul.u32 $0x5000, s2  }
0x26e: {  	s13 =	sadd.s32 $0x80, s13  }
0x26f: {  	s3 =	sand.u32 $0x380, s13;
	s2 =	sshra.s32 s2, $0x2;
	v5 =	vmax.f32 v5, v45  }
0x270: {  	s3 =	sor.u32 s3, s2;
	[tilespmem:$0x130F0] =	vst v5  }
0x271: {  	v45 =	vld [tilespmem:s3+$0x13380];
	_ =	sdelay $0x4  }
0x272: {  	v6 =	vmax.f32 v6, v45  }
0x273: {  	s2 =	sadd.s32 $0x13380, s3;
	[tilespmem:$0x12E80] =	vst v6  }
0x274: {  	v45 =	vld [tilespmem:s2+$0x10];
	_ =	sdelay $0x4  }
0x275: {  	v7 =	vmax.f32 v7, v45  }
0x276: {  	[tilespmem:$0x12E90] =	vst v7  }
0x277: {  	v45 =	vld [tilespmem:s2+$0x20];
	_ =	sdelay $0x4  }
0x278: {  	v8 =	vmax.f32 v8, v45  }
0x279: {  	[tilespmem:$0x12EA0] =	vst v8  }
0x27a: {  	v45 =	vld [tilespmem:s2+$0x30];
	_ =	sdelay $0x4  }
0x27b: {  	v9 =	vmax.f32 v9, v45  }
0x27c: {  	[tilespmem:$0x12EB0] =	vst v9  }
0x27d: {  	v45 =	vld [tilespmem:s2+$0x40];
	_ =	sdelay $0x4  }
0x27e: {  	v10 =	vmax.f32 v10, v45  }
0x27f: {  	[tilespmem:$0x12EC0] =	vst v10  }
0x280: {  	v45 =	vld [tilespmem:s2+$0x50];
	_ =	sdelay $0x4  }
0x281: {  	v11 =	vmax.f32 v11, v45  }
0x282: {  	[tilespmem:$0x12ED0] =	vst v11  }
0x283: {  	v45 =	vld [tilespmem:s2+$0x60];
	_ =	sdelay $0x4  }
0x284: {  	v12 =	vmax.f32 v12, v45  }
0x285: {  	[tilespmem:$0x12EE0] =	vst v12  }
0x286: {  	v45 =	vld [tilespmem:s2+$0x70];
	_ =	sdelay $0x4  }
0x287: {  	v13 =	vmax.f32 v13, v45  }
0x288: {  	[tilespmem:$0x12EF0] =	vst v13  }
0x289: {  	v45 =	vld [tilespmem:s3+$0x13780];
	_ =	sdelay $0x4  }
0x28a: {  	v14 =	vmax.f32 v14, v45  }
0x28b: {  	s2 =	sadd.s32 $0x13780, s3;
	[tilespmem:$0x12F00] =	vst v14  }
0x28c: {  	v45 =	vld [tilespmem:s2+$0x10];
	_ =	sdelay $0x4  }
0x28d: {  	v15 =	vmax.f32 v15, v45  }
0x28e: {  	[tilespmem:$0x12F10] =	vst v15  }
0x28f: {  	v45 =	vld [tilespmem:s2+$0x20];
	_ =	sdelay $0x4  }
0x290: {  	v16 =	vmax.f32 v16, v45  }
0x291: {  	[tilespmem:$0x12F20] =	vst v16  }
0x292: {  	v45 =	vld [tilespmem:s2+$0x30];
	_ =	sdelay $0x4  }
0x293: {  	v17 =	vmax.f32 v17, v45  }
0x294: {  	[tilespmem:$0x12F30] =	vst v17  }
0x295: {  	v45 =	vld [tilespmem:s2+$0x40];
	_ =	sdelay $0x4  }
0x296: {  	v18 =	vmax.f32 v18, v45  }
0x297: {  	[tilespmem:$0x12F40] =	vst v18  }
0x298: {  	v45 =	vld [tilespmem:s2+$0x50];
	_ =	sdelay $0x4  }
0x299: {  	v19 =	vmax.f32 v19, v45  }
0x29a: {  	[tilespmem:$0x12F50] =	vst v19  }
0x29b: {  	v45 =	vld [tilespmem:s2+$0x60];
	_ =	sdelay $0x4  }
0x29c: {  	v20 =	vmax.f32 v20, v45  }
0x29d: {  	[tilespmem:$0x12F60] =	vst v20  }
0x29e: {  	v45 =	vld [tilespmem:s2+$0x70];
	_ =	sdelay $0x4  }
0x29f: {  	v21 =	vmax.f32 v21, v45  }
0x2a0: {  	[tilespmem:$0x12F70] =	vst v21  }
0x2a1: {  	v45 =	vld [tilespmem:s3+$0x13B80];
	_ =	sdelay $0x4  }
0x2a2: {  	v22 =	vmax.f32 v22, v45  }
0x2a3: {  	s2 =	sadd.s32 $0x13B80, s3;
	[tilespmem:$0x12F80] =	vst v22  }
0x2a4: {  	v45 =	vld [tilespmem:s2+$0x10];
	_ =	sdelay $0x4  }
0x2a5: {  	v23 =	vmax.f32 v23, v45  }
0x2a6: {  	[tilespmem:$0x12F90] =	vst v23  }
0x2a7: {  	v45 =	vld [tilespmem:s2+$0x20];
	_ =	sdelay $0x4  }
0x2a8: {  	v24 =	vmax.f32 v24, v45  }
0x2a9: {  	[tilespmem:$0x12FA0] =	vst v24  }
0x2aa: {  	v45 =	vld [tilespmem:s2+$0x30];
	_ =	sdelay $0x4  }
0x2ab: {  	v25 =	vmax.f32 v25, v45  }
0x2ac: {  	[tilespmem:$0x12FB0] =	vst v25  }
0x2ad: {  	v45 =	vld [tilespmem:s2+$0x40];
	_ =	sdelay $0x4  }
0x2ae: {  	v26 =	vmax.f32 v26, v45  }
0x2af: {  	[tilespmem:$0x12FC0] =	vst v26  }
0x2b0: {  	v45 =	vld [tilespmem:s2+$0x50];
	_ =	sdelay $0x4  }
0x2b1: {  	v27 =	vmax.f32 v27, v45  }
0x2b2: {  	[tilespmem:$0x12FD0] =	vst v27  }
0x2b3: {  	v45 =	vld [tilespmem:s2+$0x60];
	_ =	sdelay $0x4  }
0x2b4: {  	v28 =	vmax.f32 v28, v45  }
0x2b5: {  	[tilespmem:$0x12FE0] =	vst v28  }
0x2b6: {  	v45 =	vld [tilespmem:s2+$0x70];
	_ =	sdelay $0x4  }
0x2b7: {  	v29 =	vmax.f32 v29, v45  }
0x2b8: {  	[tilespmem:$0x12FF0] =	vst v29  }
0x2b9: {  	v45 =	vld [tilespmem:s3+$0x13F80];
	_ =	sdelay $0x4  }
0x2ba: {  	v30 =	vmax.f32 v30, v45  }
0x2bb: {  	s2 =	sadd.s32 $0x13F80, s3;
	[tilespmem:$0x13000] =	vst v30  }
0x2bc: {  	v45 =	vld [tilespmem:s2+$0x10];
	_ =	sdelay $0x4  }
0x2bd: {  	v31 =	vmax.f32 v31, v45  }
0x2be: {  	[tilespmem:$0x13010] =	vst v31  }
0x2bf: {  	v45 =	vld [tilespmem:s2+$0x20];
	_ =	sdelay $0x4  }
0x2c0: {  	v32 =	vmax.f32 v32, v45  }
0x2c1: {  	[tilespmem:$0x13020] =	vst v32  }
0x2c2: {  	v45 =	vld [tilespmem:s2+$0x30];
	_ =	sdelay $0x4  }
0x2c3: {  	v33 =	vmax.f32 v33, v45  }
0x2c4: {  	[tilespmem:$0x13030] =	vst v33  }
0x2c5: {  	v45 =	vld [tilespmem:s2+$0x40];
	_ =	sdelay $0x4  }
0x2c6: {  	v34 =	vmax.f32 v34, v45  }
0x2c7: {  	[tilespmem:$0x13040] =	vst v34  }
0x2c8: {  	v45 =	vld [tilespmem:s2+$0x50];
	_ =	sdelay $0x4  }
0x2c9: {  	v35 =	vmax.f32 v35, v45  }
0x2ca: {  	[tilespmem:$0x13050] =	vst v35  }
0x2cb: {  	v45 =	vld [tilespmem:s2+$0x60];
	_ =	sdelay $0x4  }
0x2cc: {  	v36 =	vmax.f32 v36, v45  }
0x2cd: {  	[tilespmem:$0x13060] =	vst v36  }
0x2ce: {  	v45 =	vld [tilespmem:s2+$0x70];
	_ =	sdelay $0x4  }
0x2cf: {  	v37 =	vmax.f32 v37, v45  }
0x2d0: {  	[tilespmem:$0x13070] =	vst v37  }
0x2d1: {  	v45 =	vld [tilespmem:s3+$0x14380];
	_ =	sdelay $0x4  }
0x2d2: {  	v38 =	vmax.f32 v38, v45  }
0x2d3: {  	s2 =	sadd.s32 $0x14380, s3;
	[tilespmem:$0x13080] =	vst v38  }
0x2d4: {  	v45 =	vld [tilespmem:s2+$0x10];
	_ =	sdelay $0x4  }
0x2d5: {  	v39 =	vmax.f32 v39, v45  }
0x2d6: {  	[tilespmem:$0x13090] =	vst v39  }
0x2d7: {  	v45 =	vld [tilespmem:s2+$0x20];
	_ =	sdelay $0x4  }
0x2d8: {  	v40 =	vmax.f32 v40, v45  }
0x2d9: {  	[tilespmem:$0x130A0] =	vst v40  }
0x2da: {  	v45 =	vld [tilespmem:s2+$0x30];
	_ =	sdelay $0x4  }
0x2db: {  	v41 =	vmax.f32 v41, v45  }
0x2dc: {  	[tilespmem:$0x130B0] =	vst v41  }
0x2dd: {  	v45 =	vld [tilespmem:s2+$0x40];
	_ =	sdelay $0x4  }
0x2de: {  	v42 =	vmax.f32 v42, v45  }
0x2df: {  	[tilespmem:$0x130C0] =	vst v42  }
0x2e0: {  	v45 =	vld [tilespmem:s2+$0x50];
	_ =	sdelay $0x4  }
0x2e1: {  	v43 =	vmax.f32 v43, v45  }
0x2e2: {  	[tilespmem:$0x130D0] =	vst v43  }
0x2e3: {  	v45 =	vld [tilespmem:s2+$0x60];
	_ =	sdelay $0x4  }
.Ltmp10:
0x2e4: {  	v44 =	vmax.f32 v44, v45;
	(pc) =	sbr.rel @p1 .LBB2_16-.Ltmp10, $3  }
0x2e5: {  	[tilespmem:$0x130E0] =	vst v44  }
0x2e6: {  	v45 =	vld [tilespmem:s2+$0x70];
	_ =	sdelay $0x1  }
0x2e7: {  	s2 =	sshrl.u32 s4, $0x3;
	s4 =	sadd.s32 $0x1, s4  }
0x2e8: {  	s2 =	smul.u32 $0x5000, s2  }
0x2e9: {  	s3 =	sadd.s32 $0x80, s13  }
0x2ea: {  	s3 =	sand.u32 $0x380, s3;
	s2 =	sshra.s32 s2, $0x2;
	v5 =	vmax.f32 v5, v45  }
0x2eb: {  	s3 =	sor.u32 s3, s2;
	[tilespmem:$0x130F0] =	vst v5  }
0x2ec: {  	v54 =	vld [tilespmem:s3+$0x13380];
	_ =	sdelay $0x4  }
0x2ed: {  	v6 =	vmax.f32 v6, v54  }
0x2ee: {  	s2 =	sadd.s32 $0x13380, s3;
	[tilespmem:$0x12E80] =	vst v6  }
0x2ef: {  	v6 =	vld [tilespmem:s2+$0x10];
	_ =	sdelay $0x4  }
0x2f0: {  	v6 =	vmax.f32 v7, v6  }
0x2f1: {  	[tilespmem:$0x12E90] =	vst v6  }
0x2f2: {  	v6 =	vld [tilespmem:s2+$0x20];
	_ =	sdelay $0x4  }
0x2f3: {  	v6 =	vmax.f32 v8, v6  }
0x2f4: {  	[tilespmem:$0x12EA0] =	vst v6  }
0x2f5: {  	v6 =	vld [tilespmem:s2+$0x30];
	_ =	sdelay $0x4  }
0x2f6: {  	v6 =	vmax.f32 v9, v6  }
0x2f7: {  	[tilespmem:$0x12EB0] =	vst v6  }
0x2f8: {  	v6 =	vld [tilespmem:s2+$0x40];
	_ =	sdelay $0x4  }
0x2f9: {  	v6 =	vmax.f32 v10, v6  }
0x2fa: {  	[tilespmem:$0x12EC0] =	vst v6  }
0x2fb: {  	v6 =	vld [tilespmem:s2+$0x50];
	_ =	sdelay $0x4  }
0x2fc: {  	v6 =	vmax.f32 v11, v6  }
0x2fd: {  	[tilespmem:$0x12ED0] =	vst v6  }
0x2fe: {  	v6 =	vld [tilespmem:s2+$0x60];
	_ =	sdelay $0x4  }
0x2ff: {  	v6 =	vmax.f32 v12, v6  }
0x300: {  	[tilespmem:$0x12EE0] =	vst v6  }
0x301: {  	v6 =	vld [tilespmem:s2+$0x70];
	_ =	sdelay $0x4  }
0x302: {  	v6 =	vmax.f32 v13, v6  }
0x303: {  	[tilespmem:$0x12EF0] =	vst v6  }
0x304: {  	v6 =	vld [tilespmem:s3+$0x13780];
	_ =	sdelay $0x4  }
0x305: {  	v6 =	vmax.f32 v14, v6  }
0x306: {  	s13 =	sadd.s32 $0x13780, s3;
	[tilespmem:$0x12F00] =	vst v6  }
0x307: {  	v6 =	vld [tilespmem:s13+$0x10];
	_ =	sdelay $0x4  }
0x308: {  	v6 =	vmax.f32 v15, v6  }
0x309: {  	[tilespmem:$0x12F10] =	vst v6  }
0x30a: {  	v6 =	vld [tilespmem:s13+$0x20];
	_ =	sdelay $0x4  }
0x30b: {  	v6 =	vmax.f32 v16, v6  }
0x30c: {  	[tilespmem:$0x12F20] =	vst v6  }
0x30d: {  	v6 =	vld [tilespmem:s13+$0x30];
	_ =	sdelay $0x4  }
0x30e: {  	v6 =	vmax.f32 v17, v6  }
0x30f: {  	[tilespmem:$0x12F30] =	vst v6  }
0x310: {  	v6 =	vld [tilespmem:s13+$0x40];
	_ =	sdelay $0x4  }
0x311: {  	v6 =	vmax.f32 v18, v6  }
0x312: {  	[tilespmem:$0x12F40] =	vst v6  }
0x313: {  	v6 =	vld [tilespmem:s13+$0x50];
	_ =	sdelay $0x4  }
0x314: {  	v6 =	vmax.f32 v19, v6  }
0x315: {  	[tilespmem:$0x12F50] =	vst v6  }
0x316: {  	v6 =	vld [tilespmem:s13+$0x60];
	_ =	sdelay $0x4  }
0x317: {  	v6 =	vmax.f32 v20, v6  }
0x318: {  	[tilespmem:$0x12F60] =	vst v6  }
0x319: {  	v6 =	vld [tilespmem:s13+$0x70];
	_ =	sdelay $0x4  }
0x31a: {  	v6 =	vmax.f32 v21, v6  }
0x31b: {  	[tilespmem:$0x12F70] =	vst v6  }
0x31c: {  	v6 =	vld [tilespmem:s3+$0x13B80];
	_ =	sdelay $0x4  }
0x31d: {  	v6 =	vmax.f32 v22, v6  }
0x31e: {  	s4 =	sadd.s32 $0x13B80, s3;
	[tilespmem:$0x12F80] =	vst v6  }
0x31f: {  	v6 =	vld [tilespmem:s4+$0x10];
	_ =	sdelay $0x4  }
0x320: {  	v6 =	vmax.f32 v23, v6  }
0x321: {  	[tilespmem:$0x12F90] =	vst v6  }
0x322: {  	v6 =	vld [tilespmem:s4+$0x20];
	_ =	sdelay $0x4  }
0x323: {  	v6 =	vmax.f32 v24, v6  }
0x324: {  	[tilespmem:$0x12FA0] =	vst v6  }
0x325: {  	v6 =	vld [tilespmem:s4+$0x30];
	_ =	sdelay $0x4  }
0x326: {  	v6 =	vmax.f32 v25, v6  }
0x327: {  	[tilespmem:$0x12FB0] =	vst v6  }
0x328: {  	v6 =	vld [tilespmem:s4+$0x40];
	_ =	sdelay $0x4  }
0x329: {  	v6 =	vmax.f32 v26, v6  }
0x32a: {  	[tilespmem:$0x12FC0] =	vst v6  }
0x32b: {  	v6 =	vld [tilespmem:s4+$0x50];
	_ =	sdelay $0x4  }
0x32c: {  	v6 =	vmax.f32 v27, v6  }
0x32d: {  	[tilespmem:$0x12FD0] =	vst v6  }
0x32e: {  	v6 =	vld [tilespmem:s4+$0x60];
	_ =	sdelay $0x4  }
0x32f: {  	v6 =	vmax.f32 v28, v6  }
0x330: {  	[tilespmem:$0x12FE0] =	vst v6  }
0x331: {  	v6 =	vld [tilespmem:s4+$0x70];
	_ =	sdelay $0x4  }
0x332: {  	v6 =	vmax.f32 v29, v6  }
0x333: {  	[tilespmem:$0x12FF0] =	vst v6  }
0x334: {  	v6 =	vld [tilespmem:s3+$0x13F80];
	_ =	sdelay $0x4  }
0x335: {  	v6 =	vmax.f32 v30, v6  }
0x336: {  	s13 =	sadd.s32 $0x13F80, s3;
	[tilespmem:$0x13000] =	vst v6  }
0x337: {  	v6 =	vld [tilespmem:s13+$0x10];
	_ =	sdelay $0x4  }
0x338: {  	v6 =	vmax.f32 v31, v6  }
0x339: {  	[tilespmem:$0x13010] =	vst v6  }
0x33a: {  	v6 =	vld [tilespmem:s13+$0x20];
	_ =	sdelay $0x4  }
0x33b: {  	v6 =	vmax.f32 v32, v6  }
0x33c: {  	[tilespmem:$0x13020] =	vst v6  }
0x33d: {  	v6 =	vld [tilespmem:s13+$0x30];
	_ =	sdelay $0x4  }
0x33e: {  	v6 =	vmax.f32 v33, v6  }
0x33f: {  	[tilespmem:$0x13030] =	vst v6  }
0x340: {  	v6 =	vld [tilespmem:s13+$0x40];
	_ =	sdelay $0x4  }
0x341: {  	v6 =	vmax.f32 v34, v6  }
0x342: {  	[tilespmem:$0x13040] =	vst v6  }
0x343: {  	v6 =	vld [tilespmem:s13+$0x50];
	_ =	sdelay $0x4  }
0x344: {  	v6 =	vmax.f32 v35, v6  }
0x345: {  	[tilespmem:$0x13050] =	vst v6  }
0x346: {  	v6 =	vld [tilespmem:s13+$0x60];
	_ =	sdelay $0x4  }
0x347: {  	v6 =	vmax.f32 v36, v6  }
0x348: {  	[tilespmem:$0x13060] =	vst v6  }
0x349: {  	v6 =	vld [tilespmem:s13+$0x70];
	_ =	sdelay $0x4  }
0x34a: {  	v6 =	vmax.f32 v37, v6  }
0x34b: {  	[tilespmem:$0x13070] =	vst v6  }
0x34c: {  	v6 =	vld [tilespmem:s3+$0x14380];
	_ =	sdelay $0x4  }
0x34d: {  	v6 =	vmax.f32 v38, v6  }
0x34e: {  	s3 =	sadd.s32 $0x14380, s3;
	[tilespmem:$0x13080] =	vst v6  }
0x34f: {  	v6 =	vld [tilespmem:s3+$0x10];
	_ =	sdelay $0x4  }
0x350: {  	v6 =	vmax.f32 v39, v6  }
0x351: {  	[tilespmem:$0x13090] =	vst v6  }
0x352: {  	v6 =	vld [tilespmem:s3+$0x20];
	_ =	sdelay $0x4  }
0x353: {  	v6 =	vmax.f32 v40, v6  }
0x354: {  	[tilespmem:$0x130A0] =	vst v6  }
0x355: {  	v6 =	vld [tilespmem:s3+$0x30];
	_ =	sdelay $0x4  }
0x356: {  	v6 =	vmax.f32 v41, v6  }
0x357: {  	[tilespmem:$0x130B0] =	vst v6  }
0x358: {  	v6 =	vld [tilespmem:s3+$0x40];
	_ =	sdelay $0x4  }
0x359: {  	v6 =	vmax.f32 v42, v6  }
0x35a: {  	[tilespmem:$0x130C0] =	vst v6  }
0x35b: {  	v6 =	vld [tilespmem:s3+$0x50];
	_ =	sdelay $0x4  }
0x35c: {  	v6 =	vmax.f32 v43, v6  }
0x35d: {  	[tilespmem:$0x130D0] =	vst v6  }
0x35e: {  	v6 =	vld [tilespmem:s3+$0x60];
	_ =	sdelay $0x4  }
0x35f: {  	v6 =	vmax.f32 v44, v6  }
0x360: {  	[tilespmem:$0x130E0] =	vst v6  }
0x361: {  	v6 =	vld [tilespmem:s3+$0x70];
	_ =	sdelay $0x4  }
0x362: {  	v5 =	vmax.f32 v5, v6  }
0x363: {  	[tilespmem:$0x130F0] =	vst v5  }
0x364: {  	[hbm4b:s17+s31] =	stream.strided.scatter [tilespmem:s9], [sflag:$0x3], $0x280, s8, s31, $0x38;
	[tilespmem:$0x18600] =	vst v63  }
0x365: {  	_ =	swait.ge [sflag:s23], $0x280  }
0x366: {  	[sflag:s23] =	ssyncset.done $0x0  }
0x367: {  	[sflag:s23] =	ssyncadd.s32 $0xFFFFFD80  }
0x368: {  	[bflag:$0x0] =	sbarrier.arrive $0xFFFF  }
0x369: {  	_ =	strace $0x80000048  }
0x36a: {  	[smem:s10], [sflag:$0x0] =	smem.add.s32 $0x0  }
0x36b: {  	_ =	swait.done [sflag:s5]  }
0x36c: {  	s4 =	ssyncread [sflag:$0x0];
	_ =	sdelay $0x2  }
0x36d: {  	s13 =	sshll.u32 s0, $0x6;
	s2 =	sadd.s32 s18, s4  }
0x36e: {  	s3 =	sor.u32 s24, s13;
	s2 =	sshll.u32 s2, $0x11  }
0x36f: {  	[sflag:s5] =	ssyncset.s32 $0x0;
	s2 =	sor.u32 s2, s3  }
0x370: {  	[sflag:s5] =	ssyncset.done $0x0;
	s2 =	sor.u32 $0x1C01, s2  }
0x371: {  	[sflag:s2] =	ssyncadd.remote.s32 $0x1  }
0x372: {  	_ =	swait.ge [sflag:s11], $0x1  }
0x373: {  	[sflag:s11] =	ssyncset.done $0x0  }
0x374: {  	[sflag:s11] =	ssyncadd.s32 $0xFFFFFFFF  }
0x375: {  	_ =	strace $0x90000048  }
0x376: {  	[tilespmem:s12], [sflag:$0x3] =	stream.strided.gather [hbm4b:s19+s31], $0x280, s8, s31, $0x38;
	[tilespmem:$0x18600] =	vst v63  }
0x377: {  	_ =	swait.ge [sflag:s23], $0x280  }
0x378: {  	[sflag:s23] =	ssyncset.done $0x0  }
0x379: {  	[sflag:s23] =	ssyncadd.s32 $0xFFFFFD80  }
0x37a: {  	v5 =	vld [tilespmem:$0x12E80]  }
0x37b: {  	v6 =	vld [tilespmem:$0x13100]  }
0x37c: {  	v7 =	vld [tilespmem:$0x12E90]  }
0x37d: {  	v8 =	vld [tilespmem:$0x13110]  }
0x37e: {  	v9 =	vld [tilespmem:$0x12EA0]  }
0x37f: {  	v10 =	vld [tilespmem:$0x13120]  }
0x380: {  	v11 =	vld [tilespmem:$0x12EB0]  }
0x381: {  	v55 =	vld [tilespmem:$0x13130]  }
0x382: {  	v13 =	vld [tilespmem:$0x12EC0]  }
0x383: {  	v56 =	vld [tilespmem:$0x13140]  }
0x384: {  	v15 =	vld [tilespmem:$0x12ED0]  }
0x385: {  	v57 =	vld [tilespmem:$0x13150]  }
0x386: {  	v17 =	vld [tilespmem:$0x12EE0]  }
0x387: {  	v58 =	vld [tilespmem:$0x13160]  }
0x388: {  	v19 =	vld [tilespmem:$0x12EF0]  }
0x389: {  	v59 =	vld [tilespmem:$0x13170]  }
0x38a: {  	v21 =	vld [tilespmem:$0x12F00]  }
0x38b: {  	v60 =	vld [tilespmem:$0x13180]  }
0x38c: {  	v23 =	vld [tilespmem:$0x12F10]  }
0x38d: {  	v61 =	vld [tilespmem:$0x13190]  }
0x38e: {  	v25 =	vld [tilespmem:$0x12F20]  }
0x38f: {  	v62 =	vld [tilespmem:$0x131A0]  }
0x390: {  	v27 =	vld [tilespmem:$0x12F30]  }
0x391: {  	v63 =	vld [tilespmem:$0x131B0]  }
0x392: {  	v29 =	vld [tilespmem:$0x12F40]  }
0x393: {  	v30 =	vld [tilespmem:$0x131C0]  }
0x394: {  	v31 =	vld [tilespmem:$0x12F50]  }
0x395: {  	v32 =	vld [tilespmem:$0x131D0]  }
0x396: {  	v33 =	vld [tilespmem:$0x12F60]  }
0x397: {  	v34 =	vld [tilespmem:$0x131E0]  }
0x398: {  	v35 =	vld [tilespmem:$0x12F70]  }
0x399: {  	v36 =	vld [tilespmem:$0x131F0]  }
0x39a: {  	v37 =	vld [tilespmem:$0x12F80]  }
0x39b: {  	v38 =	vld [tilespmem:$0x13200]  }
0x39c: {  	v39 =	vld [tilespmem:$0x12F90]  }
0x39d: {  	v40 =	vld [tilespmem:$0x13210]  }
0x39e: {  	v41 =	vld [tilespmem:$0x12FA0]  }
0x39f: {  	v42 =	vld [tilespmem:$0x13220]  }
0x3a0: {  	v52 =	vld [tilespmem:$0x12FB0]  }
0x3a1: {  	v53 =	vld [tilespmem:$0x13230]  }
0x3a2: {  	v54 =	vld [tilespmem:$0x12FC0]  }
0x3a3: {  	v46 =	vld [tilespmem:$0x13240]  }
0x3a4: {  	v47 =	vld [tilespmem:$0x12FD0]  }
0x3a5: {  	v48 =	vld [tilespmem:$0x13250]  }
0x3a6: {  	v49 =	vld [tilespmem:$0x12FE0]  }
0x3a7: {  	v50 =	vld [tilespmem:$0x13070];
	v5 =	vmax.f32 v5, v6  }
0x3a8: {  	v51 =	vld [tilespmem:$0x132F0];
	[tilespmem:$0x12E80] =	vst v5;
	v5 =	vmax.f32 v7, v8  }
0x3a9: {  	v6 =	vld [tilespmem:$0x13260];
	[tilespmem:$0x12E90] =	vst v5;
	v5 =	vmax.f32 v9, v10  }
0x3aa: {  	v7 =	vld [tilespmem:$0x12FF0];
	[tilespmem:$0x12EA0] =	vst v5;
	v5 =	vmax.f32 v11, v55  }
0x3ab: {  	v8 =	vld [tilespmem:$0x13270];
	[tilespmem:$0x12EB0] =	vst v5;
	v5 =	vmax.f32 v13, v56  }
0x3ac: {  	v55 =	vld [tilespmem:$0x13000];
	[tilespmem:$0x12EC0] =	vst v5;
	v5 =	vmax.f32 v15, v57  }
0x3ad: {  	v56 =	vld [tilespmem:$0x13280];
	[tilespmem:$0x12ED0] =	vst v5;
	v5 =	vmax.f32 v17, v58  }
0x3ae: {  	v57 =	vld [tilespmem:$0x13010];
	[tilespmem:$0x12EE0] =	vst v5;
	v5 =	vmax.f32 v19, v59  }
0x3af: {  	v58 =	vld [tilespmem:$0x13290];
	[tilespmem:$0x12EF0] =	vst v5;
	v5 =	vmax.f32 v21, v60  }
0x3b0: {  	v59 =	vld [tilespmem:$0x13020];
	[tilespmem:$0x12F00] =	vst v5;
	v5 =	vmax.f32 v23, v61  }
0x3b1: {  	v60 =	vld [tilespmem:$0x132A0];
	[tilespmem:$0x12F10] =	vst v5;
	v5 =	vmax.f32 v25, v62  }
0x3b2: {  	v61 =	vld [tilespmem:$0x13030];
	[tilespmem:$0x12F20] =	vst v5;
	v5 =	vmax.f32 v27, v63  }
0x3b3: {  	v62 =	vld [tilespmem:$0x132B0];
	[tilespmem:$0x12F30] =	vst v5;
	v5 =	vmax.f32 v29, v30  }
0x3b4: {  	v63 =	vld [tilespmem:$0x13040];
	[tilespmem:$0x12F40] =	vst v5;
	v5 =	vmax.f32 v31, v32  }
0x3b5: {  	v30 =	vld [tilespmem:$0x132C0];
	[tilespmem:$0x12F50] =	vst v5;
	v5 =	vmax.f32 v33, v34  }
0x3b6: {  	v32 =	vld [tilespmem:$0x13050];
	[tilespmem:$0x12F60] =	vst v5;
	v5 =	vmax.f32 v35, v36  }
0x3b7: {  	v34 =	vld [tilespmem:$0x132D0];
	[tilespmem:$0x12F70] =	vst v5;
	v5 =	vmax.f32 v37, v38  }
0x3b8: {  	v36 =	vld [tilespmem:$0x13060];
	[tilespmem:$0x12F80] =	vst v5;
	v5 =	vmax.f32 v39, v40  }
0x3b9: {  	v38 =	vld [tilespmem:$0x132E0];
	[tilespmem:$0x12F90] =	vst v5;
	v5 =	vmax.f32 v41, v42  }
0x3ba: {  	[tilespmem:$0x12FA0] =	vst v5;
	v5 =	vmax.f32 v52, v53;
	v52 =	vld [tilespmem:$0x13080]  }
0x3bb: {  	v53 =	vld [tilespmem:$0x13300];
	[tilespmem:$0x12FB0] =	vst v5;
	v5 =	vmax.f32 v54, v46  }
0x3bc: {  	v54 =	vld [tilespmem:$0x13090];
	[tilespmem:$0x12FC0] =	vst v5;
	v5 =	vmax.f32 v47, v48  }
0x3bd: {  	[tilespmem:$0x12FD0] =	vst v5;
	v5 =	vmax.f32 v49, v6;
	v6 =	vld [tilespmem:$0x13310]  }
0x3be: {  	[tilespmem:$0x12FE0] =	vst v5;
	v5 =	vmax.f32 v7, v8;
	v7 =	vld [tilespmem:$0x130A0]  }
0x3bf: {  	[tilespmem:$0x12FF0] =	vst v5;
	v5 =	vmax.f32 v55, v56;
	v55 =	vld [tilespmem:$0x13320]  }
0x3c0: {  	v56 =	vld [tilespmem:$0x130B0];
	[tilespmem:$0x13000] =	vst v5;
	v5 =	vmax.f32 v57, v58  }
0x3c1: {  	v57 =	vld [tilespmem:$0x13330];
	[tilespmem:$0x13010] =	vst v5;
	v5 =	vmax.f32 v59, v60  }
0x3c2: {  	v58 =	vld [tilespmem:$0x130C0];
	[tilespmem:$0x13020] =	vst v5;
	v5 =	vmax.f32 v61, v62  }
0x3c3: {  	v59 =	vld [tilespmem:$0x13340];
	[tilespmem:$0x13030] =	vst v5;
	v5 =	vmax.f32 v63, v30  }
0x3c4: {  	v60 =	vld [tilespmem:$0x130D0];
	[tilespmem:$0x13040] =	vst v5;
	v5 =	vmax.f32 v32, v34  }
0x3c5: {  	v61 =	vld [tilespmem:$0x13350];
	[tilespmem:$0x13050] =	vst v5;
	v5 =	vmax.f32 v36, v38  }
0x3c6: {  	v62 =	vld [tilespmem:$0x130E0];
	[tilespmem:$0x13060] =	vst v5;
	v5 =	vmax.f32 v50, v51  }
0x3c7: {  	v63 =	vld [tilespmem:$0x13360];
	[tilespmem:$0x13070] =	vst v5;
	v5 =	vmax.f32 v52, v53  }
0x3c8: {  	[tilespmem:$0x13080] =	vst v5;
	v5 =	vmax.f32 v54, v6;
	v6 =	vld [tilespmem:$0x130F0]  }
0x3c9: {  	[tilespmem:$0x13090] =	vst v5;
	v5 =	vmax.f32 v7, v55;
	v7 =	vld [tilespmem:$0x13370]  }
0x3ca: {  	[tilespmem:$0x130A0] =	vst v5;
	v5 =	vmax.f32 v56, v57  }
0x3cb: {  	[tilespmem:$0x130B0] =	vst v5;
	v5 =	vmax.f32 v58, v59  }
0x3cc: {  	[tilespmem:$0x130C0] =	vst v5;
	v5 =	vmax.f32 v60, v61  }
0x3cd: {  	[tilespmem:$0x130D0] =	vst v5;
	v5 =	vmax.f32 v62, v63  }
0x3ce: {  	s6 =	sadd.s32 $0x1, s6;
	[tilespmem:$0x130E0] =	vst v5;
	v5 =	vmax.f32 v6, v7  }
0x3cf: {  	p1 =	sne.s32 s6, s29;
	[tilespmem:$0x130F0] =	vst v5  }
0x3d0: {  	[spmem:s14] =	stream.linear.scatter [tilespmem:s9], [sflag:$0x3], $0x280, $0x38;
	[tilespmem:$0x18600] =	vst v63  }
.Ltmp11:
0x3d1: {  	_ =	swait.ge [sflag:s23], $0x280;
	(pc) =	sbr.rel @p1 .LBB2_7-.Ltmp11, $4  }
.Ltmp12:
0x3d2: {  	[sflag:s23] =	ssyncset.done $0x0;
	(pc) =	sbr.rel @!p1 .LBB2_18-.Ltmp12, $4  }
0x3d3: {  	[sflag:s23] =	ssyncadd.s32 $0xFFFFFD80  }
0x3d4: {  	[bflag:$0x0] =	sbarrier.arrive $0xFFFF  }
0x3d5: {  	_ = 	snop  }
0x3d6: {  	_ = 	snop  }
.LBB2_19:
0x3d7: {  	_ =	sfence.sel $0x180000  }
0x3d8: {  	[bflag:$0x0] =	sbarrier.arrive $0xFFFF  }
0x3d9: {  	_ =	strace $0x90000047  }
0x3da: {  	[bflag:$0x2] =	sbarrier.arrive $0xFFFF  }
0x3db: {  	p0 =	sne.s32 s0, $0x0;
	s0 =	rddreg [dreg:$0x4]  }
0x3dc: {  	s0 =	sadd.s32 @!p0 $0x100000, s0  }
0x3dd: {  	[sflag:s0] =	ssyncadd.tile.s32 @!p0 $0x1;
	_ =	shalt  }
.Lfunc_end2:
_tile_overlayer_lowered:
.L_overlay_start_2:
0x3de: {  	(tag) =	ssettag $0x2  }
0x3df: {  	s0 =	rddreg [dreg:$0x0];
	s2 =	stileid.u32  }
0x3e0: {  	s1 =	rddreg [dreg:$0x1];
	p0 =	sne.s32 s2, $0x0  }
0x3e1: {  	s3 =	rddreg [dreg:$0x2];
	[bflag:$0x3] =	sbarrier.arrive $0xFFFF;
	s2 =	simm.s32 @!p0 $0x1C03  }
0x3e2: {  	[timem:s3], [sflag:s2] =	dma.local @!p0 [hbm:s0], s1  }
0x3e3: {  	s0 =	simm.s32 @!p0 $0x3  }
0x3e4: {  	_ =	swait.ge @!p0 [sflag:s0], s1  }
0x3e5: {  	s1 =	ssub.s32 @!p0 $0x0, s1;
	[sflag:s0] =	ssyncset.done @!p0 $0x0  }
0x3e6: {  	[sflag:s0] =	ssyncadd.s32 @!p0 s1  }
0x3e7: {  	[bflag:$0x3] =	sbarrier.arrive $0xFFFF  }
0x3e8: {  	_ =	shalt  }

</sc_bundles>
